<compile_context>
chip_gen: v7x
topology: tpu7x:2x2x1
jax: 0.10.2.dev20260603
libtpu: 0.0.44.dev20260713+nightly
codegen_flags: <defaults>
</compile_context>

<pallas_src>
import functools
import jax
import jax.numpy as jnp
from jax import lax
from jax.experimental import pallas as pl
from jax.experimental.pallas import tpu as pltpu
from jax.experimental.pallas import tpu_sc as plsc

N_U = 10000
N_V = 10000
E = 320000
D_IN = 128
D_OUT = 128
NS = 4
D_SUB = D_OUT // NS
E_BLK = E // NS
C = 128
CHUNKS = E_BLK // C
TOT = NS * CHUNKS
N_TILES = 16
CBIG = 157
CSML = 156
NR0 = 624
NRL = 640


def _tc_matmul(xu_ref, xv_ref, w_ref, out_ref):
    d = pl.program_id(0)

    @pl.when(d == 0)
    def _():
        out_ref[0] = jnp.dot(xv_ref[...], w_ref[...],
                             preferred_element_type=jnp.float32)

    @pl.when(d == 1)
    def _():
        out_ref[0] = jnp.dot(xu_ref[...], w_ref[...],
                             preferred_element_type=jnp.float32)


_SC_MESH = plsc.VectorSubcoreMesh(core_axis_name="c", subcore_axis_name="s")


@functools.partial(
    pl.kernel,
    out_type=(jax.ShapeDtypeStruct((N_U, D_OUT), jnp.float32),
              jax.ShapeDtypeStruct((N_V, D_OUT), jnp.float32)),
    mesh=_SC_MESH,
    scratch_types=[
        pltpu.VMEM_SHARED((NS, N_U, D_SUB), jnp.float32),
        pltpu.VMEM((3, C), jnp.int32),
        pltpu.VMEM((3, C), jnp.int32),
        pltpu.VMEM((3, C), jnp.float32),
        pltpu.VMEM((2, C, D_SUB), jnp.float32),
        pltpu.VMEM((NRL, D_SUB), jnp.float32),
        pltpu.SemaphoreType.DMA((2,)),
        pltpu.SemaphoreType.DMA((2,)),
        pltpu.SemaphoreType.DMA((3, 3)),
    ],
    compiler_params=pltpu.CompilerParams(use_tc_tiling_on_sc=False),
)
def _sc_aggregate(t_hbm, eu_hbm, ev_hbm, geu_hbm, gev_hbm, s0_hbm, s1_hbm,
                  outu_hbm, outv_hbm,
                  acc, gidx_a, sidx_a, vals_a, rows, buf,
                  sems, ssems, stsems):
    d = lax.axis_index("c")
    t = lax.axis_index("s")

    zvec = jnp.zeros((16,), jnp.float32)
    start = t * NR0
    nrows = jnp.where(t == N_TILES - 1, NRL, NR0)
    cstart = t * CSML + jnp.minimum(t, 4)
    nct = jnp.where(t < 4, CBIG, CSML)

    def _pref(g):
        slot = lax.rem(g, 3)
        row = cstart + g

        @pl.when(d == 0)
        def _():
            pltpu.async_copy(gev_hbm.at[row], gidx_a.at[slot],
                             stsems.at[slot, 0])
            pltpu.async_copy(eu_hbm.at[row], sidx_a.at[slot],
                             stsems.at[slot, 1])
            pltpu.async_copy(s0_hbm.at[row], vals_a.at[slot],
                             stsems.at[slot, 2])

        @pl.when(d == 1)
        def _():
            pltpu.async_copy(geu_hbm.at[row], gidx_a.at[slot],
                             stsems.at[slot, 0])
            pltpu.async_copy(ev_hbm.at[row], sidx_a.at[slot],
                             stsems.at[slot, 1])
            pltpu.async_copy(s1_hbm.at[row], vals_a.at[slot],
                             stsems.at[slot, 2])

    def _pref_wait(g):
        slot = lax.rem(g, 3)
        pltpu.make_async_copy(eu_hbm.at[0], gidx_a.at[slot],
                              stsems.at[slot, 0]).wait()
        pltpu.make_async_copy(eu_hbm.at[0], sidx_a.at[slot],
                              stsems.at[slot, 1]).wait()
        pltpu.make_async_copy(s0_hbm.at[0], vals_a.at[slot],
                              stsems.at[slot, 2]).wait()

    _pref(0)
    _pref(1)

    def _zero(j, carry):
        buf[j, pl.ds(0, 16)] = zvec
        buf[j, pl.ds(16, 16)] = zvec
        return carry
    lax.fori_loop(0, NRL, _zero, 0)
    for i in range(NS):
        @pl.when(t < N_TILES - 1)
        def _():
            pltpu.sync_copy(buf.at[pl.ds(0, NR0)],
                            acc.at[i].at[pl.ds(start, NR0)])

        @pl.when(t == N_TILES - 1)
        def _():
            pltpu.sync_copy(buf, acc.at[i].at[pl.ds(start, NRL)])
    plsc.subcore_barrier()

    table = t_hbm.at[d]
    _pref_wait(0)
    pltpu.async_copy(table.at[gidx_a.at[0]], rows.at[0], sems.at[0])

    def _chunk(g, carry):
        b = lax.rem(g, 2)
        nb = lax.rem(g + 1, 2)
        slot = lax.rem(g, 3)
        i = lax.div(cstart + g, CHUNKS)

        @pl.when(g >= 1)
        def _():
            pltpu.make_async_copy(rows.at[nb], acc.at[0].at[sidx_a.at[0]],
                                  ssems.at[nb]).wait()

        @pl.when(g + 2 < nct)
        def _():
            _pref(g + 2)

        @pl.when(g + 1 < nct)
        def _():
            _pref_wait(g + 1)
            pltpu.async_copy(table.at[gidx_a.at[lax.rem(g + 1, 3)]],
                             rows.at[nb], sems.at[nb])

        pltpu.make_async_copy(table.at[gidx_a.at[0]], rows.at[b],
                              sems.at[b]).wait()

        def _scale(q, c2):
            svec = vals_a[slot, pl.ds(q * 16, 16)]
            for l in range(16):
                e = q * 16 + l
                s = svec[l]
                rows[b, e, pl.ds(0, 16)] = rows[b, e, pl.ds(0, 16)] * s
                rows[b, e, pl.ds(16, 16)] = rows[b, e, pl.ds(16, 16)] * s
            return c2
        lax.fori_loop(0, C // 16, _scale, 0)

        pltpu.async_copy(rows.at[b], acc.at[i].at[sidx_a.at[slot]],
                         ssems.at[b], add=True)
        return carry
    lax.fori_loop(0, nct, _chunk, 0)

    lastb = lax.rem(nct - 1, 2)
    pltpu.make_async_copy(rows.at[lastb], acc.at[0].at[sidx_a.at[0]],
                          ssems.at[lastb]).wait()

    plsc.subcore_barrier()

    for i in range(NS):
        @pl.when(t < N_TILES - 1)
        def _():
            pltpu.sync_copy(acc.at[i].at[pl.ds(start, NR0)],
                            buf.at[pl.ds(0, NR0)])

        @pl.when(t == N_TILES - 1)
        def _():
            pltpu.sync_copy(acc.at[i].at[pl.ds(start, NRL)], buf)

        def _relu(j, carry):
            buf[j, pl.ds(0, 16)] = jnp.maximum(buf[j, pl.ds(0, 16)], zvec)
            buf[j, pl.ds(16, 16)] = jnp.maximum(buf[j, pl.ds(16, 16)], zvec)
            return carry
        lax.fori_loop(0, nrows, _relu, 0)

        col = pl.ds(i * D_SUB, D_SUB)

        @pl.when((d == 0) & (t < N_TILES - 1))
        def _():
            pltpu.sync_copy(buf.at[pl.ds(0, NR0)],
                            outu_hbm.at[pl.ds(start, NR0), col])

        @pl.when((d == 0) & (t == N_TILES - 1))
        def _():
            pltpu.sync_copy(buf, outu_hbm.at[pl.ds(start, NRL), col])

        @pl.when((d == 1) & (t < N_TILES - 1))
        def _():
            pltpu.sync_copy(buf.at[pl.ds(0, NR0)],
                            outv_hbm.at[pl.ds(start, NR0), col])

        @pl.when((d == 1) & (t == N_TILES - 1))
        def _():
            pltpu.sync_copy(buf, outv_hbm.at[pl.ds(start, NRL), col])


def _chunked(a):
    return a.reshape(TOT, C)


def kernel(x_u, x_v, edge_u, edge_v, sup_vals, sup_t_vals, W):
    T = pl.pallas_call(
        _tc_matmul,
        grid=(2,),
        in_specs=[
            pl.BlockSpec((N_U, D_IN), lambda d: (0, 0)),
            pl.BlockSpec((N_V, D_IN), lambda d: (0, 0)),
            pl.BlockSpec((D_IN, D_OUT), lambda d: (0, 0)),
        ],
        out_specs=pl.BlockSpec((1, N_U, D_OUT), lambda d: (d, 0, 0)),
        out_shape=jax.ShapeDtypeStruct((2, N_U, D_OUT), jnp.float32),
    )(x_u, x_v, W)
    T = T.reshape(2, N_U * NS, D_SUB)

    eu = _chunked(edge_u)
    ev = _chunked(edge_v)
    s0 = _chunked(sup_vals)
    s1 = _chunked(sup_t_vals)
    slice_off = (jnp.arange(TOT, dtype=jnp.int32) // CHUNKS)[:, None]
    geu = NS * eu + slice_off
    gev = NS * ev + slice_off

    u_out, v_out = _sc_aggregate(T, eu, ev, geu, gev, s0, s1)
    return (u_out, v_out)

# --- scband reference (transcript-rebuilt; emitter-appended) ---
"""Pipeline reference for scband-stack-gcn-37941741093198 (READ-ONLY COPY).

The authoritative reference and input builder live on the scoring server;
editing this copy changes nothing except your own understanding.
"""

import jax, jax.numpy as jnp
import numpy as np

N_U = 10000
N_V = 10000
E = 320000
D_IN = 128
D_OUT = 128
NS = 4  # num_support


def setup_inputs(seed: int = 0) -> dict:
    key = jax.random.key(seed)
    ks = jax.random.split(key, 7)
    x_u = jax.random.normal(ks[0], (N_U, D_IN), dtype=jnp.float32)
    x_v = jax.random.normal(ks[1], (N_V, D_IN), dtype=jnp.float32)
    edge_u = jax.random.randint(ks[2], (E,), 0, N_U, dtype=jnp.int32)
    edge_v = jax.random.randint(ks[3], (E,), 0, N_V, dtype=jnp.int32)
    sup_vals = jax.random.uniform(ks[4], (E,), dtype=jnp.float32)
    sup_t_vals = jax.random.uniform(ks[5], (E,), dtype=jnp.float32)
    # weight_variable_random_uniform: Glorot-style uniform init
    init_range = np.sqrt(6.0 / (D_IN + D_OUT))
    W = jax.random.uniform(ks[6], (D_IN, D_OUT), dtype=jnp.float32,
                           minval=-init_range, maxval=init_range)
    return {"x_u": x_u, "x_v": x_v, "edge_u": edge_u, "edge_v": edge_v,
            "sup_vals": sup_vals, "sup_t_vals": sup_t_vals, "W": W}


def reference(x_u, x_v, edge_u, edge_v, sup_vals, sup_t_vals, W):
    # StackGCN forward (dropout=0.0, share_user_item_weights=True):
    # W split along axis=1 into NS slices; supports (sparse [N_u,N_v] COO) split
    # into NS slices along the edge dimension; support_t is the transpose graph.
    d_sub = D_OUT // NS
    e_blk = E // NS
    supports_u = []
    supports_v = []
    for i in range(NS):
        Wi = W[:, i * d_sub:(i + 1) * d_sub]  # weights_u[i] == weights_v[i]
        tmp_u = x_u @ Wi  # [N_u, d_sub]
        tmp_v = x_v @ Wi  # [N_v, d_sub]
        eu = edge_u[i * e_blk:(i + 1) * e_blk]
        ev = edge_v[i * e_blk:(i + 1) * e_blk]
        sv = sup_vals[i * e_blk:(i + 1) * e_blk]
        stv = sup_t_vals[i * e_blk:(i + 1) * e_blk]
        # support @ tmp_v : gather tmp_v rows by ev, scale, scatter-add to eu
        agg_u = jnp.zeros((N_U, d_sub), dtype=jnp.float32).at[eu].add(
            sv[:, None] * jnp.take(tmp_v, ev, axis=0))
        # support_t @ tmp_u : gather tmp_u rows by eu, scale, scatter-add to ev
        agg_v = jnp.zeros((N_V, d_sub), dtype=jnp.float32).at[ev].add(
            stv[:, None] * jnp.take(tmp_u, eu, axis=0))
        supports_u.append(agg_u)
        supports_v.append(agg_v)
    z_u = jnp.concatenate(supports_u, axis=1)
    z_v = jnp.concatenate(supports_v, axis=1)
    u_outputs = jax.nn.relu(z_u)
    v_outputs = jax.nn.relu(z_v)
    return (u_outputs, v_outputs)

if __name__ == "__main__":
    import jax
    _d = setup_inputs()
    print(jax.jit(kernel)(*tuple(_d.values())))

</pallas_src>

<mosaic_0001>
#map = affine_map<(d0, d1) -> (0, 0, 0)>
#map1 = affine_map<(d0, d1) -> (0, 0)>
module attributes {stable_mosaic.version = 14 : i64} {
  func.func @_sc_aggregate(%arg0: i32, %arg1: i32, %arg2: memref<2x40000x32xf32, #tpu.memory_space<hbm>>, %arg3: memref<2500x128xi32, #tpu.memory_space<hbm>>, %arg4: memref<2500x128xi32, #tpu.memory_space<hbm>>, %arg5: memref<2500x128xi32, #tpu.memory_space<hbm>>, %arg6: memref<2500x128xi32, #tpu.memory_space<hbm>>, %arg7: memref<2500x128xf32, #tpu.memory_space<hbm>>, %arg8: memref<2500x128xf32, #tpu.memory_space<hbm>>, %arg9: memref<10000x128xf32, #tpu.memory_space<hbm>>, %arg10: memref<10000x128xf32, #tpu.memory_space<hbm>>, %arg11: memref<4x10000x32xf32, #tpu.memory_space<vmem_shared>>, %arg12: memref<3x128xi32, #tpu.memory_space<vmem>>, %arg13: memref<3x128xi32, #tpu.memory_space<vmem>>, %arg14: memref<3x128xf32, #tpu.memory_space<vmem>>, %arg15: memref<2x128x32xf32, #tpu.memory_space<vmem>>, %arg16: memref<640x32xf32, #tpu.memory_space<vmem>>, %arg17: memref<2x!tpu.dma_semaphore, #tpu.memory_space<semaphore_mem>>, %arg18: memref<2x!tpu.dma_semaphore, #tpu.memory_space<semaphore_mem>>, %arg19: memref<3x3x!tpu.dma_semaphore, #tpu.memory_space<semaphore_mem>>) attributes {dimension_semantics = [#tpu.dimension_semantics<core_parallel>, #tpu.dimension_semantics<subcore_parallel>], iteration_bounds = array<i64: 2, 16>, scalar_prefetch = 0 : i64, scratch_operands = 9 : i64, tpu.core_type = #tpu.core_type<sc_vector_subcore>, window_params = [{transform_indices = #map}, {transform_indices = #map1}, {transform_indices = #map1}, {transform_indices = #map1}, {transform_indices = #map1}, {transform_indices = #map1}, {transform_indices = #map1}, {transform_indices = #map1}, {transform_indices = #map1}]} {
    %broadcast_in_dim3A = arith.constant 0.000000e+00 : f32
    %broadcast_in_dim3A_0 = vector.broadcast %broadcast_in_dim3A : f32 to vector<16xf32>
    %mul3A = arith.constant 624 : i32
    %mul3A_1 = arith.muli %arg1, %mul3A : i32
    %eq3A = arith.constant 15 : i32
    %eq3A_2 = arith.cmpi eq, %arg1, %eq3A : i32
    %jit3A = arith.constant 640 : i32
    %jit3A_3 = arith.constant 624 : i32
    %select_n3A = arith.select %eq3A_2, %jit3A, %jit3A_3 : i32
    %mul3A_4 = arith.constant 156 : i32
    %mul3A_5 = arith.muli %arg1, %mul3A_4 : i32
    %min3A = arith.constant 4 : i32
    %min3A_6 = arith.minsi %arg1, %min3A : i32
    %add3A = arith.addi %mul3A_5, %min3A_6 : i32
    %lt3A = arith.constant 4 : i32
    %lt3A_7 = arith.cmpi slt, %arg1, %lt3A : i32
    %jit3A_8 = arith.constant 157 : i32
    %jit3A_9 = arith.constant 156 : i32
    %select_n3A_10 = arith.select %lt3A_7, %jit3A_8, %jit3A_9 : i32
    %rem3A = arith.constant 0 : i32
    %rem3A_11 = arith.constant 3 : i32
    %rem3A_12 = arith.remsi %rem3A, %rem3A_11 : i32
    %add3A_13 = arith.constant 0 : i32
    %add3A_14 = arith.addi %add3A, %add3A_13 : i32
    %eq3A_15 = arith.constant 0 : i32
    %eq3A_16 = arith.cmpi eq, %arg0, %eq3A_15 : i32
    %convert_element_type3A = arith.extui %eq3A_16 : i1 to i32
    %cond3A = arith.constant 0 : i32
    %cond3A_17 = arith.cmpi ne, %convert_element_type3A, %cond3A : i32
    scf.if %cond3A_17 {
      %dma_start3A_389 = arith.constant 0 : i32
      %dma_start3A_390 = arith.constant 0 : i32
      %dma_start3A_391 = tpu.memref_slice %arg12[%rem3A_12, %dma_start3A_390] : memref<3x128xi32, #tpu.memory_space<vmem>> -> memref<1x128xi32, #tpu.memory_space<vmem>>
      %dma_start3A_392 = tpu.memref_squeeze %dma_start3A_391 : memref<1x128xi32, #tpu.memory_space<vmem>> -> memref<128xi32, #tpu.memory_space<vmem>>
      %dma_start3A_393 = arith.constant 0 : i32
      %dma_start3A_394 = tpu.memref_slice %arg6[%add3A_14, %dma_start3A_393] : memref<2500x128xi32, #tpu.memory_space<hbm>> -> memref<1x128xi32, #tpu.memory_space<hbm>>
      %dma_start3A_395 = tpu.memref_squeeze %dma_start3A_394 : memref<1x128xi32, #tpu.memory_space<hbm>> -> memref<128xi32, #tpu.memory_space<hbm>>
      %dma_start3A_396 = tpu.memref_slice %arg19[%rem3A_12, %dma_start3A_389] : memref<3x3x!tpu.dma_semaphore, #tpu.memory_space<semaphore_mem>> -> memref<1x1x!tpu.dma_semaphore, #tpu.memory_space<semaphore_mem>>
      %dma_start3A_397 = tpu.memref_squeeze %dma_start3A_396 : memref<1x1x!tpu.dma_semaphore, #tpu.memory_space<semaphore_mem>> -> memref<!tpu.dma_semaphore, #tpu.memory_space<semaphore_mem>>
      %dma_start3A_398 = arith.constant 0 : i32
      %dma_start3A_399 = tpu.memref_slice %arg12[%rem3A_12, %dma_start3A_398] : memref<3x128xi32, #tpu.memory_space<vmem>> -> memref<1x128xi32, #tpu.memory_space<vmem>>
      %dma_start3A_400 = tpu.memref_squeeze %dma_start3A_399 : memref<1x128xi32, #tpu.memory_space<vmem>> -> memref<128xi32, #tpu.memory_space<vmem>>
      %dma_start3A_401 = arith.constant 0 : i32
      %dma_start3A_402 = tpu.memref_slice %arg6[%add3A_14, %dma_start3A_401] : memref<2500x128xi32, #tpu.memory_space<hbm>> -> memref<1x128xi32, #tpu.memory_space<hbm>>
      %dma_start3A_403 = tpu.memref_squeeze %dma_start3A_402 : memref<1x128xi32, #tpu.memory_space<hbm>> -> memref<128xi32, #tpu.memory_space<hbm>>
      tpu.enqueue_dma source(%dma_start3A_403 : memref<128xi32, #tpu.memory_space<hbm>>) target(%dma_start3A_400 : memref<128xi32, #tpu.memory_space<vmem>>) target_semaphore(%dma_start3A_397 : memref<!tpu.dma_semaphore, #tpu.memory_space<semaphore_mem>>)
      %dma_start3A_404 = arith.constant 1 : i32
      %dma_start3A_405 = arith.constant 0 : i32
      %dma_start3A_406 = tpu.memref_slice %arg13[%rem3A_12, %dma_start3A_405] : memref<3x128xi32, #tpu.memory_space<vmem>> -> memref<1x128xi32, #tpu.memory_space<vmem>>
      %dma_start3A_407 = tpu.memref_squeeze %dma_start3A_406 : memref<1x128xi32, #tpu.memory_space<vmem>> -> memref<128xi32, #tpu.memory_space<vmem>>
      %dma_start3A_408 = arith.constant 0 : i32
      %dma_start3A_409 = tpu.memref_slice %arg3[%add3A_14, %dma_start3A_408] : memref<2500x128xi32, #tpu.memory_space<hbm>> -> memref<1x128xi32, #tpu.memory_space<hbm>>
      %dma_start3A_410 = tpu.memref_squeeze %dma_start3A_409 : memref<1x128xi32, #tpu.memory_space<hbm>> -> memref<128xi32, #tpu.memory_space<hbm>>
      %dma_start3A_411 = tpu.memref_slice %arg19[%rem3A_12, %dma_start3A_404] : memref<3x3x!tpu.dma_semaphore, #tpu.memory_space<semaphore_mem>> -> memref<1x1x!tpu.dma_semaphore, #tpu.memory_space<semaphore_mem>>
      %dma_start3A_412 = tpu.memref_squeeze %dma_start3A_411 : memref<1x1x!tpu.dma_semaphore, #tpu.memory_space<semaphore_mem>> -> memref<!tpu.dma_semaphore, #tpu.memory_space<semaphore_mem>>
      %dma_start3A_413 = arith.constant 0 : i32
      %dma_start3A_414 = tpu.memref_slice %arg13[%rem3A_12, %dma_start3A_413] : memref<3x128xi32, #tpu.memory_space<vmem>> -> memref<1x128xi32, #tpu.memory_space<vmem>>
      %dma_start3A_415 = tpu.memref_squeeze %dma_start3A_414 : memref<1x128xi32, #tpu.memory_space<vmem>> -> memref<128xi32, #tpu.memory_space<vmem>>
      %dma_start3A_416 = arith.constant 0 : i32
      %dma_start3A_417 = tpu.memref_slice %arg3[%add3A_14, %dma_start3A_416] : memref<2500x128xi32, #tpu.memory_space<hbm>> -> memref<1x128xi32, #tpu.memory_space<hbm>>
      %dma_start3A_418 = tpu.memref_squeeze %dma_start3A_417 : memref<1x128xi32, #tpu.memory_space<hbm>> -> memref<128xi32, #tpu.memory_space<hbm>>
      tpu.enqueue_dma source(%dma_start3A_418 : memref<128xi32, #tpu.memory_space<hbm>>) target(%dma_start3A_415 : memref<128xi32, #tpu.memory_space<vmem>>) target_semaphore(%dma_start3A_412 : memref<!tpu.dma_semaphore, #tpu.memory_space<semaphore_mem>>)
      %dma_start3A_419 = arith.constant 2 : i32
      %dma_start3A_420 = arith.constant 0 : i32
      %dma_start3A_421 = tpu.memref_slice %arg14[%rem3A_12, %dma_start3A_420] : memref<3x128xf32, #tpu.memory_space<vmem>> -> memref<1x128xf32, #tpu.memory_space<vmem>>
      %dma_start3A_422 = tpu.memref_squeeze %dma_start3A_421 : memref<1x128xf32, #tpu.memory_space<vmem>> -> memref<128xf32, #tpu.memory_space<vmem>>
      %dma_start3A_423 = arith.constant 0 : i32
      %dma_start3A_424 = tpu.memref_slice %arg7[%add3A_14, %dma_start3A_423] : memref<2500x128xf32, #tpu.memory_space<hbm>> -> memref<1x128xf32, #tpu.memory_space<hbm>>
      %dma_start3A_425 = tpu.memref_squeeze %dma_start3A_424 : memref<1x128xf32, #tpu.memory_space<hbm>> -> memref<128xf32, #tpu.memory_space<hbm>>
      %dma_start3A_426 = tpu.memref_slice %arg19[%rem3A_12, %dma_start3A_419] : memref<3x3x!tpu.dma_semaphore, #tpu.memory_space<semaphore_mem>> -> memref<1x1x!tpu.dma_semaphore, #tpu.memory_space<semaphore_mem>>
      %dma_start3A_427 = tpu.memref_squeeze %dma_start3A_426 : memref<1x1x!tpu.dma_semaphore, #tpu.memory_space<semaphore_mem>> -> memref<!tpu.dma_semaphore, #tpu.memory_space<semaphore_mem>>
      %dma_start3A_428 = arith.constant 0 : i32
      %dma_start3A_429 = tpu.memref_slice %arg14[%rem3A_12, %dma_start3A_428] : memref<3x128xf32, #tpu.memory_space<vmem>> -> memref<1x128xf32, #tpu.memory_space<vmem>>
      %dma_start3A_430 = tpu.memref_squeeze %dma_start3A_429 : memref<1x128xf32, #tpu.memory_space<vmem>> -> memref<128xf32, #tpu.memory_space<vmem>>
      %dma_start3A_431 = arith.constant 0 : i32
      %dma_start3A_432 = tpu.memref_slice %arg7[%add3A_14, %dma_start3A_431] : memref<2500x128xf32, #tpu.memory_space<hbm>> -> memref<1x128xf32, #tpu.memory_space<hbm>>
      %dma_start3A_433 = tpu.memref_squeeze %dma_start3A_432 : memref<1x128xf32, #tpu.memory_space<hbm>> -> memref<128xf32, #tpu.memory_space<hbm>>
      tpu.enqueue_dma source(%dma_start3A_433 : memref<128xf32, #tpu.memory_space<hbm>>) target(%dma_start3A_430 : memref<128xf32, #tpu.memory_space<vmem>>) target_semaphore(%dma_start3A_427 : memref<!tpu.dma_semaphore, #tpu.memory_space<semaphore_mem>>)
    } else {
    }
    %eq3A_18 = arith.constant 1 : i32
    %eq3A_19 = arith.cmpi eq, %arg0, %eq3A_18 : i32
    %convert_element_type3A_20 = arith.extui %eq3A_19 : i1 to i32
    %cond3A_21 = arith.constant 0 : i32
    %cond3A_22 = arith.cmpi ne, %convert_element_type3A_20, %cond3A_21 : i32
    scf.if %cond3A_22 {
      %dma_start3A_389 = arith.constant 0 : i32
      %dma_start3A_390 = arith.constant 0 : i32
      %dma_start3A_391 = tpu.memref_slice %arg12[%rem3A_12, %dma_start3A_390] : memref<3x128xi32, #tpu.memory_space<vmem>> -> memref<1x128xi32, #tpu.memory_space<vmem>>
      %dma_start3A_392 = tpu.memref_squeeze %dma_start3A_391 : memref<1x128xi32, #tpu.memory_space<vmem>> -> memref<128xi32, #tpu.memory_space<vmem>>
      %dma_start3A_393 = arith.constant 0 : i32
      %dma_start3A_394 = tpu.memref_slice %arg5[%add3A_14, %dma_start3A_393] : memref<2500x128xi32, #tpu.memory_space<hbm>> -> memref<1x128xi32, #tpu.memory_space<hbm>>
      %dma_start3A_395 = tpu.memref_squeeze %dma_start3A_394 : memref<1x128xi32, #tpu.memory_space<hbm>> -> memref<128xi32, #tpu.memory_space<hbm>>
      %dma_start3A_396 = tpu.memref_slice %arg19[%rem3A_12, %dma_start3A_389] : memref<3x3x!tpu.dma_semaphore, #tpu.memory_space<semaphore_mem>> -> memref<1x1x!tpu.dma_semaphore, #tpu.memory_space<semaphore_mem>>
      %dma_start3A_397 = tpu.memref_squeeze %dma_start3A_396 : memref<1x1x!tpu.dma_semaphore, #tpu.memory_space<semaphore_mem>> -> memref<!tpu.dma_semaphore, #tpu.memory_space<semaphore_mem>>
      %dma_start3A_398 = arith.constant 0 : i32
      %dma_start3A_399 = tpu.memref_slice %arg12[%rem3A_12, %dma_start3A_398] : memref<3x128xi32, #tpu.memory_space<vmem>> -> memref<1x128xi32, #tpu.memory_space<vmem>>
      %dma_start3A_400 = tpu.memref_squeeze %dma_start3A_399 : memref<1x128xi32, #tpu.memory_space<vmem>> -> memref<128xi32, #tpu.memory_space<vmem>>
      %dma_start3A_401 = arith.constant 0 : i32
      %dma_start3A_402 = tpu.memref_slice %arg5[%add3A_14, %dma_start3A_401] : memref<2500x128xi32, #tpu.memory_space<hbm>> -> memref<1x128xi32, #tpu.memory_space<hbm>>
      %dma_start3A_403 = tpu.memref_squeeze %dma_start3A_402 : memref<1x128xi32, #tpu.memory_space<hbm>> -> memref<128xi32, #tpu.memory_space<hbm>>
      tpu.enqueue_dma source(%dma_start3A_403 : memref<128xi32, #tpu.memory_space<hbm>>) target(%dma_start3A_400 : memref<128xi32, #tpu.memory_space<vmem>>) target_semaphore(%dma_start3A_397 : memref<!tpu.dma_semaphore, #tpu.memory_space<semaphore_mem>>)
      %dma_start3A_404 = arith.constant 1 : i32
      %dma_start3A_405 = arith.constant 0 : i32
      %dma_start3A_406 = tpu.memref_slice %arg13[%rem3A_12, %dma_start3A_405] : memref<3x128xi32, #tpu.memory_space<vmem>> -> memref<1x128xi32, #tpu.memory_space<vmem>>
      %dma_start3A_407 = tpu.memref_squeeze %dma_start3A_406 : memref<1x128xi32, #tpu.memory_space<vmem>> -> memref<128xi32, #tpu.memory_space<vmem>>
      %dma_start3A_408 = arith.constant 0 : i32
      %dma_start3A_409 = tpu.memref_slice %arg4[%add3A_14, %dma_start3A_408] : memref<2500x128xi32, #tpu.memory_space<hbm>> -> memref<1x128xi32, #tpu.memory_space<hbm>>
      %dma_start3A_410 = tpu.memref_squeeze %dma_start3A_409 : memref<1x128xi32, #tpu.memory_space<hbm>> -> memref<128xi32, #tpu.memory_space<hbm>>
      %dma_start3A_411 = tpu.memref_slice %arg19[%rem3A_12, %dma_start3A_404] : memref<3x3x!tpu.dma_semaphore, #tpu.memory_space<semaphore_mem>> -> memref<1x1x!tpu.dma_semaphore, #tpu.memory_space<semaphore_mem>>
      %dma_start3A_412 = tpu.memref_squeeze %dma_start3A_411 : memref<1x1x!tpu.dma_semaphore, #tpu.memory_space<semaphore_mem>> -> memref<!tpu.dma_semaphore, #tpu.memory_space<semaphore_mem>>
      %dma_start3A_413 = arith.constant 0 : i32
      %dma_start3A_414 = tpu.memref_slice %arg13[%rem3A_12, %dma_start3A_413] : memref<3x128xi32, #tpu.memory_space<vmem>> -> memref<1x128xi32, #tpu.memory_space<vmem>>
      %dma_start3A_415 = tpu.memref_squeeze %dma_start3A_414 : memref<1x128xi32, #tpu.memory_space<vmem>> -> memref<128xi32, #tpu.memory_space<vmem>>
      %dma_start3A_416 = arith.constant 0 : i32
      %dma_start3A_417 = tpu.memref_slice %arg4[%add3A_14, %dma_start3A_416] : memref<2500x128xi32, #tpu.memory_space<hbm>> -> memref<1x128xi32, #tpu.memory_space<hbm>>
      %dma_start3A_418 = tpu.memref_squeeze %dma_start3A_417 : memref<1x128xi32, #tpu.memory_space<hbm>> -> memref<128xi32, #tpu.memory_space<hbm>>
      tpu.enqueue_dma source(%dma_start3A_418 : memref<128xi32, #tpu.memory_space<hbm>>) target(%dma_start3A_415 : memref<128xi32, #tpu.memory_space<vmem>>) target_semaphore(%dma_start3A_412 : memref<!tpu.dma_semaphore, #tpu.memory_space<semaphore_mem>>)
      %dma_start3A_419 = arith.constant 2 : i32
      %dma_start3A_420 = arith.constant 0 : i32
      %dma_start3A_421 = tpu.memref_slice %arg14[%rem3A_12, %dma_start3A_420] : memref<3x128xf32, #tpu.memory_space<vmem>> -> memref<1x128xf32, #tpu.memory_space<vmem>>
      %dma_start3A_422 = tpu.memref_squeeze %dma_start3A_421 : memref<1x128xf32, #tpu.memory_space<vmem>> -> memref<128xf32, #tpu.memory_space<vmem>>
      %dma_start3A_423 = arith.constant 0 : i32
      %dma_start3A_424 = tpu.memref_slice %arg8[%add3A_14, %dma_start3A_423] : memref<2500x128xf32, #tpu.memory_space<hbm>> -> memref<1x128xf32, #tpu.memory_space<hbm>>
      %dma_start3A_425 = tpu.memref_squeeze %dma_start3A_424 : memref<1x128xf32, #tpu.memory_space<hbm>> -> memref<128xf32, #tpu.memory_space<hbm>>
      %dma_start3A_426 = tpu.memref_slice %arg19[%rem3A_12, %dma_start3A_419] : memref<3x3x!tpu.dma_semaphore, #tpu.memory_space<semaphore_mem>> -> memref<1x1x!tpu.dma_semaphore, #tpu.memory_space<semaphore_mem>>
      %dma_start3A_427 = tpu.memref_squeeze %dma_start3A_426 : memref<1x1x!tpu.dma_semaphore, #tpu.memory_space<semaphore_mem>> -> memref<!tpu.dma_semaphore, #tpu.memory_space<semaphore_mem>>
      %dma_start3A_428 = arith.constant 0 : i32
      %dma_start3A_429 = tpu.memref_slice %arg14[%rem3A_12, %dma_start3A_428] : memref<3x128xf32, #tpu.memory_space<vmem>> -> memref<1x128xf32, #tpu.memory_space<vmem>>
      %dma_start3A_430 = tpu.memref_squeeze %dma_start3A_429 : memref<1x128xf32, #tpu.memory_space<vmem>> -> memref<128xf32, #tpu.memory_space<vmem>>
      %dma_start3A_431 = arith.constant 0 : i32
      %dma_start3A_432 = tpu.memref_slice %arg8[%add3A_14, %dma_start3A_431] : memref<2500x128xf32, #tpu.memory_space<hbm>> -> memref<1x128xf32, #tpu.memory_space<hbm>>
      %dma_start3A_433 = tpu.memref_squeeze %dma_start3A_432 : memref<1x128xf32, #tpu.memory_space<hbm>> -> memref<128xf32, #tpu.memory_space<hbm>>
      tpu.enqueue_dma source(%dma_start3A_433 : memref<128xf32, #tpu.memory_space<hbm>>) target(%dma_start3A_430 : memref<128xf32, #tpu.memory_space<vmem>>) target_semaphore(%dma_start3A_427 : memref<!tpu.dma_semaphore, #tpu.memory_space<semaphore_mem>>)
    } else {
    }
    %rem3A_23 = arith.constant 1 : i32
    %rem3A_24 = arith.constant 3 : i32
    %rem3A_25 = arith.remsi %rem3A_23, %rem3A_24 : i32
    %add3A_26 = arith.constant 1 : i32
    %add3A_27 = arith.addi %add3A, %add3A_26 : i32
    %eq3A_28 = arith.constant 0 : i32
    %eq3A_29 = arith.cmpi eq, %arg0, %eq3A_28 : i32
    %convert_element_type3A_30 = arith.extui %eq3A_29 : i1 to i32
    %cond3A_31 = arith.constant 0 : i32
    %cond3A_32 = arith.cmpi ne, %convert_element_type3A_30, %cond3A_31 : i32
    scf.if %cond3A_32 {
      %dma_start3A_389 = arith.constant 0 : i32
      %dma_start3A_390 = arith.constant 0 : i32
      %dma_start3A_391 = tpu.memref_slice %arg12[%rem3A_25, %dma_start3A_390] : memref<3x128xi32, #tpu.memory_space<vmem>> -> memref<1x128xi32, #tpu.memory_space<vmem>>
      %dma_start3A_392 = tpu.memref_squeeze %dma_start3A_391 : memref<1x128xi32, #tpu.memory_space<vmem>> -> memref<128xi32, #tpu.memory_space<vmem>>
      %dma_start3A_393 = arith.constant 0 : i32
      %dma_start3A_394 = tpu.memref_slice %arg6[%add3A_27, %dma_start3A_393] : memref<2500x128xi32, #tpu.memory_space<hbm>> -> memref<1x128xi32, #tpu.memory_space<hbm>>
      %dma_start3A_395 = tpu.memref_squeeze %dma_start3A_394 : memref<1x128xi32, #tpu.memory_space<hbm>> -> memref<128xi32, #tpu.memory_space<hbm>>
      %dma_start3A_396 = tpu.memref_slice %arg19[%rem3A_25, %dma_start3A_389] : memref<3x3x!tpu.dma_semaphore, #tpu.memory_space<semaphore_mem>> -> memref<1x1x!tpu.dma_semaphore, #tpu.memory_space<semaphore_mem>>
      %dma_start3A_397 = tpu.memref_squeeze %dma_start3A_396 : memref<1x1x!tpu.dma_semaphore, #tpu.memory_space<semaphore_mem>> -> memref<!tpu.dma_semaphore, #tpu.memory_space<semaphore_mem>>
      %dma_start3A_398 = arith.constant 0 : i32
      %dma_start3A_399 = tpu.memref_slice %arg12[%rem3A_25, %dma_start3A_398] : memref<3x128xi32, #tpu.memory_space<vmem>> -> memref<1x128xi32, #tpu.memory_space<vmem>>
      %dma_start3A_400 = tpu.memref_squeeze %dma_start3A_399 : memref<1x128xi32, #tpu.memory_space<vmem>> -> memref<128xi32, #tpu.memory_space<vmem>>
      %dma_start3A_401 = arith.constant 0 : i32
      %dma_start3A_402 = tpu.memref_slice %arg6[%add3A_27, %dma_start3A_401] : memref<2500x128xi32, #tpu.memory_space<hbm>> -> memref<1x128xi32, #tpu.memory_space<hbm>>
      %dma_start3A_403 = tpu.memref_squeeze %dma_start3A_402 : memref<1x128xi32, #tpu.memory_space<hbm>> -> memref<128xi32, #tpu.memory_space<hbm>>
      tpu.enqueue_dma source(%dma_start3A_403 : memref<128xi32, #tpu.memory_space<hbm>>) target(%dma_start3A_400 : memref<128xi32, #tpu.memory_space<vmem>>) target_semaphore(%dma_start3A_397 : memref<!tpu.dma_semaphore, #tpu.memory_space<semaphore_mem>>)
      %dma_start3A_404 = arith.constant 1 : i32
      %dma_start3A_405 = arith.constant 0 : i32
      %dma_start3A_406 = tpu.memref_slice %arg13[%rem3A_25, %dma_start3A_405] : memref<3x128xi32, #tpu.memory_space<vmem>> -> memref<1x128xi32, #tpu.memory_space<vmem>>
      %dma_start3A_407 = tpu.memref_squeeze %dma_start3A_406 : memref<1x128xi32, #tpu.memory_space<vmem>> -> memref<128xi32, #tpu.memory_space<vmem>>
      %dma_start3A_408 = arith.constant 0 : i32
      %dma_start3A_409 = tpu.memref_slice %arg3[%add3A_27, %dma_start3A_408] : memref<2500x128xi32, #tpu.memory_space<hbm>> -> memref<1x128xi32, #tpu.memory_space<hbm>>
      %dma_start3A_410 = tpu.memref_squeeze %dma_start3A_409 : memref<1x128xi32, #tpu.memory_space<hbm>> -> memref<128xi32, #tpu.memory_space<hbm>>
      %dma_start3A_411 = tpu.memref_slice %arg19[%rem3A_25, %dma_start3A_404] : memref<3x3x!tpu.dma_semaphore, #tpu.memory_space<semaphore_mem>> -> memref<1x1x!tpu.dma_semaphore, #tpu.memory_space<semaphore_mem>>
      %dma_start3A_412 = tpu.memref_squeeze %dma_start3A_411 : memref<1x1x!tpu.dma_semaphore, #tpu.memory_space<semaphore_mem>> -> memref<!tpu.dma_semaphore, #tpu.memory_space<semaphore_mem>>
      %dma_start3A_413 = arith.constant 0 : i32
      %dma_start3A_414 = tpu.memref_slice %arg13[%rem3A_25, %dma_start3A_413] : memref<3x128xi32, #tpu.memory_space<vmem>> -> memref<1x128xi32, #tpu.memory_space<vmem>>
      %dma_start3A_415 = tpu.memref_squeeze %dma_start3A_414 : memref<1x128xi32, #tpu.memory_space<vmem>> -> memref<128xi32, #tpu.memory_space<vmem>>
      %dma_start3A_416 = arith.constant 0 : i32
      %dma_start3A_417 = tpu.memref_slice %arg3[%add3A_27, %dma_start3A_416] : memref<2500x128xi32, #tpu.memory_space<hbm>> -> memref<1x128xi32, #tpu.memory_space<hbm>>
      %dma_start3A_418 = tpu.memref_squeeze %dma_start3A_417 : memref<1x128xi32, #tpu.memory_space<hbm>> -> memref<128xi32, #tpu.memory_space<hbm>>
      tpu.enqueue_dma source(%dma_start3A_418 : memref<128xi32, #tpu.memory_space<hbm>>) target(%dma_start3A_415 : memref<128xi32, #tpu.memory_space<vmem>>) target_semaphore(%dma_start3A_412 : memref<!tpu.dma_semaphore, #tpu.memory_space<semaphore_mem>>)
      %dma_start3A_419 = arith.constant 2 : i32
      %dma_start3A_420 = arith.constant 0 : i32
      %dma_start3A_421 = tpu.memref_slice %arg14[%rem3A_25, %dma_start3A_420] : memref<3x128xf32, #tpu.memory_space<vmem>> -> memref<1x128xf32, #tpu.memory_space<vmem>>
      %dma_start3A_422 = tpu.memref_squeeze %dma_start3A_421 : memref<1x128xf32, #tpu.memory_space<vmem>> -> memref<128xf32, #tpu.memory_space<vmem>>
      %dma_start3A_423 = arith.constant 0 : i32
      %dma_start3A_424 = tpu.memref_slice %arg7[%add3A_27, %dma_start3A_423] : memref<2500x128xf32, #tpu.memory_space<hbm>> -> memref<1x128xf32, #tpu.memory_space<hbm>>
      %dma_start3A_425 = tpu.memref_squeeze %dma_start3A_424 : memref<1x128xf32, #tpu.memory_space<hbm>> -> memref<128xf32, #tpu.memory_space<hbm>>
      %dma_start3A_426 = tpu.memref_slice %arg19[%rem3A_25, %dma_start3A_419] : memref<3x3x!tpu.dma_semaphore, #tpu.memory_space<semaphore_mem>> -> memref<1x1x!tpu.dma_semaphore, #tpu.memory_space<semaphore_mem>>
      %dma_start3A_427 = tpu.memref_squeeze %dma_start3A_426 : memref<1x1x!tpu.dma_semaphore, #tpu.memory_space<semaphore_mem>> -> memref<!tpu.dma_semaphore, #tpu.memory_space<semaphore_mem>>
      %dma_start3A_428 = arith.constant 0 : i32
      %dma_start3A_429 = tpu.memref_slice %arg14[%rem3A_25, %dma_start3A_428] : memref<3x128xf32, #tpu.memory_space<vmem>> -> memref<1x128xf32, #tpu.memory_space<vmem>>
      %dma_start3A_430 = tpu.memref_squeeze %dma_start3A_429 : memref<1x128xf32, #tpu.memory_space<vmem>> -> memref<128xf32, #tpu.memory_space<vmem>>
      %dma_start3A_431 = arith.constant 0 : i32
      %dma_start3A_432 = tpu.memref_slice %arg7[%add3A_27, %dma_start3A_431] : memref<2500x128xf32, #tpu.memory_space<hbm>> -> memref<1x128xf32, #tpu.memory_space<hbm>>
      %dma_start3A_433 = tpu.memref_squeeze %dma_start3A_432 : memref<1x128xf32, #tpu.memory_space<hbm>> -> memref<128xf32, #tpu.memory_space<hbm>>
      tpu.enqueue_dma source(%dma_start3A_433 : memref<128xf32, #tpu.memory_space<hbm>>) target(%dma_start3A_430 : memref<128xf32, #tpu.memory_space<vmem>>) target_semaphore(%dma_start3A_427 : memref<!tpu.dma_semaphore, #tpu.memory_space<semaphore_mem>>)
    } else {
    }
    %eq3A_33 = arith.constant 1 : i32
    %eq3A_34 = arith.cmpi eq, %arg0, %eq3A_33 : i32
    %convert_element_type3A_35 = arith.extui %eq3A_34 : i1 to i32
    %cond3A_36 = arith.constant 0 : i32
    %cond3A_37 = arith.cmpi ne, %convert_element_type3A_35, %cond3A_36 : i32
    scf.if %cond3A_37 {
      %dma_start3A_389 = arith.constant 0 : i32
      %dma_start3A_390 = arith.constant 0 : i32
      %dma_start3A_391 = tpu.memref_slice %arg12[%rem3A_25, %dma_start3A_390] : memref<3x128xi32, #tpu.memory_space<vmem>> -> memref<1x128xi32, #tpu.memory_space<vmem>>
      %dma_start3A_392 = tpu.memref_squeeze %dma_start3A_391 : memref<1x128xi32, #tpu.memory_space<vmem>> -> memref<128xi32, #tpu.memory_space<vmem>>
      %dma_start3A_393 = arith.constant 0 : i32
      %dma_start3A_394 = tpu.memref_slice %arg5[%add3A_27, %dma_start3A_393] : memref<2500x128xi32, #tpu.memory_space<hbm>> -> memref<1x128xi32, #tpu.memory_space<hbm>>
      %dma_start3A_395 = tpu.memref_squeeze %dma_start3A_394 : memref<1x128xi32, #tpu.memory_space<hbm>> -> memref<128xi32, #tpu.memory_space<hbm>>
      %dma_start3A_396 = tpu.memref_slice %arg19[%rem3A_25, %dma_start3A_389] : memref<3x3x!tpu.dma_semaphore, #tpu.memory_space<semaphore_mem>> -> memref<1x1x!tpu.dma_semaphore, #tpu.memory_space<semaphore_mem>>
      %dma_start3A_397 = tpu.memref_squeeze %dma_start3A_396 : memref<1x1x!tpu.dma_semaphore, #tpu.memory_space<semaphore_mem>> -> memref<!tpu.dma_semaphore, #tpu.memory_space<semaphore_mem>>
      %dma_start3A_398 = arith.constant 0 : i32
      %dma_start3A_399 = tpu.memref_slice %arg12[%rem3A_25, %dma_start3A_398] : memref<3x128xi32, #tpu.memory_space<vmem>> -> memref<1x128xi32, #tpu.memory_space<vmem>>
      %dma_start3A_400 = tpu.memref_squeeze %dma_start3A_399 : memref<1x128xi32, #tpu.memory_space<vmem>> -> memref<128xi32, #tpu.memory_space<vmem>>
      %dma_start3A_401 = arith.constant 0 : i32
      %dma_start3A_402 = tpu.memref_slice %arg5[%add3A_27, %dma_start3A_401] : memref<2500x128xi32, #tpu.memory_space<hbm>> -> memref<1x128xi32, #tpu.memory_space<hbm>>
      %dma_start3A_403 = tpu.memref_squeeze %dma_start3A_402 : memref<1x128xi32, #tpu.memory_space<hbm>> -> memref<128xi32, #tpu.memory_space<hbm>>
      tpu.enqueue_dma source(%dma_start3A_403 : memref<128xi32, #tpu.memory_space<hbm>>) target(%dma_start3A_400 : memref<128xi32, #tpu.memory_space<vmem>>) target_semaphore(%dma_start3A_397 : memref<!tpu.dma_semaphore, #tpu.memory_space<semaphore_mem>>)
      %dma_start3A_404 = arith.constant 1 : i32
      %dma_start3A_405 = arith.constant 0 : i32
      %dma_start3A_406 = tpu.memref_slice %arg13[%rem3A_25, %dma_start3A_405] : memref<3x128xi32, #tpu.memory_space<vmem>> -> memref<1x128xi32, #tpu.memory_space<vmem>>
      %dma_start3A_407 = tpu.memref_squeeze %dma_start3A_406 : memref<1x128xi32, #tpu.memory_space<vmem>> -> memref<128xi32, #tpu.memory_space<vmem>>
      %dma_start3A_408 = arith.constant 0 : i32
      %dma_start3A_409 = tpu.memref_slice %arg4[%add3A_27, %dma_start3A_408] : memref<2500x128xi32, #tpu.memory_space<hbm>> -> memref<1x128xi32, #tpu.memory_space<hbm>>
      %dma_start3A_410 = tpu.memref_squeeze %dma_start3A_409 : memref<1x128xi32, #tpu.memory_space<hbm>> -> memref<128xi32, #tpu.memory_space<hbm>>
      %dma_start3A_411 = tpu.memref_slice %arg19[%rem3A_25, %dma_start3A_404] : memref<3x3x!tpu.dma_semaphore, #tpu.memory_space<semaphore_mem>> -> memref<1x1x!tpu.dma_semaphore, #tpu.memory_space<semaphore_mem>>
      %dma_start3A_412 = tpu.memref_squeeze %dma_start3A_411 : memref<1x1x!tpu.dma_semaphore, #tpu.memory_space<semaphore_mem>> -> memref<!tpu.dma_semaphore, #tpu.memory_space<semaphore_mem>>
      %dma_start3A_413 = arith.constant 0 : i32
      %dma_start3A_414 = tpu.memref_slice %arg13[%rem3A_25, %dma_start3A_413] : memref<3x128xi32, #tpu.memory_space<vmem>> -> memref<1x128xi32, #tpu.memory_space<vmem>>
      %dma_start3A_415 = tpu.memref_squeeze %dma_start3A_414 : memref<1x128xi32, #tpu.memory_space<vmem>> -> memref<128xi32, #tpu.memory_space<vmem>>
      %dma_start3A_416 = arith.constant 0 : i32
      %dma_start3A_417 = tpu.memref_slice %arg4[%add3A_27, %dma_start3A_416] : memref<2500x128xi32, #tpu.memory_space<hbm>> -> memref<1x128xi32, #tpu.memory_space<hbm>>
      %dma_start3A_418 = tpu.memref_squeeze %dma_start3A_417 : memref<1x128xi32, #tpu.memory_space<hbm>> -> memref<128xi32, #tpu.memory_space<hbm>>
      tpu.enqueue_dma source(%dma_start3A_418 : memref<128xi32, #tpu.memory_space<hbm>>) target(%dma_start3A_415 : memref<128xi32, #tpu.memory_space<vmem>>) target_semaphore(%dma_start3A_412 : memref<!tpu.dma_semaphore, #tpu.memory_space<semaphore_mem>>)
      %dma_start3A_419 = arith.constant 2 : i32
      %dma_start3A_420 = arith.constant 0 : i32
      %dma_start3A_421 = tpu.memref_slice %arg14[%rem3A_25, %dma_start3A_420] : memref<3x128xf32, #tpu.memory_space<vmem>> -> memref<1x128xf32, #tpu.memory_space<vmem>>
      %dma_start3A_422 = tpu.memref_squeeze %dma_start3A_421 : memref<1x128xf32, #tpu.memory_space<vmem>> -> memref<128xf32, #tpu.memory_space<vmem>>
      %dma_start3A_423 = arith.constant 0 : i32
      %dma_start3A_424 = tpu.memref_slice %arg8[%add3A_27, %dma_start3A_423] : memref<2500x128xf32, #tpu.memory_space<hbm>> -> memref<1x128xf32, #tpu.memory_space<hbm>>
      %dma_start3A_425 = tpu.memref_squeeze %dma_start3A_424 : memref<1x128xf32, #tpu.memory_space<hbm>> -> memref<128xf32, #tpu.memory_space<hbm>>
      %dma_start3A_426 = tpu.memref_slice %arg19[%rem3A_25, %dma_start3A_419] : memref<3x3x!tpu.dma_semaphore, #tpu.memory_space<semaphore_mem>> -> memref<1x1x!tpu.dma_semaphore, #tpu.memory_space<semaphore_mem>>
      %dma_start3A_427 = tpu.memref_squeeze %dma_start3A_426 : memref<1x1x!tpu.dma_semaphore, #tpu.memory_space<semaphore_mem>> -> memref<!tpu.dma_semaphore, #tpu.memory_space<semaphore_mem>>
      %dma_start3A_428 = arith.constant 0 : i32
      %dma_start3A_429 = tpu.memref_slice %arg14[%rem3A_25, %dma_start3A_428] : memref<3x128xf32, #tpu.memory_space<vmem>> -> memref<1x128xf32, #tpu.memory_space<vmem>>
      %dma_start3A_430 = tpu.memref_squeeze %dma_start3A_429 : memref<1x128xf32, #tpu.memory_space<vmem>> -> memref<128xf32, #tpu.memory_space<vmem>>
      %dma_start3A_431 = arith.constant 0 : i32
      %dma_start3A_432 = tpu.memref_slice %arg8[%add3A_27, %dma_start3A_431] : memref<2500x128xf32, #tpu.memory_space<hbm>> -> memref<1x128xf32, #tpu.memory_space<hbm>>
      %dma_start3A_433 = tpu.memref_squeeze %dma_start3A_432 : memref<1x128xf32, #tpu.memory_space<hbm>> -> memref<128xf32, #tpu.memory_space<hbm>>
      tpu.enqueue_dma source(%dma_start3A_433 : memref<128xf32, #tpu.memory_space<hbm>>) target(%dma_start3A_430 : memref<128xf32, #tpu.memory_space<vmem>>) target_semaphore(%dma_start3A_427 : memref<!tpu.dma_semaphore, #tpu.memory_space<semaphore_mem>>)
    } else {
    }
    %scan3A = arith.constant 0 : i32
    %scan3A_38 = arith.constant 0 : i32
    %scan3A_39 = arith.constant 640 : i32
    %scan3A_40 = arith.addi %scan3A_38, %scan3A_39 : i32
    %scan3A_41 = arith.constant 1 : i32
    scf.for %scan3A_389 = %scan3A_38 to %scan3A_40 step %scan3A_41  : i32 {
      %swap3A = arith.index_cast %scan3A_389 : i32 to index
      %swap3A_390 = arith.constant 0 : index
      %swap3A_391 = tpu.vector_load %arg16[%swap3A, %swap3A_390] {strides = array<i32>} : memref<640x32xf32, #tpu.memory_space<vmem>>, vector<1x16xf32>,
      %swap3A_392 = vector.shape_cast %swap3A_391 : vector<1x16xf32> to vector<16xf32>
      %swap3A_393 = vector.shape_cast %broadcast_in_dim3A_0 : vector<16xf32> to vector<1x16xf32>
      tpu.vector_store %arg16[%swap3A, %swap3A_390], %swap3A_393 {strides = array<i32>} : memref<640x32xf32, #tpu.memory_space<vmem>>, vector<1x16xf32>,
      %swap3A_394 = arith.index_cast %scan3A_389 : i32 to index
      %swap3A_395 = arith.constant 16 : index
      %swap3A_396 = tpu.vector_load %arg16[%swap3A_394, %swap3A_395] {strides = array<i32>} : memref<640x32xf32, #tpu.memory_space<vmem>>, vector<1x16xf32>,
      %swap3A_397 = vector.shape_cast %swap3A_396 : vector<1x16xf32> to vector<16xf32>
      %swap3A_398 = vector.shape_cast %broadcast_in_dim3A_0 : vector<16xf32> to vector<1x16xf32>
      tpu.vector_store %arg16[%swap3A_394, %swap3A_395], %swap3A_398 {strides = array<i32>} : memref<640x32xf32, #tpu.memory_space<vmem>>, vector<1x16xf32>,
    }
    %scan3A_42 = arith.constant 640 : i32
    %lt3A_43 = arith.constant 15 : i32
    %lt3A_44 = arith.cmpi slt, %arg1, %lt3A_43 : i32
    %convert_element_type3A_45 = arith.extui %lt3A_44 : i1 to i32
    %cond3A_46 = arith.constant 0 : i32
    %cond3A_47 = arith.cmpi ne, %convert_element_type3A_45, %cond3A_46 : i32
    scf.if %cond3A_47 {
      %run_scoped3A = arith.constant 0 : i32
      "tpu.region"() ({
        %run_scoped3A_389 = tpu.sem_alloc : memref<!tpu.dma_semaphore, #tpu.memory_space<semaphore_mem>>
        %dma_start3A_390 = arith.constant 0 : i32
        %dma_start3A_391 = arith.constant 0 : i32
        %dma_start3A_392 = tpu.memref_slice %arg16[%dma_start3A_390, %dma_start3A_391] : memref<640x32xf32, #tpu.memory_space<vmem>> -> memref<624x32xf32, #tpu.memory_space<vmem>>
        %dma_start3A_393 = arith.constant 0 : i32
        %dma_start3A_394 = arith.constant 0 : i32
        %dma_start3A_395 = tpu.memref_slice %arg11[%run_scoped3A, %dma_start3A_393, %dma_start3A_394] : memref<4x10000x32xf32, #tpu.memory_space<vmem_shared>> -> memref<1x10000x32xf32, #tpu.memory_space<vmem_shared>>
        %dma_start3A_396 = tpu.memref_squeeze %dma_start3A_395 : memref<1x10000x32xf32, #tpu.memory_space<vmem_shared>> -> memref<10000x32xf32, #tpu.memory_space<vmem_shared>>
        %dma_start3A_397 = arith.constant 0 : i32
        %dma_start3A_398 = tpu.memref_slice %dma_start3A_396[%mul3A_1, %dma_start3A_397] : memref<10000x32xf32, #tpu.memory_space<vmem_shared>> -> memref<624x32xf32, #tpu.memory_space<vmem_shared>>
        %dma_start3A_399 = arith.constant 0 : i32
        %dma_start3A_400 = arith.constant 0 : i32
        %dma_start3A_401 = tpu.memref_slice %arg11[%run_scoped3A, %dma_start3A_399, %dma_start3A_400] : memref<4x10000x32xf32, #tpu.memory_space<vmem_shared>> -> memref<1x10000x32xf32, #tpu.memory_space<vmem_shared>>
        %dma_start3A_402 = tpu.memref_squeeze %dma_start3A_401 : memref<1x10000x32xf32, #tpu.memory_space<vmem_shared>> -> memref<10000x32xf32, #tpu.memory_space<vmem_shared>>
        %dma_start3A_403 = arith.constant 0 : i32
        %dma_start3A_404 = tpu.memref_slice %dma_start3A_402[%mul3A_1, %dma_start3A_403] : memref<10000x32xf32, #tpu.memory_space<vmem_shared>> -> memref<624x32xf32, #tpu.memory_space<vmem_shared>>
        %dma_start3A_405 = arith.constant 0 : i32
        %dma_start3A_406 = arith.constant 0 : i32
        %dma_start3A_407 = tpu.memref_slice %arg16[%dma_start3A_405, %dma_start3A_406] : memref<640x32xf32, #tpu.memory_space<vmem>> -> memref<624x32xf32, #tpu.memory_space<vmem>>
        tpu.enqueue_dma source(%dma_start3A_407 : memref<624x32xf32, #tpu.memory_space<vmem>>) target(%dma_start3A_404 : memref<624x32xf32, #tpu.memory_space<vmem_shared>>) target_semaphore(%run_scoped3A_389 : memref<!tpu.dma_semaphore, #tpu.memory_space<semaphore_mem>>)
        %dma_wait3A_408 = arith.constant 0 : i32
        %dma_wait3A_409 = arith.constant 0 : i32
        %dma_wait3A_410 = tpu.memref_slice %arg16[%dma_wait3A_408, %dma_wait3A_409] : memref<640x32xf32, #tpu.memory_space<vmem>> -> memref<624x32xf32, #tpu.memory_space<vmem>>
        %dma_wait3A_411 = arith.constant 0 : i32
        %dma_wait3A_412 = arith.constant 0 : i32
        %dma_wait3A_413 = tpu.memref_slice %arg11[%run_scoped3A, %dma_wait3A_411, %dma_wait3A_412] : memref<4x10000x32xf32, #tpu.memory_space<vmem_shared>> -> memref<1x10000x32xf32, #tpu.memory_space<vmem_shared>>
        %dma_wait3A_414 = tpu.memref_squeeze %dma_wait3A_413 : memref<1x10000x32xf32, #tpu.memory_space<vmem_shared>> -> memref<10000x32xf32, #tpu.memory_space<vmem_shared>>
        %dma_wait3A_415 = arith.constant 0 : i32
        %dma_wait3A_416 = tpu.memref_slice %dma_wait3A_414[%mul3A_1, %dma_wait3A_415] : memref<10000x32xf32, #tpu.memory_space<vmem_shared>> -> memref<624x32xf32, #tpu.memory_space<vmem_shared>>
        %dma_wait3A_417 = arith.constant 0 : i32
        %dma_wait3A_418 = arith.constant 0 : i32
        %dma_wait3A_419 = tpu.memref_slice %arg11[%run_scoped3A, %dma_wait3A_417, %dma_wait3A_418] : memref<4x10000x32xf32, #tpu.memory_space<vmem_shared>> -> memref<1x10000x32xf32, #tpu.memory_space<vmem_shared>>
        %dma_wait3A_420 = tpu.memref_squeeze %dma_wait3A_419 : memref<1x10000x32xf32, #tpu.memory_space<vmem_shared>> -> memref<10000x32xf32, #tpu.memory_space<vmem_shared>>
        %dma_wait3A_421 = arith.constant 0 : i32
        %dma_wait3A_422 = tpu.memref_slice %dma_wait3A_420[%mul3A_1, %dma_wait3A_421] : memref<10000x32xf32, #tpu.memory_space<vmem_shared>> -> memref<624x32xf32, #tpu.memory_space<vmem_shared>>
        %dma_wait3A_423 = arith.constant 0 : i32
        %dma_wait3A_424 = arith.constant 0 : i32
        %dma_wait3A_425 = tpu.memref_slice %arg16[%dma_wait3A_423, %dma_wait3A_424] : memref<640x32xf32, #tpu.memory_space<vmem>> -> memref<624x32xf32, #tpu.memory_space<vmem>>
        tpu.wait_dma2 semaphore(%run_scoped3A_389 : memref<!tpu.dma_semaphore, #tpu.memory_space<semaphore_mem>>) src(%dma_wait3A_425 : memref<624x32xf32, #tpu.memory_space<vmem>>) dst(%dma_wait3A_422 : memref<624x32xf32, #tpu.memory_space<vmem_shared>>)
        tpu.yield
      }) : () -> ()
    } else {
    }
    %eq3A_48 = arith.constant 15 : i32
    %eq3A_49 = arith.cmpi eq, %arg1, %eq3A_48 : i32
    %convert_element_type3A_50 = arith.extui %eq3A_49 : i1 to i32
    %cond3A_51 = arith.constant 0 : i32
    %cond3A_52 = arith.cmpi ne, %convert_element_type3A_50, %cond3A_51 : i32
    scf.if %cond3A_52 {
      %run_scoped3A = arith.constant 0 : i32
      "tpu.region"() ({
        %run_scoped3A_389 = tpu.sem_alloc : memref<!tpu.dma_semaphore, #tpu.memory_space<semaphore_mem>>
        %dma_start3A_390 = arith.constant 0 : i32
        %dma_start3A_391 = arith.constant 0 : i32
        %dma_start3A_392 = tpu.memref_slice %arg11[%run_scoped3A, %dma_start3A_390, %dma_start3A_391] : memref<4x10000x32xf32, #tpu.memory_space<vmem_shared>> -> memref<1x10000x32xf32, #tpu.memory_space<vmem_shared>>
        %dma_start3A_393 = tpu.memref_squeeze %dma_start3A_392 : memref<1x10000x32xf32, #tpu.memory_space<vmem_shared>> -> memref<10000x32xf32, #tpu.memory_space<vmem_shared>>
        %dma_start3A_394 = arith.constant 0 : i32
        %dma_start3A_395 = tpu.memref_slice %dma_start3A_393[%mul3A_1, %dma_start3A_394] : memref<10000x32xf32, #tpu.memory_space<vmem_shared>> -> memref<640x32xf32, #tpu.memory_space<vmem_shared>>
        %dma_start3A_396 = arith.constant 0 : i32
        %dma_start3A_397 = arith.constant 0 : i32
        %dma_start3A_398 = tpu.memref_slice %arg11[%run_scoped3A, %dma_start3A_396, %dma_start3A_397] : memref<4x10000x32xf32, #tpu.memory_space<vmem_shared>> -> memref<1x10000x32xf32, #tpu.memory_space<vmem_shared>>
        %dma_start3A_399 = tpu.memref_squeeze %dma_start3A_398 : memref<1x10000x32xf32, #tpu.memory_space<vmem_shared>> -> memref<10000x32xf32, #tpu.memory_space<vmem_shared>>
        %dma_start3A_400 = arith.constant 0 : i32
        %dma_start3A_401 = tpu.memref_slice %dma_start3A_399[%mul3A_1, %dma_start3A_400] : memref<10000x32xf32, #tpu.memory_space<vmem_shared>> -> memref<640x32xf32, #tpu.memory_space<vmem_shared>>
        tpu.enqueue_dma source(%arg16 : memref<640x32xf32, #tpu.memory_space<vmem>>) target(%dma_start3A_401 : memref<640x32xf32, #tpu.memory_space<vmem_shared>>) target_semaphore(%run_scoped3A_389 : memref<!tpu.dma_semaphore, #tpu.memory_space<semaphore_mem>>)
        %dma_wait3A_402 = arith.constant 0 : i32
        %dma_wait3A_403 = arith.constant 0 : i32
        %dma_wait3A_404 = tpu.memref_slice %arg11[%run_scoped3A, %dma_wait3A_402, %dma_wait3A_403] : memref<4x10000x32xf32, #tpu.memory_space<vmem_shared>> -> memref<1x10000x32xf32, #tpu.memory_space<vmem_shared>>
        %dma_wait3A_405 = tpu.memref_squeeze %dma_wait3A_404 : memref<1x10000x32xf32, #tpu.memory_space<vmem_shared>> -> memref<10000x32xf32, #tpu.memory_space<vmem_shared>>
        %dma_wait3A_406 = arith.constant 0 : i32
        %dma_wait3A_407 = tpu.memref_slice %dma_wait3A_405[%mul3A_1, %dma_wait3A_406] : memref<10000x32xf32, #tpu.memory_space<vmem_shared>> -> memref<640x32xf32, #tpu.memory_space<vmem_shared>>
        %dma_wait3A_408 = arith.constant 0 : i32
        %dma_wait3A_409 = arith.constant 0 : i32
        %dma_wait3A_410 = tpu.memref_slice %arg11[%run_scoped3A, %dma_wait3A_408, %dma_wait3A_409] : memref<4x10000x32xf32, #tpu.memory_space<vmem_shared>> -> memref<1x10000x32xf32, #tpu.memory_space<vmem_shared>>
        %dma_wait3A_411 = tpu.memref_squeeze %dma_wait3A_410 : memref<1x10000x32xf32, #tpu.memory_space<vmem_shared>> -> memref<10000x32xf32, #tpu.memory_space<vmem_shared>>
        %dma_wait3A_412 = arith.constant 0 : i32
        %dma_wait3A_413 = tpu.memref_slice %dma_wait3A_411[%mul3A_1, %dma_wait3A_412] : memref<10000x32xf32, #tpu.memory_space<vmem_shared>> -> memref<640x32xf32, #tpu.memory_space<vmem_shared>>
        tpu.wait_dma2 semaphore(%run_scoped3A_389 : memref<!tpu.dma_semaphore, #tpu.memory_space<semaphore_mem>>) src(%arg16 : memref<640x32xf32, #tpu.memory_space<vmem>>) dst(%dma_wait3A_413 : memref<640x32xf32, #tpu.memory_space<vmem_shared>>)
        tpu.yield
      }) : () -> ()
    } else {
    }
    %lt3A_53 = arith.constant 15 : i32
    %lt3A_54 = arith.cmpi slt, %arg1, %lt3A_53 : i32
    %convert_element_type3A_55 = arith.extui %lt3A_54 : i1 to i32
    %cond3A_56 = arith.constant 0 : i32
    %cond3A_57 = arith.cmpi ne, %convert_element_type3A_55, %cond3A_56 : i32
    scf.if %cond3A_57 {
      %run_scoped3A = arith.constant 1 : i32
      "tpu.region"() ({
        %run_scoped3A_389 = tpu.sem_alloc : memref<!tpu.dma_semaphore, #tpu.memory_space<semaphore_mem>>
        %dma_start3A_390 = arith.constant 0 : i32
        %dma_start3A_391 = arith.constant 0 : i32
        %dma_start3A_392 = tpu.memref_slice %arg16[%dma_start3A_390, %dma_start3A_391] : memref<640x32xf32, #tpu.memory_space<vmem>> -> memref<624x32xf32, #tpu.memory_space<vmem>>
        %dma_start3A_393 = arith.constant 0 : i32
        %dma_start3A_394 = arith.constant 0 : i32
        %dma_start3A_395 = tpu.memref_slice %arg11[%run_scoped3A, %dma_start3A_393, %dma_start3A_394] : memref<4x10000x32xf32, #tpu.memory_space<vmem_shared>> -> memref<1x10000x32xf32, #tpu.memory_space<vmem_shared>>
        %dma_start3A_396 = tpu.memref_squeeze %dma_start3A_395 : memref<1x10000x32xf32, #tpu.memory_space<vmem_shared>> -> memref<10000x32xf32, #tpu.memory_space<vmem_shared>>
        %dma_start3A_397 = arith.constant 0 : i32
        %dma_start3A_398 = tpu.memref_slice %dma_start3A_396[%mul3A_1, %dma_start3A_397] : memref<10000x32xf32, #tpu.memory_space<vmem_shared>> -> memref<624x32xf32, #tpu.memory_space<vmem_shared>>
        %dma_start3A_399 = arith.constant 0 : i32
        %dma_start3A_400 = arith.constant 0 : i32
        %dma_start3A_401 = tpu.memref_slice %arg11[%run_scoped3A, %dma_start3A_399, %dma_start3A_400] : memref<4x10000x32xf32, #tpu.memory_space<vmem_shared>> -> memref<1x10000x32xf32, #tpu.memory_space<vmem_shared>>
        %dma_start3A_402 = tpu.memref_squeeze %dma_start3A_401 : memref<1x10000x32xf32, #tpu.memory_space<vmem_shared>> -> memref<10000x32xf32, #tpu.memory_space<vmem_shared>>
        %dma_start3A_403 = arith.constant 0 : i32
        %dma_start3A_404 = tpu.memref_slice %dma_start3A_402[%mul3A_1, %dma_start3A_403] : memref<10000x32xf32, #tpu.memory_space<vmem_shared>> -> memref<624x32xf32, #tpu.memory_space<vmem_shared>>
        %dma_start3A_405 = arith.constant 0 : i32
        %dma_start3A_406 = arith.constant 0 : i32
        %dma_start3A_407 = tpu.memref_slice %arg16[%dma_start3A_405, %dma_start3A_406] : memref<640x32xf32, #tpu.memory_space<vmem>> -> memref<624x32xf32, #tpu.memory_space<vmem>>
        tpu.enqueue_dma source(%dma_start3A_407 : memref<624x32xf32, #tpu.memory_space<vmem>>) target(%dma_start3A_404 : memref<624x32xf32, #tpu.memory_space<vmem_shared>>) target_semaphore(%run_scoped3A_389 : memref<!tpu.dma_semaphore, #tpu.memory_space<semaphore_mem>>)
        %dma_wait3A_408 = arith.constant 0 : i32
        %dma_wait3A_409 = arith.constant 0 : i32
        %dma_wait3A_410 = tpu.memref_slice %arg16[%dma_wait3A_408, %dma_wait3A_409] : memref<640x32xf32, #tpu.memory_space<vmem>> -> memref<624x32xf32, #tpu.memory_space<vmem>>
        %dma_wait3A_411 = arith.constant 0 : i32
        %dma_wait3A_412 = arith.constant 0 : i32
        %dma_wait3A_413 = tpu.memref_slice %arg11[%run_scoped3A, %dma_wait3A_411, %dma_wait3A_412] : memref<4x10000x32xf32, #tpu.memory_space<vmem_shared>> -> memref<1x10000x32xf32, #tpu.memory_space<vmem_shared>>
        %dma_wait3A_414 = tpu.memref_squeeze %dma_wait3A_413 : memref<1x10000x32xf32, #tpu.memory_space<vmem_shared>> -> memref<10000x32xf32, #tpu.memory_space<vmem_shared>>
        %dma_wait3A_415 = arith.constant 0 : i32
        %dma_wait3A_416 = tpu.memref_slice %dma_wait3A_414[%mul3A_1, %dma_wait3A_415] : memref<10000x32xf32, #tpu.memory_space<vmem_shared>> -> memref<624x32xf32, #tpu.memory_space<vmem_shared>>
        %dma_wait3A_417 = arith.constant 0 : i32
        %dma_wait3A_418 = arith.constant 0 : i32
        %dma_wait3A_419 = tpu.memref_slice %arg11[%run_scoped3A, %dma_wait3A_417, %dma_wait3A_418] : memref<4x10000x32xf32, #tpu.memory_space<vmem_shared>> -> memref<1x10000x32xf32, #tpu.memory_space<vmem_shared>>
        %dma_wait3A_420 = tpu.memref_squeeze %dma_wait3A_419 : memref<1x10000x32xf32, #tpu.memory_space<vmem_shared>> -> memref<10000x32xf32, #tpu.memory_space<vmem_shared>>
        %dma_wait3A_421 = arith.constant 0 : i32
        %dma_wait3A_422 = tpu.memref_slice %dma_wait3A_420[%mul3A_1, %dma_wait3A_421] : memref<10000x32xf32, #tpu.memory_space<vmem_shared>> -> memref<624x32xf32, #tpu.memory_space<vmem_shared>>
        %dma_wait3A_423 = arith.constant 0 : i32
        %dma_wait3A_424 = arith.constant 0 : i32
        %dma_wait3A_425 = tpu.memref_slice %arg16[%dma_wait3A_423, %dma_wait3A_424] : memref<640x32xf32, #tpu.memory_space<vmem>> -> memref<624x32xf32, #tpu.memory_space<vmem>>
        tpu.wait_dma2 semaphore(%run_scoped3A_389 : memref<!tpu.dma_semaphore, #tpu.memory_space<semaphore_mem>>) src(%dma_wait3A_425 : memref<624x32xf32, #tpu.memory_space<vmem>>) dst(%dma_wait3A_422 : memref<624x32xf32, #tpu.memory_space<vmem_shared>>)
        tpu.yield
      }) : () -> ()
    } else {
    }
    %eq3A_58 = arith.constant 15 : i32
    %eq3A_59 = arith.cmpi eq, %arg1, %eq3A_58 : i32
    %convert_element_type3A_60 = arith.extui %eq3A_59 : i1 to i32
    %cond3A_61 = arith.constant 0 : i32
    %cond3A_62 = arith.cmpi ne, %convert_element_type3A_60, %cond3A_61 : i32
    scf.if %cond3A_62 {
      %run_scoped3A = arith.constant 1 : i32
      "tpu.region"() ({
        %run_scoped3A_389 = tpu.sem_alloc : memref<!tpu.dma_semaphore, #tpu.memory_space<semaphore_mem>>
        %dma_start3A_390 = arith.constant 0 : i32
        %dma_start3A_391 = arith.constant 0 : i32
        %dma_start3A_392 = tpu.memref_slice %arg11[%run_scoped3A, %dma_start3A_390, %dma_start3A_391] : memref<4x10000x32xf32, #tpu.memory_space<vmem_shared>> -> memref<1x10000x32xf32, #tpu.memory_space<vmem_shared>>
        %dma_start3A_393 = tpu.memref_squeeze %dma_start3A_392 : memref<1x10000x32xf32, #tpu.memory_space<vmem_shared>> -> memref<10000x32xf32, #tpu.memory_space<vmem_shared>>
        %dma_start3A_394 = arith.constant 0 : i32
        %dma_start3A_395 = tpu.memref_slice %dma_start3A_393[%mul3A_1, %dma_start3A_394] : memref<10000x32xf32, #tpu.memory_space<vmem_shared>> -> memref<640x32xf32, #tpu.memory_space<vmem_shared>>
        %dma_start3A_396 = arith.constant 0 : i32
        %dma_start3A_397 = arith.constant 0 : i32
        %dma_start3A_398 = tpu.memref_slice %arg11[%run_scoped3A, %dma_start3A_396, %dma_start3A_397] : memref<4x10000x32xf32, #tpu.memory_space<vmem_shared>> -> memref<1x10000x32xf32, #tpu.memory_space<vmem_shared>>
        %dma_start3A_399 = tpu.memref_squeeze %dma_start3A_398 : memref<1x10000x32xf32, #tpu.memory_space<vmem_shared>> -> memref<10000x32xf32, #tpu.memory_space<vmem_shared>>
        %dma_start3A_400 = arith.constant 0 : i32
        %dma_start3A_401 = tpu.memref_slice %dma_start3A_399[%mul3A_1, %dma_start3A_400] : memref<10000x32xf32, #tpu.memory_space<vmem_shared>> -> memref<640x32xf32, #tpu.memory_space<vmem_shared>>
        tpu.enqueue_dma source(%arg16 : memref<640x32xf32, #tpu.memory_space<vmem>>) target(%dma_start3A_401 : memref<640x32xf32, #tpu.memory_space<vmem_shared>>) target_semaphore(%run_scoped3A_389 : memref<!tpu.dma_semaphore, #tpu.memory_space<semaphore_mem>>)
        %dma_wait3A_402 = arith.constant 0 : i32
        %dma_wait3A_403 = arith.constant 0 : i32
        %dma_wait3A_404 = tpu.memref_slice %arg11[%run_scoped3A, %dma_wait3A_402, %dma_wait3A_403] : memref<4x10000x32xf32, #tpu.memory_space<vmem_shared>> -> memref<1x10000x32xf32, #tpu.memory_space<vmem_shared>>
        %dma_wait3A_405 = tpu.memref_squeeze %dma_wait3A_404 : memref<1x10000x32xf32, #tpu.memory_space<vmem_shared>> -> memref<10000x32xf32, #tpu.memory_space<vmem_shared>>
        %dma_wait3A_406 = arith.constant 0 : i32
        %dma_wait3A_407 = tpu.memref_slice %dma_wait3A_405[%mul3A_1, %dma_wait3A_406] : memref<10000x32xf32, #tpu.memory_space<vmem_shared>> -> memref<640x32xf32, #tpu.memory_space<vmem_shared>>
        %dma_wait3A_408 = arith.constant 0 : i32
        %dma_wait3A_409 = arith.constant 0 : i32
        %dma_wait3A_410 = tpu.memref_slice %arg11[%run_scoped3A, %dma_wait3A_408, %dma_wait3A_409] : memref<4x10000x32xf32, #tpu.memory_space<vmem_shared>> -> memref<1x10000x32xf32, #tpu.memory_space<vmem_shared>>
        %dma_wait3A_411 = tpu.memref_squeeze %dma_wait3A_410 : memref<1x10000x32xf32, #tpu.memory_space<vmem_shared>> -> memref<10000x32xf32, #tpu.memory_space<vmem_shared>>
        %dma_wait3A_412 = arith.constant 0 : i32
        %dma_wait3A_413 = tpu.memref_slice %dma_wait3A_411[%mul3A_1, %dma_wait3A_412] : memref<10000x32xf32, #tpu.memory_space<vmem_shared>> -> memref<640x32xf32, #tpu.memory_space<vmem_shared>>
        tpu.wait_dma2 semaphore(%run_scoped3A_389 : memref<!tpu.dma_semaphore, #tpu.memory_space<semaphore_mem>>) src(%arg16 : memref<640x32xf32, #tpu.memory_space<vmem>>) dst(%dma_wait3A_413 : memref<640x32xf32, #tpu.memory_space<vmem_shared>>)
        tpu.yield
      }) : () -> ()
    } else {
    }
    %lt3A_63 = arith.constant 15 : i32
    %lt3A_64 = arith.cmpi slt, %arg1, %lt3A_63 : i32
    %convert_element_type3A_65 = arith.extui %lt3A_64 : i1 to i32
    %cond3A_66 = arith.constant 0 : i32
    %cond3A_67 = arith.cmpi ne, %convert_element_type3A_65, %cond3A_66 : i32
    scf.if %cond3A_67 {
      %run_scoped3A = arith.constant 2 : i32
      "tpu.region"() ({
        %run_scoped3A_389 = tpu.sem_alloc : memref<!tpu.dma_semaphore, #tpu.memory_space<semaphore_mem>>
        %dma_start3A_390 = arith.constant 0 : i32
        %dma_start3A_391 = arith.constant 0 : i32
        %dma_start3A_392 = tpu.memref_slice %arg16[%dma_start3A_390, %dma_start3A_391] : memref<640x32xf32, #tpu.memory_space<vmem>> -> memref<624x32xf32, #tpu.memory_space<vmem>>
        %dma_start3A_393 = arith.constant 0 : i32
        %dma_start3A_394 = arith.constant 0 : i32
        %dma_start3A_395 = tpu.memref_slice %arg11[%run_scoped3A, %dma_start3A_393, %dma_start3A_394] : memref<4x10000x32xf32, #tpu.memory_space<vmem_shared>> -> memref<1x10000x32xf32, #tpu.memory_space<vmem_shared>>
        %dma_start3A_396 = tpu.memref_squeeze %dma_start3A_395 : memref<1x10000x32xf32, #tpu.memory_space<vmem_shared>> -> memref<10000x32xf32, #tpu.memory_space<vmem_shared>>
        %dma_start3A_397 = arith.constant 0 : i32
        %dma_start3A_398 = tpu.memref_slice %dma_start3A_396[%mul3A_1, %dma_start3A_397] : memref<10000x32xf32, #tpu.memory_space<vmem_shared>> -> memref<624x32xf32, #tpu.memory_space<vmem_shared>>
        %dma_start3A_399 = arith.constant 0 : i32
        %dma_start3A_400 = arith.constant 0 : i32
        %dma_start3A_401 = tpu.memref_slice %arg11[%run_scoped3A, %dma_start3A_399, %dma_start3A_400] : memref<4x10000x32xf32, #tpu.memory_space<vmem_shared>> -> memref<1x10000x32xf32, #tpu.memory_space<vmem_shared>>
        %dma_start3A_402 = tpu.memref_squeeze %dma_start3A_401 : memref<1x10000x32xf32, #tpu.memory_space<vmem_shared>> -> memref<10000x32xf32, #tpu.memory_space<vmem_shared>>
        %dma_start3A_403 = arith.constant 0 : i32
        %dma_start3A_404 = tpu.memref_slice %dma_start3A_402[%mul3A_1, %dma_start3A_403] : memref<10000x32xf32, #tpu.memory_space<vmem_shared>> -> memref<624x32xf32, #tpu.memory_space<vmem_shared>>
        %dma_start3A_405 = arith.constant 0 : i32
        %dma_start3A_406 = arith.constant 0 : i32
        %dma_start3A_407 = tpu.memref_slice %arg16[%dma_start3A_405, %dma_start3A_406] : memref<640x32xf32, #tpu.memory_space<vmem>> -> memref<624x32xf32, #tpu.memory_space<vmem>>
        tpu.enqueue_dma source(%dma_start3A_407 : memref<624x32xf32, #tpu.memory_space<vmem>>) target(%dma_start3A_404 : memref<624x32xf32, #tpu.memory_space<vmem_shared>>) target_semaphore(%run_scoped3A_389 : memref<!tpu.dma_semaphore, #tpu.memory_space<semaphore_mem>>)
        %dma_wait3A_408 = arith.constant 0 : i32
        %dma_wait3A_409 = arith.constant 0 : i32
        %dma_wait3A_410 = tpu.memref_slice %arg16[%dma_wait3A_408, %dma_wait3A_409] : memref<640x32xf32, #tpu.memory_space<vmem>> -> memref<624x32xf32, #tpu.memory_space<vmem>>
        %dma_wait3A_411 = arith.constant 0 : i32
        %dma_wait3A_412 = arith.constant 0 : i32
        %dma_wait3A_413 = tpu.memref_slice %arg11[%run_scoped3A, %dma_wait3A_411, %dma_wait3A_412] : memref<4x10000x32xf32, #tpu.memory_space<vmem_shared>> -> memref<1x10000x32xf32, #tpu.memory_space<vmem_shared>>
        %dma_wait3A_414 = tpu.memref_squeeze %dma_wait3A_413 : memref<1x10000x32xf32, #tpu.memory_space<vmem_shared>> -> memref<10000x32xf32, #tpu.memory_space<vmem_shared>>
        %dma_wait3A_415 = arith.constant 0 : i32
        %dma_wait3A_416 = tpu.memref_slice %dma_wait3A_414[%mul3A_1, %dma_wait3A_415] : memref<10000x32xf32, #tpu.memory_space<vmem_shared>> -> memref<624x32xf32, #tpu.memory_space<vmem_shared>>
        %dma_wait3A_417 = arith.constant 0 : i32
        %dma_wait3A_418 = arith.constant 0 : i32
        %dma_wait3A_419 = tpu.memref_slice %arg11[%run_scoped3A, %dma_wait3A_417, %dma_wait3A_418] : memref<4x10000x32xf32, #tpu.memory_space<vmem_shared>> -> memref<1x10000x32xf32, #tpu.memory_space<vmem_shared>>
        %dma_wait3A_420 = tpu.memref_squeeze %dma_wait3A_419 : memref<1x10000x32xf32, #tpu.memory_space<vmem_shared>> -> memref<10000x32xf32, #tpu.memory_space<vmem_shared>>
        %dma_wait3A_421 = arith.constant 0 : i32
        %dma_wait3A_422 = tpu.memref_slice %dma_wait3A_420[%mul3A_1, %dma_wait3A_421] : memref<10000x32xf32, #tpu.memory_space<vmem_shared>> -> memref<624x32xf32, #tpu.memory_space<vmem_shared>>
        %dma_wait3A_423 = arith.constant 0 : i32
        %dma_wait3A_424 = arith.constant 0 : i32
        %dma_wait3A_425 = tpu.memref_slice %arg16[%dma_wait3A_423, %dma_wait3A_424] : memref<640x32xf32, #tpu.memory_space<vmem>> -> memref<624x32xf32, #tpu.memory_space<vmem>>
        tpu.wait_dma2 semaphore(%run_scoped3A_389 : memref<!tpu.dma_semaphore, #tpu.memory_space<semaphore_mem>>) src(%dma_wait3A_425 : memref<624x32xf32, #tpu.memory_space<vmem>>) dst(%dma_wait3A_422 : memref<624x32xf32, #tpu.memory_space<vmem_shared>>)
        tpu.yield
      }) : () -> ()
    } else {
    }
    %eq3A_68 = arith.constant 15 : i32
    %eq3A_69 = arith.cmpi eq, %arg1, %eq3A_68 : i32
    %convert_element_type3A_70 = arith.extui %eq3A_69 : i1 to i32
    %cond3A_71 = arith.constant 0 : i32
    %cond3A_72 = arith.cmpi ne, %convert_element_type3A_70, %cond3A_71 : i32
    scf.if %cond3A_72 {
      %run_scoped3A = arith.constant 2 : i32
      "tpu.region"() ({
        %run_scoped3A_389 = tpu.sem_alloc : memref<!tpu.dma_semaphore, #tpu.memory_space<semaphore_mem>>
        %dma_start3A_390 = arith.constant 0 : i32
        %dma_start3A_391 = arith.constant 0 : i32
        %dma_start3A_392 = tpu.memref_slice %arg11[%run_scoped3A, %dma_start3A_390, %dma_start3A_391] : memref<4x10000x32xf32, #tpu.memory_space<vmem_shared>> -> memref<1x10000x32xf32, #tpu.memory_space<vmem_shared>>
        %dma_start3A_393 = tpu.memref_squeeze %dma_start3A_392 : memref<1x10000x32xf32, #tpu.memory_space<vmem_shared>> -> memref<10000x32xf32, #tpu.memory_space<vmem_shared>>
        %dma_start3A_394 = arith.constant 0 : i32
        %dma_start3A_395 = tpu.memref_slice %dma_start3A_393[%mul3A_1, %dma_start3A_394] : memref<10000x32xf32, #tpu.memory_space<vmem_shared>> -> memref<640x32xf32, #tpu.memory_space<vmem_shared>>
        %dma_start3A_396 = arith.constant 0 : i32
        %dma_start3A_397 = arith.constant 0 : i32
        %dma_start3A_398 = tpu.memref_slice %arg11[%run_scoped3A, %dma_start3A_396, %dma_start3A_397] : memref<4x10000x32xf32, #tpu.memory_space<vmem_shared>> -> memref<1x10000x32xf32, #tpu.memory_space<vmem_shared>>
        %dma_start3A_399 = tpu.memref_squeeze %dma_start3A_398 : memref<1x10000x32xf32, #tpu.memory_space<vmem_shared>> -> memref<10000x32xf32, #tpu.memory_space<vmem_shared>>
        %dma_start3A_400 = arith.constant 0 : i32
        %dma_start3A_401 = tpu.memref_slice %dma_start3A_399[%mul3A_1, %dma_start3A_400] : memref<10000x32xf32, #tpu.memory_space<vmem_shared>> -> memref<640x32xf32, #tpu.memory_space<vmem_shared>>
        tpu.enqueue_dma source(%arg16 : memref<640x32xf32, #tpu.memory_space<vmem>>) target(%dma_start3A_401 : memref<640x32xf32, #tpu.memory_space<vmem_shared>>) target_semaphore(%run_scoped3A_389 : memref<!tpu.dma_semaphore, #tpu.memory_space<semaphore_mem>>)
        %dma_wait3A_402 = arith.constant 0 : i32
        %dma_wait3A_403 = arith.constant 0 : i32
        %dma_wait3A_404 = tpu.memref_slice %arg11[%run_scoped3A, %dma_wait3A_402, %dma_wait3A_403] : memref<4x10000x32xf32, #tpu.memory_space<vmem_shared>> -> memref<1x10000x32xf32, #tpu.memory_space<vmem_shared>>
        %dma_wait3A_405 = tpu.memref_squeeze %dma_wait3A_404 : memref<1x10000x32xf32, #tpu.memory_space<vmem_shared>> -> memref<10000x32xf32, #tpu.memory_space<vmem_shared>>
        %dma_wait3A_406 = arith.constant 0 : i32
        %dma_wait3A_407 = tpu.memref_slice %dma_wait3A_405[%mul3A_1, %dma_wait3A_406] : memref<10000x32xf32, #tpu.memory_space<vmem_shared>> -> memref<640x32xf32, #tpu.memory_space<vmem_shared>>
        %dma_wait3A_408 = arith.constant 0 : i32
        %dma_wait3A_409 = arith.constant 0 : i32
        %dma_wait3A_410 = tpu.memref_slice %arg11[%run_scoped3A, %dma_wait3A_408, %dma_wait3A_409] : memref<4x10000x32xf32, #tpu.memory_space<vmem_shared>> -> memref<1x10000x32xf32, #tpu.memory_space<vmem_shared>>
        %dma_wait3A_411 = tpu.memref_squeeze %dma_wait3A_410 : memref<1x10000x32xf32, #tpu.memory_space<vmem_shared>> -> memref<10000x32xf32, #tpu.memory_space<vmem_shared>>
        %dma_wait3A_412 = arith.constant 0 : i32
        %dma_wait3A_413 = tpu.memref_slice %dma_wait3A_411[%mul3A_1, %dma_wait3A_412] : memref<10000x32xf32, #tpu.memory_space<vmem_shared>> -> memref<640x32xf32, #tpu.memory_space<vmem_shared>>
        tpu.wait_dma2 semaphore(%run_scoped3A_389 : memref<!tpu.dma_semaphore, #tpu.memory_space<semaphore_mem>>) src(%arg16 : memref<640x32xf32, #tpu.memory_space<vmem>>) dst(%dma_wait3A_413 : memref<640x32xf32, #tpu.memory_space<vmem_shared>>)
        tpu.yield
      }) : () -> ()
    } else {
    }
    %lt3A_73 = arith.constant 15 : i32
    %lt3A_74 = arith.cmpi slt, %arg1, %lt3A_73 : i32
    %convert_element_type3A_75 = arith.extui %lt3A_74 : i1 to i32
    %cond3A_76 = arith.constant 0 : i32
    %cond3A_77 = arith.cmpi ne, %convert_element_type3A_75, %cond3A_76 : i32
    scf.if %cond3A_77 {
      %run_scoped3A = arith.constant 3 : i32
      "tpu.region"() ({
        %run_scoped3A_389 = tpu.sem_alloc : memref<!tpu.dma_semaphore, #tpu.memory_space<semaphore_mem>>
        %dma_start3A_390 = arith.constant 0 : i32
        %dma_start3A_391 = arith.constant 0 : i32
        %dma_start3A_392 = tpu.memref_slice %arg16[%dma_start3A_390, %dma_start3A_391] : memref<640x32xf32, #tpu.memory_space<vmem>> -> memref<624x32xf32, #tpu.memory_space<vmem>>
        %dma_start3A_393 = arith.constant 0 : i32
        %dma_start3A_394 = arith.constant 0 : i32
        %dma_start3A_395 = tpu.memref_slice %arg11[%run_scoped3A, %dma_start3A_393, %dma_start3A_394] : memref<4x10000x32xf32, #tpu.memory_space<vmem_shared>> -> memref<1x10000x32xf32, #tpu.memory_space<vmem_shared>>
        %dma_start3A_396 = tpu.memref_squeeze %dma_start3A_395 : memref<1x10000x32xf32, #tpu.memory_space<vmem_shared>> -> memref<10000x32xf32, #tpu.memory_space<vmem_shared>>
        %dma_start3A_397 = arith.constant 0 : i32
        %dma_start3A_398 = tpu.memref_slice %dma_start3A_396[%mul3A_1, %dma_start3A_397] : memref<10000x32xf32, #tpu.memory_space<vmem_shared>> -> memref<624x32xf32, #tpu.memory_space<vmem_shared>>
        %dma_start3A_399 = arith.constant 0 : i32
        %dma_start3A_400 = arith.constant 0 : i32
        %dma_start3A_401 = tpu.memref_slice %arg11[%run_scoped3A, %dma_start3A_399, %dma_start3A_400] : memref<4x10000x32xf32, #tpu.memory_space<vmem_shared>> -> memref<1x10000x32xf32, #tpu.memory_space<vmem_shared>>
        %dma_start3A_402 = tpu.memref_squeeze %dma_start3A_401 : memref<1x10000x32xf32, #tpu.memory_space<vmem_shared>> -> memref<10000x32xf32, #tpu.memory_space<vmem_shared>>
        %dma_start3A_403 = arith.constant 0 : i32
        %dma_start3A_404 = tpu.memref_slice %dma_start3A_402[%mul3A_1, %dma_start3A_403] : memref<10000x32xf32, #tpu.memory_space<vmem_shared>> -> memref<624x32xf32, #tpu.memory_space<vmem_shared>>
        %dma_start3A_405 = arith.constant 0 : i32
        %dma_start3A_406 = arith.constant 0 : i32
        %dma_start3A_407 = tpu.memref_slice %arg16[%dma_start3A_405, %dma_start3A_406] : memref<640x32xf32, #tpu.memory_space<vmem>> -> memref<624x32xf32, #tpu.memory_space<vmem>>
        tpu.enqueue_dma source(%dma_start3A_407 : memref<624x32xf32, #tpu.memory_space<vmem>>) target(%dma_start3A_404 : memref<624x32xf32, #tpu.memory_space<vmem_shared>>) target_semaphore(%run_scoped3A_389 : memref<!tpu.dma_semaphore, #tpu.memory_space<semaphore_mem>>)
        %dma_wait3A_408 = arith.constant 0 : i32
        %dma_wait3A_409 = arith.constant 0 : i32
        %dma_wait3A_410 = tpu.memref_slice %arg16[%dma_wait3A_408, %dma_wait3A_409] : memref<640x32xf32, #tpu.memory_space<vmem>> -> memref<624x32xf32, #tpu.memory_space<vmem>>
        %dma_wait3A_411 = arith.constant 0 : i32
        %dma_wait3A_412 = arith.constant 0 : i32
        %dma_wait3A_413 = tpu.memref_slice %arg11[%run_scoped3A, %dma_wait3A_411, %dma_wait3A_412] : memref<4x10000x32xf32, #tpu.memory_space<vmem_shared>> -> memref<1x10000x32xf32, #tpu.memory_space<vmem_shared>>
        %dma_wait3A_414 = tpu.memref_squeeze %dma_wait3A_413 : memref<1x10000x32xf32, #tpu.memory_space<vmem_shared>> -> memref<10000x32xf32, #tpu.memory_space<vmem_shared>>
        %dma_wait3A_415 = arith.constant 0 : i32
        %dma_wait3A_416 = tpu.memref_slice %dma_wait3A_414[%mul3A_1, %dma_wait3A_415] : memref<10000x32xf32, #tpu.memory_space<vmem_shared>> -> memref<624x32xf32, #tpu.memory_space<vmem_shared>>
        %dma_wait3A_417 = arith.constant 0 : i32
        %dma_wait3A_418 = arith.constant 0 : i32
        %dma_wait3A_419 = tpu.memref_slice %arg11[%run_scoped3A, %dma_wait3A_417, %dma_wait3A_418] : memref<4x10000x32xf32, #tpu.memory_space<vmem_shared>> -> memref<1x10000x32xf32, #tpu.memory_space<vmem_shared>>
        %dma_wait3A_420 = tpu.memref_squeeze %dma_wait3A_419 : memref<1x10000x32xf32, #tpu.memory_space<vmem_shared>> -> memref<10000x32xf32, #tpu.memory_space<vmem_shared>>
        %dma_wait3A_421 = arith.constant 0 : i32
        %dma_wait3A_422 = tpu.memref_slice %dma_wait3A_420[%mul3A_1, %dma_wait3A_421] : memref<10000x32xf32, #tpu.memory_space<vmem_shared>> -> memref<624x32xf32, #tpu.memory_space<vmem_shared>>
        %dma_wait3A_423 = arith.constant 0 : i32
        %dma_wait3A_424 = arith.constant 0 : i32
        %dma_wait3A_425 = tpu.memref_slice %arg16[%dma_wait3A_423, %dma_wait3A_424] : memref<640x32xf32, #tpu.memory_space<vmem>> -> memref<624x32xf32, #tpu.memory_space<vmem>>
        tpu.wait_dma2 semaphore(%run_scoped3A_389 : memref<!tpu.dma_semaphore, #tpu.memory_space<semaphore_mem>>) src(%dma_wait3A_425 : memref<624x32xf32, #tpu.memory_space<vmem>>) dst(%dma_wait3A_422 : memref<624x32xf32, #tpu.memory_space<vmem_shared>>)
        tpu.yield
      }) : () -> ()
    } else {
    }
    %eq3A_78 = arith.constant 15 : i32
    %eq3A_79 = arith.cmpi eq, %arg1, %eq3A_78 : i32
    %convert_element_type3A_80 = arith.extui %eq3A_79 : i1 to i32
    %cond3A_81 = arith.constant 0 : i32
    %cond3A_82 = arith.cmpi ne, %convert_element_type3A_80, %cond3A_81 : i32
    scf.if %cond3A_82 {
      %run_scoped3A = arith.constant 3 : i32
      "tpu.region"() ({
        %run_scoped3A_389 = tpu.sem_alloc : memref<!tpu.dma_semaphore, #tpu.memory_space<semaphore_mem>>
        %dma_start3A_390 = arith.constant 0 : i32
        %dma_start3A_391 = arith.constant 0 : i32
        %dma_start3A_392 = tpu.memref_slice %arg11[%run_scoped3A, %dma_start3A_390, %dma_start3A_391] : memref<4x10000x32xf32, #tpu.memory_space<vmem_shared>> -> memref<1x10000x32xf32, #tpu.memory_space<vmem_shared>>
        %dma_start3A_393 = tpu.memref_squeeze %dma_start3A_392 : memref<1x10000x32xf32, #tpu.memory_space<vmem_shared>> -> memref<10000x32xf32, #tpu.memory_space<vmem_shared>>
        %dma_start3A_394 = arith.constant 0 : i32
        %dma_start3A_395 = tpu.memref_slice %dma_start3A_393[%mul3A_1, %dma_start3A_394] : memref<10000x32xf32, #tpu.memory_space<vmem_shared>> -> memref<640x32xf32, #tpu.memory_space<vmem_shared>>
        %dma_start3A_396 = arith.constant 0 : i32
        %dma_start3A_397 = arith.constant 0 : i32
        %dma_start3A_398 = tpu.memref_slice %arg11[%run_scoped3A, %dma_start3A_396, %dma_start3A_397] : memref<4x10000x32xf32, #tpu.memory_space<vmem_shared>> -> memref<1x10000x32xf32, #tpu.memory_space<vmem_shared>>
        %dma_start3A_399 = tpu.memref_squeeze %dma_start3A_398 : memref<1x10000x32xf32, #tpu.memory_space<vmem_shared>> -> memref<10000x32xf32, #tpu.memory_space<vmem_shared>>
        %dma_start3A_400 = arith.constant 0 : i32
        %dma_start3A_401 = tpu.memref_slice %dma_start3A_399[%mul3A_1, %dma_start3A_400] : memref<10000x32xf32, #tpu.memory_space<vmem_shared>> -> memref<640x32xf32, #tpu.memory_space<vmem_shared>>
        tpu.enqueue_dma source(%arg16 : memref<640x32xf32, #tpu.memory_space<vmem>>) target(%dma_start3A_401 : memref<640x32xf32, #tpu.memory_space<vmem_shared>>) target_semaphore(%run_scoped3A_389 : memref<!tpu.dma_semaphore, #tpu.memory_space<semaphore_mem>>)
        %dma_wait3A_402 = arith.constant 0 : i32
        %dma_wait3A_403 = arith.constant 0 : i32
        %dma_wait3A_404 = tpu.memref_slice %arg11[%run_scoped3A, %dma_wait3A_402, %dma_wait3A_403] : memref<4x10000x32xf32, #tpu.memory_space<vmem_shared>> -> memref<1x10000x32xf32, #tpu.memory_space<vmem_shared>>
        %dma_wait3A_405 = tpu.memref_squeeze %dma_wait3A_404 : memref<1x10000x32xf32, #tpu.memory_space<vmem_shared>> -> memref<10000x32xf32, #tpu.memory_space<vmem_shared>>
        %dma_wait3A_406 = arith.constant 0 : i32
        %dma_wait3A_407 = tpu.memref_slice %dma_wait3A_405[%mul3A_1, %dma_wait3A_406] : memref<10000x32xf32, #tpu.memory_space<vmem_shared>> -> memref<640x32xf32, #tpu.memory_space<vmem_shared>>
        %dma_wait3A_408 = arith.constant 0 : i32
        %dma_wait3A_409 = arith.constant 0 : i32
        %dma_wait3A_410 = tpu.memref_slice %arg11[%run_scoped3A, %dma_wait3A_408, %dma_wait3A_409] : memref<4x10000x32xf32, #tpu.memory_space<vmem_shared>> -> memref<1x10000x32xf32, #tpu.memory_space<vmem_shared>>
        %dma_wait3A_411 = tpu.memref_squeeze %dma_wait3A_410 : memref<1x10000x32xf32, #tpu.memory_space<vmem_shared>> -> memref<10000x32xf32, #tpu.memory_space<vmem_shared>>
        %dma_wait3A_412 = arith.constant 0 : i32
        %dma_wait3A_413 = tpu.memref_slice %dma_wait3A_411[%mul3A_1, %dma_wait3A_412] : memref<10000x32xf32, #tpu.memory_space<vmem_shared>> -> memref<640x32xf32, #tpu.memory_space<vmem_shared>>
        tpu.wait_dma2 semaphore(%run_scoped3A_389 : memref<!tpu.dma_semaphore, #tpu.memory_space<semaphore_mem>>) src(%arg16 : memref<640x32xf32, #tpu.memory_space<vmem>>) dst(%dma_wait3A_413 : memref<640x32xf32, #tpu.memory_space<vmem_shared>>)
        tpu.yield
      }) : () -> ()
    } else {
    }
    %barrier3A = arith.constant 0 : index
    tpu.barrier barrier_id(%barrier3A)
    %rem3A_83 = arith.constant 0 : i32
    %rem3A_84 = arith.constant 3 : i32
    %rem3A_85 = arith.remsi %rem3A_83, %rem3A_84 : i32
    %dma_wait3A = arith.constant 0 : i32
    %dma_wait3A_86 = arith.constant 0 : i32
    %dma_wait3A_87 = arith.constant 0 : i32
    %dma_wait3A_88 = tpu.memref_slice %arg12[%rem3A_85, %dma_wait3A_87] : memref<3x128xi32, #tpu.memory_space<vmem>> -> memref<1x128xi32, #tpu.memory_space<vmem>>
    %dma_wait3A_89 = tpu.memref_squeeze %dma_wait3A_88 : memref<1x128xi32, #tpu.memory_space<vmem>> -> memref<128xi32, #tpu.memory_space<vmem>>
    %dma_wait3A_90 = arith.constant 0 : i32
    %dma_wait3A_91 = tpu.memref_slice %arg3[%dma_wait3A, %dma_wait3A_90] : memref<2500x128xi32, #tpu.memory_space<hbm>> -> memref<1x128xi32, #tpu.memory_space<hbm>>
    %dma_wait3A_92 = tpu.memref_squeeze %dma_wait3A_91 : memref<1x128xi32, #tpu.memory_space<hbm>> -> memref<128xi32, #tpu.memory_space<hbm>>
    %dma_wait3A_93 = tpu.memref_slice %arg19[%rem3A_85, %dma_wait3A_86] : memref<3x3x!tpu.dma_semaphore, #tpu.memory_space<semaphore_mem>> -> memref<1x1x!tpu.dma_semaphore, #tpu.memory_space<semaphore_mem>>
    %dma_wait3A_94 = tpu.memref_squeeze %dma_wait3A_93 : memref<1x1x!tpu.dma_semaphore, #tpu.memory_space<semaphore_mem>> -> memref<!tpu.dma_semaphore, #tpu.memory_space<semaphore_mem>>
    %dma_wait3A_95 = arith.constant 0 : i32
    %dma_wait3A_96 = tpu.memref_slice %arg12[%rem3A_85, %dma_wait3A_95] : memref<3x128xi32, #tpu.memory_space<vmem>> -> memref<1x128xi32, #tpu.memory_space<vmem>>
    %dma_wait3A_97 = tpu.memref_squeeze %dma_wait3A_96 : memref<1x128xi32, #tpu.memory_space<vmem>> -> memref<128xi32, #tpu.memory_space<vmem>>
    %dma_wait3A_98 = arith.constant 0 : i32
    %dma_wait3A_99 = tpu.memref_slice %arg3[%dma_wait3A, %dma_wait3A_98] : memref<2500x128xi32, #tpu.memory_space<hbm>> -> memref<1x128xi32, #tpu.memory_space<hbm>>
    %dma_wait3A_100 = tpu.memref_squeeze %dma_wait3A_99 : memref<1x128xi32, #tpu.memory_space<hbm>> -> memref<128xi32, #tpu.memory_space<hbm>>
    tpu.wait_dma2 semaphore(%dma_wait3A_94 : memref<!tpu.dma_semaphore, #tpu.memory_space<semaphore_mem>>) src(%dma_wait3A_100 : memref<128xi32, #tpu.memory_space<hbm>>) dst(%dma_wait3A_97 : memref<128xi32, #tpu.memory_space<vmem>>)
    %dma_wait3A_101 = arith.constant 0 : i32
    %dma_wait3A_102 = arith.constant 1 : i32
    %dma_wait3A_103 = arith.constant 0 : i32
    %dma_wait3A_104 = tpu.memref_slice %arg13[%rem3A_85, %dma_wait3A_103] : memref<3x128xi32, #tpu.memory_space<vmem>> -> memref<1x128xi32, #tpu.memory_space<vmem>>
    %dma_wait3A_105 = tpu.memref_squeeze %dma_wait3A_104 : memref<1x128xi32, #tpu.memory_space<vmem>> -> memref<128xi32, #tpu.memory_space<vmem>>
    %dma_wait3A_106 = arith.constant 0 : i32
    %dma_wait3A_107 = tpu.memref_slice %arg3[%dma_wait3A_101, %dma_wait3A_106] : memref<2500x128xi32, #tpu.memory_space<hbm>> -> memref<1x128xi32, #tpu.memory_space<hbm>>
    %dma_wait3A_108 = tpu.memref_squeeze %dma_wait3A_107 : memref<1x128xi32, #tpu.memory_space<hbm>> -> memref<128xi32, #tpu.memory_space<hbm>>
    %dma_wait3A_109 = tpu.memref_slice %arg19[%rem3A_85, %dma_wait3A_102] : memref<3x3x!tpu.dma_semaphore, #tpu.memory_space<semaphore_mem>> -> memref<1x1x!tpu.dma_semaphore, #tpu.memory_space<semaphore_mem>>
    %dma_wait3A_110 = tpu.memref_squeeze %dma_wait3A_109 : memref<1x1x!tpu.dma_semaphore, #tpu.memory_space<semaphore_mem>> -> memref<!tpu.dma_semaphore, #tpu.memory_space<semaphore_mem>>
    %dma_wait3A_111 = arith.constant 0 : i32
    %dma_wait3A_112 = tpu.memref_slice %arg13[%rem3A_85, %dma_wait3A_111] : memref<3x128xi32, #tpu.memory_space<vmem>> -> memref<1x128xi32, #tpu.memory_space<vmem>>
    %dma_wait3A_113 = tpu.memref_squeeze %dma_wait3A_112 : memref<1x128xi32, #tpu.memory_space<vmem>> -> memref<128xi32, #tpu.memory_space<vmem>>
    %dma_wait3A_114 = arith.constant 0 : i32
    %dma_wait3A_115 = tpu.memref_slice %arg3[%dma_wait3A_101, %dma_wait3A_114] : memref<2500x128xi32, #tpu.memory_space<hbm>> -> memref<1x128xi32, #tpu.memory_space<hbm>>
    %dma_wait3A_116 = tpu.memref_squeeze %dma_wait3A_115 : memref<1x128xi32, #tpu.memory_space<hbm>> -> memref<128xi32, #tpu.memory_space<hbm>>
    tpu.wait_dma2 semaphore(%dma_wait3A_110 : memref<!tpu.dma_semaphore, #tpu.memory_space<semaphore_mem>>) src(%dma_wait3A_116 : memref<128xi32, #tpu.memory_space<hbm>>) dst(%dma_wait3A_113 : memref<128xi32, #tpu.memory_space<vmem>>)
    %dma_wait3A_117 = arith.constant 0 : i32
    %dma_wait3A_118 = arith.constant 2 : i32
    %dma_wait3A_119 = arith.constant 0 : i32
    %dma_wait3A_120 = tpu.memref_slice %arg14[%rem3A_85, %dma_wait3A_119] : memref<3x128xf32, #tpu.memory_space<vmem>> -> memref<1x128xf32, #tpu.memory_space<vmem>>
    %dma_wait3A_121 = tpu.memref_squeeze %dma_wait3A_120 : memref<1x128xf32, #tpu.memory_space<vmem>> -> memref<128xf32, #tpu.memory_space<vmem>>
    %dma_wait3A_122 = arith.constant 0 : i32
    %dma_wait3A_123 = tpu.memref_slice %arg7[%dma_wait3A_117, %dma_wait3A_122] : memref<2500x128xf32, #tpu.memory_space<hbm>> -> memref<1x128xf32, #tpu.memory_space<hbm>>
    %dma_wait3A_124 = tpu.memref_squeeze %dma_wait3A_123 : memref<1x128xf32, #tpu.memory_space<hbm>> -> memref<128xf32, #tpu.memory_space<hbm>>
    %dma_wait3A_125 = tpu.memref_slice %arg19[%rem3A_85, %dma_wait3A_118] : memref<3x3x!tpu.dma_semaphore, #tpu.memory_space<semaphore_mem>> -> memref<1x1x!tpu.dma_semaphore, #tpu.memory_space<semaphore_mem>>
    %dma_wait3A_126 = tpu.memref_squeeze %dma_wait3A_125 : memref<1x1x!tpu.dma_semaphore, #tpu.memory_space<semaphore_mem>> -> memref<!tpu.dma_semaphore, #tpu.memory_space<semaphore_mem>>
    %dma_wait3A_127 = arith.constant 0 : i32
    %dma_wait3A_128 = tpu.memref_slice %arg14[%rem3A_85, %dma_wait3A_127] : memref<3x128xf32, #tpu.memory_space<vmem>> -> memref<1x128xf32, #tpu.memory_space<vmem>>
    %dma_wait3A_129 = tpu.memref_squeeze %dma_wait3A_128 : memref<1x128xf32, #tpu.memory_space<vmem>> -> memref<128xf32, #tpu.memory_space<vmem>>
    %dma_wait3A_130 = arith.constant 0 : i32
    %dma_wait3A_131 = tpu.memref_slice %arg7[%dma_wait3A_117, %dma_wait3A_130] : memref<2500x128xf32, #tpu.memory_space<hbm>> -> memref<1x128xf32, #tpu.memory_space<hbm>>
    %dma_wait3A_132 = tpu.memref_squeeze %dma_wait3A_131 : memref<1x128xf32, #tpu.memory_space<hbm>> -> memref<128xf32, #tpu.memory_space<hbm>>
    tpu.wait_dma2 semaphore(%dma_wait3A_126 : memref<!tpu.dma_semaphore, #tpu.memory_space<semaphore_mem>>) src(%dma_wait3A_132 : memref<128xf32, #tpu.memory_space<hbm>>) dst(%dma_wait3A_129 : memref<128xf32, #tpu.memory_space<vmem>>)
    %dma_start3A = arith.constant 0 : i32
    %dma_start3A_133 = arith.constant 0 : i32
    %dma_start3A_134 = arith.constant 0 : i32
    %dma_start3A_135 = arith.constant 0 : i32
    %dma_start3A_136 = arith.constant 0 : i32
    %dma_start3A_137 = tpu.memref_slice %arg15[%dma_start3A_133, %dma_start3A_135, %dma_start3A_136] : memref<2x128x32xf32, #tpu.memory_space<vmem>> -> memref<1x128x32xf32, #tpu.memory_space<vmem>>
    %dma_start3A_138 = tpu.memref_squeeze %dma_start3A_137 : memref<1x128x32xf32, #tpu.memory_space<vmem>> -> memref<128x32xf32, #tpu.memory_space<vmem>>
    %dma_start3A_139 = arith.constant 0 : i32
    %dma_start3A_140 = tpu.memref_slice %arg12[%dma_start3A, %dma_start3A_139] : memref<3x128xi32, #tpu.memory_space<vmem>> -> memref<1x128xi32, #tpu.memory_space<vmem>>
    %dma_start3A_141 = tpu.memref_squeeze %dma_start3A_140 : memref<1x128xi32, #tpu.memory_space<vmem>> -> memref<128xi32, #tpu.memory_space<vmem>>
    %dma_start3A_142 = arith.constant 0 : i32
    %dma_start3A_143 = arith.constant 0 : i32
    %dma_start3A_144 = tpu.memref_slice %arg2[%arg0, %dma_start3A_142, %dma_start3A_143] : memref<2x40000x32xf32, #tpu.memory_space<hbm>> -> memref<1x40000x32xf32, #tpu.memory_space<hbm>>
    %dma_start3A_145 = tpu.memref_squeeze %dma_start3A_144 : memref<1x40000x32xf32, #tpu.memory_space<hbm>> -> memref<40000x32xf32, #tpu.memory_space<hbm>>
    %dma_start3A_146 = arith.constant 0 : i32
    %dma_start3A_147 = arith.constant 0 : i32
    %dma_start3A_148 = tpu.memref_slice %dma_start3A_145[%dma_start3A_146, %dma_start3A_147] : memref<40000x32xf32, #tpu.memory_space<hbm>> -> memref<40000x32xf32, #tpu.memory_space<hbm>>
    %dma_start3A_149 = tpu.memref_slice %arg17[%dma_start3A_134] : memref<2x!tpu.dma_semaphore, #tpu.memory_space<semaphore_mem>> -> memref<1x!tpu.dma_semaphore, #tpu.memory_space<semaphore_mem>>
    %dma_start3A_150 = tpu.memref_squeeze %dma_start3A_149 : memref<1x!tpu.dma_semaphore, #tpu.memory_space<semaphore_mem>> -> memref<!tpu.dma_semaphore, #tpu.memory_space<semaphore_mem>>
    tpu.enqueue_indirect_dma source(%dma_start3A_148 : memref<40000x32xf32, #tpu.memory_space<hbm>>) target(%dma_start3A_138 : memref<128x32xf32, #tpu.memory_space<vmem>>) offsets(%dma_start3A_141 : memref<128xi32, #tpu.memory_space<vmem>>) semaphore(%dma_start3A_150 : memref<!tpu.dma_semaphore, #tpu.memory_space<semaphore_mem>>)
    %while3A = arith.constant 0 : i32
    %while3A_151 = arith.constant 0 : i32
    %while3A_152 = arith.subi %select_n3A_10, %while3A_151 : i32
    %while3A_153 = arith.addi %while3A_151, %while3A_152 : i32
    %while3A_154 = arith.constant 1 : i32
    %while3A_155 = arith.divsi %while3A_152, %while3A_154 : i32
    %while3A_156 = arith.muli %while3A_155, %while3A_154 : i32
    %while3A_157 = arith.addi %while3A_151, %while3A_156 : i32
    %while3A_158 = arith.constant 1 : i32
    scf.for %while3A_389 = %while3A_151 to %while3A_157 step %while3A_158  : i32 {
      %rem3A_390 = arith.constant 2 : i32
      %rem3A_391 = arith.remsi %while3A_389, %rem3A_390 : i32
      %add3A_392 = arith.constant 1 : i32
      %add3A_393 = arith.addi %while3A_389, %add3A_392 : i32
      %rem3A_394 = arith.constant 2 : i32
      %rem3A_395 = arith.remsi %add3A_393, %rem3A_394 : i32
      %rem3A_396 = arith.constant 3 : i32
      %rem3A_397 = arith.remsi %while3A_389, %rem3A_396 : i32
      %add3A_398 = arith.addi %add3A, %while3A_389 : i32
      %div3A = arith.constant 625 : i32
      %div3A_399 = arith.divsi %add3A_398, %div3A : i32
      %ge3A = arith.constant 1 : i32
      %ge3A_400 = arith.cmpi sge, %while3A_389, %ge3A : i32
      %convert_element_type3A_401 = arith.extui %ge3A_400 : i1 to i32
      %cond3A_402 = arith.constant 0 : i32
      %cond3A_403 = arith.cmpi ne, %convert_element_type3A_401, %cond3A_402 : i32
      scf.if %cond3A_403 {
        %dma_wait3A_455 = arith.constant 0 : i32
        %dma_wait3A_456 = arith.constant 0 : i32
        %dma_wait3A_457 = arith.constant 0 : i32
        %dma_wait3A_458 = arith.constant 0 : i32
        %dma_wait3A_459 = tpu.memref_slice %arg15[%rem3A_395, %dma_wait3A_457, %dma_wait3A_458] : memref<2x128x32xf32, #tpu.memory_space<vmem>> -> memref<1x128x32xf32, #tpu.memory_space<vmem>>
        %dma_wait3A_460 = tpu.memref_squeeze %dma_wait3A_459 : memref<1x128x32xf32, #tpu.memory_space<vmem>> -> memref<128x32xf32, #tpu.memory_space<vmem>>
        %dma_wait3A_461 = arith.constant 0 : i32
        %dma_wait3A_462 = tpu.memref_slice %arg13[%dma_wait3A_456, %dma_wait3A_461] : memref<3x128xi32, #tpu.memory_space<vmem>> -> memref<1x128xi32, #tpu.memory_space<vmem>>
        %dma_wait3A_463 = tpu.memref_squeeze %dma_wait3A_462 : memref<1x128xi32, #tpu.memory_space<vmem>> -> memref<128xi32, #tpu.memory_space<vmem>>
        %dma_wait3A_464 = arith.constant 0 : i32
        %dma_wait3A_465 = arith.constant 0 : i32
        %dma_wait3A_466 = tpu.memref_slice %arg11[%dma_wait3A_455, %dma_wait3A_464, %dma_wait3A_465] : memref<4x10000x32xf32, #tpu.memory_space<vmem_shared>> -> memref<1x10000x32xf32, #tpu.memory_space<vmem_shared>>
        %dma_wait3A_467 = tpu.memref_squeeze %dma_wait3A_466 : memref<1x10000x32xf32, #tpu.memory_space<vmem_shared>> -> memref<10000x32xf32, #tpu.memory_space<vmem_shared>>
        %dma_wait3A_468 = arith.constant 0 : i32
        %dma_wait3A_469 = arith.constant 0 : i32
        %dma_wait3A_470 = tpu.memref_slice %dma_wait3A_467[%dma_wait3A_468, %dma_wait3A_469] : memref<10000x32xf32, #tpu.memory_space<vmem_shared>> -> memref<10000x32xf32, #tpu.memory_space<vmem_shared>>
        %dma_wait3A_471 = tpu.memref_slice %arg18[%rem3A_395] : memref<2x!tpu.dma_semaphore, #tpu.memory_space<semaphore_mem>> -> memref<1x!tpu.dma_semaphore, #tpu.memory_space<semaphore_mem>>
        %dma_wait3A_472 = tpu.memref_squeeze %dma_wait3A_471 : memref<1x!tpu.dma_semaphore, #tpu.memory_space<semaphore_mem>> -> memref<!tpu.dma_semaphore, #tpu.memory_space<semaphore_mem>>
        tpu.wait_indirect_dma semaphore(%dma_wait3A_472 : memref<!tpu.dma_semaphore, #tpu.memory_space<semaphore_mem>>) src(%dma_wait3A_460 : memref<128x32xf32, #tpu.memory_space<vmem>>) dst(%dma_wait3A_470 : memref<10000x32xf32, #tpu.memory_space<vmem_shared>>)
      } else {
      }
      %add3A_404 = arith.constant 2 : i32
      %add3A_405 = arith.addi %while3A_389, %add3A_404 : i32
      %lt3A_406 = arith.cmpi slt, %add3A_405, %select_n3A_10 : i32
      %convert_element_type3A_407 = arith.extui %lt3A_406 : i1 to i32
      %cond3A_408 = arith.constant 0 : i32
      %cond3A_409 = arith.cmpi ne, %convert_element_type3A_407, %cond3A_408 : i32
      scf.if %cond3A_409 {
        %add3A_455 = arith.constant 2 : i32
        %add3A_456 = arith.addi %while3A_389, %add3A_455 : i32
        %rem3A_457 = arith.constant 3 : i32
        %rem3A_458 = arith.remsi %add3A_456, %rem3A_457 : i32
        %add3A_459 = arith.addi %add3A, %add3A_456 : i32
        %eq3A_460 = arith.constant 0 : i32
        %eq3A_461 = arith.cmpi eq, %arg0, %eq3A_460 : i32
        %convert_element_type3A_462 = arith.extui %eq3A_461 : i1 to i32
        %cond3A_463 = arith.constant 0 : i32
        %cond3A_464 = arith.cmpi ne, %convert_element_type3A_462, %cond3A_463 : i32
        scf.if %cond3A_464 {
          %dma_start3A_470 = arith.constant 0 : i32
          %dma_start3A_471 = arith.constant 0 : i32
          %dma_start3A_472 = tpu.memref_slice %arg12[%rem3A_458, %dma_start3A_471] : memref<3x128xi32, #tpu.memory_space<vmem>> -> memref<1x128xi32, #tpu.memory_space<vmem>>
          %dma_start3A_473 = tpu.memref_squeeze %dma_start3A_472 : memref<1x128xi32, #tpu.memory_space<vmem>> -> memref<128xi32, #tpu.memory_space<vmem>>
          %dma_start3A_474 = arith.constant 0 : i32
          %dma_start3A_475 = tpu.memref_slice %arg6[%add3A_459, %dma_start3A_474] : memref<2500x128xi32, #tpu.memory_space<hbm>> -> memref<1x128xi32, #tpu.memory_space<hbm>>
          %dma_start3A_476 = tpu.memref_squeeze %dma_start3A_475 : memref<1x128xi32, #tpu.memory_space<hbm>> -> memref<128xi32, #tpu.memory_space<hbm>>
          %dma_start3A_477 = tpu.memref_slice %arg19[%rem3A_458, %dma_start3A_470] : memref<3x3x!tpu.dma_semaphore, #tpu.memory_space<semaphore_mem>> -> memref<1x1x!tpu.dma_semaphore, #tpu.memory_space<semaphore_mem>>
          %dma_start3A_478 = tpu.memref_squeeze %dma_start3A_477 : memref<1x1x!tpu.dma_semaphore, #tpu.memory_space<semaphore_mem>> -> memref<!tpu.dma_semaphore, #tpu.memory_space<semaphore_mem>>
          %dma_start3A_479 = arith.constant 0 : i32
          %dma_start3A_480 = tpu.memref_slice %arg12[%rem3A_458, %dma_start3A_479] : memref<3x128xi32, #tpu.memory_space<vmem>> -> memref<1x128xi32, #tpu.memory_space<vmem>>
          %dma_start3A_481 = tpu.memref_squeeze %dma_start3A_480 : memref<1x128xi32, #tpu.memory_space<vmem>> -> memref<128xi32, #tpu.memory_space<vmem>>
          %dma_start3A_482 = arith.constant 0 : i32
          %dma_start3A_483 = tpu.memref_slice %arg6[%add3A_459, %dma_start3A_482] : memref<2500x128xi32, #tpu.memory_space<hbm>> -> memref<1x128xi32, #tpu.memory_space<hbm>>
          %dma_start3A_484 = tpu.memref_squeeze %dma_start3A_483 : memref<1x128xi32, #tpu.memory_space<hbm>> -> memref<128xi32, #tpu.memory_space<hbm>>
          tpu.enqueue_dma source(%dma_start3A_484 : memref<128xi32, #tpu.memory_space<hbm>>) target(%dma_start3A_481 : memref<128xi32, #tpu.memory_space<vmem>>) target_semaphore(%dma_start3A_478 : memref<!tpu.dma_semaphore, #tpu.memory_space<semaphore_mem>>)
          %dma_start3A_485 = arith.constant 1 : i32
          %dma_start3A_486 = arith.constant 0 : i32
          %dma_start3A_487 = tpu.memref_slice %arg13[%rem3A_458, %dma_start3A_486] : memref<3x128xi32, #tpu.memory_space<vmem>> -> memref<1x128xi32, #tpu.memory_space<vmem>>
          %dma_start3A_488 = tpu.memref_squeeze %dma_start3A_487 : memref<1x128xi32, #tpu.memory_space<vmem>> -> memref<128xi32, #tpu.memory_space<vmem>>
          %dma_start3A_489 = arith.constant 0 : i32
          %dma_start3A_490 = tpu.memref_slice %arg3[%add3A_459, %dma_start3A_489] : memref<2500x128xi32, #tpu.memory_space<hbm>> -> memref<1x128xi32, #tpu.memory_space<hbm>>
          %dma_start3A_491 = tpu.memref_squeeze %dma_start3A_490 : memref<1x128xi32, #tpu.memory_space<hbm>> -> memref<128xi32, #tpu.memory_space<hbm>>
          %dma_start3A_492 = tpu.memref_slice %arg19[%rem3A_458, %dma_start3A_485] : memref<3x3x!tpu.dma_semaphore, #tpu.memory_space<semaphore_mem>> -> memref<1x1x!tpu.dma_semaphore, #tpu.memory_space<semaphore_mem>>
          %dma_start3A_493 = tpu.memref_squeeze %dma_start3A_492 : memref<1x1x!tpu.dma_semaphore, #tpu.memory_space<semaphore_mem>> -> memref<!tpu.dma_semaphore, #tpu.memory_space<semaphore_mem>>
          %dma_start3A_494 = arith.constant 0 : i32
          %dma_start3A_495 = tpu.memref_slice %arg13[%rem3A_458, %dma_start3A_494] : memref<3x128xi32, #tpu.memory_space<vmem>> -> memref<1x128xi32, #tpu.memory_space<vmem>>
          %dma_start3A_496 = tpu.memref_squeeze %dma_start3A_495 : memref<1x128xi32, #tpu.memory_space<vmem>> -> memref<128xi32, #tpu.memory_space<vmem>>
          %dma_start3A_497 = arith.constant 0 : i32
          %dma_start3A_498 = tpu.memref_slice %arg3[%add3A_459, %dma_start3A_497] : memref<2500x128xi32, #tpu.memory_space<hbm>> -> memref<1x128xi32, #tpu.memory_space<hbm>>
          %dma_start3A_499 = tpu.memref_squeeze %dma_start3A_498 : memref<1x128xi32, #tpu.memory_space<hbm>> -> memref<128xi32, #tpu.memory_space<hbm>>
          tpu.enqueue_dma source(%dma_start3A_499 : memref<128xi32, #tpu.memory_space<hbm>>) target(%dma_start3A_496 : memref<128xi32, #tpu.memory_space<vmem>>) target_semaphore(%dma_start3A_493 : memref<!tpu.dma_semaphore, #tpu.memory_space<semaphore_mem>>)
          %dma_start3A_500 = arith.constant 2 : i32
          %dma_start3A_501 = arith.constant 0 : i32
          %dma_start3A_502 = tpu.memref_slice %arg14[%rem3A_458, %dma_start3A_501] : memref<3x128xf32, #tpu.memory_space<vmem>> -> memref<1x128xf32, #tpu.memory_space<vmem>>
          %dma_start3A_503 = tpu.memref_squeeze %dma_start3A_502 : memref<1x128xf32, #tpu.memory_space<vmem>> -> memref<128xf32, #tpu.memory_space<vmem>>
          %dma_start3A_504 = arith.constant 0 : i32
          %dma_start3A_505 = tpu.memref_slice %arg7[%add3A_459, %dma_start3A_504] : memref<2500x128xf32, #tpu.memory_space<hbm>> -> memref<1x128xf32, #tpu.memory_space<hbm>>
          %dma_start3A_506 = tpu.memref_squeeze %dma_start3A_505 : memref<1x128xf32, #tpu.memory_space<hbm>> -> memref<128xf32, #tpu.memory_space<hbm>>
          %dma_start3A_507 = tpu.memref_slice %arg19[%rem3A_458, %dma_start3A_500] : memref<3x3x!tpu.dma_semaphore, #tpu.memory_space<semaphore_mem>> -> memref<1x1x!tpu.dma_semaphore, #tpu.memory_space<semaphore_mem>>
          %dma_start3A_508 = tpu.memref_squeeze %dma_start3A_507 : memref<1x1x!tpu.dma_semaphore, #tpu.memory_space<semaphore_mem>> -> memref<!tpu.dma_semaphore, #tpu.memory_space<semaphore_mem>>
          %dma_start3A_509 = arith.constant 0 : i32
          %dma_start3A_510 = tpu.memref_slice %arg14[%rem3A_458, %dma_start3A_509] : memref<3x128xf32, #tpu.memory_space<vmem>> -> memref<1x128xf32, #tpu.memory_space<vmem>>
          %dma_start3A_511 = tpu.memref_squeeze %dma_start3A_510 : memref<1x128xf32, #tpu.memory_space<vmem>> -> memref<128xf32, #tpu.memory_space<vmem>>
          %dma_start3A_512 = arith.constant 0 : i32
          %dma_start3A_513 = tpu.memref_slice %arg7[%add3A_459, %dma_start3A_512] : memref<2500x128xf32, #tpu.memory_space<hbm>> -> memref<1x128xf32, #tpu.memory_space<hbm>>
          %dma_start3A_514 = tpu.memref_squeeze %dma_start3A_513 : memref<1x128xf32, #tpu.memory_space<hbm>> -> memref<128xf32, #tpu.memory_space<hbm>>
          tpu.enqueue_dma source(%dma_start3A_514 : memref<128xf32, #tpu.memory_space<hbm>>) target(%dma_start3A_511 : memref<128xf32, #tpu.memory_space<vmem>>) target_semaphore(%dma_start3A_508 : memref<!tpu.dma_semaphore, #tpu.memory_space<semaphore_mem>>)
        } else {
        }
        %eq3A_465 = arith.constant 1 : i32
        %eq3A_466 = arith.cmpi eq, %arg0, %eq3A_465 : i32
        %convert_element_type3A_467 = arith.extui %eq3A_466 : i1 to i32
        %cond3A_468 = arith.constant 0 : i32
        %cond3A_469 = arith.cmpi ne, %convert_element_type3A_467, %cond3A_468 : i32
        scf.if %cond3A_469 {
          %dma_start3A_470 = arith.constant 0 : i32
          %dma_start3A_471 = arith.constant 0 : i32
          %dma_start3A_472 = tpu.memref_slice %arg12[%rem3A_458, %dma_start3A_471] : memref<3x128xi32, #tpu.memory_space<vmem>> -> memref<1x128xi32, #tpu.memory_space<vmem>>
          %dma_start3A_473 = tpu.memref_squeeze %dma_start3A_472 : memref<1x128xi32, #tpu.memory_space<vmem>> -> memref<128xi32, #tpu.memory_space<vmem>>
          %dma_start3A_474 = arith.constant 0 : i32
          %dma_start3A_475 = tpu.memref_slice %arg5[%add3A_459, %dma_start3A_474] : memref<2500x128xi32, #tpu.memory_space<hbm>> -> memref<1x128xi32, #tpu.memory_space<hbm>>
          %dma_start3A_476 = tpu.memref_squeeze %dma_start3A_475 : memref<1x128xi32, #tpu.memory_space<hbm>> -> memref<128xi32, #tpu.memory_space<hbm>>
          %dma_start3A_477 = tpu.memref_slice %arg19[%rem3A_458, %dma_start3A_470] : memref<3x3x!tpu.dma_semaphore, #tpu.memory_space<semaphore_mem>> -> memref<1x1x!tpu.dma_semaphore, #tpu.memory_space<semaphore_mem>>
          %dma_start3A_478 = tpu.memref_squeeze %dma_start3A_477 : memref<1x1x!tpu.dma_semaphore, #tpu.memory_space<semaphore_mem>> -> memref<!tpu.dma_semaphore, #tpu.memory_space<semaphore_mem>>
          %dma_start3A_479 = arith.constant 0 : i32
          %dma_start3A_480 = tpu.memref_slice %arg12[%rem3A_458, %dma_start3A_479] : memref<3x128xi32, #tpu.memory_space<vmem>> -> memref<1x128xi32, #tpu.memory_space<vmem>>
          %dma_start3A_481 = tpu.memref_squeeze %dma_start3A_480 : memref<1x128xi32, #tpu.memory_space<vmem>> -> memref<128xi32, #tpu.memory_space<vmem>>
          %dma_start3A_482 = arith.constant 0 : i32
          %dma_start3A_483 = tpu.memref_slice %arg5[%add3A_459, %dma_start3A_482] : memref<2500x128xi32, #tpu.memory_space<hbm>> -> memref<1x128xi32, #tpu.memory_space<hbm>>
          %dma_start3A_484 = tpu.memref_squeeze %dma_start3A_483 : memref<1x128xi32, #tpu.memory_space<hbm>> -> memref<128xi32, #tpu.memory_space<hbm>>
          tpu.enqueue_dma source(%dma_start3A_484 : memref<128xi32, #tpu.memory_space<hbm>>) target(%dma_start3A_481 : memref<128xi32, #tpu.memory_space<vmem>>) target_semaphore(%dma_start3A_478 : memref<!tpu.dma_semaphore, #tpu.memory_space<semaphore_mem>>)
          %dma_start3A_485 = arith.constant 1 : i32
          %dma_start3A_486 = arith.constant 0 : i32
          %dma_start3A_487 = tpu.memref_slice %arg13[%rem3A_458, %dma_start3A_486] : memref<3x128xi32, #tpu.memory_space<vmem>> -> memref<1x128xi32, #tpu.memory_space<vmem>>
          %dma_start3A_488 = tpu.memref_squeeze %dma_start3A_487 : memref<1x128xi32, #tpu.memory_space<vmem>> -> memref<128xi32, #tpu.memory_space<vmem>>
          %dma_start3A_489 = arith.constant 0 : i32
          %dma_start3A_490 = tpu.memref_slice %arg4[%add3A_459, %dma_start3A_489] : memref<2500x128xi32, #tpu.memory_space<hbm>> -> memref<1x128xi32, #tpu.memory_space<hbm>>
          %dma_start3A_491 = tpu.memref_squeeze %dma_start3A_490 : memref<1x128xi32, #tpu.memory_space<hbm>> -> memref<128xi32, #tpu.memory_space<hbm>>
          %dma_start3A_492 = tpu.memref_slice %arg19[%rem3A_458, %dma_start3A_485] : memref<3x3x!tpu.dma_semaphore, #tpu.memory_space<semaphore_mem>> -> memref<1x1x!tpu.dma_semaphore, #tpu.memory_space<semaphore_mem>>
          %dma_start3A_493 = tpu.memref_squeeze %dma_start3A_492 : memref<1x1x!tpu.dma_semaphore, #tpu.memory_space<semaphore_mem>> -> memref<!tpu.dma_semaphore, #tpu.memory_space<semaphore_mem>>
          %dma_start3A_494 = arith.constant 0 : i32
          %dma_start3A_495 = tpu.memref_slice %arg13[%rem3A_458, %dma_start3A_494] : memref<3x128xi32, #tpu.memory_space<vmem>> -> memref<1x128xi32, #tpu.memory_space<vmem>>
          %dma_start3A_496 = tpu.memref_squeeze %dma_start3A_495 : memref<1x128xi32, #tpu.memory_space<vmem>> -> memref<128xi32, #tpu.memory_space<vmem>>
          %dma_start3A_497 = arith.constant 0 : i32
          %dma_start3A_498 = tpu.memref_slice %arg4[%add3A_459, %dma_start3A_497] : memref<2500x128xi32, #tpu.memory_space<hbm>> -> memref<1x128xi32, #tpu.memory_space<hbm>>
          %dma_start3A_499 = tpu.memref_squeeze %dma_start3A_498 : memref<1x128xi32, #tpu.memory_space<hbm>> -> memref<128xi32, #tpu.memory_space<hbm>>
          tpu.enqueue_dma source(%dma_start3A_499 : memref<128xi32, #tpu.memory_space<hbm>>) target(%dma_start3A_496 : memref<128xi32, #tpu.memory_space<vmem>>) target_semaphore(%dma_start3A_493 : memref<!tpu.dma_semaphore, #tpu.memory_space<semaphore_mem>>)
          %dma_start3A_500 = arith.constant 2 : i32
          %dma_start3A_501 = arith.constant 0 : i32
          %dma_start3A_502 = tpu.memref_slice %arg14[%rem3A_458, %dma_start3A_501] : memref<3x128xf32, #tpu.memory_space<vmem>> -> memref<1x128xf32, #tpu.memory_space<vmem>>
          %dma_start3A_503 = tpu.memref_squeeze %dma_start3A_502 : memref<1x128xf32, #tpu.memory_space<vmem>> -> memref<128xf32, #tpu.memory_space<vmem>>
          %dma_start3A_504 = arith.constant 0 : i32
          %dma_start3A_505 = tpu.memref_slice %arg8[%add3A_459, %dma_start3A_504] : memref<2500x128xf32, #tpu.memory_space<hbm>> -> memref<1x128xf32, #tpu.memory_space<hbm>>
          %dma_start3A_506 = tpu.memref_squeeze %dma_start3A_505 : memref<1x128xf32, #tpu.memory_space<hbm>> -> memref<128xf32, #tpu.memory_space<hbm>>
          %dma_start3A_507 = tpu.memref_slice %arg19[%rem3A_458, %dma_start3A_500] : memref<3x3x!tpu.dma_semaphore, #tpu.memory_space<semaphore_mem>> -> memref<1x1x!tpu.dma_semaphore, #tpu.memory_space<semaphore_mem>>
          %dma_start3A_508 = tpu.memref_squeeze %dma_start3A_507 : memref<1x1x!tpu.dma_semaphore, #tpu.memory_space<semaphore_mem>> -> memref<!tpu.dma_semaphore, #tpu.memory_space<semaphore_mem>>
          %dma_start3A_509 = arith.constant 0 : i32
          %dma_start3A_510 = tpu.memref_slice %arg14[%rem3A_458, %dma_start3A_509] : memref<3x128xf32, #tpu.memory_space<vmem>> -> memref<1x128xf32, #tpu.memory_space<vmem>>
          %dma_start3A_511 = tpu.memref_squeeze %dma_start3A_510 : memref<1x128xf32, #tpu.memory_space<vmem>> -> memref<128xf32, #tpu.memory_space<vmem>>
          %dma_start3A_512 = arith.constant 0 : i32
          %dma_start3A_513 = tpu.memref_slice %arg8[%add3A_459, %dma_start3A_512] : memref<2500x128xf32, #tpu.memory_space<hbm>> -> memref<1x128xf32, #tpu.memory_space<hbm>>
          %dma_start3A_514 = tpu.memref_squeeze %dma_start3A_513 : memref<1x128xf32, #tpu.memory_space<hbm>> -> memref<128xf32, #tpu.memory_space<hbm>>
          tpu.enqueue_dma source(%dma_start3A_514 : memref<128xf32, #tpu.memory_space<hbm>>) target(%dma_start3A_511 : memref<128xf32, #tpu.memory_space<vmem>>) target_semaphore(%dma_start3A_508 : memref<!tpu.dma_semaphore, #tpu.memory_space<semaphore_mem>>)
        } else {
        }
      } else {
      }
      %add3A_410 = arith.constant 1 : i32
      %add3A_411 = arith.addi %while3A_389, %add3A_410 : i32
      %lt3A_412 = arith.cmpi slt, %add3A_411, %select_n3A_10 : i32
      %convert_element_type3A_413 = arith.extui %lt3A_412 : i1 to i32
      %cond3A_414 = arith.constant 0 : i32
      %cond3A_415 = arith.cmpi ne, %convert_element_type3A_413, %cond3A_414 : i32
      scf.if %cond3A_415 {
        %add3A_455 = arith.constant 1 : i32
        %add3A_456 = arith.addi %while3A_389, %add3A_455 : i32
        %rem3A_457 = arith.constant 3 : i32
        %rem3A_458 = arith.remsi %add3A_456, %rem3A_457 : i32
        %dma_wait3A_459 = arith.constant 0 : i32
        %dma_wait3A_460 = arith.constant 0 : i32
        %dma_wait3A_461 = arith.constant 0 : i32
        %dma_wait3A_462 = tpu.memref_slice %arg12[%rem3A_458, %dma_wait3A_461] : memref<3x128xi32, #tpu.memory_space<vmem>> -> memref<1x128xi32, #tpu.memory_space<vmem>>
        %dma_wait3A_463 = tpu.memref_squeeze %dma_wait3A_462 : memref<1x128xi32, #tpu.memory_space<vmem>> -> memref<128xi32, #tpu.memory_space<vmem>>
        %dma_wait3A_464 = arith.constant 0 : i32
        %dma_wait3A_465 = tpu.memref_slice %arg3[%dma_wait3A_459, %dma_wait3A_464] : memref<2500x128xi32, #tpu.memory_space<hbm>> -> memref<1x128xi32, #tpu.memory_space<hbm>>
        %dma_wait3A_466 = tpu.memref_squeeze %dma_wait3A_465 : memref<1x128xi32, #tpu.memory_space<hbm>> -> memref<128xi32, #tpu.memory_space<hbm>>
        %dma_wait3A_467 = tpu.memref_slice %arg19[%rem3A_458, %dma_wait3A_460] : memref<3x3x!tpu.dma_semaphore, #tpu.memory_space<semaphore_mem>> -> memref<1x1x!tpu.dma_semaphore, #tpu.memory_space<semaphore_mem>>
        %dma_wait3A_468 = tpu.memref_squeeze %dma_wait3A_467 : memref<1x1x!tpu.dma_semaphore, #tpu.memory_space<semaphore_mem>> -> memref<!tpu.dma_semaphore, #tpu.memory_space<semaphore_mem>>
        %dma_wait3A_469 = arith.constant 0 : i32
        %dma_wait3A_470 = tpu.memref_slice %arg12[%rem3A_458, %dma_wait3A_469] : memref<3x128xi32, #tpu.memory_space<vmem>> -> memref<1x128xi32, #tpu.memory_space<vmem>>
        %dma_wait3A_471 = tpu.memref_squeeze %dma_wait3A_470 : memref<1x128xi32, #tpu.memory_space<vmem>> -> memref<128xi32, #tpu.memory_space<vmem>>
        %dma_wait3A_472 = arith.constant 0 : i32
        %dma_wait3A_473 = tpu.memref_slice %arg3[%dma_wait3A_459, %dma_wait3A_472] : memref<2500x128xi32, #tpu.memory_space<hbm>> -> memref<1x128xi32, #tpu.memory_space<hbm>>
        %dma_wait3A_474 = tpu.memref_squeeze %dma_wait3A_473 : memref<1x128xi32, #tpu.memory_space<hbm>> -> memref<128xi32, #tpu.memory_space<hbm>>
        tpu.wait_dma2 semaphore(%dma_wait3A_468 : memref<!tpu.dma_semaphore, #tpu.memory_space<semaphore_mem>>) src(%dma_wait3A_474 : memref<128xi32, #tpu.memory_space<hbm>>) dst(%dma_wait3A_471 : memref<128xi32, #tpu.memory_space<vmem>>)
        %dma_wait3A_475 = arith.constant 0 : i32
        %dma_wait3A_476 = arith.constant 1 : i32
        %dma_wait3A_477 = arith.constant 0 : i32
        %dma_wait3A_478 = tpu.memref_slice %arg13[%rem3A_458, %dma_wait3A_477] : memref<3x128xi32, #tpu.memory_space<vmem>> -> memref<1x128xi32, #tpu.memory_space<vmem>>
        %dma_wait3A_479 = tpu.memref_squeeze %dma_wait3A_478 : memref<1x128xi32, #tpu.memory_space<vmem>> -> memref<128xi32, #tpu.memory_space<vmem>>
        %dma_wait3A_480 = arith.constant 0 : i32
        %dma_wait3A_481 = tpu.memref_slice %arg3[%dma_wait3A_475, %dma_wait3A_480] : memref<2500x128xi32, #tpu.memory_space<hbm>> -> memref<1x128xi32, #tpu.memory_space<hbm>>
        %dma_wait3A_482 = tpu.memref_squeeze %dma_wait3A_481 : memref<1x128xi32, #tpu.memory_space<hbm>> -> memref<128xi32, #tpu.memory_space<hbm>>
        %dma_wait3A_483 = tpu.memref_slice %arg19[%rem3A_458, %dma_wait3A_476] : memref<3x3x!tpu.dma_semaphore, #tpu.memory_space<semaphore_mem>> -> memref<1x1x!tpu.dma_semaphore, #tpu.memory_space<semaphore_mem>>
        %dma_wait3A_484 = tpu.memref_squeeze %dma_wait3A_483 : memref<1x1x!tpu.dma_semaphore, #tpu.memory_space<semaphore_mem>> -> memref<!tpu.dma_semaphore, #tpu.memory_space<semaphore_mem>>
        %dma_wait3A_485 = arith.constant 0 : i32
        %dma_wait3A_486 = tpu.memref_slice %arg13[%rem3A_458, %dma_wait3A_485] : memref<3x128xi32, #tpu.memory_space<vmem>> -> memref<1x128xi32, #tpu.memory_space<vmem>>
        %dma_wait3A_487 = tpu.memref_squeeze %dma_wait3A_486 : memref<1x128xi32, #tpu.memory_space<vmem>> -> memref<128xi32, #tpu.memory_space<vmem>>
        %dma_wait3A_488 = arith.constant 0 : i32
        %dma_wait3A_489 = tpu.memref_slice %arg3[%dma_wait3A_475, %dma_wait3A_488] : memref<2500x128xi32, #tpu.memory_space<hbm>> -> memref<1x128xi32, #tpu.memory_space<hbm>>
        %dma_wait3A_490 = tpu.memref_squeeze %dma_wait3A_489 : memref<1x128xi32, #tpu.memory_space<hbm>> -> memref<128xi32, #tpu.memory_space<hbm>>
        tpu.wait_dma2 semaphore(%dma_wait3A_484 : memref<!tpu.dma_semaphore, #tpu.memory_space<semaphore_mem>>) src(%dma_wait3A_490 : memref<128xi32, #tpu.memory_space<hbm>>) dst(%dma_wait3A_487 : memref<128xi32, #tpu.memory_space<vmem>>)
        %dma_wait3A_491 = arith.constant 0 : i32
        %dma_wait3A_492 = arith.constant 2 : i32
        %dma_wait3A_493 = arith.constant 0 : i32
        %dma_wait3A_494 = tpu.memref_slice %arg14[%rem3A_458, %dma_wait3A_493] : memref<3x128xf32, #tpu.memory_space<vmem>> -> memref<1x128xf32, #tpu.memory_space<vmem>>
        %dma_wait3A_495 = tpu.memref_squeeze %dma_wait3A_494 : memref<1x128xf32, #tpu.memory_space<vmem>> -> memref<128xf32, #tpu.memory_space<vmem>>
        %dma_wait3A_496 = arith.constant 0 : i32
        %dma_wait3A_497 = tpu.memref_slice %arg7[%dma_wait3A_491, %dma_wait3A_496] : memref<2500x128xf32, #tpu.memory_space<hbm>> -> memref<1x128xf32, #tpu.memory_space<hbm>>
        %dma_wait3A_498 = tpu.memref_squeeze %dma_wait3A_497 : memref<1x128xf32, #tpu.memory_space<hbm>> -> memref<128xf32, #tpu.memory_space<hbm>>
        %dma_wait3A_499 = tpu.memref_slice %arg19[%rem3A_458, %dma_wait3A_492] : memref<3x3x!tpu.dma_semaphore, #tpu.memory_space<semaphore_mem>> -> memref<1x1x!tpu.dma_semaphore, #tpu.memory_space<semaphore_mem>>
        %dma_wait3A_500 = tpu.memref_squeeze %dma_wait3A_499 : memref<1x1x!tpu.dma_semaphore, #tpu.memory_space<semaphore_mem>> -> memref<!tpu.dma_semaphore, #tpu.memory_space<semaphore_mem>>
        %dma_wait3A_501 = arith.constant 0 : i32
        %dma_wait3A_502 = tpu.memref_slice %arg14[%rem3A_458, %dma_wait3A_501] : memref<3x128xf32, #tpu.memory_space<vmem>> -> memref<1x128xf32, #tpu.memory_space<vmem>>
        %dma_wait3A_503 = tpu.memref_squeeze %dma_wait3A_502 : memref<1x128xf32, #tpu.memory_space<vmem>> -> memref<128xf32, #tpu.memory_space<vmem>>
        %dma_wait3A_504 = arith.constant 0 : i32
        %dma_wait3A_505 = tpu.memref_slice %arg7[%dma_wait3A_491, %dma_wait3A_504] : memref<2500x128xf32, #tpu.memory_space<hbm>> -> memref<1x128xf32, #tpu.memory_space<hbm>>
        %dma_wait3A_506 = tpu.memref_squeeze %dma_wait3A_505 : memref<1x128xf32, #tpu.memory_space<hbm>> -> memref<128xf32, #tpu.memory_space<hbm>>
        tpu.wait_dma2 semaphore(%dma_wait3A_500 : memref<!tpu.dma_semaphore, #tpu.memory_space<semaphore_mem>>) src(%dma_wait3A_506 : memref<128xf32, #tpu.memory_space<hbm>>) dst(%dma_wait3A_503 : memref<128xf32, #tpu.memory_space<vmem>>)
        %add3A_507 = arith.constant 1 : i32
        %add3A_508 = arith.addi %while3A_389, %add3A_507 : i32
        %rem3A_509 = arith.constant 3 : i32
        %rem3A_510 = arith.remsi %add3A_508, %rem3A_509 : i32
        %dma_start3A_511 = arith.constant 0 : i32
        %dma_start3A_512 = arith.constant 0 : i32
        %dma_start3A_513 = tpu.memref_slice %arg15[%rem3A_395, %dma_start3A_511, %dma_start3A_512] : memref<2x128x32xf32, #tpu.memory_space<vmem>> -> memref<1x128x32xf32, #tpu.memory_space<vmem>>
        %dma_start3A_514 = tpu.memref_squeeze %dma_start3A_513 : memref<1x128x32xf32, #tpu.memory_space<vmem>> -> memref<128x32xf32, #tpu.memory_space<vmem>>
        %dma_start3A_515 = arith.constant 0 : i32
        %dma_start3A_516 = tpu.memref_slice %arg12[%rem3A_510, %dma_start3A_515] : memref<3x128xi32, #tpu.memory_space<vmem>> -> memref<1x128xi32, #tpu.memory_space<vmem>>
        %dma_start3A_517 = tpu.memref_squeeze %dma_start3A_516 : memref<1x128xi32, #tpu.memory_space<vmem>> -> memref<128xi32, #tpu.memory_space<vmem>>
        %dma_start3A_518 = arith.constant 0 : i32
        %dma_start3A_519 = arith.constant 0 : i32
        %dma_start3A_520 = tpu.memref_slice %arg2[%arg0, %dma_start3A_518, %dma_start3A_519] : memref<2x40000x32xf32, #tpu.memory_space<hbm>> -> memref<1x40000x32xf32, #tpu.memory_space<hbm>>
        %dma_start3A_521 = tpu.memref_squeeze %dma_start3A_520 : memref<1x40000x32xf32, #tpu.memory_space<hbm>> -> memref<40000x32xf32, #tpu.memory_space<hbm>>
        %dma_start3A_522 = arith.constant 0 : i32
        %dma_start3A_523 = arith.constant 0 : i32
        %dma_start3A_524 = tpu.memref_slice %dma_start3A_521[%dma_start3A_522, %dma_start3A_523] : memref<40000x32xf32, #tpu.memory_space<hbm>> -> memref<40000x32xf32, #tpu.memory_space<hbm>>
        %dma_start3A_525 = tpu.memref_slice %arg17[%rem3A_395] : memref<2x!tpu.dma_semaphore, #tpu.memory_space<semaphore_mem>> -> memref<1x!tpu.dma_semaphore, #tpu.memory_space<semaphore_mem>>
        %dma_start3A_526 = tpu.memref_squeeze %dma_start3A_525 : memref<1x!tpu.dma_semaphore, #tpu.memory_space<semaphore_mem>> -> memref<!tpu.dma_semaphore, #tpu.memory_space<semaphore_mem>>
        tpu.enqueue_indirect_dma source(%dma_start3A_524 : memref<40000x32xf32, #tpu.memory_space<hbm>>) target(%dma_start3A_514 : memref<128x32xf32, #tpu.memory_space<vmem>>) offsets(%dma_start3A_517 : memref<128xi32, #tpu.memory_space<vmem>>) semaphore(%dma_start3A_526 : memref<!tpu.dma_semaphore, #tpu.memory_space<semaphore_mem>>)
      } else {
      }
      %dma_wait3A_416 = arith.constant 0 : i32
      %dma_wait3A_417 = arith.constant 0 : i32
      %dma_wait3A_418 = arith.constant 0 : i32
      %dma_wait3A_419 = tpu.memref_slice %arg15[%rem3A_391, %dma_wait3A_417, %dma_wait3A_418] : memref<2x128x32xf32, #tpu.memory_space<vmem>> -> memref<1x128x32xf32, #tpu.memory_space<vmem>>
      %dma_wait3A_420 = tpu.memref_squeeze %dma_wait3A_419 : memref<1x128x32xf32, #tpu.memory_space<vmem>> -> memref<128x32xf32, #tpu.memory_space<vmem>>
      %dma_wait3A_421 = arith.constant 0 : i32
      %dma_wait3A_422 = tpu.memref_slice %arg12[%dma_wait3A_416, %dma_wait3A_421] : memref<3x128xi32, #tpu.memory_space<vmem>> -> memref<1x128xi32, #tpu.memory_space<vmem>>
      %dma_wait3A_423 = tpu.memref_squeeze %dma_wait3A_422 : memref<1x128xi32, #tpu.memory_space<vmem>> -> memref<128xi32, #tpu.memory_space<vmem>>
      %dma_wait3A_424 = arith.constant 0 : i32
      %dma_wait3A_425 = arith.constant 0 : i32
      %dma_wait3A_426 = tpu.memref_slice %arg2[%arg0, %dma_wait3A_424, %dma_wait3A_425] : memref<2x40000x32xf32, #tpu.memory_space<hbm>> -> memref<1x40000x32xf32, #tpu.memory_space<hbm>>
      %dma_wait3A_427 = tpu.memref_squeeze %dma_wait3A_426 : memref<1x40000x32xf32, #tpu.memory_space<hbm>> -> memref<40000x32xf32, #tpu.memory_space<hbm>>
      %dma_wait3A_428 = arith.constant 0 : i32
      %dma_wait3A_429 = arith.constant 0 : i32
      %dma_wait3A_430 = tpu.memref_slice %dma_wait3A_427[%dma_wait3A_428, %dma_wait3A_429] : memref<40000x32xf32, #tpu.memory_space<hbm>> -> memref<40000x32xf32, #tpu.memory_space<hbm>>
      %dma_wait3A_431 = tpu.memref_slice %arg17[%rem3A_391] : memref<2x!tpu.dma_semaphore, #tpu.memory_space<semaphore_mem>> -> memref<1x!tpu.dma_semaphore, #tpu.memory_space<semaphore_mem>>
      %dma_wait3A_432 = tpu.memref_squeeze %dma_wait3A_431 : memref<1x!tpu.dma_semaphore, #tpu.memory_space<semaphore_mem>> -> memref<!tpu.dma_semaphore, #tpu.memory_space<semaphore_mem>>
      tpu.wait_indirect_dma semaphore(%dma_wait3A_432 : memref<!tpu.dma_semaphore, #tpu.memory_space<semaphore_mem>>) src(%dma_wait3A_430 : memref<40000x32xf32, #tpu.memory_space<hbm>>) dst(%dma_wait3A_420 : memref<128x32xf32, #tpu.memory_space<vmem>>)
      %scan3A_433 = arith.constant 0 : i32
      %scan3A_434 = arith.constant 0 : i32
      %scan3A_435 = arith.constant 8 : i32
      %scan3A_436 = arith.addi %scan3A_434, %scan3A_435 : i32
      %scan3A_437 = arith.constant 1 : i32
      scf.for %scan3A_455 = %scan3A_434 to %scan3A_436 step %scan3A_437  : i32 {
        %mul3A_456 = arith.constant 16 : i32
        %mul3A_457 = arith.muli %scan3A_455, %mul3A_456 : i32
        %get3A = arith.index_cast %rem3A_397 : i32 to index
        %get3A_458 = arith.index_cast %mul3A_457 : i32 to index
        %get3A_459 = tpu.vector_load %arg14[%get3A, %get3A_458] {strides = array<i32>} : memref<3x128xf32, #tpu.memory_space<vmem>>, vector<1x16xf32>,
        %get3A_460 = vector.shape_cast %get3A_459 : vector<1x16xf32> to vector<16xf32>
        %mul3A_461 = arith.constant 16 : i32
        %mul3A_462 = arith.muli %scan3A_455, %mul3A_461 : i32
        %add3A_463 = arith.constant 0 : i32
        %add3A_464 = arith.addi %mul3A_462, %add3A_463 : i32
        %slice3A = vector.extract_strided_slice %get3A_460 {offsets = [0], sizes = [1], strides = [1]} : vector<16xf32> to vector<1xf32>
        %squeeze3A = vector.extract %slice3A[0] : f32 from vector<1xf32>
        %get3A_465 = arith.index_cast %rem3A_391 : i32 to index
        %get3A_466 = arith.index_cast %add3A_464 : i32 to index
        %get3A_467 = arith.constant 0 : index
        %get3A_468 = tpu.vector_load %arg15[%get3A_465, %get3A_466, %get3A_467] {strides = array<i32>} : memref<2x128x32xf32, #tpu.memory_space<vmem>>, vector<1x1x16xf32>,
        %get3A_469 = vector.shape_cast %get3A_468 : vector<1x1x16xf32> to vector<16xf32>
        %mul3A_470 = vector.broadcast %squeeze3A : f32 to vector<16xf32>
        %mul3A_471 = arith.mulf %get3A_469, %mul3A_470 : vector<16xf32>
        %swap3A = arith.index_cast %rem3A_391 : i32 to index
        %swap3A_472 = arith.index_cast %add3A_464 : i32 to index
        %swap3A_473 = arith.constant 0 : index
        %swap3A_474 = tpu.vector_load %arg15[%swap3A, %swap3A_472, %swap3A_473] {strides = array<i32>} : memref<2x128x32xf32, #tpu.memory_space<vmem>>, vector<1x1x16xf32>,
        %swap3A_475 = vector.shape_cast %swap3A_474 : vector<1x1x16xf32> to vector<16xf32>
        %swap3A_476 = vector.shape_cast %mul3A_471 : vector<16xf32> to vector<1x1x16xf32>
        tpu.vector_store %arg15[%swap3A, %swap3A_472, %swap3A_473], %swap3A_476 {strides = array<i32>} : memref<2x128x32xf32, #tpu.memory_space<vmem>>, vector<1x1x16xf32>,
        %get3A_477 = arith.index_cast %rem3A_391 : i32 to index
        %get3A_478 = arith.index_cast %add3A_464 : i32 to index
        %get3A_479 = arith.constant 16 : index
        %get3A_480 = tpu.vector_load %arg15[%get3A_477, %get3A_478, %get3A_479] {strides = array<i32>} : memref<2x128x32xf32, #tpu.memory_space<vmem>>, vector<1x1x16xf32>,
        %get3A_481 = vector.shape_cast %get3A_480 : vector<1x1x16xf32> to vector<16xf32>
        %mul3A_482 = vector.broadcast %squeeze3A : f32 to vector<16xf32>
        %mul3A_483 = arith.mulf %get3A_481, %mul3A_482 : vector<16xf32>
        %swap3A_484 = arith.index_cast %rem3A_391 : i32 to index
        %swap3A_485 = arith.index_cast %add3A_464 : i32 to index
        %swap3A_486 = arith.constant 16 : index
        %swap3A_487 = tpu.vector_load %arg15[%swap3A_484, %swap3A_485, %swap3A_486] {strides = array<i32>} : memref<2x128x32xf32, #tpu.memory_space<vmem>>, vector<1x1x16xf32>,
        %swap3A_488 = vector.shape_cast %swap3A_487 : vector<1x1x16xf32> to vector<16xf32>
        %swap3A_489 = vector.shape_cast %mul3A_483 : vector<16xf32> to vector<1x1x16xf32>
        tpu.vector_store %arg15[%swap3A_484, %swap3A_485, %swap3A_486], %swap3A_489 {strides = array<i32>} : memref<2x128x32xf32, #tpu.memory_space<vmem>>, vector<1x1x16xf32>,
        %mul3A_490 = arith.constant 16 : i32
        %mul3A_491 = arith.muli %scan3A_455, %mul3A_490 : i32
        %add3A_492 = arith.constant 1 : i32
        %add3A_493 = arith.addi %mul3A_491, %add3A_492 : i32
        %slice3A_494 = vector.extract_strided_slice %get3A_460 {offsets = [1], sizes = [1], strides = [1]} : vector<16xf32> to vector<1xf32>
        %squeeze3A_495 = vector.extract %slice3A_494[0] : f32 from vector<1xf32>
        %get3A_496 = arith.index_cast %rem3A_391 : i32 to index
        %get3A_497 = arith.index_cast %add3A_493 : i32 to index
        %get3A_498 = arith.constant 0 : index
        %get3A_499 = tpu.vector_load %arg15[%get3A_496, %get3A_497, %get3A_498] {strides = array<i32>} : memref<2x128x32xf32, #tpu.memory_space<vmem>>, vector<1x1x16xf32>,
        %get3A_500 = vector.shape_cast %get3A_499 : vector<1x1x16xf32> to vector<16xf32>
        %mul3A_501 = vector.broadcast %squeeze3A_495 : f32 to vector<16xf32>
        %mul3A_502 = arith.mulf %get3A_500, %mul3A_501 : vector<16xf32>
        %swap3A_503 = arith.index_cast %rem3A_391 : i32 to index
        %swap3A_504 = arith.index_cast %add3A_493 : i32 to index
        %swap3A_505 = arith.constant 0 : index
        %swap3A_506 = tpu.vector_load %arg15[%swap3A_503, %swap3A_504, %swap3A_505] {strides = array<i32>} : memref<2x128x32xf32, #tpu.memory_space<vmem>>, vector<1x1x16xf32>,
        %swap3A_507 = vector.shape_cast %swap3A_506 : vector<1x1x16xf32> to vector<16xf32>
        %swap3A_508 = vector.shape_cast %mul3A_502 : vector<16xf32> to vector<1x1x16xf32>
        tpu.vector_store %arg15[%swap3A_503, %swap3A_504, %swap3A_505], %swap3A_508 {strides = array<i32>} : memref<2x128x32xf32, #tpu.memory_space<vmem>>, vector<1x1x16xf32>,
        %get3A_509 = arith.index_cast %rem3A_391 : i32 to index
        %get3A_510 = arith.index_cast %add3A_493 : i32 to index
        %get3A_511 = arith.constant 16 : index
        %get3A_512 = tpu.vector_load %arg15[%get3A_509, %get3A_510, %get3A_511] {strides = array<i32>} : memref<2x128x32xf32, #tpu.memory_space<vmem>>, vector<1x1x16xf32>,
        %get3A_513 = vector.shape_cast %get3A_512 : vector<1x1x16xf32> to vector<16xf32>
        %mul3A_514 = vector.broadcast %squeeze3A_495 : f32 to vector<16xf32>
        %mul3A_515 = arith.mulf %get3A_513, %mul3A_514 : vector<16xf32>
        %swap3A_516 = arith.index_cast %rem3A_391 : i32 to index
        %swap3A_517 = arith.index_cast %add3A_493 : i32 to index
        %swap3A_518 = arith.constant 16 : index
        %swap3A_519 = tpu.vector_load %arg15[%swap3A_516, %swap3A_517, %swap3A_518] {strides = array<i32>} : memref<2x128x32xf32, #tpu.memory_space<vmem>>, vector<1x1x16xf32>,
        %swap3A_520 = vector.shape_cast %swap3A_519 : vector<1x1x16xf32> to vector<16xf32>
        %swap3A_521 = vector.shape_cast %mul3A_515 : vector<16xf32> to vector<1x1x16xf32>
        tpu.vector_store %arg15[%swap3A_516, %swap3A_517, %swap3A_518], %swap3A_521 {strides = array<i32>} : memref<2x128x32xf32, #tpu.memory_space<vmem>>, vector<1x1x16xf32>,
        %mul3A_522 = arith.constant 16 : i32
        %mul3A_523 = arith.muli %scan3A_455, %mul3A_522 : i32
        %add3A_524 = arith.constant 2 : i32
        %add3A_525 = arith.addi %mul3A_523, %add3A_524 : i32
        %slice3A_526 = vector.extract_strided_slice %get3A_460 {offsets = [2], sizes = [1], strides = [1]} : vector<16xf32> to vector<1xf32>
        %squeeze3A_527 = vector.extract %slice3A_526[0] : f32 from vector<1xf32>
        %get3A_528 = arith.index_cast %rem3A_391 : i32 to index
        %get3A_529 = arith.index_cast %add3A_525 : i32 to index
        %get3A_530 = arith.constant 0 : index
        %get3A_531 = tpu.vector_load %arg15[%get3A_528, %get3A_529, %get3A_530] {strides = array<i32>} : memref<2x128x32xf32, #tpu.memory_space<vmem>>, vector<1x1x16xf32>,
        %get3A_532 = vector.shape_cast %get3A_531 : vector<1x1x16xf32> to vector<16xf32>
        %mul3A_533 = vector.broadcast %squeeze3A_527 : f32 to vector<16xf32>
        %mul3A_534 = arith.mulf %get3A_532, %mul3A_533 : vector<16xf32>
        %swap3A_535 = arith.index_cast %rem3A_391 : i32 to index
        %swap3A_536 = arith.index_cast %add3A_525 : i32 to index
        %swap3A_537 = arith.constant 0 : index
        %swap3A_538 = tpu.vector_load %arg15[%swap3A_535, %swap3A_536, %swap3A_537] {strides = array<i32>} : memref<2x128x32xf32, #tpu.memory_space<vmem>>, vector<1x1x16xf32>,
        %swap3A_539 = vector.shape_cast %swap3A_538 : vector<1x1x16xf32> to vector<16xf32>
        %swap3A_540 = vector.shape_cast %mul3A_534 : vector<16xf32> to vector<1x1x16xf32>
        tpu.vector_store %arg15[%swap3A_535, %swap3A_536, %swap3A_537], %swap3A_540 {strides = array<i32>} : memref<2x128x32xf32, #tpu.memory_space<vmem>>, vector<1x1x16xf32>,
        %get3A_541 = arith.index_cast %rem3A_391 : i32 to index
        %get3A_542 = arith.index_cast %add3A_525 : i32 to index
        %get3A_543 = arith.constant 16 : index
        %get3A_544 = tpu.vector_load %arg15[%get3A_541, %get3A_542, %get3A_543] {strides = array<i32>} : memref<2x128x32xf32, #tpu.memory_space<vmem>>, vector<1x1x16xf32>,
        %get3A_545 = vector.shape_cast %get3A_544 : vector<1x1x16xf32> to vector<16xf32>
        %mul3A_546 = vector.broadcast %squeeze3A_527 : f32 to vector<16xf32>
        %mul3A_547 = arith.mulf %get3A_545, %mul3A_546 : vector<16xf32>
        %swap3A_548 = arith.index_cast %rem3A_391 : i32 to index
        %swap3A_549 = arith.index_cast %add3A_525 : i32 to index
        %swap3A_550 = arith.constant 16 : index
        %swap3A_551 = tpu.vector_load %arg15[%swap3A_548, %swap3A_549, %swap3A_550] {strides = array<i32>} : memref<2x128x32xf32, #tpu.memory_space<vmem>>, vector<1x1x16xf32>,
        %swap3A_552 = vector.shape_cast %swap3A_551 : vector<1x1x16xf32> to vector<16xf32>
        %swap3A_553 = vector.shape_cast %mul3A_547 : vector<16xf32> to vector<1x1x16xf32>
        tpu.vector_store %arg15[%swap3A_548, %swap3A_549, %swap3A_550], %swap3A_553 {strides = array<i32>} : memref<2x128x32xf32, #tpu.memory_space<vmem>>, vector<1x1x16xf32>,
        %mul3A_554 = arith.constant 16 : i32
        %mul3A_555 = arith.muli %scan3A_455, %mul3A_554 : i32
        %add3A_556 = arith.constant 3 : i32
        %add3A_557 = arith.addi %mul3A_555, %add3A_556 : i32
        %slice3A_558 = vector.extract_strided_slice %get3A_460 {offsets = [3], sizes = [1], strides = [1]} : vector<16xf32> to vector<1xf32>
        %squeeze3A_559 = vector.extract %slice3A_558[0] : f32 from vector<1xf32>
        %get3A_560 = arith.index_cast %rem3A_391 : i32 to index
        %get3A_561 = arith.index_cast %add3A_557 : i32 to index
        %get3A_562 = arith.constant 0 : index
        %get3A_563 = tpu.vector_load %arg15[%get3A_560, %get3A_561, %get3A_562] {strides = array<i32>} : memref<2x128x32xf32, #tpu.memory_space<vmem>>, vector<1x1x16xf32>,
        %get3A_564 = vector.shape_cast %get3A_563 : vector<1x1x16xf32> to vector<16xf32>
        %mul3A_565 = vector.broadcast %squeeze3A_559 : f32 to vector<16xf32>
        %mul3A_566 = arith.mulf %get3A_564, %mul3A_565 : vector<16xf32>
        %swap3A_567 = arith.index_cast %rem3A_391 : i32 to index
        %swap3A_568 = arith.index_cast %add3A_557 : i32 to index
        %swap3A_569 = arith.constant 0 : index
        %swap3A_570 = tpu.vector_load %arg15[%swap3A_567, %swap3A_568, %swap3A_569] {strides = array<i32>} : memref<2x128x32xf32, #tpu.memory_space<vmem>>, vector<1x1x16xf32>,
        %swap3A_571 = vector.shape_cast %swap3A_570 : vector<1x1x16xf32> to vector<16xf32>
        %swap3A_572 = vector.shape_cast %mul3A_566 : vector<16xf32> to vector<1x1x16xf32>
        tpu.vector_store %arg15[%swap3A_567, %swap3A_568, %swap3A_569], %swap3A_572 {strides = array<i32>} : memref<2x128x32xf32, #tpu.memory_space<vmem>>, vector<1x1x16xf32>,
        %get3A_573 = arith.index_cast %rem3A_391 : i32 to index
        %get3A_574 = arith.index_cast %add3A_557 : i32 to index
        %get3A_575 = arith.constant 16 : index
        %get3A_576 = tpu.vector_load %arg15[%get3A_573, %get3A_574, %get3A_575] {strides = array<i32>} : memref<2x128x32xf32, #tpu.memory_space<vmem>>, vector<1x1x16xf32>,
        %get3A_577 = vector.shape_cast %get3A_576 : vector<1x1x16xf32> to vector<16xf32>
        %mul3A_578 = vector.broadcast %squeeze3A_559 : f32 to vector<16xf32>
        %mul3A_579 = arith.mulf %get3A_577, %mul3A_578 : vector<16xf32>
        %swap3A_580 = arith.index_cast %rem3A_391 : i32 to index
        %swap3A_581 = arith.index_cast %add3A_557 : i32 to index
        %swap3A_582 = arith.constant 16 : index
        %swap3A_583 = tpu.vector_load %arg15[%swap3A_580, %swap3A_581, %swap3A_582] {strides = array<i32>} : memref<2x128x32xf32, #tpu.memory_space<vmem>>, vector<1x1x16xf32>,
        %swap3A_584 = vector.shape_cast %swap3A_583 : vector<1x1x16xf32> to vector<16xf32>
        %swap3A_585 = vector.shape_cast %mul3A_579 : vector<16xf32> to vector<1x1x16xf32>
        tpu.vector_store %arg15[%swap3A_580, %swap3A_581, %swap3A_582], %swap3A_585 {strides = array<i32>} : memref<2x128x32xf32, #tpu.memory_space<vmem>>, vector<1x1x16xf32>,
        %mul3A_586 = arith.constant 16 : i32
        %mul3A_587 = arith.muli %scan3A_455, %mul3A_586 : i32
        %add3A_588 = arith.constant 4 : i32
        %add3A_589 = arith.addi %mul3A_587, %add3A_588 : i32
        %slice3A_590 = vector.extract_strided_slice %get3A_460 {offsets = [4], sizes = [1], strides = [1]} : vector<16xf32> to vector<1xf32>
        %squeeze3A_591 = vector.extract %slice3A_590[0] : f32 from vector<1xf32>
        %get3A_592 = arith.index_cast %rem3A_391 : i32 to index
        %get3A_593 = arith.index_cast %add3A_589 : i32 to index
        %get3A_594 = arith.constant 0 : index
        %get3A_595 = tpu.vector_load %arg15[%get3A_592, %get3A_593, %get3A_594] {strides = array<i32>} : memref<2x128x32xf32, #tpu.memory_space<vmem>>, vector<1x1x16xf32>,
        %get3A_596 = vector.shape_cast %get3A_595 : vector<1x1x16xf32> to vector<16xf32>
        %mul3A_597 = vector.broadcast %squeeze3A_591 : f32 to vector<16xf32>
        %mul3A_598 = arith.mulf %get3A_596, %mul3A_597 : vector<16xf32>
        %swap3A_599 = arith.index_cast %rem3A_391 : i32 to index
        %swap3A_600 = arith.index_cast %add3A_589 : i32 to index
        %swap3A_601 = arith.constant 0 : index
        %swap3A_602 = tpu.vector_load %arg15[%swap3A_599, %swap3A_600, %swap3A_601] {strides = array<i32>} : memref<2x128x32xf32, #tpu.memory_space<vmem>>, vector<1x1x16xf32>,
        %swap3A_603 = vector.shape_cast %swap3A_602 : vector<1x1x16xf32> to vector<16xf32>
        %swap3A_604 = vector.shape_cast %mul3A_598 : vector<16xf32> to vector<1x1x16xf32>
        tpu.vector_store %arg15[%swap3A_599, %swap3A_600, %swap3A_601], %swap3A_604 {strides = array<i32>} : memref<2x128x32xf32, #tpu.memory_space<vmem>>, vector<1x1x16xf32>,
        %get3A_605 = arith.index_cast %rem3A_391 : i32 to index
        %get3A_606 = arith.index_cast %add3A_589 : i32 to index
        %get3A_607 = arith.constant 16 : index
        %get3A_608 = tpu.vector_load %arg15[%get3A_605, %get3A_606, %get3A_607] {strides = array<i32>} : memref<2x128x32xf32, #tpu.memory_space<vmem>>, vector<1x1x16xf32>,
        %get3A_609 = vector.shape_cast %get3A_608 : vector<1x1x16xf32> to vector<16xf32>
        %mul3A_610 = vector.broadcast %squeeze3A_591 : f32 to vector<16xf32>
        %mul3A_611 = arith.mulf %get3A_609, %mul3A_610 : vector<16xf32>
        %swap3A_612 = arith.index_cast %rem3A_391 : i32 to index
        %swap3A_613 = arith.index_cast %add3A_589 : i32 to index
        %swap3A_614 = arith.constant 16 : index
        %swap3A_615 = tpu.vector_load %arg15[%swap3A_612, %swap3A_613, %swap3A_614] {strides = array<i32>} : memref<2x128x32xf32, #tpu.memory_space<vmem>>, vector<1x1x16xf32>,
        %swap3A_616 = vector.shape_cast %swap3A_615 : vector<1x1x16xf32> to vector<16xf32>
        %swap3A_617 = vector.shape_cast %mul3A_611 : vector<16xf32> to vector<1x1x16xf32>
        tpu.vector_store %arg15[%swap3A_612, %swap3A_613, %swap3A_614], %swap3A_617 {strides = array<i32>} : memref<2x128x32xf32, #tpu.memory_space<vmem>>, vector<1x1x16xf32>,
        %mul3A_618 = arith.constant 16 : i32
        %mul3A_619 = arith.muli %scan3A_455, %mul3A_618 : i32
        %add3A_620 = arith.constant 5 : i32
        %add3A_621 = arith.addi %mul3A_619, %add3A_620 : i32
        %slice3A_622 = vector.extract_strided_slice %get3A_460 {offsets = [5], sizes = [1], strides = [1]} : vector<16xf32> to vector<1xf32>
        %squeeze3A_623 = vector.extract %slice3A_622[0] : f32 from vector<1xf32>
        %get3A_624 = arith.index_cast %rem3A_391 : i32 to index
        %get3A_625 = arith.index_cast %add3A_621 : i32 to index
        %get3A_626 = arith.constant 0 : index
        %get3A_627 = tpu.vector_load %arg15[%get3A_624, %get3A_625, %get3A_626] {strides = array<i32>} : memref<2x128x32xf32, #tpu.memory_space<vmem>>, vector<1x1x16xf32>,
        %get3A_628 = vector.shape_cast %get3A_627 : vector<1x1x16xf32> to vector<16xf32>
        %mul3A_629 = vector.broadcast %squeeze3A_623 : f32 to vector<16xf32>
        %mul3A_630 = arith.mulf %get3A_628, %mul3A_629 : vector<16xf32>
        %swap3A_631 = arith.index_cast %rem3A_391 : i32 to index
        %swap3A_632 = arith.index_cast %add3A_621 : i32 to index
        %swap3A_633 = arith.constant 0 : index
        %swap3A_634 = tpu.vector_load %arg15[%swap3A_631, %swap3A_632, %swap3A_633] {strides = array<i32>} : memref<2x128x32xf32, #tpu.memory_space<vmem>>, vector<1x1x16xf32>,
        %swap3A_635 = vector.shape_cast %swap3A_634 : vector<1x1x16xf32> to vector<16xf32>
        %swap3A_636 = vector.shape_cast %mul3A_630 : vector<16xf32> to vector<1x1x16xf32>
        tpu.vector_store %arg15[%swap3A_631, %swap3A_632, %swap3A_633], %swap3A_636 {strides = array<i32>} : memref<2x128x32xf32, #tpu.memory_space<vmem>>, vector<1x1x16xf32>,
        %get3A_637 = arith.index_cast %rem3A_391 : i32 to index
        %get3A_638 = arith.index_cast %add3A_621 : i32 to index
        %get3A_639 = arith.constant 16 : index
        %get3A_640 = tpu.vector_load %arg15[%get3A_637, %get3A_638, %get3A_639] {strides = array<i32>} : memref<2x128x32xf32, #tpu.memory_space<vmem>>, vector<1x1x16xf32>,
        %get3A_641 = vector.shape_cast %get3A_640 : vector<1x1x16xf32> to vector<16xf32>
        %mul3A_642 = vector.broadcast %squeeze3A_623 : f32 to vector<16xf32>
        %mul3A_643 = arith.mulf %get3A_641, %mul3A_642 : vector<16xf32>
        %swap3A_644 = arith.index_cast %rem3A_391 : i32 to index
        %swap3A_645 = arith.index_cast %add3A_621 : i32 to index
        %swap3A_646 = arith.constant 16 : index
        %swap3A_647 = tpu.vector_load %arg15[%swap3A_644, %swap3A_645, %swap3A_646] {strides = array<i32>} : memref<2x128x32xf32, #tpu.memory_space<vmem>>, vector<1x1x16xf32>,
        %swap3A_648 = vector.shape_cast %swap3A_647 : vector<1x1x16xf32> to vector<16xf32>
        %swap3A_649 = vector.shape_cast %mul3A_643 : vector<16xf32> to vector<1x1x16xf32>
        tpu.vector_store %arg15[%swap3A_644, %swap3A_645, %swap3A_646], %swap3A_649 {strides = array<i32>} : memref<2x128x32xf32, #tpu.memory_space<vmem>>, vector<1x1x16xf32>,
        %mul3A_650 = arith.constant 16 : i32
        %mul3A_651 = arith.muli %scan3A_455, %mul3A_650 : i32
        %add3A_652 = arith.constant 6 : i32
        %add3A_653 = arith.addi %mul3A_651, %add3A_652 : i32
        %slice3A_654 = vector.extract_strided_slice %get3A_460 {offsets = [6], sizes = [1], strides = [1]} : vector<16xf32> to vector<1xf32>
        %squeeze3A_655 = vector.extract %slice3A_654[0] : f32 from vector<1xf32>
        %get3A_656 = arith.index_cast %rem3A_391 : i32 to index
        %get3A_657 = arith.index_cast %add3A_653 : i32 to index
        %get3A_658 = arith.constant 0 : index
        %get3A_659 = tpu.vector_load %arg15[%get3A_656, %get3A_657, %get3A_658] {strides = array<i32>} : memref<2x128x32xf32, #tpu.memory_space<vmem>>, vector<1x1x16xf32>,
        %get3A_660 = vector.shape_cast %get3A_659 : vector<1x1x16xf32> to vector<16xf32>
        %mul3A_661 = vector.broadcast %squeeze3A_655 : f32 to vector<16xf32>
        %mul3A_662 = arith.mulf %get3A_660, %mul3A_661 : vector<16xf32>
        %swap3A_663 = arith.index_cast %rem3A_391 : i32 to index
        %swap3A_664 = arith.index_cast %add3A_653 : i32 to index
        %swap3A_665 = arith.constant 0 : index
        %swap3A_666 = tpu.vector_load %arg15[%swap3A_663, %swap3A_664, %swap3A_665] {strides = array<i32>} : memref<2x128x32xf32, #tpu.memory_space<vmem>>, vector<1x1x16xf32>,
        %swap3A_667 = vector.shape_cast %swap3A_666 : vector<1x1x16xf32> to vector<16xf32>
        %swap3A_668 = vector.shape_cast %mul3A_662 : vector<16xf32> to vector<1x1x16xf32>
        tpu.vector_store %arg15[%swap3A_663, %swap3A_664, %swap3A_665], %swap3A_668 {strides = array<i32>} : memref<2x128x32xf32, #tpu.memory_space<vmem>>, vector<1x1x16xf32>,
        %get3A_669 = arith.index_cast %rem3A_391 : i32 to index
        %get3A_670 = arith.index_cast %add3A_653 : i32 to index
        %get3A_671 = arith.constant 16 : index
        %get3A_672 = tpu.vector_load %arg15[%get3A_669, %get3A_670, %get3A_671] {strides = array<i32>} : memref<2x128x32xf32, #tpu.memory_space<vmem>>, vector<1x1x16xf32>,
        %get3A_673 = vector.shape_cast %get3A_672 : vector<1x1x16xf32> to vector<16xf32>
        %mul3A_674 = vector.broadcast %squeeze3A_655 : f32 to vector<16xf32>
        %mul3A_675 = arith.mulf %get3A_673, %mul3A_674 : vector<16xf32>
        %swap3A_676 = arith.index_cast %rem3A_391 : i32 to index
        %swap3A_677 = arith.index_cast %add3A_653 : i32 to index
        %swap3A_678 = arith.constant 16 : index
        %swap3A_679 = tpu.vector_load %arg15[%swap3A_676, %swap3A_677, %swap3A_678] {strides = array<i32>} : memref<2x128x32xf32, #tpu.memory_space<vmem>>, vector<1x1x16xf32>,
        %swap3A_680 = vector.shape_cast %swap3A_679 : vector<1x1x16xf32> to vector<16xf32>
        %swap3A_681 = vector.shape_cast %mul3A_675 : vector<16xf32> to vector<1x1x16xf32>
        tpu.vector_store %arg15[%swap3A_676, %swap3A_677, %swap3A_678], %swap3A_681 {strides = array<i32>} : memref<2x128x32xf32, #tpu.memory_space<vmem>>, vector<1x1x16xf32>,
        %mul3A_682 = arith.constant 16 : i32
        %mul3A_683 = arith.muli %scan3A_455, %mul3A_682 : i32
        %add3A_684 = arith.constant 7 : i32
        %add3A_685 = arith.addi %mul3A_683, %add3A_684 : i32
        %slice3A_686 = vector.extract_strided_slice %get3A_460 {offsets = [7], sizes = [1], strides = [1]} : vector<16xf32> to vector<1xf32>
        %squeeze3A_687 = vector.extract %slice3A_686[0] : f32 from vector<1xf32>
        %get3A_688 = arith.index_cast %rem3A_391 : i32 to index
        %get3A_689 = arith.index_cast %add3A_685 : i32 to index
        %get3A_690 = arith.constant 0 : index
        %get3A_691 = tpu.vector_load %arg15[%get3A_688, %get3A_689, %get3A_690] {strides = array<i32>} : memref<2x128x32xf32, #tpu.memory_space<vmem>>, vector<1x1x16xf32>,
        %get3A_692 = vector.shape_cast %get3A_691 : vector<1x1x16xf32> to vector<16xf32>
        %mul3A_693 = vector.broadcast %squeeze3A_687 : f32 to vector<16xf32>
        %mul3A_694 = arith.mulf %get3A_692, %mul3A_693 : vector<16xf32>
        %swap3A_695 = arith.index_cast %rem3A_391 : i32 to index
        %swap3A_696 = arith.index_cast %add3A_685 : i32 to index
        %swap3A_697 = arith.constant 0 : index
        %swap3A_698 = tpu.vector_load %arg15[%swap3A_695, %swap3A_696, %swap3A_697] {strides = array<i32>} : memref<2x128x32xf32, #tpu.memory_space<vmem>>, vector<1x1x16xf32>,
        %swap3A_699 = vector.shape_cast %swap3A_698 : vector<1x1x16xf32> to vector<16xf32>
        %swap3A_700 = vector.shape_cast %mul3A_694 : vector<16xf32> to vector<1x1x16xf32>
        tpu.vector_store %arg15[%swap3A_695, %swap3A_696, %swap3A_697], %swap3A_700 {strides = array<i32>} : memref<2x128x32xf32, #tpu.memory_space<vmem>>, vector<1x1x16xf32>,
        %get3A_701 = arith.index_cast %rem3A_391 : i32 to index
        %get3A_702 = arith.index_cast %add3A_685 : i32 to index
        %get3A_703 = arith.constant 16 : index
        %get3A_704 = tpu.vector_load %arg15[%get3A_701, %get3A_702, %get3A_703] {strides = array<i32>} : memref<2x128x32xf32, #tpu.memory_space<vmem>>, vector<1x1x16xf32>,
        %get3A_705 = vector.shape_cast %get3A_704 : vector<1x1x16xf32> to vector<16xf32>
        %mul3A_706 = vector.broadcast %squeeze3A_687 : f32 to vector<16xf32>
        %mul3A_707 = arith.mulf %get3A_705, %mul3A_706 : vector<16xf32>
        %swap3A_708 = arith.index_cast %rem3A_391 : i32 to index
        %swap3A_709 = arith.index_cast %add3A_685 : i32 to index
        %swap3A_710 = arith.constant 16 : index
        %swap3A_711 = tpu.vector_load %arg15[%swap3A_708, %swap3A_709, %swap3A_710] {strides = array<i32>} : memref<2x128x32xf32, #tpu.memory_space<vmem>>, vector<1x1x16xf32>,
        %swap3A_712 = vector.shape_cast %swap3A_711 : vector<1x1x16xf32> to vector<16xf32>
        %swap3A_713 = vector.shape_cast %mul3A_707 : vector<16xf32> to vector<1x1x16xf32>
        tpu.vector_store %arg15[%swap3A_708, %swap3A_709, %swap3A_710], %swap3A_713 {strides = array<i32>} : memref<2x128x32xf32, #tpu.memory_space<vmem>>, vector<1x1x16xf32>,
        %mul3A_714 = arith.constant 16 : i32
        %mul3A_715 = arith.muli %scan3A_455, %mul3A_714 : i32
        %add3A_716 = arith.constant 8 : i32
        %add3A_717 = arith.addi %mul3A_715, %add3A_716 : i32
        %slice3A_718 = vector.extract_strided_slice %get3A_460 {offsets = [8], sizes = [1], strides = [1]} : vector<16xf32> to vector<1xf32>
        %squeeze3A_719 = vector.extract %slice3A_718[0] : f32 from vector<1xf32>
        %get3A_720 = arith.index_cast %rem3A_391 : i32 to index
        %get3A_721 = arith.index_cast %add3A_717 : i32 to index
        %get3A_722 = arith.constant 0 : index
        %get3A_723 = tpu.vector_load %arg15[%get3A_720, %get3A_721, %get3A_722] {strides = array<i32>} : memref<2x128x32xf32, #tpu.memory_space<vmem>>, vector<1x1x16xf32>,
        %get3A_724 = vector.shape_cast %get3A_723 : vector<1x1x16xf32> to vector<16xf32>
        %mul3A_725 = vector.broadcast %squeeze3A_719 : f32 to vector<16xf32>
        %mul3A_726 = arith.mulf %get3A_724, %mul3A_725 : vector<16xf32>
        %swap3A_727 = arith.index_cast %rem3A_391 : i32 to index
        %swap3A_728 = arith.index_cast %add3A_717 : i32 to index
        %swap3A_729 = arith.constant 0 : index
        %swap3A_730 = tpu.vector_load %arg15[%swap3A_727, %swap3A_728, %swap3A_729] {strides = array<i32>} : memref<2x128x32xf32, #tpu.memory_space<vmem>>, vector<1x1x16xf32>,
        %swap3A_731 = vector.shape_cast %swap3A_730 : vector<1x1x16xf32> to vector<16xf32>
        %swap3A_732 = vector.shape_cast %mul3A_726 : vector<16xf32> to vector<1x1x16xf32>
        tpu.vector_store %arg15[%swap3A_727, %swap3A_728, %swap3A_729], %swap3A_732 {strides = array<i32>} : memref<2x128x32xf32, #tpu.memory_space<vmem>>, vector<1x1x16xf32>,
        %get3A_733 = arith.index_cast %rem3A_391 : i32 to index
        %get3A_734 = arith.index_cast %add3A_717 : i32 to index
        %get3A_735 = arith.constant 16 : index
        %get3A_736 = tpu.vector_load %arg15[%get3A_733, %get3A_734, %get3A_735] {strides = array<i32>} : memref<2x128x32xf32, #tpu.memory_space<vmem>>, vector<1x1x16xf32>,
        %get3A_737 = vector.shape_cast %get3A_736 : vector<1x1x16xf32> to vector<16xf32>
        %mul3A_738 = vector.broadcast %squeeze3A_719 : f32 to vector<16xf32>
        %mul3A_739 = arith.mulf %get3A_737, %mul3A_738 : vector<16xf32>
        %swap3A_740 = arith.index_cast %rem3A_391 : i32 to index
        %swap3A_741 = arith.index_cast %add3A_717 : i32 to index
        %swap3A_742 = arith.constant 16 : index
        %swap3A_743 = tpu.vector_load %arg15[%swap3A_740, %swap3A_741, %swap3A_742] {strides = array<i32>} : memref<2x128x32xf32, #tpu.memory_space<vmem>>, vector<1x1x16xf32>,
        %swap3A_744 = vector.shape_cast %swap3A_743 : vector<1x1x16xf32> to vector<16xf32>
        %swap3A_745 = vector.shape_cast %mul3A_739 : vector<16xf32> to vector<1x1x16xf32>
        tpu.vector_store %arg15[%swap3A_740, %swap3A_741, %swap3A_742], %swap3A_745 {strides = array<i32>} : memref<2x128x32xf32, #tpu.memory_space<vmem>>, vector<1x1x16xf32>,
        %mul3A_746 = arith.constant 16 : i32
        %mul3A_747 = arith.muli %scan3A_455, %mul3A_746 : i32
        %add3A_748 = arith.constant 9 : i32
        %add3A_749 = arith.addi %mul3A_747, %add3A_748 : i32
        %slice3A_750 = vector.extract_strided_slice %get3A_460 {offsets = [9], sizes = [1], strides = [1]} : vector<16xf32> to vector<1xf32>
        %squeeze3A_751 = vector.extract %slice3A_750[0] : f32 from vector<1xf32>
        %get3A_752 = arith.index_cast %rem3A_391 : i32 to index
        %get3A_753 = arith.index_cast %add3A_749 : i32 to index
        %get3A_754 = arith.constant 0 : index
        %get3A_755 = tpu.vector_load %arg15[%get3A_752, %get3A_753, %get3A_754] {strides = array<i32>} : memref<2x128x32xf32, #tpu.memory_space<vmem>>, vector<1x1x16xf32>,
        %get3A_756 = vector.shape_cast %get3A_755 : vector<1x1x16xf32> to vector<16xf32>
        %mul3A_757 = vector.broadcast %squeeze3A_751 : f32 to vector<16xf32>
        %mul3A_758 = arith.mulf %get3A_756, %mul3A_757 : vector<16xf32>
        %swap3A_759 = arith.index_cast %rem3A_391 : i32 to index
        %swap3A_760 = arith.index_cast %add3A_749 : i32 to index
        %swap3A_761 = arith.constant 0 : index
        %swap3A_762 = tpu.vector_load %arg15[%swap3A_759, %swap3A_760, %swap3A_761] {strides = array<i32>} : memref<2x128x32xf32, #tpu.memory_space<vmem>>, vector<1x1x16xf32>,
        %swap3A_763 = vector.shape_cast %swap3A_762 : vector<1x1x16xf32> to vector<16xf32>
        %swap3A_764 = vector.shape_cast %mul3A_758 : vector<16xf32> to vector<1x1x16xf32>
        tpu.vector_store %arg15[%swap3A_759, %swap3A_760, %swap3A_761], %swap3A_764 {strides = array<i32>} : memref<2x128x32xf32, #tpu.memory_space<vmem>>, vector<1x1x16xf32>,
        %get3A_765 = arith.index_cast %rem3A_391 : i32 to index
        %get3A_766 = arith.index_cast %add3A_749 : i32 to index
        %get3A_767 = arith.constant 16 : index
        %get3A_768 = tpu.vector_load %arg15[%get3A_765, %get3A_766, %get3A_767] {strides = array<i32>} : memref<2x128x32xf32, #tpu.memory_space<vmem>>, vector<1x1x16xf32>,
        %get3A_769 = vector.shape_cast %get3A_768 : vector<1x1x16xf32> to vector<16xf32>
        %mul3A_770 = vector.broadcast %squeeze3A_751 : f32 to vector<16xf32>
        %mul3A_771 = arith.mulf %get3A_769, %mul3A_770 : vector<16xf32>
        %swap3A_772 = arith.index_cast %rem3A_391 : i32 to index
        %swap3A_773 = arith.index_cast %add3A_749 : i32 to index
        %swap3A_774 = arith.constant 16 : index
        %swap3A_775 = tpu.vector_load %arg15[%swap3A_772, %swap3A_773, %swap3A_774] {strides = array<i32>} : memref<2x128x32xf32, #tpu.memory_space<vmem>>, vector<1x1x16xf32>,
        %swap3A_776 = vector.shape_cast %swap3A_775 : vector<1x1x16xf32> to vector<16xf32>
        %swap3A_777 = vector.shape_cast %mul3A_771 : vector<16xf32> to vector<1x1x16xf32>
        tpu.vector_store %arg15[%swap3A_772, %swap3A_773, %swap3A_774], %swap3A_777 {strides = array<i32>} : memref<2x128x32xf32, #tpu.memory_space<vmem>>, vector<1x1x16xf32>,
        %mul3A_778 = arith.constant 16 : i32
        %mul3A_779 = arith.muli %scan3A_455, %mul3A_778 : i32
        %add3A_780 = arith.constant 10 : i32
        %add3A_781 = arith.addi %mul3A_779, %add3A_780 : i32
        %slice3A_782 = vector.extract_strided_slice %get3A_460 {offsets = [10], sizes = [1], strides = [1]} : vector<16xf32> to vector<1xf32>
        %squeeze3A_783 = vector.extract %slice3A_782[0] : f32 from vector<1xf32>
        %get3A_784 = arith.index_cast %rem3A_391 : i32 to index
        %get3A_785 = arith.index_cast %add3A_781 : i32 to index
        %get3A_786 = arith.constant 0 : index
        %get3A_787 = tpu.vector_load %arg15[%get3A_784, %get3A_785, %get3A_786] {strides = array<i32>} : memref<2x128x32xf32, #tpu.memory_space<vmem>>, vector<1x1x16xf32>,
        %get3A_788 = vector.shape_cast %get3A_787 : vector<1x1x16xf32> to vector<16xf32>
        %mul3A_789 = vector.broadcast %squeeze3A_783 : f32 to vector<16xf32>
        %mul3A_790 = arith.mulf %get3A_788, %mul3A_789 : vector<16xf32>
        %swap3A_791 = arith.index_cast %rem3A_391 : i32 to index
        %swap3A_792 = arith.index_cast %add3A_781 : i32 to index
        %swap3A_793 = arith.constant 0 : index
        %swap3A_794 = tpu.vector_load %arg15[%swap3A_791, %swap3A_792, %swap3A_793] {strides = array<i32>} : memref<2x128x32xf32, #tpu.memory_space<vmem>>, vector<1x1x16xf32>,
        %swap3A_795 = vector.shape_cast %swap3A_794 : vector<1x1x16xf32> to vector<16xf32>
        %swap3A_796 = vector.shape_cast %mul3A_790 : vector<16xf32> to vector<1x1x16xf32>
        tpu.vector_store %arg15[%swap3A_791, %swap3A_792, %swap3A_793], %swap3A_796 {strides = array<i32>} : memref<2x128x32xf32, #tpu.memory_space<vmem>>, vector<1x1x16xf32>,
        %get3A_797 = arith.index_cast %rem3A_391 : i32 to index
        %get3A_798 = arith.index_cast %add3A_781 : i32 to index
        %get3A_799 = arith.constant 16 : index
        %get3A_800 = tpu.vector_load %arg15[%get3A_797, %get3A_798, %get3A_799] {strides = array<i32>} : memref<2x128x32xf32, #tpu.memory_space<vmem>>, vector<1x1x16xf32>,
        %get3A_801 = vector.shape_cast %get3A_800 : vector<1x1x16xf32> to vector<16xf32>
        %mul3A_802 = vector.broadcast %squeeze3A_783 : f32 to vector<16xf32>
        %mul3A_803 = arith.mulf %get3A_801, %mul3A_802 : vector<16xf32>
        %swap3A_804 = arith.index_cast %rem3A_391 : i32 to index
        %swap3A_805 = arith.index_cast %add3A_781 : i32 to index
        %swap3A_806 = arith.constant 16 : index
        %swap3A_807 = tpu.vector_load %arg15[%swap3A_804, %swap3A_805, %swap3A_806] {strides = array<i32>} : memref<2x128x32xf32, #tpu.memory_space<vmem>>, vector<1x1x16xf32>,
        %swap3A_808 = vector.shape_cast %swap3A_807 : vector<1x1x16xf32> to vector<16xf32>
        %swap3A_809 = vector.shape_cast %mul3A_803 : vector<16xf32> to vector<1x1x16xf32>
        tpu.vector_store %arg15[%swap3A_804, %swap3A_805, %swap3A_806], %swap3A_809 {strides = array<i32>} : memref<2x128x32xf32, #tpu.memory_space<vmem>>, vector<1x1x16xf32>,
        %mul3A_810 = arith.constant 16 : i32
        %mul3A_811 = arith.muli %scan3A_455, %mul3A_810 : i32
        %add3A_812 = arith.constant 11 : i32
        %add3A_813 = arith.addi %mul3A_811, %add3A_812 : i32
        %slice3A_814 = vector.extract_strided_slice %get3A_460 {offsets = [11], sizes = [1], strides = [1]} : vector<16xf32> to vector<1xf32>
        %squeeze3A_815 = vector.extract %slice3A_814[0] : f32 from vector<1xf32>
        %get3A_816 = arith.index_cast %rem3A_391 : i32 to index
        %get3A_817 = arith.index_cast %add3A_813 : i32 to index
        %get3A_818 = arith.constant 0 : index
        %get3A_819 = tpu.vector_load %arg15[%get3A_816, %get3A_817, %get3A_818] {strides = array<i32>} : memref<2x128x32xf32, #tpu.memory_space<vmem>>, vector<1x1x16xf32>,
        %get3A_820 = vector.shape_cast %get3A_819 : vector<1x1x16xf32> to vector<16xf32>
        %mul3A_821 = vector.broadcast %squeeze3A_815 : f32 to vector<16xf32>
        %mul3A_822 = arith.mulf %get3A_820, %mul3A_821 : vector<16xf32>
        %swap3A_823 = arith.index_cast %rem3A_391 : i32 to index
        %swap3A_824 = arith.index_cast %add3A_813 : i32 to index
        %swap3A_825 = arith.constant 0 : index
        %swap3A_826 = tpu.vector_load %arg15[%swap3A_823, %swap3A_824, %swap3A_825] {strides = array<i32>} : memref<2x128x32xf32, #tpu.memory_space<vmem>>, vector<1x1x16xf32>,
        %swap3A_827 = vector.shape_cast %swap3A_826 : vector<1x1x16xf32> to vector<16xf32>
        %swap3A_828 = vector.shape_cast %mul3A_822 : vector<16xf32> to vector<1x1x16xf32>
        tpu.vector_store %arg15[%swap3A_823, %swap3A_824, %swap3A_825], %swap3A_828 {strides = array<i32>} : memref<2x128x32xf32, #tpu.memory_space<vmem>>, vector<1x1x16xf32>,
        %get3A_829 = arith.index_cast %rem3A_391 : i32 to index
        %get3A_830 = arith.index_cast %add3A_813 : i32 to index
        %get3A_831 = arith.constant 16 : index
        %get3A_832 = tpu.vector_load %arg15[%get3A_829, %get3A_830, %get3A_831] {strides = array<i32>} : memref<2x128x32xf32, #tpu.memory_space<vmem>>, vector<1x1x16xf32>,
        %get3A_833 = vector.shape_cast %get3A_832 : vector<1x1x16xf32> to vector<16xf32>
        %mul3A_834 = vector.broadcast %squeeze3A_815 : f32 to vector<16xf32>
        %mul3A_835 = arith.mulf %get3A_833, %mul3A_834 : vector<16xf32>
        %swap3A_836 = arith.index_cast %rem3A_391 : i32 to index
        %swap3A_837 = arith.index_cast %add3A_813 : i32 to index
        %swap3A_838 = arith.constant 16 : index
        %swap3A_839 = tpu.vector_load %arg15[%swap3A_836, %swap3A_837, %swap3A_838] {strides = array<i32>} : memref<2x128x32xf32, #tpu.memory_space<vmem>>, vector<1x1x16xf32>,
        %swap3A_840 = vector.shape_cast %swap3A_839 : vector<1x1x16xf32> to vector<16xf32>
        %swap3A_841 = vector.shape_cast %mul3A_835 : vector<16xf32> to vector<1x1x16xf32>
        tpu.vector_store %arg15[%swap3A_836, %swap3A_837, %swap3A_838], %swap3A_841 {strides = array<i32>} : memref<2x128x32xf32, #tpu.memory_space<vmem>>, vector<1x1x16xf32>,
        %mul3A_842 = arith.constant 16 : i32
        %mul3A_843 = arith.muli %scan3A_455, %mul3A_842 : i32
        %add3A_844 = arith.constant 12 : i32
        %add3A_845 = arith.addi %mul3A_843, %add3A_844 : i32
        %slice3A_846 = vector.extract_strided_slice %get3A_460 {offsets = [12], sizes = [1], strides = [1]} : vector<16xf32> to vector<1xf32>
        %squeeze3A_847 = vector.extract %slice3A_846[0] : f32 from vector<1xf32>
        %get3A_848 = arith.index_cast %rem3A_391 : i32 to index
        %get3A_849 = arith.index_cast %add3A_845 : i32 to index
        %get3A_850 = arith.constant 0 : index
        %get3A_851 = tpu.vector_load %arg15[%get3A_848, %get3A_849, %get3A_850] {strides = array<i32>} : memref<2x128x32xf32, #tpu.memory_space<vmem>>, vector<1x1x16xf32>,
        %get3A_852 = vector.shape_cast %get3A_851 : vector<1x1x16xf32> to vector<16xf32>
        %mul3A_853 = vector.broadcast %squeeze3A_847 : f32 to vector<16xf32>
        %mul3A_854 = arith.mulf %get3A_852, %mul3A_853 : vector<16xf32>
        %swap3A_855 = arith.index_cast %rem3A_391 : i32 to index
        %swap3A_856 = arith.index_cast %add3A_845 : i32 to index
        %swap3A_857 = arith.constant 0 : index
        %swap3A_858 = tpu.vector_load %arg15[%swap3A_855, %swap3A_856, %swap3A_857] {strides = array<i32>} : memref<2x128x32xf32, #tpu.memory_space<vmem>>, vector<1x1x16xf32>,
        %swap3A_859 = vector.shape_cast %swap3A_858 : vector<1x1x16xf32> to vector<16xf32>
        %swap3A_860 = vector.shape_cast %mul3A_854 : vector<16xf32> to vector<1x1x16xf32>
        tpu.vector_store %arg15[%swap3A_855, %swap3A_856, %swap3A_857], %swap3A_860 {strides = array<i32>} : memref<2x128x32xf32, #tpu.memory_space<vmem>>, vector<1x1x16xf32>,
        %get3A_861 = arith.index_cast %rem3A_391 : i32 to index
        %get3A_862 = arith.index_cast %add3A_845 : i32 to index
        %get3A_863 = arith.constant 16 : index
        %get3A_864 = tpu.vector_load %arg15[%get3A_861, %get3A_862, %get3A_863] {strides = array<i32>} : memref<2x128x32xf32, #tpu.memory_space<vmem>>, vector<1x1x16xf32>,
        %get3A_865 = vector.shape_cast %get3A_864 : vector<1x1x16xf32> to vector<16xf32>
        %mul3A_866 = vector.broadcast %squeeze3A_847 : f32 to vector<16xf32>
        %mul3A_867 = arith.mulf %get3A_865, %mul3A_866 : vector<16xf32>
        %swap3A_868 = arith.index_cast %rem3A_391 : i32 to index
        %swap3A_869 = arith.index_cast %add3A_845 : i32 to index
        %swap3A_870 = arith.constant 16 : index
        %swap3A_871 = tpu.vector_load %arg15[%swap3A_868, %swap3A_869, %swap3A_870] {strides = array<i32>} : memref<2x128x32xf32, #tpu.memory_space<vmem>>, vector<1x1x16xf32>,
        %swap3A_872 = vector.shape_cast %swap3A_871 : vector<1x1x16xf32> to vector<16xf32>
        %swap3A_873 = vector.shape_cast %mul3A_867 : vector<16xf32> to vector<1x1x16xf32>
        tpu.vector_store %arg15[%swap3A_868, %swap3A_869, %swap3A_870], %swap3A_873 {strides = array<i32>} : memref<2x128x32xf32, #tpu.memory_space<vmem>>, vector<1x1x16xf32>,
        %mul3A_874 = arith.constant 16 : i32
        %mul3A_875 = arith.muli %scan3A_455, %mul3A_874 : i32
        %add3A_876 = arith.constant 13 : i32
        %add3A_877 = arith.addi %mul3A_875, %add3A_876 : i32
        %slice3A_878 = vector.extract_strided_slice %get3A_460 {offsets = [13], sizes = [1], strides = [1]} : vector<16xf32> to vector<1xf32>
        %squeeze3A_879 = vector.extract %slice3A_878[0] : f32 from vector<1xf32>
        %get3A_880 = arith.index_cast %rem3A_391 : i32 to index
        %get3A_881 = arith.index_cast %add3A_877 : i32 to index
        %get3A_882 = arith.constant 0 : index
        %get3A_883 = tpu.vector_load %arg15[%get3A_880, %get3A_881, %get3A_882] {strides = array<i32>} : memref<2x128x32xf32, #tpu.memory_space<vmem>>, vector<1x1x16xf32>,
        %get3A_884 = vector.shape_cast %get3A_883 : vector<1x1x16xf32> to vector<16xf32>
        %mul3A_885 = vector.broadcast %squeeze3A_879 : f32 to vector<16xf32>
        %mul3A_886 = arith.mulf %get3A_884, %mul3A_885 : vector<16xf32>
        %swap3A_887 = arith.index_cast %rem3A_391 : i32 to index
        %swap3A_888 = arith.index_cast %add3A_877 : i32 to index
        %swap3A_889 = arith.constant 0 : index
        %swap3A_890 = tpu.vector_load %arg15[%swap3A_887, %swap3A_888, %swap3A_889] {strides = array<i32>} : memref<2x128x32xf32, #tpu.memory_space<vmem>>, vector<1x1x16xf32>,
        %swap3A_891 = vector.shape_cast %swap3A_890 : vector<1x1x16xf32> to vector<16xf32>
        %swap3A_892 = vector.shape_cast %mul3A_886 : vector<16xf32> to vector<1x1x16xf32>
        tpu.vector_store %arg15[%swap3A_887, %swap3A_888, %swap3A_889], %swap3A_892 {strides = array<i32>} : memref<2x128x32xf32, #tpu.memory_space<vmem>>, vector<1x1x16xf32>,
        %get3A_893 = arith.index_cast %rem3A_391 : i32 to index
        %get3A_894 = arith.index_cast %add3A_877 : i32 to index
        %get3A_895 = arith.constant 16 : index
        %get3A_896 = tpu.vector_load %arg15[%get3A_893, %get3A_894, %get3A_895] {strides = array<i32>} : memref<2x128x32xf32, #tpu.memory_space<vmem>>, vector<1x1x16xf32>,
        %get3A_897 = vector.shape_cast %get3A_896 : vector<1x1x16xf32> to vector<16xf32>
        %mul3A_898 = vector.broadcast %squeeze3A_879 : f32 to vector<16xf32>
        %mul3A_899 = arith.mulf %get3A_897, %mul3A_898 : vector<16xf32>
        %swap3A_900 = arith.index_cast %rem3A_391 : i32 to index
        %swap3A_901 = arith.index_cast %add3A_877 : i32 to index
        %swap3A_902 = arith.constant 16 : index
        %swap3A_903 = tpu.vector_load %arg15[%swap3A_900, %swap3A_901, %swap3A_902] {strides = array<i32>} : memref<2x128x32xf32, #tpu.memory_space<vmem>>, vector<1x1x16xf32>,
        %swap3A_904 = vector.shape_cast %swap3A_903 : vector<1x1x16xf32> to vector<16xf32>
        %swap3A_905 = vector.shape_cast %mul3A_899 : vector<16xf32> to vector<1x1x16xf32>
        tpu.vector_store %arg15[%swap3A_900, %swap3A_901, %swap3A_902], %swap3A_905 {strides = array<i32>} : memref<2x128x32xf32, #tpu.memory_space<vmem>>, vector<1x1x16xf32>,
        %mul3A_906 = arith.constant 16 : i32
        %mul3A_907 = arith.muli %scan3A_455, %mul3A_906 : i32
        %add3A_908 = arith.constant 14 : i32
        %add3A_909 = arith.addi %mul3A_907, %add3A_908 : i32
        %slice3A_910 = vector.extract_strided_slice %get3A_460 {offsets = [14], sizes = [1], strides = [1]} : vector<16xf32> to vector<1xf32>
        %squeeze3A_911 = vector.extract %slice3A_910[0] : f32 from vector<1xf32>
        %get3A_912 = arith.index_cast %rem3A_391 : i32 to index
        %get3A_913 = arith.index_cast %add3A_909 : i32 to index
        %get3A_914 = arith.constant 0 : index
        %get3A_915 = tpu.vector_load %arg15[%get3A_912, %get3A_913, %get3A_914] {strides = array<i32>} : memref<2x128x32xf32, #tpu.memory_space<vmem>>, vector<1x1x16xf32>,
        %get3A_916 = vector.shape_cast %get3A_915 : vector<1x1x16xf32> to vector<16xf32>
        %mul3A_917 = vector.broadcast %squeeze3A_911 : f32 to vector<16xf32>
        %mul3A_918 = arith.mulf %get3A_916, %mul3A_917 : vector<16xf32>
        %swap3A_919 = arith.index_cast %rem3A_391 : i32 to index
        %swap3A_920 = arith.index_cast %add3A_909 : i32 to index
        %swap3A_921 = arith.constant 0 : index
        %swap3A_922 = tpu.vector_load %arg15[%swap3A_919, %swap3A_920, %swap3A_921] {strides = array<i32>} : memref<2x128x32xf32, #tpu.memory_space<vmem>>, vector<1x1x16xf32>,
        %swap3A_923 = vector.shape_cast %swap3A_922 : vector<1x1x16xf32> to vector<16xf32>
        %swap3A_924 = vector.shape_cast %mul3A_918 : vector<16xf32> to vector<1x1x16xf32>
        tpu.vector_store %arg15[%swap3A_919, %swap3A_920, %swap3A_921], %swap3A_924 {strides = array<i32>} : memref<2x128x32xf32, #tpu.memory_space<vmem>>, vector<1x1x16xf32>,
        %get3A_925 = arith.index_cast %rem3A_391 : i32 to index
        %get3A_926 = arith.index_cast %add3A_909 : i32 to index
        %get3A_927 = arith.constant 16 : index
        %get3A_928 = tpu.vector_load %arg15[%get3A_925, %get3A_926, %get3A_927] {strides = array<i32>} : memref<2x128x32xf32, #tpu.memory_space<vmem>>, vector<1x1x16xf32>,
        %get3A_929 = vector.shape_cast %get3A_928 : vector<1x1x16xf32> to vector<16xf32>
        %mul3A_930 = vector.broadcast %squeeze3A_911 : f32 to vector<16xf32>
        %mul3A_931 = arith.mulf %get3A_929, %mul3A_930 : vector<16xf32>
        %swap3A_932 = arith.index_cast %rem3A_391 : i32 to index
        %swap3A_933 = arith.index_cast %add3A_909 : i32 to index
        %swap3A_934 = arith.constant 16 : index
        %swap3A_935 = tpu.vector_load %arg15[%swap3A_932, %swap3A_933, %swap3A_934] {strides = array<i32>} : memref<2x128x32xf32, #tpu.memory_space<vmem>>, vector<1x1x16xf32>,
        %swap3A_936 = vector.shape_cast %swap3A_935 : vector<1x1x16xf32> to vector<16xf32>
        %swap3A_937 = vector.shape_cast %mul3A_931 : vector<16xf32> to vector<1x1x16xf32>
        tpu.vector_store %arg15[%swap3A_932, %swap3A_933, %swap3A_934], %swap3A_937 {strides = array<i32>} : memref<2x128x32xf32, #tpu.memory_space<vmem>>, vector<1x1x16xf32>,
        %mul3A_938 = arith.constant 16 : i32
        %mul3A_939 = arith.muli %scan3A_455, %mul3A_938 : i32
        %add3A_940 = arith.constant 15 : i32
        %add3A_941 = arith.addi %mul3A_939, %add3A_940 : i32
        %slice3A_942 = vector.extract_strided_slice %get3A_460 {offsets = [15], sizes = [1], strides = [1]} : vector<16xf32> to vector<1xf32>
        %squeeze3A_943 = vector.extract %slice3A_942[0] : f32 from vector<1xf32>
        %get3A_944 = arith.index_cast %rem3A_391 : i32 to index
        %get3A_945 = arith.index_cast %add3A_941 : i32 to index
        %get3A_946 = arith.constant 0 : index
        %get3A_947 = tpu.vector_load %arg15[%get3A_944, %get3A_945, %get3A_946] {strides = array<i32>} : memref<2x128x32xf32, #tpu.memory_space<vmem>>, vector<1x1x16xf32>,
        %get3A_948 = vector.shape_cast %get3A_947 : vector<1x1x16xf32> to vector<16xf32>
        %mul3A_949 = vector.broadcast %squeeze3A_943 : f32 to vector<16xf32>
        %mul3A_950 = arith.mulf %get3A_948, %mul3A_949 : vector<16xf32>
        %swap3A_951 = arith.index_cast %rem3A_391 : i32 to index
        %swap3A_952 = arith.index_cast %add3A_941 : i32 to index
        %swap3A_953 = arith.constant 0 : index
        %swap3A_954 = tpu.vector_load %arg15[%swap3A_951, %swap3A_952, %swap3A_953] {strides = array<i32>} : memref<2x128x32xf32, #tpu.memory_space<vmem>>, vector<1x1x16xf32>,
        %swap3A_955 = vector.shape_cast %swap3A_954 : vector<1x1x16xf32> to vector<16xf32>
        %swap3A_956 = vector.shape_cast %mul3A_950 : vector<16xf32> to vector<1x1x16xf32>
        tpu.vector_store %arg15[%swap3A_951, %swap3A_952, %swap3A_953], %swap3A_956 {strides = array<i32>} : memref<2x128x32xf32, #tpu.memory_space<vmem>>, vector<1x1x16xf32>,
        %get3A_957 = arith.index_cast %rem3A_391 : i32 to index
        %get3A_958 = arith.index_cast %add3A_941 : i32 to index
        %get3A_959 = arith.constant 16 : index
        %get3A_960 = tpu.vector_load %arg15[%get3A_957, %get3A_958, %get3A_959] {strides = array<i32>} : memref<2x128x32xf32, #tpu.memory_space<vmem>>, vector<1x1x16xf32>,
        %get3A_961 = vector.shape_cast %get3A_960 : vector<1x1x16xf32> to vector<16xf32>
        %mul3A_962 = vector.broadcast %squeeze3A_943 : f32 to vector<16xf32>
        %mul3A_963 = arith.mulf %get3A_961, %mul3A_962 : vector<16xf32>
        %swap3A_964 = arith.index_cast %rem3A_391 : i32 to index
        %swap3A_965 = arith.index_cast %add3A_941 : i32 to index
        %swap3A_966 = arith.constant 16 : index
        %swap3A_967 = tpu.vector_load %arg15[%swap3A_964, %swap3A_965, %swap3A_966] {strides = array<i32>} : memref<2x128x32xf32, #tpu.memory_space<vmem>>, vector<1x1x16xf32>,
        %swap3A_968 = vector.shape_cast %swap3A_967 : vector<1x1x16xf32> to vector<16xf32>
        %swap3A_969 = vector.shape_cast %mul3A_963 : vector<16xf32> to vector<1x1x16xf32>
        tpu.vector_store %arg15[%swap3A_964, %swap3A_965, %swap3A_966], %swap3A_969 {strides = array<i32>} : memref<2x128x32xf32, #tpu.memory_space<vmem>>, vector<1x1x16xf32>,
      }
      %scan3A_438 = arith.constant 8 : i32
      %dma_start3A_439 = arith.constant 0 : i32
      %dma_start3A_440 = arith.constant 0 : i32
      %dma_start3A_441 = tpu.memref_slice %arg15[%rem3A_391, %dma_start3A_439, %dma_start3A_440] : memref<2x128x32xf32, #tpu.memory_space<vmem>> -> memref<1x128x32xf32, #tpu.memory_space<vmem>>
      %dma_start3A_442 = tpu.memref_squeeze %dma_start3A_441 : memref<1x128x32xf32, #tpu.memory_space<vmem>> -> memref<128x32xf32, #tpu.memory_space<vmem>>
      %dma_start3A_443 = arith.constant 0 : i32
      %dma_start3A_444 = tpu.memref_slice %arg13[%rem3A_397, %dma_start3A_443] : memref<3x128xi32, #tpu.memory_space<vmem>> -> memref<1x128xi32, #tpu.memory_space<vmem>>
      %dma_start3A_445 = tpu.memref_squeeze %dma_start3A_444 : memref<1x128xi32, #tpu.memory_space<vmem>> -> memref<128xi32, #tpu.memory_space<vmem>>
      %dma_start3A_446 = arith.constant 0 : i32
      %dma_start3A_447 = arith.constant 0 : i32
      %dma_start3A_448 = tpu.memref_slice %arg11[%div3A_399, %dma_start3A_446, %dma_start3A_447] : memref<4x10000x32xf32, #tpu.memory_space<vmem_shared>> -> memref<1x10000x32xf32, #tpu.memory_space<vmem_shared>>
      %dma_start3A_449 = tpu.memref_squeeze %dma_start3A_448 : memref<1x10000x32xf32, #tpu.memory_space<vmem_shared>> -> memref<10000x32xf32, #tpu.memory_space<vmem_shared>>
      %dma_start3A_450 = arith.constant 0 : i32
      %dma_start3A_451 = arith.constant 0 : i32
      %dma_start3A_452 = tpu.memref_slice %dma_start3A_449[%dma_start3A_450, %dma_start3A_451] : memref<10000x32xf32, #tpu.memory_space<vmem_shared>> -> memref<10000x32xf32, #tpu.memory_space<vmem_shared>>
      %dma_start3A_453 = tpu.memref_slice %arg18[%rem3A_391] : memref<2x!tpu.dma_semaphore, #tpu.memory_space<semaphore_mem>> -> memref<1x!tpu.dma_semaphore, #tpu.memory_space<semaphore_mem>>
      %dma_start3A_454 = tpu.memref_squeeze %dma_start3A_453 : memref<1x!tpu.dma_semaphore, #tpu.memory_space<semaphore_mem>> -> memref<!tpu.dma_semaphore, #tpu.memory_space<semaphore_mem>>
      tpu.enqueue_indirect_dma source(%dma_start3A_442 : memref<128x32xf32, #tpu.memory_space<vmem>>) target(%dma_start3A_452 : memref<10000x32xf32, #tpu.memory_space<vmem_shared>>) offsets(%dma_start3A_445 : memref<128xi32, #tpu.memory_space<vmem>>) semaphore(%dma_start3A_454 : memref<!tpu.dma_semaphore, #tpu.memory_space<semaphore_mem>>) {add = true}
    }
    %while3A_159 = arith.constant 1 : i32
    scf.for %while3A_389 = %while3A_157 to %while3A_153 step %while3A_159  : i32 {
      %rem3A_390 = arith.constant 2 : i32
      %rem3A_391 = arith.remsi %while3A_389, %rem3A_390 : i32
      %add3A_392 = arith.constant 1 : i32
      %add3A_393 = arith.addi %while3A_389, %add3A_392 : i32
      %rem3A_394 = arith.constant 2 : i32
      %rem3A_395 = arith.remsi %add3A_393, %rem3A_394 : i32
      %rem3A_396 = arith.constant 3 : i32
      %rem3A_397 = arith.remsi %while3A_389, %rem3A_396 : i32
      %add3A_398 = arith.addi %add3A, %while3A_389 : i32
      %div3A = arith.constant 625 : i32
      %div3A_399 = arith.divsi %add3A_398, %div3A : i32
      %ge3A = arith.constant 1 : i32
      %ge3A_400 = arith.cmpi sge, %while3A_389, %ge3A : i32
      %convert_element_type3A_401 = arith.extui %ge3A_400 : i1 to i32
      %cond3A_402 = arith.constant 0 : i32
      %cond3A_403 = arith.cmpi ne, %convert_element_type3A_401, %cond3A_402 : i32
      scf.if %cond3A_403 {
        %dma_wait3A_455 = arith.constant 0 : i32
        %dma_wait3A_456 = arith.constant 0 : i32
        %dma_wait3A_457 = arith.constant 0 : i32
        %dma_wait3A_458 = arith.constant 0 : i32
        %dma_wait3A_459 = tpu.memref_slice %arg15[%rem3A_395, %dma_wait3A_457, %dma_wait3A_458] : memref<2x128x32xf32, #tpu.memory_space<vmem>> -> memref<1x128x32xf32, #tpu.memory_space<vmem>>
        %dma_wait3A_460 = tpu.memref_squeeze %dma_wait3A_459 : memref<1x128x32xf32, #tpu.memory_space<vmem>> -> memref<128x32xf32, #tpu.memory_space<vmem>>
        %dma_wait3A_461 = arith.constant 0 : i32
        %dma_wait3A_462 = tpu.memref_slice %arg13[%dma_wait3A_456, %dma_wait3A_461] : memref<3x128xi32, #tpu.memory_space<vmem>> -> memref<1x128xi32, #tpu.memory_space<vmem>>
        %dma_wait3A_463 = tpu.memref_squeeze %dma_wait3A_462 : memref<1x128xi32, #tpu.memory_space<vmem>> -> memref<128xi32, #tpu.memory_space<vmem>>
        %dma_wait3A_464 = arith.constant 0 : i32
        %dma_wait3A_465 = arith.constant 0 : i32
        %dma_wait3A_466 = tpu.memref_slice %arg11[%dma_wait3A_455, %dma_wait3A_464, %dma_wait3A_465] : memref<4x10000x32xf32, #tpu.memory_space<vmem_shared>> -> memref<1x10000x32xf32, #tpu.memory_space<vmem_shared>>
        %dma_wait3A_467 = tpu.memref_squeeze %dma_wait3A_466 : memref<1x10000x32xf32, #tpu.memory_space<vmem_shared>> -> memref<10000x32xf32, #tpu.memory_space<vmem_shared>>
        %dma_wait3A_468 = arith.constant 0 : i32
        %dma_wait3A_469 = arith.constant 0 : i32
        %dma_wait3A_470 = tpu.memref_slice %dma_wait3A_467[%dma_wait3A_468, %dma_wait3A_469] : memref<10000x32xf32, #tpu.memory_space<vmem_shared>> -> memref<10000x32xf32, #tpu.memory_space<vmem_shared>>
        %dma_wait3A_471 = tpu.memref_slice %arg18[%rem3A_395] : memref<2x!tpu.dma_semaphore, #tpu.memory_space<semaphore_mem>> -> memref<1x!tpu.dma_semaphore, #tpu.memory_space<semaphore_mem>>
        %dma_wait3A_472 = tpu.memref_squeeze %dma_wait3A_471 : memref<1x!tpu.dma_semaphore, #tpu.memory_space<semaphore_mem>> -> memref<!tpu.dma_semaphore, #tpu.memory_space<semaphore_mem>>
        tpu.wait_indirect_dma semaphore(%dma_wait3A_472 : memref<!tpu.dma_semaphore, #tpu.memory_space<semaphore_mem>>) src(%dma_wait3A_460 : memref<128x32xf32, #tpu.memory_space<vmem>>) dst(%dma_wait3A_470 : memref<10000x32xf32, #tpu.memory_space<vmem_shared>>)
      } else {
      }
      %add3A_404 = arith.constant 2 : i32
      %add3A_405 = arith.addi %while3A_389, %add3A_404 : i32
      %lt3A_406 = arith.cmpi slt, %add3A_405, %select_n3A_10 : i32
      %convert_element_type3A_407 = arith.extui %lt3A_406 : i1 to i32
      %cond3A_408 = arith.constant 0 : i32
      %cond3A_409 = arith.cmpi ne, %convert_element_type3A_407, %cond3A_408 : i32
      scf.if %cond3A_409 {
        %add3A_455 = arith.constant 2 : i32
        %add3A_456 = arith.addi %while3A_389, %add3A_455 : i32
        %rem3A_457 = arith.constant 3 : i32
        %rem3A_458 = arith.remsi %add3A_456, %rem3A_457 : i32
        %add3A_459 = arith.addi %add3A, %add3A_456 : i32
        %eq3A_460 = arith.constant 0 : i32
        %eq3A_461 = arith.cmpi eq, %arg0, %eq3A_460 : i32
        %convert_element_type3A_462 = arith.extui %eq3A_461 : i1 to i32
        %cond3A_463 = arith.constant 0 : i32
        %cond3A_464 = arith.cmpi ne, %convert_element_type3A_462, %cond3A_463 : i32
        scf.if %cond3A_464 {
          %dma_start3A_470 = arith.constant 0 : i32
          %dma_start3A_471 = arith.constant 0 : i32
          %dma_start3A_472 = tpu.memref_slice %arg12[%rem3A_458, %dma_start3A_471] : memref<3x128xi32, #tpu.memory_space<vmem>> -> memref<1x128xi32, #tpu.memory_space<vmem>>
          %dma_start3A_473 = tpu.memref_squeeze %dma_start3A_472 : memref<1x128xi32, #tpu.memory_space<vmem>> -> memref<128xi32, #tpu.memory_space<vmem>>
          %dma_start3A_474 = arith.constant 0 : i32
          %dma_start3A_475 = tpu.memref_slice %arg6[%add3A_459, %dma_start3A_474] : memref<2500x128xi32, #tpu.memory_space<hbm>> -> memref<1x128xi32, #tpu.memory_space<hbm>>
          %dma_start3A_476 = tpu.memref_squeeze %dma_start3A_475 : memref<1x128xi32, #tpu.memory_space<hbm>> -> memref<128xi32, #tpu.memory_space<hbm>>
          %dma_start3A_477 = tpu.memref_slice %arg19[%rem3A_458, %dma_start3A_470] : memref<3x3x!tpu.dma_semaphore, #tpu.memory_space<semaphore_mem>> -> memref<1x1x!tpu.dma_semaphore, #tpu.memory_space<semaphore_mem>>
          %dma_start3A_478 = tpu.memref_squeeze %dma_start3A_477 : memref<1x1x!tpu.dma_semaphore, #tpu.memory_space<semaphore_mem>> -> memref<!tpu.dma_semaphore, #tpu.memory_space<semaphore_mem>>
          %dma_start3A_479 = arith.constant 0 : i32
          %dma_start3A_480 = tpu.memref_slice %arg12[%rem3A_458, %dma_start3A_479] : memref<3x128xi32, #tpu.memory_space<vmem>> -> memref<1x128xi32, #tpu.memory_space<vmem>>
          %dma_start3A_481 = tpu.memref_squeeze %dma_start3A_480 : memref<1x128xi32, #tpu.memory_space<vmem>> -> memref<128xi32, #tpu.memory_space<vmem>>
          %dma_start3A_482 = arith.constant 0 : i32
          %dma_start3A_483 = tpu.memref_slice %arg6[%add3A_459, %dma_start3A_482] : memref<2500x128xi32, #tpu.memory_space<hbm>> -> memref<1x128xi32, #tpu.memory_space<hbm>>
          %dma_start3A_484 = tpu.memref_squeeze %dma_start3A_483 : memref<1x128xi32, #tpu.memory_space<hbm>> -> memref<128xi32, #tpu.memory_space<hbm>>
          tpu.enqueue_dma source(%dma_start3A_484 : memref<128xi32, #tpu.memory_space<hbm>>) target(%dma_start3A_481 : memref<128xi32, #tpu.memory_space<vmem>>) target_semaphore(%dma_start3A_478 : memref<!tpu.dma_semaphore, #tpu.memory_space<semaphore_mem>>)
          %dma_start3A_485 = arith.constant 1 : i32
          %dma_start3A_486 = arith.constant 0 : i32
          %dma_start3A_487 = tpu.memref_slice %arg13[%rem3A_458, %dma_start3A_486] : memref<3x128xi32, #tpu.memory_space<vmem>> -> memref<1x128xi32, #tpu.memory_space<vmem>>
          %dma_start3A_488 = tpu.memref_squeeze %dma_start3A_487 : memref<1x128xi32, #tpu.memory_space<vmem>> -> memref<128xi32, #tpu.memory_space<vmem>>
          %dma_start3A_489 = arith.constant 0 : i32
          %dma_start3A_490 = tpu.memref_slice %arg3[%add3A_459, %dma_start3A_489] : memref<2500x128xi32, #tpu.memory_space<hbm>> -> memref<1x128xi32, #tpu.memory_space<hbm>>
          %dma_start3A_491 = tpu.memref_squeeze %dma_start3A_490 : memref<1x128xi32, #tpu.memory_space<hbm>> -> memref<128xi32, #tpu.memory_space<hbm>>
          %dma_start3A_492 = tpu.memref_slice %arg19[%rem3A_458, %dma_start3A_485] : memref<3x3x!tpu.dma_semaphore, #tpu.memory_space<semaphore_mem>> -> memref<1x1x!tpu.dma_semaphore, #tpu.memory_space<semaphore_mem>>
          %dma_start3A_493 = tpu.memref_squeeze %dma_start3A_492 : memref<1x1x!tpu.dma_semaphore, #tpu.memory_space<semaphore_mem>> -> memref<!tpu.dma_semaphore, #tpu.memory_space<semaphore_mem>>
          %dma_start3A_494 = arith.constant 0 : i32
          %dma_start3A_495 = tpu.memref_slice %arg13[%rem3A_458, %dma_start3A_494] : memref<3x128xi32, #tpu.memory_space<vmem>> -> memref<1x128xi32, #tpu.memory_space<vmem>>
          %dma_start3A_496 = tpu.memref_squeeze %dma_start3A_495 : memref<1x128xi32, #tpu.memory_space<vmem>> -> memref<128xi32, #tpu.memory_space<vmem>>
          %dma_start3A_497 = arith.constant 0 : i32
          %dma_start3A_498 = tpu.memref_slice %arg3[%add3A_459, %dma_start3A_497] : memref<2500x128xi32, #tpu.memory_space<hbm>> -> memref<1x128xi32, #tpu.memory_space<hbm>>
          %dma_start3A_499 = tpu.memref_squeeze %dma_start3A_498 : memref<1x128xi32, #tpu.memory_space<hbm>> -> memref<128xi32, #tpu.memory_space<hbm>>
          tpu.enqueue_dma source(%dma_start3A_499 : memref<128xi32, #tpu.memory_space<hbm>>) target(%dma_start3A_496 : memref<128xi32, #tpu.memory_space<vmem>>) target_semaphore(%dma_start3A_493 : memref<!tpu.dma_semaphore, #tpu.memory_space<semaphore_mem>>)
          %dma_start3A_500 = arith.constant 2 : i32
          %dma_start3A_501 = arith.constant 0 : i32
          %dma_start3A_502 = tpu.memref_slice %arg14[%rem3A_458, %dma_start3A_501] : memref<3x128xf32, #tpu.memory_space<vmem>> -> memref<1x128xf32, #tpu.memory_space<vmem>>
          %dma_start3A_503 = tpu.memref_squeeze %dma_start3A_502 : memref<1x128xf32, #tpu.memory_space<vmem>> -> memref<128xf32, #tpu.memory_space<vmem>>
          %dma_start3A_504 = arith.constant 0 : i32
          %dma_start3A_505 = tpu.memref_slice %arg7[%add3A_459, %dma_start3A_504] : memref<2500x128xf32, #tpu.memory_space<hbm>> -> memref<1x128xf32, #tpu.memory_space<hbm>>
          %dma_start3A_506 = tpu.memref_squeeze %dma_start3A_505 : memref<1x128xf32, #tpu.memory_space<hbm>> -> memref<128xf32, #tpu.memory_space<hbm>>
          %dma_start3A_507 = tpu.memref_slice %arg19[%rem3A_458, %dma_start3A_500] : memref<3x3x!tpu.dma_semaphore, #tpu.memory_space<semaphore_mem>> -> memref<1x1x!tpu.dma_semaphore, #tpu.memory_space<semaphore_mem>>
          %dma_start3A_508 = tpu.memref_squeeze %dma_start3A_507 : memref<1x1x!tpu.dma_semaphore, #tpu.memory_space<semaphore_mem>> -> memref<!tpu.dma_semaphore, #tpu.memory_space<semaphore_mem>>
          %dma_start3A_509 = arith.constant 0 : i32
          %dma_start3A_510 = tpu.memref_slice %arg14[%rem3A_458, %dma_start3A_509] : memref<3x128xf32, #tpu.memory_space<vmem>> -> memref<1x128xf32, #tpu.memory_space<vmem>>
          %dma_start3A_511 = tpu.memref_squeeze %dma_start3A_510 : memref<1x128xf32, #tpu.memory_space<vmem>> -> memref<128xf32, #tpu.memory_space<vmem>>
          %dma_start3A_512 = arith.constant 0 : i32
          %dma_start3A_513 = tpu.memref_slice %arg7[%add3A_459, %dma_start3A_512] : memref<2500x128xf32, #tpu.memory_space<hbm>> -> memref<1x128xf32, #tpu.memory_space<hbm>>
          %dma_start3A_514 = tpu.memref_squeeze %dma_start3A_513 : memref<1x128xf32, #tpu.memory_space<hbm>> -> memref<128xf32, #tpu.memory_space<hbm>>
          tpu.enqueue_dma source(%dma_start3A_514 : memref<128xf32, #tpu.memory_space<hbm>>) target(%dma_start3A_511 : memref<128xf32, #tpu.memory_space<vmem>>) target_semaphore(%dma_start3A_508 : memref<!tpu.dma_semaphore, #tpu.memory_space<semaphore_mem>>)
        } else {
        }
        %eq3A_465 = arith.constant 1 : i32
        %eq3A_466 = arith.cmpi eq, %arg0, %eq3A_465 : i32
        %convert_element_type3A_467 = arith.extui %eq3A_466 : i1 to i32
        %cond3A_468 = arith.constant 0 : i32
        %cond3A_469 = arith.cmpi ne, %convert_element_type3A_467, %cond3A_468 : i32
        scf.if %cond3A_469 {
          %dma_start3A_470 = arith.constant 0 : i32
          %dma_start3A_471 = arith.constant 0 : i32
          %dma_start3A_472 = tpu.memref_slice %arg12[%rem3A_458, %dma_start3A_471] : memref<3x128xi32, #tpu.memory_space<vmem>> -> memref<1x128xi32, #tpu.memory_space<vmem>>
          %dma_start3A_473 = tpu.memref_squeeze %dma_start3A_472 : memref<1x128xi32, #tpu.memory_space<vmem>> -> memref<128xi32, #tpu.memory_space<vmem>>
          %dma_start3A_474 = arith.constant 0 : i32
          %dma_start3A_475 = tpu.memref_slice %arg5[%add3A_459, %dma_start3A_474] : memref<2500x128xi32, #tpu.memory_space<hbm>> -> memref<1x128xi32, #tpu.memory_space<hbm>>
          %dma_start3A_476 = tpu.memref_squeeze %dma_start3A_475 : memref<1x128xi32, #tpu.memory_space<hbm>> -> memref<128xi32, #tpu.memory_space<hbm>>
          %dma_start3A_477 = tpu.memref_slice %arg19[%rem3A_458, %dma_start3A_470] : memref<3x3x!tpu.dma_semaphore, #tpu.memory_space<semaphore_mem>> -> memref<1x1x!tpu.dma_semaphore, #tpu.memory_space<semaphore_mem>>
          %dma_start3A_478 = tpu.memref_squeeze %dma_start3A_477 : memref<1x1x!tpu.dma_semaphore, #tpu.memory_space<semaphore_mem>> -> memref<!tpu.dma_semaphore, #tpu.memory_space<semaphore_mem>>
          %dma_start3A_479 = arith.constant 0 : i32
          %dma_start3A_480 = tpu.memref_slice %arg12[%rem3A_458, %dma_start3A_479] : memref<3x128xi32, #tpu.memory_space<vmem>> -> memref<1x128xi32, #tpu.memory_space<vmem>>
          %dma_start3A_481 = tpu.memref_squeeze %dma_start3A_480 : memref<1x128xi32, #tpu.memory_space<vmem>> -> memref<128xi32, #tpu.memory_space<vmem>>
          %dma_start3A_482 = arith.constant 0 : i32
          %dma_start3A_483 = tpu.memref_slice %arg5[%add3A_459, %dma_start3A_482] : memref<2500x128xi32, #tpu.memory_space<hbm>> -> memref<1x128xi32, #tpu.memory_space<hbm>>
          %dma_start3A_484 = tpu.memref_squeeze %dma_start3A_483 : memref<1x128xi32, #tpu.memory_space<hbm>> -> memref<128xi32, #tpu.memory_space<hbm>>
          tpu.enqueue_dma source(%dma_start3A_484 : memref<128xi32, #tpu.memory_space<hbm>>) target(%dma_start3A_481 : memref<128xi32, #tpu.memory_space<vmem>>) target_semaphore(%dma_start3A_478 : memref<!tpu.dma_semaphore, #tpu.memory_space<semaphore_mem>>)
          %dma_start3A_485 = arith.constant 1 : i32
          %dma_start3A_486 = arith.constant 0 : i32
          %dma_start3A_487 = tpu.memref_slice %arg13[%rem3A_458, %dma_start3A_486] : memref<3x128xi32, #tpu.memory_space<vmem>> -> memref<1x128xi32, #tpu.memory_space<vmem>>
          %dma_start3A_488 = tpu.memref_squeeze %dma_start3A_487 : memref<1x128xi32, #tpu.memory_space<vmem>> -> memref<128xi32, #tpu.memory_space<vmem>>
          %dma_start3A_489 = arith.constant 0 : i32
          %dma_start3A_490 = tpu.memref_slice %arg4[%add3A_459, %dma_start3A_489] : memref<2500x128xi32, #tpu.memory_space<hbm>> -> memref<1x128xi32, #tpu.memory_space<hbm>>
          %dma_start3A_491 = tpu.memref_squeeze %dma_start3A_490 : memref<1x128xi32, #tpu.memory_space<hbm>> -> memref<128xi32, #tpu.memory_space<hbm>>
          %dma_start3A_492 = tpu.memref_slice %arg19[%rem3A_458, %dma_start3A_485] : memref<3x3x!tpu.dma_semaphore, #tpu.memory_space<semaphore_mem>> -> memref<1x1x!tpu.dma_semaphore, #tpu.memory_space<semaphore_mem>>
          %dma_start3A_493 = tpu.memref_squeeze %dma_start3A_492 : memref<1x1x!tpu.dma_semaphore, #tpu.memory_space<semaphore_mem>> -> memref<!tpu.dma_semaphore, #tpu.memory_space<semaphore_mem>>
          %dma_start3A_494 = arith.constant 0 : i32
          %dma_start3A_495 = tpu.memref_slice %arg13[%rem3A_458, %dma_start3A_494] : memref<3x128xi32, #tpu.memory_space<vmem>> -> memref<1x128xi32, #tpu.memory_space<vmem>>
          %dma_start3A_496 = tpu.memref_squeeze %dma_start3A_495 : memref<1x128xi32, #tpu.memory_space<vmem>> -> memref<128xi32, #tpu.memory_space<vmem>>
          %dma_start3A_497 = arith.constant 0 : i32
          %dma_start3A_498 = tpu.memref_slice %arg4[%add3A_459, %dma_start3A_497] : memref<2500x128xi32, #tpu.memory_space<hbm>> -> memref<1x128xi32, #tpu.memory_space<hbm>>
          %dma_start3A_499 = tpu.memref_squeeze %dma_start3A_498 : memref<1x128xi32, #tpu.memory_space<hbm>> -> memref<128xi32, #tpu.memory_space<hbm>>
          tpu.enqueue_dma source(%dma_start3A_499 : memref<128xi32, #tpu.memory_space<hbm>>) target(%dma_start3A_496 : memref<128xi32, #tpu.memory_space<vmem>>) target_semaphore(%dma_start3A_493 : memref<!tpu.dma_semaphore, #tpu.memory_space<semaphore_mem>>)
          %dma_start3A_500 = arith.constant 2 : i32
          %dma_start3A_501 = arith.constant 0 : i32
          %dma_start3A_502 = tpu.memref_slice %arg14[%rem3A_458, %dma_start3A_501] : memref<3x128xf32, #tpu.memory_space<vmem>> -> memref<1x128xf32, #tpu.memory_space<vmem>>
          %dma_start3A_503 = tpu.memref_squeeze %dma_start3A_502 : memref<1x128xf32, #tpu.memory_space<vmem>> -> memref<128xf32, #tpu.memory_space<vmem>>
          %dma_start3A_504 = arith.constant 0 : i32
          %dma_start3A_505 = tpu.memref_slice %arg8[%add3A_459, %dma_start3A_504] : memref<2500x128xf32, #tpu.memory_space<hbm>> -> memref<1x128xf32, #tpu.memory_space<hbm>>
          %dma_start3A_506 = tpu.memref_squeeze %dma_start3A_505 : memref<1x128xf32, #tpu.memory_space<hbm>> -> memref<128xf32, #tpu.memory_space<hbm>>
          %dma_start3A_507 = tpu.memref_slice %arg19[%rem3A_458, %dma_start3A_500] : memref<3x3x!tpu.dma_semaphore, #tpu.memory_space<semaphore_mem>> -> memref<1x1x!tpu.dma_semaphore, #tpu.memory_space<semaphore_mem>>
          %dma_start3A_508 = tpu.memref_squeeze %dma_start3A_507 : memref<1x1x!tpu.dma_semaphore, #tpu.memory_space<semaphore_mem>> -> memref<!tpu.dma_semaphore, #tpu.memory_space<semaphore_mem>>
          %dma_start3A_509 = arith.constant 0 : i32
          %dma_start3A_510 = tpu.memref_slice %arg14[%rem3A_458, %dma_start3A_509] : memref<3x128xf32, #tpu.memory_space<vmem>> -> memref<1x128xf32, #tpu.memory_space<vmem>>
          %dma_start3A_511 = tpu.memref_squeeze %dma_start3A_510 : memref<1x128xf32, #tpu.memory_space<vmem>> -> memref<128xf32, #tpu.memory_space<vmem>>
          %dma_start3A_512 = arith.constant 0 : i32
          %dma_start3A_513 = tpu.memref_slice %arg8[%add3A_459, %dma_start3A_512] : memref<2500x128xf32, #tpu.memory_space<hbm>> -> memref<1x128xf32, #tpu.memory_space<hbm>>
          %dma_start3A_514 = tpu.memref_squeeze %dma_start3A_513 : memref<1x128xf32, #tpu.memory_space<hbm>> -> memref<128xf32, #tpu.memory_space<hbm>>
          tpu.enqueue_dma source(%dma_start3A_514 : memref<128xf32, #tpu.memory_space<hbm>>) target(%dma_start3A_511 : memref<128xf32, #tpu.memory_space<vmem>>) target_semaphore(%dma_start3A_508 : memref<!tpu.dma_semaphore, #tpu.memory_space<semaphore_mem>>)
        } else {
        }
      } else {
      }
      %add3A_410 = arith.constant 1 : i32
      %add3A_411 = arith.addi %while3A_389, %add3A_410 : i32
      %lt3A_412 = arith.cmpi slt, %add3A_411, %select_n3A_10 : i32
      %convert_element_type3A_413 = arith.extui %lt3A_412 : i1 to i32
      %cond3A_414 = arith.constant 0 : i32
      %cond3A_415 = arith.cmpi ne, %convert_element_type3A_413, %cond3A_414 : i32
      scf.if %cond3A_415 {
        %add3A_455 = arith.constant 1 : i32
        %add3A_456 = arith.addi %while3A_389, %add3A_455 : i32
        %rem3A_457 = arith.constant 3 : i32
        %rem3A_458 = arith.remsi %add3A_456, %rem3A_457 : i32
        %dma_wait3A_459 = arith.constant 0 : i32
        %dma_wait3A_460 = arith.constant 0 : i32
        %dma_wait3A_461 = arith.constant 0 : i32
        %dma_wait3A_462 = tpu.memref_slice %arg12[%rem3A_458, %dma_wait3A_461] : memref<3x128xi32, #tpu.memory_space<vmem>> -> memref<1x128xi32, #tpu.memory_space<vmem>>
        %dma_wait3A_463 = tpu.memref_squeeze %dma_wait3A_462 : memref<1x128xi32, #tpu.memory_space<vmem>> -> memref<128xi32, #tpu.memory_space<vmem>>
        %dma_wait3A_464 = arith.constant 0 : i32
        %dma_wait3A_465 = tpu.memref_slice %arg3[%dma_wait3A_459, %dma_wait3A_464] : memref<2500x128xi32, #tpu.memory_space<hbm>> -> memref<1x128xi32, #tpu.memory_space<hbm>>
        %dma_wait3A_466 = tpu.memref_squeeze %dma_wait3A_465 : memref<1x128xi32, #tpu.memory_space<hbm>> -> memref<128xi32, #tpu.memory_space<hbm>>
        %dma_wait3A_467 = tpu.memref_slice %arg19[%rem3A_458, %dma_wait3A_460] : memref<3x3x!tpu.dma_semaphore, #tpu.memory_space<semaphore_mem>> -> memref<1x1x!tpu.dma_semaphore, #tpu.memory_space<semaphore_mem>>
        %dma_wait3A_468 = tpu.memref_squeeze %dma_wait3A_467 : memref<1x1x!tpu.dma_semaphore, #tpu.memory_space<semaphore_mem>> -> memref<!tpu.dma_semaphore, #tpu.memory_space<semaphore_mem>>
        %dma_wait3A_469 = arith.constant 0 : i32
        %dma_wait3A_470 = tpu.memref_slice %arg12[%rem3A_458, %dma_wait3A_469] : memref<3x128xi32, #tpu.memory_space<vmem>> -> memref<1x128xi32, #tpu.memory_space<vmem>>
        %dma_wait3A_471 = tpu.memref_squeeze %dma_wait3A_470 : memref<1x128xi32, #tpu.memory_space<vmem>> -> memref<128xi32, #tpu.memory_space<vmem>>
        %dma_wait3A_472 = arith.constant 0 : i32
        %dma_wait3A_473 = tpu.memref_slice %arg3[%dma_wait3A_459, %dma_wait3A_472] : memref<2500x128xi32, #tpu.memory_space<hbm>> -> memref<1x128xi32, #tpu.memory_space<hbm>>
        %dma_wait3A_474 = tpu.memref_squeeze %dma_wait3A_473 : memref<1x128xi32, #tpu.memory_space<hbm>> -> memref<128xi32, #tpu.memory_space<hbm>>
        tpu.wait_dma2 semaphore(%dma_wait3A_468 : memref<!tpu.dma_semaphore, #tpu.memory_space<semaphore_mem>>) src(%dma_wait3A_474 : memref<128xi32, #tpu.memory_space<hbm>>) dst(%dma_wait3A_471 : memref<128xi32, #tpu.memory_space<vmem>>)
        %dma_wait3A_475 = arith.constant 0 : i32
        %dma_wait3A_476 = arith.constant 1 : i32
        %dma_wait3A_477 = arith.constant 0 : i32
        %dma_wait3A_478 = tpu.memref_slice %arg13[%rem3A_458, %dma_wait3A_477] : memref<3x128xi32, #tpu.memory_space<vmem>> -> memref<1x128xi32, #tpu.memory_space<vmem>>
        %dma_wait3A_479 = tpu.memref_squeeze %dma_wait3A_478 : memref<1x128xi32, #tpu.memory_space<vmem>> -> memref<128xi32, #tpu.memory_space<vmem>>
        %dma_wait3A_480 = arith.constant 0 : i32
        %dma_wait3A_481 = tpu.memref_slice %arg3[%dma_wait3A_475, %dma_wait3A_480] : memref<2500x128xi32, #tpu.memory_space<hbm>> -> memref<1x128xi32, #tpu.memory_space<hbm>>
        %dma_wait3A_482 = tpu.memref_squeeze %dma_wait3A_481 : memref<1x128xi32, #tpu.memory_space<hbm>> -> memref<128xi32, #tpu.memory_space<hbm>>
        %dma_wait3A_483 = tpu.memref_slice %arg19[%rem3A_458, %dma_wait3A_476] : memref<3x3x!tpu.dma_semaphore, #tpu.memory_space<semaphore_mem>> -> memref<1x1x!tpu.dma_semaphore, #tpu.memory_space<semaphore_mem>>
        %dma_wait3A_484 = tpu.memref_squeeze %dma_wait3A_483 : memref<1x1x!tpu.dma_semaphore, #tpu.memory_space<semaphore_mem>> -> memref<!tpu.dma_semaphore, #tpu.memory_space<semaphore_mem>>
        %dma_wait3A_485 = arith.constant 0 : i32
        %dma_wait3A_486 = tpu.memref_slice %arg13[%rem3A_458, %dma_wait3A_485] : memref<3x128xi32, #tpu.memory_space<vmem>> -> memref<1x128xi32, #tpu.memory_space<vmem>>
        %dma_wait3A_487 = tpu.memref_squeeze %dma_wait3A_486 : memref<1x128xi32, #tpu.memory_space<vmem>> -> memref<128xi32, #tpu.memory_space<vmem>>
        %dma_wait3A_488 = arith.constant 0 : i32
        %dma_wait3A_489 = tpu.memref_slice %arg3[%dma_wait3A_475, %dma_wait3A_488] : memref<2500x128xi32, #tpu.memory_space<hbm>> -> memref<1x128xi32, #tpu.memory_space<hbm>>
        %dma_wait3A_490 = tpu.memref_squeeze %dma_wait3A_489 : memref<1x128xi32, #tpu.memory_space<hbm>> -> memref<128xi32, #tpu.memory_space<hbm>>
        tpu.wait_dma2 semaphore(%dma_wait3A_484 : memref<!tpu.dma_semaphore, #tpu.memory_space<semaphore_mem>>) src(%dma_wait3A_490 : memref<128xi32, #tpu.memory_space<hbm>>) dst(%dma_wait3A_487 : memref<128xi32, #tpu.memory_space<vmem>>)
        %dma_wait3A_491 = arith.constant 0 : i32
        %dma_wait3A_492 = arith.constant 2 : i32
        %dma_wait3A_493 = arith.constant 0 : i32
        %dma_wait3A_494 = tpu.memref_slice %arg14[%rem3A_458, %dma_wait3A_493] : memref<3x128xf32, #tpu.memory_space<vmem>> -> memref<1x128xf32, #tpu.memory_space<vmem>>
        %dma_wait3A_495 = tpu.memref_squeeze %dma_wait3A_494 : memref<1x128xf32, #tpu.memory_space<vmem>> -> memref<128xf32, #tpu.memory_space<vmem>>
        %dma_wait3A_496 = arith.constant 0 : i32
        %dma_wait3A_497 = tpu.memref_slice %arg7[%dma_wait3A_491, %dma_wait3A_496] : memref<2500x128xf32, #tpu.memory_space<hbm>> -> memref<1x128xf32, #tpu.memory_space<hbm>>
        %dma_wait3A_498 = tpu.memref_squeeze %dma_wait3A_497 : memref<1x128xf32, #tpu.memory_space<hbm>> -> memref<128xf32, #tpu.memory_space<hbm>>
        %dma_wait3A_499 = tpu.memref_slice %arg19[%rem3A_458, %dma_wait3A_492] : memref<3x3x!tpu.dma_semaphore, #tpu.memory_space<semaphore_mem>> -> memref<1x1x!tpu.dma_semaphore, #tpu.memory_space<semaphore_mem>>
        %dma_wait3A_500 = tpu.memref_squeeze %dma_wait3A_499 : memref<1x1x!tpu.dma_semaphore, #tpu.memory_space<semaphore_mem>> -> memref<!tpu.dma_semaphore, #tpu.memory_space<semaphore_mem>>
        %dma_wait3A_501 = arith.constant 0 : i32
        %dma_wait3A_502 = tpu.memref_slice %arg14[%rem3A_458, %dma_wait3A_501] : memref<3x128xf32, #tpu.memory_space<vmem>> -> memref<1x128xf32, #tpu.memory_space<vmem>>
        %dma_wait3A_503 = tpu.memref_squeeze %dma_wait3A_502 : memref<1x128xf32, #tpu.memory_space<vmem>> -> memref<128xf32, #tpu.memory_space<vmem>>
        %dma_wait3A_504 = arith.constant 0 : i32
        %dma_wait3A_505 = tpu.memref_slice %arg7[%dma_wait3A_491, %dma_wait3A_504] : memref<2500x128xf32, #tpu.memory_space<hbm>> -> memref<1x128xf32, #tpu.memory_space<hbm>>
        %dma_wait3A_506 = tpu.memref_squeeze %dma_wait3A_505 : memref<1x128xf32, #tpu.memory_space<hbm>> -> memref<128xf32, #tpu.memory_space<hbm>>
        tpu.wait_dma2 semaphore(%dma_wait3A_500 : memref<!tpu.dma_semaphore, #tpu.memory_space<semaphore_mem>>) src(%dma_wait3A_506 : memref<128xf32, #tpu.memory_space<hbm>>) dst(%dma_wait3A_503 : memref<128xf32, #tpu.memory_space<vmem>>)
        %add3A_507 = arith.constant 1 : i32
        %add3A_508 = arith.addi %while3A_389, %add3A_507 : i32
        %rem3A_509 = arith.constant 3 : i32
        %rem3A_510 = arith.remsi %add3A_508, %rem3A_509 : i32
        %dma_start3A_511 = arith.constant 0 : i32
        %dma_start3A_512 = arith.constant 0 : i32
        %dma_start3A_513 = tpu.memref_slice %arg15[%rem3A_395, %dma_start3A_511, %dma_start3A_512] : memref<2x128x32xf32, #tpu.memory_space<vmem>> -> memref<1x128x32xf32, #tpu.memory_space<vmem>>
        %dma_start3A_514 = tpu.memref_squeeze %dma_start3A_513 : memref<1x128x32xf32, #tpu.memory_space<vmem>> -> memref<128x32xf32, #tpu.memory_space<vmem>>
        %dma_start3A_515 = arith.constant 0 : i32
        %dma_start3A_516 = tpu.memref_slice %arg12[%rem3A_510, %dma_start3A_515] : memref<3x128xi32, #tpu.memory_space<vmem>> -> memref<1x128xi32, #tpu.memory_space<vmem>>
        %dma_start3A_517 = tpu.memref_squeeze %dma_start3A_516 : memref<1x128xi32, #tpu.memory_space<vmem>> -> memref<128xi32, #tpu.memory_space<vmem>>
        %dma_start3A_518 = arith.constant 0 : i32
        %dma_start3A_519 = arith.constant 0 : i32
        %dma_start3A_520 = tpu.memref_slice %arg2[%arg0, %dma_start3A_518, %dma_start3A_519] : memref<2x40000x32xf32, #tpu.memory_space<hbm>> -> memref<1x40000x32xf32, #tpu.memory_space<hbm>>
        %dma_start3A_521 = tpu.memref_squeeze %dma_start3A_520 : memref<1x40000x32xf32, #tpu.memory_space<hbm>> -> memref<40000x32xf32, #tpu.memory_space<hbm>>
        %dma_start3A_522 = arith.constant 0 : i32
        %dma_start3A_523 = arith.constant 0 : i32
        %dma_start3A_524 = tpu.memref_slice %dma_start3A_521[%dma_start3A_522, %dma_start3A_523] : memref<40000x32xf32, #tpu.memory_space<hbm>> -> memref<40000x32xf32, #tpu.memory_space<hbm>>
        %dma_start3A_525 = tpu.memref_slice %arg17[%rem3A_395] : memref<2x!tpu.dma_semaphore, #tpu.memory_space<semaphore_mem>> -> memref<1x!tpu.dma_semaphore, #tpu.memory_space<semaphore_mem>>
        %dma_start3A_526 = tpu.memref_squeeze %dma_start3A_525 : memref<1x!tpu.dma_semaphore, #tpu.memory_space<semaphore_mem>> -> memref<!tpu.dma_semaphore, #tpu.memory_space<semaphore_mem>>
        tpu.enqueue_indirect_dma source(%dma_start3A_524 : memref<40000x32xf32, #tpu.memory_space<hbm>>) target(%dma_start3A_514 : memref<128x32xf32, #tpu.memory_space<vmem>>) offsets(%dma_start3A_517 : memref<128xi32, #tpu.memory_space<vmem>>) semaphore(%dma_start3A_526 : memref<!tpu.dma_semaphore, #tpu.memory_space<semaphore_mem>>)
      } else {
      }
      %dma_wait3A_416 = arith.constant 0 : i32
      %dma_wait3A_417 = arith.constant 0 : i32
      %dma_wait3A_418 = arith.constant 0 : i32
      %dma_wait3A_419 = tpu.memref_slice %arg15[%rem3A_391, %dma_wait3A_417, %dma_wait3A_418] : memref<2x128x32xf32, #tpu.memory_space<vmem>> -> memref<1x128x32xf32, #tpu.memory_space<vmem>>
      %dma_wait3A_420 = tpu.memref_squeeze %dma_wait3A_419 : memref<1x128x32xf32, #tpu.memory_space<vmem>> -> memref<128x32xf32, #tpu.memory_space<vmem>>
      %dma_wait3A_421 = arith.constant 0 : i32
      %dma_wait3A_422 = tpu.memref_slice %arg12[%dma_wait3A_416, %dma_wait3A_421] : memref<3x128xi32, #tpu.memory_space<vmem>> -> memref<1x128xi32, #tpu.memory_space<vmem>>
      %dma_wait3A_423 = tpu.memref_squeeze %dma_wait3A_422 : memref<1x128xi32, #tpu.memory_space<vmem>> -> memref<128xi32, #tpu.memory_space<vmem>>
      %dma_wait3A_424 = arith.constant 0 : i32
      %dma_wait3A_425 = arith.constant 0 : i32
      %dma_wait3A_426 = tpu.memref_slice %arg2[%arg0, %dma_wait3A_424, %dma_wait3A_425] : memref<2x40000x32xf32, #tpu.memory_space<hbm>> -> memref<1x40000x32xf32, #tpu.memory_space<hbm>>
      %dma_wait3A_427 = tpu.memref_squeeze %dma_wait3A_426 : memref<1x40000x32xf32, #tpu.memory_space<hbm>> -> memref<40000x32xf32, #tpu.memory_space<hbm>>
      %dma_wait3A_428 = arith.constant 0 : i32
      %dma_wait3A_429 = arith.constant 0 : i32
      %dma_wait3A_430 = tpu.memref_slice %dma_wait3A_427[%dma_wait3A_428, %dma_wait3A_429] : memref<40000x32xf32, #tpu.memory_space<hbm>> -> memref<40000x32xf32, #tpu.memory_space<hbm>>
      %dma_wait3A_431 = tpu.memref_slice %arg17[%rem3A_391] : memref<2x!tpu.dma_semaphore, #tpu.memory_space<semaphore_mem>> -> memref<1x!tpu.dma_semaphore, #tpu.memory_space<semaphore_mem>>
      %dma_wait3A_432 = tpu.memref_squeeze %dma_wait3A_431 : memref<1x!tpu.dma_semaphore, #tpu.memory_space<semaphore_mem>> -> memref<!tpu.dma_semaphore, #tpu.memory_space<semaphore_mem>>
      tpu.wait_indirect_dma semaphore(%dma_wait3A_432 : memref<!tpu.dma_semaphore, #tpu.memory_space<semaphore_mem>>) src(%dma_wait3A_430 : memref<40000x32xf32, #tpu.memory_space<hbm>>) dst(%dma_wait3A_420 : memref<128x32xf32, #tpu.memory_space<vmem>>)
      %scan3A_433 = arith.constant 0 : i32
      %scan3A_434 = arith.constant 0 : i32
      %scan3A_435 = arith.constant 8 : i32
      %scan3A_436 = arith.addi %scan3A_434, %scan3A_435 : i32
      %scan3A_437 = arith.constant 1 : i32
      scf.for %scan3A_455 = %scan3A_434 to %scan3A_436 step %scan3A_437  : i32 {
        %mul3A_456 = arith.constant 16 : i32
        %mul3A_457 = arith.muli %scan3A_455, %mul3A_456 : i32
        %get3A = arith.index_cast %rem3A_397 : i32 to index
        %get3A_458 = arith.index_cast %mul3A_457 : i32 to index
        %get3A_459 = tpu.vector_load %arg14[%get3A, %get3A_458] {strides = array<i32>} : memref<3x128xf32, #tpu.memory_space<vmem>>, vector<1x16xf32>,
        %get3A_460 = vector.shape_cast %get3A_459 : vector<1x16xf32> to vector<16xf32>
        %mul3A_461 = arith.constant 16 : i32
        %mul3A_462 = arith.muli %scan3A_455, %mul3A_461 : i32
        %add3A_463 = arith.constant 0 : i32
        %add3A_464 = arith.addi %mul3A_462, %add3A_463 : i32
        %slice3A = vector.extract_strided_slice %get3A_460 {offsets = [0], sizes = [1], strides = [1]} : vector<16xf32> to vector<1xf32>
        %squeeze3A = vector.extract %slice3A[0] : f32 from vector<1xf32>
        %get3A_465 = arith.index_cast %rem3A_391 : i32 to index
        %get3A_466 = arith.index_cast %add3A_464 : i32 to index
        %get3A_467 = arith.constant 0 : index
        %get3A_468 = tpu.vector_load %arg15[%get3A_465, %get3A_466, %get3A_467] {strides = array<i32>} : memref<2x128x32xf32, #tpu.memory_space<vmem>>, vector<1x1x16xf32>,
        %get3A_469 = vector.shape_cast %get3A_468 : vector<1x1x16xf32> to vector<16xf32>
        %mul3A_470 = vector.broadcast %squeeze3A : f32 to vector<16xf32>
        %mul3A_471 = arith.mulf %get3A_469, %mul3A_470 : vector<16xf32>
        %swap3A = arith.index_cast %rem3A_391 : i32 to index
        %swap3A_472 = arith.index_cast %add3A_464 : i32 to index
        %swap3A_473 = arith.constant 0 : index
        %swap3A_474 = tpu.vector_load %arg15[%swap3A, %swap3A_472, %swap3A_473] {strides = array<i32>} : memref<2x128x32xf32, #tpu.memory_space<vmem>>, vector<1x1x16xf32>,
        %swap3A_475 = vector.shape_cast %swap3A_474 : vector<1x1x16xf32> to vector<16xf32>
        %swap3A_476 = vector.shape_cast %mul3A_471 : vector<16xf32> to vector<1x1x16xf32>
        tpu.vector_store %arg15[%swap3A, %swap3A_472, %swap3A_473], %swap3A_476 {strides = array<i32>} : memref<2x128x32xf32, #tpu.memory_space<vmem>>, vector<1x1x16xf32>,
        %get3A_477 = arith.index_cast %rem3A_391 : i32 to index
        %get3A_478 = arith.index_cast %add3A_464 : i32 to index
        %get3A_479 = arith.constant 16 : index
        %get3A_480 = tpu.vector_load %arg15[%get3A_477, %get3A_478, %get3A_479] {strides = array<i32>} : memref<2x128x32xf32, #tpu.memory_space<vmem>>, vector<1x1x16xf32>,
        %get3A_481 = vector.shape_cast %get3A_480 : vector<1x1x16xf32> to vector<16xf32>
        %mul3A_482 = vector.broadcast %squeeze3A : f32 to vector<16xf32>
        %mul3A_483 = arith.mulf %get3A_481, %mul3A_482 : vector<16xf32>
        %swap3A_484 = arith.index_cast %rem3A_391 : i32 to index
        %swap3A_485 = arith.index_cast %add3A_464 : i32 to index
        %swap3A_486 = arith.constant 16 : index
        %swap3A_487 = tpu.vector_load %arg15[%swap3A_484, %swap3A_485, %swap3A_486] {strides = array<i32>} : memref<2x128x32xf32, #tpu.memory_space<vmem>>, vector<1x1x16xf32>,
        %swap3A_488 = vector.shape_cast %swap3A_487 : vector<1x1x16xf32> to vector<16xf32>
        %swap3A_489 = vector.shape_cast %mul3A_483 : vector<16xf32> to vector<1x1x16xf32>
        tpu.vector_store %arg15[%swap3A_484, %swap3A_485, %swap3A_486], %swap3A_489 {strides = array<i32>} : memref<2x128x32xf32, #tpu.memory_space<vmem>>, vector<1x1x16xf32>,
        %mul3A_490 = arith.constant 16 : i32
        %mul3A_491 = arith.muli %scan3A_455, %mul3A_490 : i32
        %add3A_492 = arith.constant 1 : i32
        %add3A_493 = arith.addi %mul3A_491, %add3A_492 : i32
        %slice3A_494 = vector.extract_strided_slice %get3A_460 {offsets = [1], sizes = [1], strides = [1]} : vector<16xf32> to vector<1xf32>
        %squeeze3A_495 = vector.extract %slice3A_494[0] : f32 from vector<1xf32>
        %get3A_496 = arith.index_cast %rem3A_391 : i32 to index
        %get3A_497 = arith.index_cast %add3A_493 : i32 to index
        %get3A_498 = arith.constant 0 : index
        %get3A_499 = tpu.vector_load %arg15[%get3A_496, %get3A_497, %get3A_498] {strides = array<i32>} : memref<2x128x32xf32, #tpu.memory_space<vmem>>, vector<1x1x16xf32>,
        %get3A_500 = vector.shape_cast %get3A_499 : vector<1x1x16xf32> to vector<16xf32>
        %mul3A_501 = vector.broadcast %squeeze3A_495 : f32 to vector<16xf32>
        %mul3A_502 = arith.mulf %get3A_500, %mul3A_501 : vector<16xf32>
        %swap3A_503 = arith.index_cast %rem3A_391 : i32 to index
        %swap3A_504 = arith.index_cast %add3A_493 : i32 to index
        %swap3A_505 = arith.constant 0 : index
        %swap3A_506 = tpu.vector_load %arg15[%swap3A_503, %swap3A_504, %swap3A_505] {strides = array<i32>} : memref<2x128x32xf32, #tpu.memory_space<vmem>>, vector<1x1x16xf32>,
        %swap3A_507 = vector.shape_cast %swap3A_506 : vector<1x1x16xf32> to vector<16xf32>
        %swap3A_508 = vector.shape_cast %mul3A_502 : vector<16xf32> to vector<1x1x16xf32>
        tpu.vector_store %arg15[%swap3A_503, %swap3A_504, %swap3A_505], %swap3A_508 {strides = array<i32>} : memref<2x128x32xf32, #tpu.memory_space<vmem>>, vector<1x1x16xf32>,
        %get3A_509 = arith.index_cast %rem3A_391 : i32 to index
        %get3A_510 = arith.index_cast %add3A_493 : i32 to index
        %get3A_511 = arith.constant 16 : index
        %get3A_512 = tpu.vector_load %arg15[%get3A_509, %get3A_510, %get3A_511] {strides = array<i32>} : memref<2x128x32xf32, #tpu.memory_space<vmem>>, vector<1x1x16xf32>,
        %get3A_513 = vector.shape_cast %get3A_512 : vector<1x1x16xf32> to vector<16xf32>
        %mul3A_514 = vector.broadcast %squeeze3A_495 : f32 to vector<16xf32>
        %mul3A_515 = arith.mulf %get3A_513, %mul3A_514 : vector<16xf32>
        %swap3A_516 = arith.index_cast %rem3A_391 : i32 to index
        %swap3A_517 = arith.index_cast %add3A_493 : i32 to index
        %swap3A_518 = arith.constant 16 : index
        %swap3A_519 = tpu.vector_load %arg15[%swap3A_516, %swap3A_517, %swap3A_518] {strides = array<i32>} : memref<2x128x32xf32, #tpu.memory_space<vmem>>, vector<1x1x16xf32>,
        %swap3A_520 = vector.shape_cast %swap3A_519 : vector<1x1x16xf32> to vector<16xf32>
        %swap3A_521 = vector.shape_cast %mul3A_515 : vector<16xf32> to vector<1x1x16xf32>
        tpu.vector_store %arg15[%swap3A_516, %swap3A_517, %swap3A_518], %swap3A_521 {strides = array<i32>} : memref<2x128x32xf32, #tpu.memory_space<vmem>>, vector<1x1x16xf32>,
        %mul3A_522 = arith.constant 16 : i32
        %mul3A_523 = arith.muli %scan3A_455, %mul3A_522 : i32
        %add3A_524 = arith.constant 2 : i32
        %add3A_525 = arith.addi %mul3A_523, %add3A_524 : i32
        %slice3A_526 = vector.extract_strided_slice %get3A_460 {offsets = [2], sizes = [1], strides = [1]} : vector<16xf32> to vector<1xf32>
        %squeeze3A_527 = vector.extract %slice3A_526[0] : f32 from vector<1xf32>
        %get3A_528 = arith.index_cast %rem3A_391 : i32 to index
        %get3A_529 = arith.index_cast %add3A_525 : i32 to index
        %get3A_530 = arith.constant 0 : index
        %get3A_531 = tpu.vector_load %arg15[%get3A_528, %get3A_529, %get3A_530] {strides = array<i32>} : memref<2x128x32xf32, #tpu.memory_space<vmem>>, vector<1x1x16xf32>,
        %get3A_532 = vector.shape_cast %get3A_531 : vector<1x1x16xf32> to vector<16xf32>
        %mul3A_533 = vector.broadcast %squeeze3A_527 : f32 to vector<16xf32>
        %mul3A_534 = arith.mulf %get3A_532, %mul3A_533 : vector<16xf32>
        %swap3A_535 = arith.index_cast %rem3A_391 : i32 to index
        %swap3A_536 = arith.index_cast %add3A_525 : i32 to index
        %swap3A_537 = arith.constant 0 : index
        %swap3A_538 = tpu.vector_load %arg15[%swap3A_535, %swap3A_536, %swap3A_537] {strides = array<i32>} : memref<2x128x32xf32, #tpu.memory_space<vmem>>, vector<1x1x16xf32>,
        %swap3A_539 = vector.shape_cast %swap3A_538 : vector<1x1x16xf32> to vector<16xf32>
        %swap3A_540 = vector.shape_cast %mul3A_534 : vector<16xf32> to vector<1x1x16xf32>
        tpu.vector_store %arg15[%swap3A_535, %swap3A_536, %swap3A_537], %swap3A_540 {strides = array<i32>} : memref<2x128x32xf32, #tpu.memory_space<vmem>>, vector<1x1x16xf32>,
        %get3A_541 = arith.index_cast %rem3A_391 : i32 to index
        %get3A_542 = arith.index_cast %add3A_525 : i32 to index
        %get3A_543 = arith.constant 16 : index
        %get3A_544 = tpu.vector_load %arg15[%get3A_541, %get3A_542, %get3A_543] {strides = array<i32>} : memref<2x128x32xf32, #tpu.memory_space<vmem>>, vector<1x1x16xf32>,
        %get3A_545 = vector.shape_cast %get3A_544 : vector<1x1x16xf32> to vector<16xf32>
        %mul3A_546 = vector.broadcast %squeeze3A_527 : f32 to vector<16xf32>
        %mul3A_547 = arith.mulf %get3A_545, %mul3A_546 : vector<16xf32>
        %swap3A_548 = arith.index_cast %rem3A_391 : i32 to index
        %swap3A_549 = arith.index_cast %add3A_525 : i32 to index
        %swap3A_550 = arith.constant 16 : index
        %swap3A_551 = tpu.vector_load %arg15[%swap3A_548, %swap3A_549, %swap3A_550] {strides = array<i32>} : memref<2x128x32xf32, #tpu.memory_space<vmem>>, vector<1x1x16xf32>,
        %swap3A_552 = vector.shape_cast %swap3A_551 : vector<1x1x16xf32> to vector<16xf32>
        %swap3A_553 = vector.shape_cast %mul3A_547 : vector<16xf32> to vector<1x1x16xf32>
        tpu.vector_store %arg15[%swap3A_548, %swap3A_549, %swap3A_550], %swap3A_553 {strides = array<i32>} : memref<2x128x32xf32, #tpu.memory_space<vmem>>, vector<1x1x16xf32>,
        %mul3A_554 = arith.constant 16 : i32
        %mul3A_555 = arith.muli %scan3A_455, %mul3A_554 : i32
        %add3A_556 = arith.constant 3 : i32
        %add3A_557 = arith.addi %mul3A_555, %add3A_556 : i32
        %slice3A_558 = vector.extract_strided_slice %get3A_460 {offsets = [3], sizes = [1], strides = [1]} : vector<16xf32> to vector<1xf32>
        %squeeze3A_559 = vector.extract %slice3A_558[0] : f32 from vector<1xf32>
        %get3A_560 = arith.index_cast %rem3A_391 : i32 to index
        %get3A_561 = arith.index_cast %add3A_557 : i32 to index
        %get3A_562 = arith.constant 0 : index
        %get3A_563 = tpu.vector_load %arg15[%get3A_560, %get3A_561, %get3A_562] {strides = array<i32>} : memref<2x128x32xf32, #tpu.memory_space<vmem>>, vector<1x1x16xf32>,
        %get3A_564 = vector.shape_cast %get3A_563 : vector<1x1x16xf32> to vector<16xf32>
        %mul3A_565 = vector.broadcast %squeeze3A_559 : f32 to vector<16xf32>
        %mul3A_566 = arith.mulf %get3A_564, %mul3A_565 : vector<16xf32>
        %swap3A_567 = arith.index_cast %rem3A_391 : i32 to index
        %swap3A_568 = arith.index_cast %add3A_557 : i32 to index
        %swap3A_569 = arith.constant 0 : index
        %swap3A_570 = tpu.vector_load %arg15[%swap3A_567, %swap3A_568, %swap3A_569] {strides = array<i32>} : memref<2x128x32xf32, #tpu.memory_space<vmem>>, vector<1x1x16xf32>,
        %swap3A_571 = vector.shape_cast %swap3A_570 : vector<1x1x16xf32> to vector<16xf32>
        %swap3A_572 = vector.shape_cast %mul3A_566 : vector<16xf32> to vector<1x1x16xf32>
        tpu.vector_store %arg15[%swap3A_567, %swap3A_568, %swap3A_569], %swap3A_572 {strides = array<i32>} : memref<2x128x32xf32, #tpu.memory_space<vmem>>, vector<1x1x16xf32>,
        %get3A_573 = arith.index_cast %rem3A_391 : i32 to index
        %get3A_574 = arith.index_cast %add3A_557 : i32 to index
        %get3A_575 = arith.constant 16 : index
        %get3A_576 = tpu.vector_load %arg15[%get3A_573, %get3A_574, %get3A_575] {strides = array<i32>} : memref<2x128x32xf32, #tpu.memory_space<vmem>>, vector<1x1x16xf32>,
        %get3A_577 = vector.shape_cast %get3A_576 : vector<1x1x16xf32> to vector<16xf32>
        %mul3A_578 = vector.broadcast %squeeze3A_559 : f32 to vector<16xf32>
        %mul3A_579 = arith.mulf %get3A_577, %mul3A_578 : vector<16xf32>
        %swap3A_580 = arith.index_cast %rem3A_391 : i32 to index
        %swap3A_581 = arith.index_cast %add3A_557 : i32 to index
        %swap3A_582 = arith.constant 16 : index
        %swap3A_583 = tpu.vector_load %arg15[%swap3A_580, %swap3A_581, %swap3A_582] {strides = array<i32>} : memref<2x128x32xf32, #tpu.memory_space<vmem>>, vector<1x1x16xf32>,
        %swap3A_584 = vector.shape_cast %swap3A_583 : vector<1x1x16xf32> to vector<16xf32>
        %swap3A_585 = vector.shape_cast %mul3A_579 : vector<16xf32> to vector<1x1x16xf32>
        tpu.vector_store %arg15[%swap3A_580, %swap3A_581, %swap3A_582], %swap3A_585 {strides = array<i32>} : memref<2x128x32xf32, #tpu.memory_space<vmem>>, vector<1x1x16xf32>,
        %mul3A_586 = arith.constant 16 : i32
        %mul3A_587 = arith.muli %scan3A_455, %mul3A_586 : i32
        %add3A_588 = arith.constant 4 : i32
        %add3A_589 = arith.addi %mul3A_587, %add3A_588 : i32
        %slice3A_590 = vector.extract_strided_slice %get3A_460 {offsets = [4], sizes = [1], strides = [1]} : vector<16xf32> to vector<1xf32>
        %squeeze3A_591 = vector.extract %slice3A_590[0] : f32 from vector<1xf32>
        %get3A_592 = arith.index_cast %rem3A_391 : i32 to index
        %get3A_593 = arith.index_cast %add3A_589 : i32 to index
        %get3A_594 = arith.constant 0 : index
        %get3A_595 = tpu.vector_load %arg15[%get3A_592, %get3A_593, %get3A_594] {strides = array<i32>} : memref<2x128x32xf32, #tpu.memory_space<vmem>>, vector<1x1x16xf32>,
        %get3A_596 = vector.shape_cast %get3A_595 : vector<1x1x16xf32> to vector<16xf32>
        %mul3A_597 = vector.broadcast %squeeze3A_591 : f32 to vector<16xf32>
        %mul3A_598 = arith.mulf %get3A_596, %mul3A_597 : vector<16xf32>
        %swap3A_599 = arith.index_cast %rem3A_391 : i32 to index
        %swap3A_600 = arith.index_cast %add3A_589 : i32 to index
        %swap3A_601 = arith.constant 0 : index
        %swap3A_602 = tpu.vector_load %arg15[%swap3A_599, %swap3A_600, %swap3A_601] {strides = array<i32>} : memref<2x128x32xf32, #tpu.memory_space<vmem>>, vector<1x1x16xf32>,
        %swap3A_603 = vector.shape_cast %swap3A_602 : vector<1x1x16xf32> to vector<16xf32>
        %swap3A_604 = vector.shape_cast %mul3A_598 : vector<16xf32> to vector<1x1x16xf32>
        tpu.vector_store %arg15[%swap3A_599, %swap3A_600, %swap3A_601], %swap3A_604 {strides = array<i32>} : memref<2x128x32xf32, #tpu.memory_space<vmem>>, vector<1x1x16xf32>,
        %get3A_605 = arith.index_cast %rem3A_391 : i32 to index
        %get3A_606 = arith.index_cast %add3A_589 : i32 to index
        %get3A_607 = arith.constant 16 : index
        %get3A_608 = tpu.vector_load %arg15[%get3A_605, %get3A_606, %get3A_607] {strides = array<i32>} : memref<2x128x32xf32, #tpu.memory_space<vmem>>, vector<1x1x16xf32>,
        %get3A_609 = vector.shape_cast %get3A_608 : vector<1x1x16xf32> to vector<16xf32>
        %mul3A_610 = vector.broadcast %squeeze3A_591 : f32 to vector<16xf32>
        %mul3A_611 = arith.mulf %get3A_609, %mul3A_610 : vector<16xf32>
        %swap3A_612 = arith.index_cast %rem3A_391 : i32 to index
        %swap3A_613 = arith.index_cast %add3A_589 : i32 to index
        %swap3A_614 = arith.constant 16 : index
        %swap3A_615 = tpu.vector_load %arg15[%swap3A_612, %swap3A_613, %swap3A_614] {strides = array<i32>} : memref<2x128x32xf32, #tpu.memory_space<vmem>>, vector<1x1x16xf32>,
        %swap3A_616 = vector.shape_cast %swap3A_615 : vector<1x1x16xf32> to vector<16xf32>
        %swap3A_617 = vector.shape_cast %mul3A_611 : vector<16xf32> to vector<1x1x16xf32>
        tpu.vector_store %arg15[%swap3A_612, %swap3A_613, %swap3A_614], %swap3A_617 {strides = array<i32>} : memref<2x128x32xf32, #tpu.memory_space<vmem>>, vector<1x1x16xf32>,
        %mul3A_618 = arith.constant 16 : i32
        %mul3A_619 = arith.muli %scan3A_455, %mul3A_618 : i32
        %add3A_620 = arith.constant 5 : i32
        %add3A_621 = arith.addi %mul3A_619, %add3A_620 : i32
        %slice3A_622 = vector.extract_strided_slice %get3A_460 {offsets = [5], sizes = [1], strides = [1]} : vector<16xf32> to vector<1xf32>
        %squeeze3A_623 = vector.extract %slice3A_622[0] : f32 from vector<1xf32>
        %get3A_624 = arith.index_cast %rem3A_391 : i32 to index
        %get3A_625 = arith.index_cast %add3A_621 : i32 to index
        %get3A_626 = arith.constant 0 : index
        %get3A_627 = tpu.vector_load %arg15[%get3A_624, %get3A_625, %get3A_626] {strides = array<i32>} : memref<2x128x32xf32, #tpu.memory_space<vmem>>, vector<1x1x16xf32>,
        %get3A_628 = vector.shape_cast %get3A_627 : vector<1x1x16xf32> to vector<16xf32>
        %mul3A_629 = vector.broadcast %squeeze3A_623 : f32 to vector<16xf32>
        %mul3A_630 = arith.mulf %get3A_628, %mul3A_629 : vector<16xf32>
        %swap3A_631 = arith.index_cast %rem3A_391 : i32 to index
        %swap3A_632 = arith.index_cast %add3A_621 : i32 to index
        %swap3A_633 = arith.constant 0 : index
        %swap3A_634 = tpu.vector_load %arg15[%swap3A_631, %swap3A_632, %swap3A_633] {strides = array<i32>} : memref<2x128x32xf32, #tpu.memory_space<vmem>>, vector<1x1x16xf32>,
        %swap3A_635 = vector.shape_cast %swap3A_634 : vector<1x1x16xf32> to vector<16xf32>
        %swap3A_636 = vector.shape_cast %mul3A_630 : vector<16xf32> to vector<1x1x16xf32>
        tpu.vector_store %arg15[%swap3A_631, %swap3A_632, %swap3A_633], %swap3A_636 {strides = array<i32>} : memref<2x128x32xf32, #tpu.memory_space<vmem>>, vector<1x1x16xf32>,
        %get3A_637 = arith.index_cast %rem3A_391 : i32 to index
        %get3A_638 = arith.index_cast %add3A_621 : i32 to index
        %get3A_639 = arith.constant 16 : index
        %get3A_640 = tpu.vector_load %arg15[%get3A_637, %get3A_638, %get3A_639] {strides = array<i32>} : memref<2x128x32xf32, #tpu.memory_space<vmem>>, vector<1x1x16xf32>,
        %get3A_641 = vector.shape_cast %get3A_640 : vector<1x1x16xf32> to vector<16xf32>
        %mul3A_642 = vector.broadcast %squeeze3A_623 : f32 to vector<16xf32>
        %mul3A_643 = arith.mulf %get3A_641, %mul3A_642 : vector<16xf32>
        %swap3A_644 = arith.index_cast %rem3A_391 : i32 to index
        %swap3A_645 = arith.index_cast %add3A_621 : i32 to index
        %swap3A_646 = arith.constant 16 : index
        %swap3A_647 = tpu.vector_load %arg15[%swap3A_644, %swap3A_645, %swap3A_646] {strides = array<i32>} : memref<2x128x32xf32, #tpu.memory_space<vmem>>, vector<1x1x16xf32>,
        %swap3A_648 = vector.shape_cast %swap3A_647 : vector<1x1x16xf32> to vector<16xf32>
        %swap3A_649 = vector.shape_cast %mul3A_643 : vector<16xf32> to vector<1x1x16xf32>
        tpu.vector_store %arg15[%swap3A_644, %swap3A_645, %swap3A_646], %swap3A_649 {strides = array<i32>} : memref<2x128x32xf32, #tpu.memory_space<vmem>>, vector<1x1x16xf32>,
        %mul3A_650 = arith.constant 16 : i32
        %mul3A_651 = arith.muli %scan3A_455, %mul3A_650 : i32
        %add3A_652 = arith.constant 6 : i32
        %add3A_653 = arith.addi %mul3A_651, %add3A_652 : i32
        %slice3A_654 = vector.extract_strided_slice %get3A_460 {offsets = [6], sizes = [1], strides = [1]} : vector<16xf32> to vector<1xf32>
        %squeeze3A_655 = vector.extract %slice3A_654[0] : f32 from vector<1xf32>
        %get3A_656 = arith.index_cast %rem3A_391 : i32 to index
        %get3A_657 = arith.index_cast %add3A_653 : i32 to index
        %get3A_658 = arith.constant 0 : index
        %get3A_659 = tpu.vector_load %arg15[%get3A_656, %get3A_657, %get3A_658] {strides = array<i32>} : memref<2x128x32xf32, #tpu.memory_space<vmem>>, vector<1x1x16xf32>,
        %get3A_660 = vector.shape_cast %get3A_659 : vector<1x1x16xf32> to vector<16xf32>
        %mul3A_661 = vector.broadcast %squeeze3A_655 : f32 to vector<16xf32>
        %mul3A_662 = arith.mulf %get3A_660, %mul3A_661 : vector<16xf32>
        %swap3A_663 = arith.index_cast %rem3A_391 : i32 to index
        %swap3A_664 = arith.index_cast %add3A_653 : i32 to index
        %swap3A_665 = arith.constant 0 : index
        %swap3A_666 = tpu.vector_load %arg15[%swap3A_663, %swap3A_664, %swap3A_665] {strides = array<i32>} : memref<2x128x32xf32, #tpu.memory_space<vmem>>, vector<1x1x16xf32>,
        %swap3A_667 = vector.shape_cast %swap3A_666 : vector<1x1x16xf32> to vector<16xf32>
        %swap3A_668 = vector.shape_cast %mul3A_662 : vector<16xf32> to vector<1x1x16xf32>
        tpu.vector_store %arg15[%swap3A_663, %swap3A_664, %swap3A_665], %swap3A_668 {strides = array<i32>} : memref<2x128x32xf32, #tpu.memory_space<vmem>>, vector<1x1x16xf32>,
        %get3A_669 = arith.index_cast %rem3A_391 : i32 to index
        %get3A_670 = arith.index_cast %add3A_653 : i32 to index
        %get3A_671 = arith.constant 16 : index
        %get3A_672 = tpu.vector_load %arg15[%get3A_669, %get3A_670, %get3A_671] {strides = array<i32>} : memref<2x128x32xf32, #tpu.memory_space<vmem>>, vector<1x1x16xf32>,
        %get3A_673 = vector.shape_cast %get3A_672 : vector<1x1x16xf32> to vector<16xf32>
        %mul3A_674 = vector.broadcast %squeeze3A_655 : f32 to vector<16xf32>
        %mul3A_675 = arith.mulf %get3A_673, %mul3A_674 : vector<16xf32>
        %swap3A_676 = arith.index_cast %rem3A_391 : i32 to index
        %swap3A_677 = arith.index_cast %add3A_653 : i32 to index
        %swap3A_678 = arith.constant 16 : index
        %swap3A_679 = tpu.vector_load %arg15[%swap3A_676, %swap3A_677, %swap3A_678] {strides = array<i32>} : memref<2x128x32xf32, #tpu.memory_space<vmem>>, vector<1x1x16xf32>,
        %swap3A_680 = vector.shape_cast %swap3A_679 : vector<1x1x16xf32> to vector<16xf32>
        %swap3A_681 = vector.shape_cast %mul3A_675 : vector<16xf32> to vector<1x1x16xf32>
        tpu.vector_store %arg15[%swap3A_676, %swap3A_677, %swap3A_678], %swap3A_681 {strides = array<i32>} : memref<2x128x32xf32, #tpu.memory_space<vmem>>, vector<1x1x16xf32>,
        %mul3A_682 = arith.constant 16 : i32
        %mul3A_683 = arith.muli %scan3A_455, %mul3A_682 : i32
        %add3A_684 = arith.constant 7 : i32
        %add3A_685 = arith.addi %mul3A_683, %add3A_684 : i32
        %slice3A_686 = vector.extract_strided_slice %get3A_460 {offsets = [7], sizes = [1], strides = [1]} : vector<16xf32> to vector<1xf32>
        %squeeze3A_687 = vector.extract %slice3A_686[0] : f32 from vector<1xf32>
        %get3A_688 = arith.index_cast %rem3A_391 : i32 to index
        %get3A_689 = arith.index_cast %add3A_685 : i32 to index
        %get3A_690 = arith.constant 0 : index
        %get3A_691 = tpu.vector_load %arg15[%get3A_688, %get3A_689, %get3A_690] {strides = array<i32>} : memref<2x128x32xf32, #tpu.memory_space<vmem>>, vector<1x1x16xf32>,
        %get3A_692 = vector.shape_cast %get3A_691 : vector<1x1x16xf32> to vector<16xf32>
        %mul3A_693 = vector.broadcast %squeeze3A_687 : f32 to vector<16xf32>
        %mul3A_694 = arith.mulf %get3A_692, %mul3A_693 : vector<16xf32>
        %swap3A_695 = arith.index_cast %rem3A_391 : i32 to index
        %swap3A_696 = arith.index_cast %add3A_685 : i32 to index
        %swap3A_697 = arith.constant 0 : index
        %swap3A_698 = tpu.vector_load %arg15[%swap3A_695, %swap3A_696, %swap3A_697] {strides = array<i32>} : memref<2x128x32xf32, #tpu.memory_space<vmem>>, vector<1x1x16xf32>,
        %swap3A_699 = vector.shape_cast %swap3A_698 : vector<1x1x16xf32> to vector<16xf32>
        %swap3A_700 = vector.shape_cast %mul3A_694 : vector<16xf32> to vector<1x1x16xf32>
        tpu.vector_store %arg15[%swap3A_695, %swap3A_696, %swap3A_697], %swap3A_700 {strides = array<i32>} : memref<2x128x32xf32, #tpu.memory_space<vmem>>, vector<1x1x16xf32>,
        %get3A_701 = arith.index_cast %rem3A_391 : i32 to index
        %get3A_702 = arith.index_cast %add3A_685 : i32 to index
        %get3A_703 = arith.constant 16 : index
        %get3A_704 = tpu.vector_load %arg15[%get3A_701, %get3A_702, %get3A_703] {strides = array<i32>} : memref<2x128x32xf32, #tpu.memory_space<vmem>>, vector<1x1x16xf32>,
        %get3A_705 = vector.shape_cast %get3A_704 : vector<1x1x16xf32> to vector<16xf32>
        %mul3A_706 = vector.broadcast %squeeze3A_687 : f32 to vector<16xf32>
        %mul3A_707 = arith.mulf %get3A_705, %mul3A_706 : vector<16xf32>
        %swap3A_708 = arith.index_cast %rem3A_391 : i32 to index
        %swap3A_709 = arith.index_cast %add3A_685 : i32 to index
        %swap3A_710 = arith.constant 16 : index
        %swap3A_711 = tpu.vector_load %arg15[%swap3A_708, %swap3A_709, %swap3A_710] {strides = array<i32>} : memref<2x128x32xf32, #tpu.memory_space<vmem>>, vector<1x1x16xf32>,
        %swap3A_712 = vector.shape_cast %swap3A_711 : vector<1x1x16xf32> to vector<16xf32>
        %swap3A_713 = vector.shape_cast %mul3A_707 : vector<16xf32> to vector<1x1x16xf32>
        tpu.vector_store %arg15[%swap3A_708, %swap3A_709, %swap3A_710], %swap3A_713 {strides = array<i32>} : memref<2x128x32xf32, #tpu.memory_space<vmem>>, vector<1x1x16xf32>,
        %mul3A_714 = arith.constant 16 : i32
        %mul3A_715 = arith.muli %scan3A_455, %mul3A_714 : i32
        %add3A_716 = arith.constant 8 : i32
        %add3A_717 = arith.addi %mul3A_715, %add3A_716 : i32
        %slice3A_718 = vector.extract_strided_slice %get3A_460 {offsets = [8], sizes = [1], strides = [1]} : vector<16xf32> to vector<1xf32>
        %squeeze3A_719 = vector.extract %slice3A_718[0] : f32 from vector<1xf32>
        %get3A_720 = arith.index_cast %rem3A_391 : i32 to index
        %get3A_721 = arith.index_cast %add3A_717 : i32 to index
        %get3A_722 = arith.constant 0 : index
        %get3A_723 = tpu.vector_load %arg15[%get3A_720, %get3A_721, %get3A_722] {strides = array<i32>} : memref<2x128x32xf32, #tpu.memory_space<vmem>>, vector<1x1x16xf32>,
        %get3A_724 = vector.shape_cast %get3A_723 : vector<1x1x16xf32> to vector<16xf32>
        %mul3A_725 = vector.broadcast %squeeze3A_719 : f32 to vector<16xf32>
        %mul3A_726 = arith.mulf %get3A_724, %mul3A_725 : vector<16xf32>
        %swap3A_727 = arith.index_cast %rem3A_391 : i32 to index
        %swap3A_728 = arith.index_cast %add3A_717 : i32 to index
        %swap3A_729 = arith.constant 0 : index
        %swap3A_730 = tpu.vector_load %arg15[%swap3A_727, %swap3A_728, %swap3A_729] {strides = array<i32>} : memref<2x128x32xf32, #tpu.memory_space<vmem>>, vector<1x1x16xf32>,
        %swap3A_731 = vector.shape_cast %swap3A_730 : vector<1x1x16xf32> to vector<16xf32>
        %swap3A_732 = vector.shape_cast %mul3A_726 : vector<16xf32> to vector<1x1x16xf32>
        tpu.vector_store %arg15[%swap3A_727, %swap3A_728, %swap3A_729], %swap3A_732 {strides = array<i32>} : memref<2x128x32xf32, #tpu.memory_space<vmem>>, vector<1x1x16xf32>,
        %get3A_733 = arith.index_cast %rem3A_391 : i32 to index
        %get3A_734 = arith.index_cast %add3A_717 : i32 to index
        %get3A_735 = arith.constant 16 : index
        %get3A_736 = tpu.vector_load %arg15[%get3A_733, %get3A_734, %get3A_735] {strides = array<i32>} : memref<2x128x32xf32, #tpu.memory_space<vmem>>, vector<1x1x16xf32>,
        %get3A_737 = vector.shape_cast %get3A_736 : vector<1x1x16xf32> to vector<16xf32>
        %mul3A_738 = vector.broadcast %squeeze3A_719 : f32 to vector<16xf32>
        %mul3A_739 = arith.mulf %get3A_737, %mul3A_738 : vector<16xf32>
        %swap3A_740 = arith.index_cast %rem3A_391 : i32 to index
        %swap3A_741 = arith.index_cast %add3A_717 : i32 to index
        %swap3A_742 = arith.constant 16 : index
        %swap3A_743 = tpu.vector_load %arg15[%swap3A_740, %swap3A_741, %swap3A_742] {strides = array<i32>} : memref<2x128x32xf32, #tpu.memory_space<vmem>>, vector<1x1x16xf32>,
        %swap3A_744 = vector.shape_cast %swap3A_743 : vector<1x1x16xf32> to vector<16xf32>
        %swap3A_745 = vector.shape_cast %mul3A_739 : vector<16xf32> to vector<1x1x16xf32>
        tpu.vector_store %arg15[%swap3A_740, %swap3A_741, %swap3A_742], %swap3A_745 {strides = array<i32>} : memref<2x128x32xf32, #tpu.memory_space<vmem>>, vector<1x1x16xf32>,
        %mul3A_746 = arith.constant 16 : i32
        %mul3A_747 = arith.muli %scan3A_455, %mul3A_746 : i32
        %add3A_748 = arith.constant 9 : i32
        %add3A_749 = arith.addi %mul3A_747, %add3A_748 : i32
        %slice3A_750 = vector.extract_strided_slice %get3A_460 {offsets = [9], sizes = [1], strides = [1]} : vector<16xf32> to vector<1xf32>
        %squeeze3A_751 = vector.extract %slice3A_750[0] : f32 from vector<1xf32>
        %get3A_752 = arith.index_cast %rem3A_391 : i32 to index
        %get3A_753 = arith.index_cast %add3A_749 : i32 to index
        %get3A_754 = arith.constant 0 : index
        %get3A_755 = tpu.vector_load %arg15[%get3A_752, %get3A_753, %get3A_754] {strides = array<i32>} : memref<2x128x32xf32, #tpu.memory_space<vmem>>, vector<1x1x16xf32>,
        %get3A_756 = vector.shape_cast %get3A_755 : vector<1x1x16xf32> to vector<16xf32>
        %mul3A_757 = vector.broadcast %squeeze3A_751 : f32 to vector<16xf32>
        %mul3A_758 = arith.mulf %get3A_756, %mul3A_757 : vector<16xf32>
        %swap3A_759 = arith.index_cast %rem3A_391 : i32 to index
        %swap3A_760 = arith.index_cast %add3A_749 : i32 to index
        %swap3A_761 = arith.constant 0 : index
        %swap3A_762 = tpu.vector_load %arg15[%swap3A_759, %swap3A_760, %swap3A_761] {strides = array<i32>} : memref<2x128x32xf32, #tpu.memory_space<vmem>>, vector<1x1x16xf32>,
        %swap3A_763 = vector.shape_cast %swap3A_762 : vector<1x1x16xf32> to vector<16xf32>
        %swap3A_764 = vector.shape_cast %mul3A_758 : vector<16xf32> to vector<1x1x16xf32>
        tpu.vector_store %arg15[%swap3A_759, %swap3A_760, %swap3A_761], %swap3A_764 {strides = array<i32>} : memref<2x128x32xf32, #tpu.memory_space<vmem>>, vector<1x1x16xf32>,
        %get3A_765 = arith.index_cast %rem3A_391 : i32 to index
        %get3A_766 = arith.index_cast %add3A_749 : i32 to index
        %get3A_767 = arith.constant 16 : index
        %get3A_768 = tpu.vector_load %arg15[%get3A_765, %get3A_766, %get3A_767] {strides = array<i32>} : memref<2x128x32xf32, #tpu.memory_space<vmem>>, vector<1x1x16xf32>,
        %get3A_769 = vector.shape_cast %get3A_768 : vector<1x1x16xf32> to vector<16xf32>
        %mul3A_770 = vector.broadcast %squeeze3A_751 : f32 to vector<16xf32>
        %mul3A_771 = arith.mulf %get3A_769, %mul3A_770 : vector<16xf32>
        %swap3A_772 = arith.index_cast %rem3A_391 : i32 to index
        %swap3A_773 = arith.index_cast %add3A_749 : i32 to index
        %swap3A_774 = arith.constant 16 : index
        %swap3A_775 = tpu.vector_load %arg15[%swap3A_772, %swap3A_773, %swap3A_774] {strides = array<i32>} : memref<2x128x32xf32, #tpu.memory_space<vmem>>, vector<1x1x16xf32>,
        %swap3A_776 = vector.shape_cast %swap3A_775 : vector<1x1x16xf32> to vector<16xf32>
        %swap3A_777 = vector.shape_cast %mul3A_771 : vector<16xf32> to vector<1x1x16xf32>
        tpu.vector_store %arg15[%swap3A_772, %swap3A_773, %swap3A_774], %swap3A_777 {strides = array<i32>} : memref<2x128x32xf32, #tpu.memory_space<vmem>>, vector<1x1x16xf32>,
        %mul3A_778 = arith.constant 16 : i32
        %mul3A_779 = arith.muli %scan3A_455, %mul3A_778 : i32
        %add3A_780 = arith.constant 10 : i32
        %add3A_781 = arith.addi %mul3A_779, %add3A_780 : i32
        %slice3A_782 = vector.extract_strided_slice %get3A_460 {offsets = [10], sizes = [1], strides = [1]} : vector<16xf32> to vector<1xf32>
        %squeeze3A_783 = vector.extract %slice3A_782[0] : f32 from vector<1xf32>
        %get3A_784 = arith.index_cast %rem3A_391 : i32 to index
        %get3A_785 = arith.index_cast %add3A_781 : i32 to index
        %get3A_786 = arith.constant 0 : index
        %get3A_787 = tpu.vector_load %arg15[%get3A_784, %get3A_785, %get3A_786] {strides = array<i32>} : memref<2x128x32xf32, #tpu.memory_space<vmem>>, vector<1x1x16xf32>,
        %get3A_788 = vector.shape_cast %get3A_787 : vector<1x1x16xf32> to vector<16xf32>
        %mul3A_789 = vector.broadcast %squeeze3A_783 : f32 to vector<16xf32>
        %mul3A_790 = arith.mulf %get3A_788, %mul3A_789 : vector<16xf32>
        %swap3A_791 = arith.index_cast %rem3A_391 : i32 to index
        %swap3A_792 = arith.index_cast %add3A_781 : i32 to index
        %swap3A_793 = arith.constant 0 : index
        %swap3A_794 = tpu.vector_load %arg15[%swap3A_791, %swap3A_792, %swap3A_793] {strides = array<i32>} : memref<2x128x32xf32, #tpu.memory_space<vmem>>, vector<1x1x16xf32>,
        %swap3A_795 = vector.shape_cast %swap3A_794 : vector<1x1x16xf32> to vector<16xf32>
        %swap3A_796 = vector.shape_cast %mul3A_790 : vector<16xf32> to vector<1x1x16xf32>
        tpu.vector_store %arg15[%swap3A_791, %swap3A_792, %swap3A_793], %swap3A_796 {strides = array<i32>} : memref<2x128x32xf32, #tpu.memory_space<vmem>>, vector<1x1x16xf32>,
        %get3A_797 = arith.index_cast %rem3A_391 : i32 to index
        %get3A_798 = arith.index_cast %add3A_781 : i32 to index
        %get3A_799 = arith.constant 16 : index
        %get3A_800 = tpu.vector_load %arg15[%get3A_797, %get3A_798, %get3A_799] {strides = array<i32>} : memref<2x128x32xf32, #tpu.memory_space<vmem>>, vector<1x1x16xf32>,
        %get3A_801 = vector.shape_cast %get3A_800 : vector<1x1x16xf32> to vector<16xf32>
        %mul3A_802 = vector.broadcast %squeeze3A_783 : f32 to vector<16xf32>
        %mul3A_803 = arith.mulf %get3A_801, %mul3A_802 : vector<16xf32>
        %swap3A_804 = arith.index_cast %rem3A_391 : i32 to index
        %swap3A_805 = arith.index_cast %add3A_781 : i32 to index
        %swap3A_806 = arith.constant 16 : index
        %swap3A_807 = tpu.vector_load %arg15[%swap3A_804, %swap3A_805, %swap3A_806] {strides = array<i32>} : memref<2x128x32xf32, #tpu.memory_space<vmem>>, vector<1x1x16xf32>,
        %swap3A_808 = vector.shape_cast %swap3A_807 : vector<1x1x16xf32> to vector<16xf32>
        %swap3A_809 = vector.shape_cast %mul3A_803 : vector<16xf32> to vector<1x1x16xf32>
        tpu.vector_store %arg15[%swap3A_804, %swap3A_805, %swap3A_806], %swap3A_809 {strides = array<i32>} : memref<2x128x32xf32, #tpu.memory_space<vmem>>, vector<1x1x16xf32>,
        %mul3A_810 = arith.constant 16 : i32
        %mul3A_811 = arith.muli %scan3A_455, %mul3A_810 : i32
        %add3A_812 = arith.constant 11 : i32
        %add3A_813 = arith.addi %mul3A_811, %add3A_812 : i32
        %slice3A_814 = vector.extract_strided_slice %get3A_460 {offsets = [11], sizes = [1], strides = [1]} : vector<16xf32> to vector<1xf32>
        %squeeze3A_815 = vector.extract %slice3A_814[0] : f32 from vector<1xf32>
        %get3A_816 = arith.index_cast %rem3A_391 : i32 to index
        %get3A_817 = arith.index_cast %add3A_813 : i32 to index
        %get3A_818 = arith.constant 0 : index
        %get3A_819 = tpu.vector_load %arg15[%get3A_816, %get3A_817, %get3A_818] {strides = array<i32>} : memref<2x128x32xf32, #tpu.memory_space<vmem>>, vector<1x1x16xf32>,
        %get3A_820 = vector.shape_cast %get3A_819 : vector<1x1x16xf32> to vector<16xf32>
        %mul3A_821 = vector.broadcast %squeeze3A_815 : f32 to vector<16xf32>
        %mul3A_822 = arith.mulf %get3A_820, %mul3A_821 : vector<16xf32>
        %swap3A_823 = arith.index_cast %rem3A_391 : i32 to index
        %swap3A_824 = arith.index_cast %add3A_813 : i32 to index
        %swap3A_825 = arith.constant 0 : index
        %swap3A_826 = tpu.vector_load %arg15[%swap3A_823, %swap3A_824, %swap3A_825] {strides = array<i32>} : memref<2x128x32xf32, #tpu.memory_space<vmem>>, vector<1x1x16xf32>,
        %swap3A_827 = vector.shape_cast %swap3A_826 : vector<1x1x16xf32> to vector<16xf32>
        %swap3A_828 = vector.shape_cast %mul3A_822 : vector<16xf32> to vector<1x1x16xf32>
        tpu.vector_store %arg15[%swap3A_823, %swap3A_824, %swap3A_825], %swap3A_828 {strides = array<i32>} : memref<2x128x32xf32, #tpu.memory_space<vmem>>, vector<1x1x16xf32>,
        %get3A_829 = arith.index_cast %rem3A_391 : i32 to index
        %get3A_830 = arith.index_cast %add3A_813 : i32 to index
        %get3A_831 = arith.constant 16 : index
        %get3A_832 = tpu.vector_load %arg15[%get3A_829, %get3A_830, %get3A_831] {strides = array<i32>} : memref<2x128x32xf32, #tpu.memory_space<vmem>>, vector<1x1x16xf32>,
        %get3A_833 = vector.shape_cast %get3A_832 : vector<1x1x16xf32> to vector<16xf32>
        %mul3A_834 = vector.broadcast %squeeze3A_815 : f32 to vector<16xf32>
        %mul3A_835 = arith.mulf %get3A_833, %mul3A_834 : vector<16xf32>
        %swap3A_836 = arith.index_cast %rem3A_391 : i32 to index
        %swap3A_837 = arith.index_cast %add3A_813 : i32 to index
        %swap3A_838 = arith.constant 16 : index
        %swap3A_839 = tpu.vector_load %arg15[%swap3A_836, %swap3A_837, %swap3A_838] {strides = array<i32>} : memref<2x128x32xf32, #tpu.memory_space<vmem>>, vector<1x1x16xf32>,
        %swap3A_840 = vector.shape_cast %swap3A_839 : vector<1x1x16xf32> to vector<16xf32>
        %swap3A_841 = vector.shape_cast %mul3A_835 : vector<16xf32> to vector<1x1x16xf32>
        tpu.vector_store %arg15[%swap3A_836, %swap3A_837, %swap3A_838], %swap3A_841 {strides = array<i32>} : memref<2x128x32xf32, #tpu.memory_space<vmem>>, vector<1x1x16xf32>,
        %mul3A_842 = arith.constant 16 : i32
        %mul3A_843 = arith.muli %scan3A_455, %mul3A_842 : i32
        %add3A_844 = arith.constant 12 : i32
        %add3A_845 = arith.addi %mul3A_843, %add3A_844 : i32
        %slice3A_846 = vector.extract_strided_slice %get3A_460 {offsets = [12], sizes = [1], strides = [1]} : vector<16xf32> to vector<1xf32>
        %squeeze3A_847 = vector.extract %slice3A_846[0] : f32 from vector<1xf32>
        %get3A_848 = arith.index_cast %rem3A_391 : i32 to index
        %get3A_849 = arith.index_cast %add3A_845 : i32 to index
        %get3A_850 = arith.constant 0 : index
        %get3A_851 = tpu.vector_load %arg15[%get3A_848, %get3A_849, %get3A_850] {strides = array<i32>} : memref<2x128x32xf32, #tpu.memory_space<vmem>>, vector<1x1x16xf32>,
        %get3A_852 = vector.shape_cast %get3A_851 : vector<1x1x16xf32> to vector<16xf32>
        %mul3A_853 = vector.broadcast %squeeze3A_847 : f32 to vector<16xf32>
        %mul3A_854 = arith.mulf %get3A_852, %mul3A_853 : vector<16xf32>
        %swap3A_855 = arith.index_cast %rem3A_391 : i32 to index
        %swap3A_856 = arith.index_cast %add3A_845 : i32 to index
        %swap3A_857 = arith.constant 0 : index
        %swap3A_858 = tpu.vector_load %arg15[%swap3A_855, %swap3A_856, %swap3A_857] {strides = array<i32>} : memref<2x128x32xf32, #tpu.memory_space<vmem>>, vector<1x1x16xf32>,
        %swap3A_859 = vector.shape_cast %swap3A_858 : vector<1x1x16xf32> to vector<16xf32>
        %swap3A_860 = vector.shape_cast %mul3A_854 : vector<16xf32> to vector<1x1x16xf32>
        tpu.vector_store %arg15[%swap3A_855, %swap3A_856, %swap3A_857], %swap3A_860 {strides = array<i32>} : memref<2x128x32xf32, #tpu.memory_space<vmem>>, vector<1x1x16xf32>,
        %get3A_861 = arith.index_cast %rem3A_391 : i32 to index
        %get3A_862 = arith.index_cast %add3A_845 : i32 to index
        %get3A_863 = arith.constant 16 : index
        %get3A_864 = tpu.vector_load %arg15[%get3A_861, %get3A_862, %get3A_863] {strides = array<i32>} : memref<2x128x32xf32, #tpu.memory_space<vmem>>, vector<1x1x16xf32>,
        %get3A_865 = vector.shape_cast %get3A_864 : vector<1x1x16xf32> to vector<16xf32>
        %mul3A_866 = vector.broadcast %squeeze3A_847 : f32 to vector<16xf32>
        %mul3A_867 = arith.mulf %get3A_865, %mul3A_866 : vector<16xf32>
        %swap3A_868 = arith.index_cast %rem3A_391 : i32 to index
        %swap3A_869 = arith.index_cast %add3A_845 : i32 to index
        %swap3A_870 = arith.constant 16 : index
        %swap3A_871 = tpu.vector_load %arg15[%swap3A_868, %swap3A_869, %swap3A_870] {strides = array<i32>} : memref<2x128x32xf32, #tpu.memory_space<vmem>>, vector<1x1x16xf32>,
        %swap3A_872 = vector.shape_cast %swap3A_871 : vector<1x1x16xf32> to vector<16xf32>
        %swap3A_873 = vector.shape_cast %mul3A_867 : vector<16xf32> to vector<1x1x16xf32>
        tpu.vector_store %arg15[%swap3A_868, %swap3A_869, %swap3A_870], %swap3A_873 {strides = array<i32>} : memref<2x128x32xf32, #tpu.memory_space<vmem>>, vector<1x1x16xf32>,
        %mul3A_874 = arith.constant 16 : i32
        %mul3A_875 = arith.muli %scan3A_455, %mul3A_874 : i32
        %add3A_876 = arith.constant 13 : i32
        %add3A_877 = arith.addi %mul3A_875, %add3A_876 : i32
        %slice3A_878 = vector.extract_strided_slice %get3A_460 {offsets = [13], sizes = [1], strides = [1]} : vector<16xf32> to vector<1xf32>
        %squeeze3A_879 = vector.extract %slice3A_878[0] : f32 from vector<1xf32>
        %get3A_880 = arith.index_cast %rem3A_391 : i32 to index
        %get3A_881 = arith.index_cast %add3A_877 : i32 to index
        %get3A_882 = arith.constant 0 : index
        %get3A_883 = tpu.vector_load %arg15[%get3A_880, %get3A_881, %get3A_882] {strides = array<i32>} : memref<2x128x32xf32, #tpu.memory_space<vmem>>, vector<1x1x16xf32>,
        %get3A_884 = vector.shape_cast %get3A_883 : vector<1x1x16xf32> to vector<16xf32>
        %mul3A_885 = vector.broadcast %squeeze3A_879 : f32 to vector<16xf32>
        %mul3A_886 = arith.mulf %get3A_884, %mul3A_885 : vector<16xf32>
        %swap3A_887 = arith.index_cast %rem3A_391 : i32 to index
        %swap3A_888 = arith.index_cast %add3A_877 : i32 to index
        %swap3A_889 = arith.constant 0 : index
        %swap3A_890 = tpu.vector_load %arg15[%swap3A_887, %swap3A_888, %swap3A_889] {strides = array<i32>} : memref<2x128x32xf32, #tpu.memory_space<vmem>>, vector<1x1x16xf32>,
        %swap3A_891 = vector.shape_cast %swap3A_890 : vector<1x1x16xf32> to vector<16xf32>
        %swap3A_892 = vector.shape_cast %mul3A_886 : vector<16xf32> to vector<1x1x16xf32>
        tpu.vector_store %arg15[%swap3A_887, %swap3A_888, %swap3A_889], %swap3A_892 {strides = array<i32>} : memref<2x128x32xf32, #tpu.memory_space<vmem>>, vector<1x1x16xf32>,
        %get3A_893 = arith.index_cast %rem3A_391 : i32 to index
        %get3A_894 = arith.index_cast %add3A_877 : i32 to index
        %get3A_895 = arith.constant 16 : index
        %get3A_896 = tpu.vector_load %arg15[%get3A_893, %get3A_894, %get3A_895] {strides = array<i32>} : memref<2x128x32xf32, #tpu.memory_space<vmem>>, vector<1x1x16xf32>,
        %get3A_897 = vector.shape_cast %get3A_896 : vector<1x1x16xf32> to vector<16xf32>
        %mul3A_898 = vector.broadcast %squeeze3A_879 : f32 to vector<16xf32>
        %mul3A_899 = arith.mulf %get3A_897, %mul3A_898 : vector<16xf32>
        %swap3A_900 = arith.index_cast %rem3A_391 : i32 to index
        %swap3A_901 = arith.index_cast %add3A_877 : i32 to index
        %swap3A_902 = arith.constant 16 : index
        %swap3A_903 = tpu.vector_load %arg15[%swap3A_900, %swap3A_901, %swap3A_902] {strides = array<i32>} : memref<2x128x32xf32, #tpu.memory_space<vmem>>, vector<1x1x16xf32>,
        %swap3A_904 = vector.shape_cast %swap3A_903 : vector<1x1x16xf32> to vector<16xf32>
        %swap3A_905 = vector.shape_cast %mul3A_899 : vector<16xf32> to vector<1x1x16xf32>
        tpu.vector_store %arg15[%swap3A_900, %swap3A_901, %swap3A_902], %swap3A_905 {strides = array<i32>} : memref<2x128x32xf32, #tpu.memory_space<vmem>>, vector<1x1x16xf32>,
        %mul3A_906 = arith.constant 16 : i32
        %mul3A_907 = arith.muli %scan3A_455, %mul3A_906 : i32
        %add3A_908 = arith.constant 14 : i32
        %add3A_909 = arith.addi %mul3A_907, %add3A_908 : i32
        %slice3A_910 = vector.extract_strided_slice %get3A_460 {offsets = [14], sizes = [1], strides = [1]} : vector<16xf32> to vector<1xf32>
        %squeeze3A_911 = vector.extract %slice3A_910[0] : f32 from vector<1xf32>
        %get3A_912 = arith.index_cast %rem3A_391 : i32 to index
        %get3A_913 = arith.index_cast %add3A_909 : i32 to index
        %get3A_914 = arith.constant 0 : index
        %get3A_915 = tpu.vector_load %arg15[%get3A_912, %get3A_913, %get3A_914] {strides = array<i32>} : memref<2x128x32xf32, #tpu.memory_space<vmem>>, vector<1x1x16xf32>,
        %get3A_916 = vector.shape_cast %get3A_915 : vector<1x1x16xf32> to vector<16xf32>
        %mul3A_917 = vector.broadcast %squeeze3A_911 : f32 to vector<16xf32>
        %mul3A_918 = arith.mulf %get3A_916, %mul3A_917 : vector<16xf32>
        %swap3A_919 = arith.index_cast %rem3A_391 : i32 to index
        %swap3A_920 = arith.index_cast %add3A_909 : i32 to index
        %swap3A_921 = arith.constant 0 : index
        %swap3A_922 = tpu.vector_load %arg15[%swap3A_919, %swap3A_920, %swap3A_921] {strides = array<i32>} : memref<2x128x32xf32, #tpu.memory_space<vmem>>, vector<1x1x16xf32>,
        %swap3A_923 = vector.shape_cast %swap3A_922 : vector<1x1x16xf32> to vector<16xf32>
        %swap3A_924 = vector.shape_cast %mul3A_918 : vector<16xf32> to vector<1x1x16xf32>
        tpu.vector_store %arg15[%swap3A_919, %swap3A_920, %swap3A_921], %swap3A_924 {strides = array<i32>} : memref<2x128x32xf32, #tpu.memory_space<vmem>>, vector<1x1x16xf32>,
        %get3A_925 = arith.index_cast %rem3A_391 : i32 to index
        %get3A_926 = arith.index_cast %add3A_909 : i32 to index
        %get3A_927 = arith.constant 16 : index
        %get3A_928 = tpu.vector_load %arg15[%get3A_925, %get3A_926, %get3A_927] {strides = array<i32>} : memref<2x128x32xf32, #tpu.memory_space<vmem>>, vector<1x1x16xf32>,
        %get3A_929 = vector.shape_cast %get3A_928 : vector<1x1x16xf32> to vector<16xf32>
        %mul3A_930 = vector.broadcast %squeeze3A_911 : f32 to vector<16xf32>
        %mul3A_931 = arith.mulf %get3A_929, %mul3A_930 : vector<16xf32>
        %swap3A_932 = arith.index_cast %rem3A_391 : i32 to index
        %swap3A_933 = arith.index_cast %add3A_909 : i32 to index
        %swap3A_934 = arith.constant 16 : index
        %swap3A_935 = tpu.vector_load %arg15[%swap3A_932, %swap3A_933, %swap3A_934] {strides = array<i32>} : memref<2x128x32xf32, #tpu.memory_space<vmem>>, vector<1x1x16xf32>,
        %swap3A_936 = vector.shape_cast %swap3A_935 : vector<1x1x16xf32> to vector<16xf32>
        %swap3A_937 = vector.shape_cast %mul3A_931 : vector<16xf32> to vector<1x1x16xf32>
        tpu.vector_store %arg15[%swap3A_932, %swap3A_933, %swap3A_934], %swap3A_937 {strides = array<i32>} : memref<2x128x32xf32, #tpu.memory_space<vmem>>, vector<1x1x16xf32>,
        %mul3A_938 = arith.constant 16 : i32
        %mul3A_939 = arith.muli %scan3A_455, %mul3A_938 : i32
        %add3A_940 = arith.constant 15 : i32
        %add3A_941 = arith.addi %mul3A_939, %add3A_940 : i32
        %slice3A_942 = vector.extract_strided_slice %get3A_460 {offsets = [15], sizes = [1], strides = [1]} : vector<16xf32> to vector<1xf32>
        %squeeze3A_943 = vector.extract %slice3A_942[0] : f32 from vector<1xf32>
        %get3A_944 = arith.index_cast %rem3A_391 : i32 to index
        %get3A_945 = arith.index_cast %add3A_941 : i32 to index
        %get3A_946 = arith.constant 0 : index
        %get3A_947 = tpu.vector_load %arg15[%get3A_944, %get3A_945, %get3A_946] {strides = array<i32>} : memref<2x128x32xf32, #tpu.memory_space<vmem>>, vector<1x1x16xf32>,
        %get3A_948 = vector.shape_cast %get3A_947 : vector<1x1x16xf32> to vector<16xf32>
        %mul3A_949 = vector.broadcast %squeeze3A_943 : f32 to vector<16xf32>
        %mul3A_950 = arith.mulf %get3A_948, %mul3A_949 : vector<16xf32>
        %swap3A_951 = arith.index_cast %rem3A_391 : i32 to index
        %swap3A_952 = arith.index_cast %add3A_941 : i32 to index
        %swap3A_953 = arith.constant 0 : index
        %swap3A_954 = tpu.vector_load %arg15[%swap3A_951, %swap3A_952, %swap3A_953] {strides = array<i32>} : memref<2x128x32xf32, #tpu.memory_space<vmem>>, vector<1x1x16xf32>,
        %swap3A_955 = vector.shape_cast %swap3A_954 : vector<1x1x16xf32> to vector<16xf32>
        %swap3A_956 = vector.shape_cast %mul3A_950 : vector<16xf32> to vector<1x1x16xf32>
        tpu.vector_store %arg15[%swap3A_951, %swap3A_952, %swap3A_953], %swap3A_956 {strides = array<i32>} : memref<2x128x32xf32, #tpu.memory_space<vmem>>, vector<1x1x16xf32>,
        %get3A_957 = arith.index_cast %rem3A_391 : i32 to index
        %get3A_958 = arith.index_cast %add3A_941 : i32 to index
        %get3A_959 = arith.constant 16 : index
        %get3A_960 = tpu.vector_load %arg15[%get3A_957, %get3A_958, %get3A_959] {strides = array<i32>} : memref<2x128x32xf32, #tpu.memory_space<vmem>>, vector<1x1x16xf32>,
        %get3A_961 = vector.shape_cast %get3A_960 : vector<1x1x16xf32> to vector<16xf32>
        %mul3A_962 = vector.broadcast %squeeze3A_943 : f32 to vector<16xf32>
        %mul3A_963 = arith.mulf %get3A_961, %mul3A_962 : vector<16xf32>
        %swap3A_964 = arith.index_cast %rem3A_391 : i32 to index
        %swap3A_965 = arith.index_cast %add3A_941 : i32 to index
        %swap3A_966 = arith.constant 16 : index
        %swap3A_967 = tpu.vector_load %arg15[%swap3A_964, %swap3A_965, %swap3A_966] {strides = array<i32>} : memref<2x128x32xf32, #tpu.memory_space<vmem>>, vector<1x1x16xf32>,
        %swap3A_968 = vector.shape_cast %swap3A_967 : vector<1x1x16xf32> to vector<16xf32>
        %swap3A_969 = vector.shape_cast %mul3A_963 : vector<16xf32> to vector<1x1x16xf32>
        tpu.vector_store %arg15[%swap3A_964, %swap3A_965, %swap3A_966], %swap3A_969 {strides = array<i32>} : memref<2x128x32xf32, #tpu.memory_space<vmem>>, vector<1x1x16xf32>,
      }
      %scan3A_438 = arith.constant 8 : i32
      %dma_start3A_439 = arith.constant 0 : i32
      %dma_start3A_440 = arith.constant 0 : i32
      %dma_start3A_441 = tpu.memref_slice %arg15[%rem3A_391, %dma_start3A_439, %dma_start3A_440] : memref<2x128x32xf32, #tpu.memory_space<vmem>> -> memref<1x128x32xf32, #tpu.memory_space<vmem>>
      %dma_start3A_442 = tpu.memref_squeeze %dma_start3A_441 : memref<1x128x32xf32, #tpu.memory_space<vmem>> -> memref<128x32xf32, #tpu.memory_space<vmem>>
      %dma_start3A_443 = arith.constant 0 : i32
      %dma_start3A_444 = tpu.memref_slice %arg13[%rem3A_397, %dma_start3A_443] : memref<3x128xi32, #tpu.memory_space<vmem>> -> memref<1x128xi32, #tpu.memory_space<vmem>>
      %dma_start3A_445 = tpu.memref_squeeze %dma_start3A_444 : memref<1x128xi32, #tpu.memory_space<vmem>> -> memref<128xi32, #tpu.memory_space<vmem>>
      %dma_start3A_446 = arith.constant 0 : i32
      %dma_start3A_447 = arith.constant 0 : i32
      %dma_start3A_448 = tpu.memref_slice %arg11[%div3A_399, %dma_start3A_446, %dma_start3A_447] : memref<4x10000x32xf32, #tpu.memory_space<vmem_shared>> -> memref<1x10000x32xf32, #tpu.memory_space<vmem_shared>>
      %dma_start3A_449 = tpu.memref_squeeze %dma_start3A_448 : memref<1x10000x32xf32, #tpu.memory_space<vmem_shared>> -> memref<10000x32xf32, #tpu.memory_space<vmem_shared>>
      %dma_start3A_450 = arith.constant 0 : i32
      %dma_start3A_451 = arith.constant 0 : i32
      %dma_start3A_452 = tpu.memref_slice %dma_start3A_449[%dma_start3A_450, %dma_start3A_451] : memref<10000x32xf32, #tpu.memory_space<vmem_shared>> -> memref<10000x32xf32, #tpu.memory_space<vmem_shared>>
      %dma_start3A_453 = tpu.memref_slice %arg18[%rem3A_391] : memref<2x!tpu.dma_semaphore, #tpu.memory_space<semaphore_mem>> -> memref<1x!tpu.dma_semaphore, #tpu.memory_space<semaphore_mem>>
      %dma_start3A_454 = tpu.memref_squeeze %dma_start3A_453 : memref<1x!tpu.dma_semaphore, #tpu.memory_space<semaphore_mem>> -> memref<!tpu.dma_semaphore, #tpu.memory_space<semaphore_mem>>
      tpu.enqueue_indirect_dma source(%dma_start3A_442 : memref<128x32xf32, #tpu.memory_space<vmem>>) target(%dma_start3A_452 : memref<10000x32xf32, #tpu.memory_space<vmem_shared>>) offsets(%dma_start3A_445 : memref<128xi32, #tpu.memory_space<vmem>>) semaphore(%dma_start3A_454 : memref<!tpu.dma_semaphore, #tpu.memory_space<semaphore_mem>>) {add = true}
    }
    %sub3A = arith.constant 1 : i32
    %sub3A_160 = arith.subi %select_n3A_10, %sub3A : i32
    %rem3A_161 = arith.constant 2 : i32
    %rem3A_162 = arith.remsi %sub3A_160, %rem3A_161 : i32
    %dma_wait3A_163 = arith.constant 0 : i32
    %dma_wait3A_164 = arith.constant 0 : i32
    %dma_wait3A_165 = arith.constant 0 : i32
    %dma_wait3A_166 = arith.constant 0 : i32
    %dma_wait3A_167 = tpu.memref_slice %arg15[%rem3A_162, %dma_wait3A_165, %dma_wait3A_166] : memref<2x128x32xf32, #tpu.memory_space<vmem>> -> memref<1x128x32xf32, #tpu.memory_space<vmem>>
    %dma_wait3A_168 = tpu.memref_squeeze %dma_wait3A_167 : memref<1x128x32xf32, #tpu.memory_space<vmem>> -> memref<128x32xf32, #tpu.memory_space<vmem>>
    %dma_wait3A_169 = arith.constant 0 : i32
    %dma_wait3A_170 = tpu.memref_slice %arg13[%dma_wait3A_164, %dma_wait3A_169] : memref<3x128xi32, #tpu.memory_space<vmem>> -> memref<1x128xi32, #tpu.memory_space<vmem>>
    %dma_wait3A_171 = tpu.memref_squeeze %dma_wait3A_170 : memref<1x128xi32, #tpu.memory_space<vmem>> -> memref<128xi32, #tpu.memory_space<vmem>>
    %dma_wait3A_172 = arith.constant 0 : i32
    %dma_wait3A_173 = arith.constant 0 : i32
    %dma_wait3A_174 = tpu.memref_slice %arg11[%dma_wait3A_163, %dma_wait3A_172, %dma_wait3A_173] : memref<4x10000x32xf32, #tpu.memory_space<vmem_shared>> -> memref<1x10000x32xf32, #tpu.memory_space<vmem_shared>>
    %dma_wait3A_175 = tpu.memref_squeeze %dma_wait3A_174 : memref<1x10000x32xf32, #tpu.memory_space<vmem_shared>> -> memref<10000x32xf32, #tpu.memory_space<vmem_shared>>
    %dma_wait3A_176 = arith.constant 0 : i32
    %dma_wait3A_177 = arith.constant 0 : i32
    %dma_wait3A_178 = tpu.memref_slice %dma_wait3A_175[%dma_wait3A_176, %dma_wait3A_177] : memref<10000x32xf32, #tpu.memory_space<vmem_shared>> -> memref<10000x32xf32, #tpu.memory_space<vmem_shared>>
    %dma_wait3A_179 = tpu.memref_slice %arg18[%rem3A_162] : memref<2x!tpu.dma_semaphore, #tpu.memory_space<semaphore_mem>> -> memref<1x!tpu.dma_semaphore, #tpu.memory_space<semaphore_mem>>
    %dma_wait3A_180 = tpu.memref_squeeze %dma_wait3A_179 : memref<1x!tpu.dma_semaphore, #tpu.memory_space<semaphore_mem>> -> memref<!tpu.dma_semaphore, #tpu.memory_space<semaphore_mem>>
    tpu.wait_indirect_dma semaphore(%dma_wait3A_180 : memref<!tpu.dma_semaphore, #tpu.memory_space<semaphore_mem>>) src(%dma_wait3A_168 : memref<128x32xf32, #tpu.memory_space<vmem>>) dst(%dma_wait3A_178 : memref<10000x32xf32, #tpu.memory_space<vmem_shared>>)
    %barrier3A_181 = arith.constant 0 : index
    tpu.barrier barrier_id(%barrier3A_181)
    %lt3A_182 = arith.constant 15 : i32
    %lt3A_183 = arith.cmpi slt, %arg1, %lt3A_182 : i32
    %convert_element_type3A_184 = arith.extui %lt3A_183 : i1 to i32
    %cond3A_185 = arith.constant 0 : i32
    %cond3A_186 = arith.cmpi ne, %convert_element_type3A_184, %cond3A_185 : i32
    scf.if %cond3A_186 {
      %run_scoped3A = arith.constant 0 : i32
      "tpu.region"() ({
        %run_scoped3A_389 = tpu.sem_alloc : memref<!tpu.dma_semaphore, #tpu.memory_space<semaphore_mem>>
        %dma_start3A_390 = arith.constant 0 : i32
        %dma_start3A_391 = arith.constant 0 : i32
        %dma_start3A_392 = tpu.memref_slice %arg16[%dma_start3A_390, %dma_start3A_391] : memref<640x32xf32, #tpu.memory_space<vmem>> -> memref<624x32xf32, #tpu.memory_space<vmem>>
        %dma_start3A_393 = arith.constant 0 : i32
        %dma_start3A_394 = arith.constant 0 : i32
        %dma_start3A_395 = tpu.memref_slice %arg11[%run_scoped3A, %dma_start3A_393, %dma_start3A_394] : memref<4x10000x32xf32, #tpu.memory_space<vmem_shared>> -> memref<1x10000x32xf32, #tpu.memory_space<vmem_shared>>
        %dma_start3A_396 = tpu.memref_squeeze %dma_start3A_395 : memref<1x10000x32xf32, #tpu.memory_space<vmem_shared>> -> memref<10000x32xf32, #tpu.memory_space<vmem_shared>>
        %dma_start3A_397 = arith.constant 0 : i32
        %dma_start3A_398 = tpu.memref_slice %dma_start3A_396[%mul3A_1, %dma_start3A_397] : memref<10000x32xf32, #tpu.memory_space<vmem_shared>> -> memref<624x32xf32, #tpu.memory_space<vmem_shared>>
        %dma_start3A_399 = arith.constant 0 : i32
        %dma_start3A_400 = arith.constant 0 : i32
        %dma_start3A_401 = tpu.memref_slice %arg16[%dma_start3A_399, %dma_start3A_400] : memref<640x32xf32, #tpu.memory_space<vmem>> -> memref<624x32xf32, #tpu.memory_space<vmem>>
        %dma_start3A_402 = arith.constant 0 : i32
        %dma_start3A_403 = arith.constant 0 : i32
        %dma_start3A_404 = tpu.memref_slice %arg11[%run_scoped3A, %dma_start3A_402, %dma_start3A_403] : memref<4x10000x32xf32, #tpu.memory_space<vmem_shared>> -> memref<1x10000x32xf32, #tpu.memory_space<vmem_shared>>
        %dma_start3A_405 = tpu.memref_squeeze %dma_start3A_404 : memref<1x10000x32xf32, #tpu.memory_space<vmem_shared>> -> memref<10000x32xf32, #tpu.memory_space<vmem_shared>>
        %dma_start3A_406 = arith.constant 0 : i32
        %dma_start3A_407 = tpu.memref_slice %dma_start3A_405[%mul3A_1, %dma_start3A_406] : memref<10000x32xf32, #tpu.memory_space<vmem_shared>> -> memref<624x32xf32, #tpu.memory_space<vmem_shared>>
        tpu.enqueue_dma source(%dma_start3A_407 : memref<624x32xf32, #tpu.memory_space<vmem_shared>>) target(%dma_start3A_401 : memref<624x32xf32, #tpu.memory_space<vmem>>) target_semaphore(%run_scoped3A_389 : memref<!tpu.dma_semaphore, #tpu.memory_space<semaphore_mem>>)
        %dma_wait3A_408 = arith.constant 0 : i32
        %dma_wait3A_409 = arith.constant 0 : i32
        %dma_wait3A_410 = tpu.memref_slice %arg16[%dma_wait3A_408, %dma_wait3A_409] : memref<640x32xf32, #tpu.memory_space<vmem>> -> memref<624x32xf32, #tpu.memory_space<vmem>>
        %dma_wait3A_411 = arith.constant 0 : i32
        %dma_wait3A_412 = arith.constant 0 : i32
        %dma_wait3A_413 = tpu.memref_slice %arg11[%run_scoped3A, %dma_wait3A_411, %dma_wait3A_412] : memref<4x10000x32xf32, #tpu.memory_space<vmem_shared>> -> memref<1x10000x32xf32, #tpu.memory_space<vmem_shared>>
        %dma_wait3A_414 = tpu.memref_squeeze %dma_wait3A_413 : memref<1x10000x32xf32, #tpu.memory_space<vmem_shared>> -> memref<10000x32xf32, #tpu.memory_space<vmem_shared>>
        %dma_wait3A_415 = arith.constant 0 : i32
        %dma_wait3A_416 = tpu.memref_slice %dma_wait3A_414[%mul3A_1, %dma_wait3A_415] : memref<10000x32xf32, #tpu.memory_space<vmem_shared>> -> memref<624x32xf32, #tpu.memory_space<vmem_shared>>
        %dma_wait3A_417 = arith.constant 0 : i32
        %dma_wait3A_418 = arith.constant 0 : i32
        %dma_wait3A_419 = tpu.memref_slice %arg16[%dma_wait3A_417, %dma_wait3A_418] : memref<640x32xf32, #tpu.memory_space<vmem>> -> memref<624x32xf32, #tpu.memory_space<vmem>>
        %dma_wait3A_420 = arith.constant 0 : i32
        %dma_wait3A_421 = arith.constant 0 : i32
        %dma_wait3A_422 = tpu.memref_slice %arg11[%run_scoped3A, %dma_wait3A_420, %dma_wait3A_421] : memref<4x10000x32xf32, #tpu.memory_space<vmem_shared>> -> memref<1x10000x32xf32, #tpu.memory_space<vmem_shared>>
        %dma_wait3A_423 = tpu.memref_squeeze %dma_wait3A_422 : memref<1x10000x32xf32, #tpu.memory_space<vmem_shared>> -> memref<10000x32xf32, #tpu.memory_space<vmem_shared>>
        %dma_wait3A_424 = arith.constant 0 : i32
        %dma_wait3A_425 = tpu.memref_slice %dma_wait3A_423[%mul3A_1, %dma_wait3A_424] : memref<10000x32xf32, #tpu.memory_space<vmem_shared>> -> memref<624x32xf32, #tpu.memory_space<vmem_shared>>
        tpu.wait_dma2 semaphore(%run_scoped3A_389 : memref<!tpu.dma_semaphore, #tpu.memory_space<semaphore_mem>>) src(%dma_wait3A_425 : memref<624x32xf32, #tpu.memory_space<vmem_shared>>) dst(%dma_wait3A_419 : memref<624x32xf32, #tpu.memory_space<vmem>>)
        tpu.yield
      }) : () -> ()
    } else {
    }
    %eq3A_187 = arith.constant 15 : i32
    %eq3A_188 = arith.cmpi eq, %arg1, %eq3A_187 : i32
    %convert_element_type3A_189 = arith.extui %eq3A_188 : i1 to i32
    %cond3A_190 = arith.constant 0 : i32
    %cond3A_191 = arith.cmpi ne, %convert_element_type3A_189, %cond3A_190 : i32
    scf.if %cond3A_191 {
      %run_scoped3A = arith.constant 0 : i32
      "tpu.region"() ({
        %run_scoped3A_389 = tpu.sem_alloc : memref<!tpu.dma_semaphore, #tpu.memory_space<semaphore_mem>>
        %dma_start3A_390 = arith.constant 0 : i32
        %dma_start3A_391 = arith.constant 0 : i32
        %dma_start3A_392 = tpu.memref_slice %arg11[%run_scoped3A, %dma_start3A_390, %dma_start3A_391] : memref<4x10000x32xf32, #tpu.memory_space<vmem_shared>> -> memref<1x10000x32xf32, #tpu.memory_space<vmem_shared>>
        %dma_start3A_393 = tpu.memref_squeeze %dma_start3A_392 : memref<1x10000x32xf32, #tpu.memory_space<vmem_shared>> -> memref<10000x32xf32, #tpu.memory_space<vmem_shared>>
        %dma_start3A_394 = arith.constant 0 : i32
        %dma_start3A_395 = tpu.memref_slice %dma_start3A_393[%mul3A_1, %dma_start3A_394] : memref<10000x32xf32, #tpu.memory_space<vmem_shared>> -> memref<640x32xf32, #tpu.memory_space<vmem_shared>>
        %dma_start3A_396 = arith.constant 0 : i32
        %dma_start3A_397 = arith.constant 0 : i32
        %dma_start3A_398 = tpu.memref_slice %arg11[%run_scoped3A, %dma_start3A_396, %dma_start3A_397] : memref<4x10000x32xf32, #tpu.memory_space<vmem_shared>> -> memref<1x10000x32xf32, #tpu.memory_space<vmem_shared>>
        %dma_start3A_399 = tpu.memref_squeeze %dma_start3A_398 : memref<1x10000x32xf32, #tpu.memory_space<vmem_shared>> -> memref<10000x32xf32, #tpu.memory_space<vmem_shared>>
        %dma_start3A_400 = arith.constant 0 : i32
        %dma_start3A_401 = tpu.memref_slice %dma_start3A_399[%mul3A_1, %dma_start3A_400] : memref<10000x32xf32, #tpu.memory_space<vmem_shared>> -> memref<640x32xf32, #tpu.memory_space<vmem_shared>>
        tpu.enqueue_dma source(%dma_start3A_401 : memref<640x32xf32, #tpu.memory_space<vmem_shared>>) target(%arg16 : memref<640x32xf32, #tpu.memory_space<vmem>>) target_semaphore(%run_scoped3A_389 : memref<!tpu.dma_semaphore, #tpu.memory_space<semaphore_mem>>)
        %dma_wait3A_402 = arith.constant 0 : i32
        %dma_wait3A_403 = arith.constant 0 : i32
        %dma_wait3A_404 = tpu.memref_slice %arg11[%run_scoped3A, %dma_wait3A_402, %dma_wait3A_403] : memref<4x10000x32xf32, #tpu.memory_space<vmem_shared>> -> memref<1x10000x32xf32, #tpu.memory_space<vmem_shared>>
        %dma_wait3A_405 = tpu.memref_squeeze %dma_wait3A_404 : memref<1x10000x32xf32, #tpu.memory_space<vmem_shared>> -> memref<10000x32xf32, #tpu.memory_space<vmem_shared>>
        %dma_wait3A_406 = arith.constant 0 : i32
        %dma_wait3A_407 = tpu.memref_slice %dma_wait3A_405[%mul3A_1, %dma_wait3A_406] : memref<10000x32xf32, #tpu.memory_space<vmem_shared>> -> memref<640x32xf32, #tpu.memory_space<vmem_shared>>
        %dma_wait3A_408 = arith.constant 0 : i32
        %dma_wait3A_409 = arith.constant 0 : i32
        %dma_wait3A_410 = tpu.memref_slice %arg11[%run_scoped3A, %dma_wait3A_408, %dma_wait3A_409] : memref<4x10000x32xf32, #tpu.memory_space<vmem_shared>> -> memref<1x10000x32xf32, #tpu.memory_space<vmem_shared>>
        %dma_wait3A_411 = tpu.memref_squeeze %dma_wait3A_410 : memref<1x10000x32xf32, #tpu.memory_space<vmem_shared>> -> memref<10000x32xf32, #tpu.memory_space<vmem_shared>>
        %dma_wait3A_412 = arith.constant 0 : i32
        %dma_wait3A_413 = tpu.memref_slice %dma_wait3A_411[%mul3A_1, %dma_wait3A_412] : memref<10000x32xf32, #tpu.memory_space<vmem_shared>> -> memref<640x32xf32, #tpu.memory_space<vmem_shared>>
        tpu.wait_dma2 semaphore(%run_scoped3A_389 : memref<!tpu.dma_semaphore, #tpu.memory_space<semaphore_mem>>) src(%dma_wait3A_413 : memref<640x32xf32, #tpu.memory_space<vmem_shared>>) dst(%arg16 : memref<640x32xf32, #tpu.memory_space<vmem>>)
        tpu.yield
      }) : () -> ()
    } else {
    }
    %while3A_192 = arith.constant 0 : i32
    %while3A_193 = arith.constant 0 : i32
    %while3A_194 = arith.subi %select_n3A, %while3A_193 : i32
    %while3A_195 = arith.addi %while3A_193, %while3A_194 : i32
    %while3A_196 = arith.constant 1 : i32
    %while3A_197 = arith.divsi %while3A_194, %while3A_196 : i32
    %while3A_198 = arith.muli %while3A_197, %while3A_196 : i32
    %while3A_199 = arith.addi %while3A_193, %while3A_198 : i32
    %while3A_200 = arith.constant 1 : i32
    scf.for %while3A_389 = %while3A_193 to %while3A_199 step %while3A_200  : i32 {
      %get3A = arith.index_cast %while3A_389 : i32 to index
      %get3A_390 = arith.constant 0 : index
      %get3A_391 = tpu.vector_load %arg16[%get3A, %get3A_390] {strides = array<i32>} : memref<640x32xf32, #tpu.memory_space<vmem>>, vector<1x16xf32>,
      %get3A_392 = vector.shape_cast %get3A_391 : vector<1x16xf32> to vector<16xf32>
      %max3A = arith.maximumf %get3A_392, %broadcast_in_dim3A_0 : vector<16xf32>
      %swap3A = arith.index_cast %while3A_389 : i32 to index
      %swap3A_393 = arith.constant 0 : index
      %swap3A_394 = tpu.vector_load %arg16[%swap3A, %swap3A_393] {strides = array<i32>} : memref<640x32xf32, #tpu.memory_space<vmem>>, vector<1x16xf32>,
      %swap3A_395 = vector.shape_cast %swap3A_394 : vector<1x16xf32> to vector<16xf32>
      %swap3A_396 = vector.shape_cast %max3A : vector<16xf32> to vector<1x16xf32>
      tpu.vector_store %arg16[%swap3A, %swap3A_393], %swap3A_396 {strides = array<i32>} : memref<640x32xf32, #tpu.memory_space<vmem>>, vector<1x16xf32>,
      %get3A_397 = arith.index_cast %while3A_389 : i32 to index
      %get3A_398 = arith.constant 16 : index
      %get3A_399 = tpu.vector_load %arg16[%get3A_397, %get3A_398] {strides = array<i32>} : memref<640x32xf32, #tpu.memory_space<vmem>>, vector<1x16xf32>,
      %get3A_400 = vector.shape_cast %get3A_399 : vector<1x16xf32> to vector<16xf32>
      %max3A_401 = arith.maximumf %get3A_400, %broadcast_in_dim3A_0 : vector<16xf32>
      %swap3A_402 = arith.index_cast %while3A_389 : i32 to index
      %swap3A_403 = arith.constant 16 : index
      %swap3A_404 = tpu.vector_load %arg16[%swap3A_402, %swap3A_403] {strides = array<i32>} : memref<640x32xf32, #tpu.memory_space<vmem>>, vector<1x16xf32>,
      %swap3A_405 = vector.shape_cast %swap3A_404 : vector<1x16xf32> to vector<16xf32>
      %swap3A_406 = vector.shape_cast %max3A_401 : vector<16xf32> to vector<1x16xf32>
      tpu.vector_store %arg16[%swap3A_402, %swap3A_403], %swap3A_406 {strides = array<i32>} : memref<640x32xf32, #tpu.memory_space<vmem>>, vector<1x16xf32>,
    }
    %while3A_201 = arith.constant 1 : i32
    scf.for %while3A_389 = %while3A_199 to %while3A_195 step %while3A_201  : i32 {
      %get3A = arith.index_cast %while3A_389 : i32 to index
      %get3A_390 = arith.constant 0 : index
      %get3A_391 = tpu.vector_load %arg16[%get3A, %get3A_390] {strides = array<i32>} : memref<640x32xf32, #tpu.memory_space<vmem>>, vector<1x16xf32>,
      %get3A_392 = vector.shape_cast %get3A_391 : vector<1x16xf32> to vector<16xf32>
      %max3A = arith.maximumf %get3A_392, %broadcast_in_dim3A_0 : vector<16xf32>
      %swap3A = arith.index_cast %while3A_389 : i32 to index
      %swap3A_393 = arith.constant 0 : index
      %swap3A_394 = tpu.vector_load %arg16[%swap3A, %swap3A_393] {strides = array<i32>} : memref<640x32xf32, #tpu.memory_space<vmem>>, vector<1x16xf32>,
      %swap3A_395 = vector.shape_cast %swap3A_394 : vector<1x16xf32> to vector<16xf32>
      %swap3A_396 = vector.shape_cast %max3A : vector<16xf32> to vector<1x16xf32>
      tpu.vector_store %arg16[%swap3A, %swap3A_393], %swap3A_396 {strides = array<i32>} : memref<640x32xf32, #tpu.memory_space<vmem>>, vector<1x16xf32>,
      %get3A_397 = arith.index_cast %while3A_389 : i32 to index
      %get3A_398 = arith.constant 16 : index
      %get3A_399 = tpu.vector_load %arg16[%get3A_397, %get3A_398] {strides = array<i32>} : memref<640x32xf32, #tpu.memory_space<vmem>>, vector<1x16xf32>,
      %get3A_400 = vector.shape_cast %get3A_399 : vector<1x16xf32> to vector<16xf32>
      %max3A_401 = arith.maximumf %get3A_400, %broadcast_in_dim3A_0 : vector<16xf32>
      %swap3A_402 = arith.index_cast %while3A_389 : i32 to index
      %swap3A_403 = arith.constant 16 : index
      %swap3A_404 = tpu.vector_load %arg16[%swap3A_402, %swap3A_403] {strides = array<i32>} : memref<640x32xf32, #tpu.memory_space<vmem>>, vector<1x16xf32>,
      %swap3A_405 = vector.shape_cast %swap3A_404 : vector<1x16xf32> to vector<16xf32>
      %swap3A_406 = vector.shape_cast %max3A_401 : vector<16xf32> to vector<1x16xf32>
      tpu.vector_store %arg16[%swap3A_402, %swap3A_403], %swap3A_406 {strides = array<i32>} : memref<640x32xf32, #tpu.memory_space<vmem>>, vector<1x16xf32>,
    }
    %eq3A_202 = arith.constant 0 : i32
    %eq3A_203 = arith.cmpi eq, %arg0, %eq3A_202 : i32
    %lt3A_204 = arith.constant 15 : i32
    %lt3A_205 = arith.cmpi slt, %arg1, %lt3A_204 : i32
    %and3A = arith.andi %eq3A_203, %lt3A_205 : i1
    %convert_element_type3A_206 = arith.extui %and3A : i1 to i32
    %cond3A_207 = arith.constant 0 : i32
    %cond3A_208 = arith.cmpi ne, %convert_element_type3A_206, %cond3A_207 : i32
    scf.if %cond3A_208 {
      "tpu.region"() ({
        %run_scoped3A = tpu.sem_alloc : memref<!tpu.dma_semaphore, #tpu.memory_space<semaphore_mem>>
        %dma_start3A_389 = arith.constant 0 : i32
        %dma_start3A_390 = arith.constant 0 : i32
        %dma_start3A_391 = tpu.memref_slice %arg16[%dma_start3A_389, %dma_start3A_390] : memref<640x32xf32, #tpu.memory_space<vmem>> -> memref<624x32xf32, #tpu.memory_space<vmem>>
        %dma_start3A_392 = arith.constant 0 : i32
        %dma_start3A_393 = tpu.memref_slice %arg9[%mul3A_1, %dma_start3A_392] : memref<10000x128xf32, #tpu.memory_space<hbm>> -> memref<624x32xf32, #tpu.memory_space<hbm>>
        %dma_start3A_394 = arith.constant 0 : i32
        %dma_start3A_395 = tpu.memref_slice %arg9[%mul3A_1, %dma_start3A_394] : memref<10000x128xf32, #tpu.memory_space<hbm>> -> memref<624x32xf32, #tpu.memory_space<hbm>>
        %dma_start3A_396 = arith.constant 0 : i32
        %dma_start3A_397 = arith.constant 0 : i32
        %dma_start3A_398 = tpu.memref_slice %arg16[%dma_start3A_396, %dma_start3A_397] : memref<640x32xf32, #tpu.memory_space<vmem>> -> memref<624x32xf32, #tpu.memory_space<vmem>>
        tpu.enqueue_dma source(%dma_start3A_398 : memref<624x32xf32, #tpu.memory_space<vmem>>) target(%dma_start3A_395 : memref<624x32xf32, #tpu.memory_space<hbm>>) target_semaphore(%run_scoped3A : memref<!tpu.dma_semaphore, #tpu.memory_space<semaphore_mem>>)
        %dma_wait3A_399 = arith.constant 0 : i32
        %dma_wait3A_400 = arith.constant 0 : i32
        %dma_wait3A_401 = tpu.memref_slice %arg16[%dma_wait3A_399, %dma_wait3A_400] : memref<640x32xf32, #tpu.memory_space<vmem>> -> memref<624x32xf32, #tpu.memory_space<vmem>>
        %dma_wait3A_402 = arith.constant 0 : i32
        %dma_wait3A_403 = tpu.memref_slice %arg9[%mul3A_1, %dma_wait3A_402] : memref<10000x128xf32, #tpu.memory_space<hbm>> -> memref<624x32xf32, #tpu.memory_space<hbm>>
        %dma_wait3A_404 = arith.constant 0 : i32
        %dma_wait3A_405 = tpu.memref_slice %arg9[%mul3A_1, %dma_wait3A_404] : memref<10000x128xf32, #tpu.memory_space<hbm>> -> memref<624x32xf32, #tpu.memory_space<hbm>>
        %dma_wait3A_406 = arith.constant 0 : i32
        %dma_wait3A_407 = arith.constant 0 : i32
        %dma_wait3A_408 = tpu.memref_slice %arg16[%dma_wait3A_406, %dma_wait3A_407] : memref<640x32xf32, #tpu.memory_space<vmem>> -> memref<624x32xf32, #tpu.memory_space<vmem>>
        tpu.wait_dma2 semaphore(%run_scoped3A : memref<!tpu.dma_semaphore, #tpu.memory_space<semaphore_mem>>) src(%dma_wait3A_408 : memref<624x32xf32, #tpu.memory_space<vmem>>) dst(%dma_wait3A_405 : memref<624x32xf32, #tpu.memory_space<hbm>>)
        tpu.yield
      }) : () -> ()
    } else {
    }
    %eq3A_209 = arith.constant 0 : i32
    %eq3A_210 = arith.cmpi eq, %arg0, %eq3A_209 : i32
    %eq3A_211 = arith.constant 15 : i32
    %eq3A_212 = arith.cmpi eq, %arg1, %eq3A_211 : i32
    %and3A_213 = arith.andi %eq3A_210, %eq3A_212 : i1
    %convert_element_type3A_214 = arith.extui %and3A_213 : i1 to i32
    %cond3A_215 = arith.constant 0 : i32
    %cond3A_216 = arith.cmpi ne, %convert_element_type3A_214, %cond3A_215 : i32
    scf.if %cond3A_216 {
      "tpu.region"() ({
        %run_scoped3A = tpu.sem_alloc : memref<!tpu.dma_semaphore, #tpu.memory_space<semaphore_mem>>
        %dma_start3A_389 = arith.constant 0 : i32
        %dma_start3A_390 = tpu.memref_slice %arg9[%mul3A_1, %dma_start3A_389] : memref<10000x128xf32, #tpu.memory_space<hbm>> -> memref<640x32xf32, #tpu.memory_space<hbm>>
        %dma_start3A_391 = arith.constant 0 : i32
        %dma_start3A_392 = tpu.memref_slice %arg9[%mul3A_1, %dma_start3A_391] : memref<10000x128xf32, #tpu.memory_space<hbm>> -> memref<640x32xf32, #tpu.memory_space<hbm>>
        tpu.enqueue_dma source(%arg16 : memref<640x32xf32, #tpu.memory_space<vmem>>) target(%dma_start3A_392 : memref<640x32xf32, #tpu.memory_space<hbm>>) target_semaphore(%run_scoped3A : memref<!tpu.dma_semaphore, #tpu.memory_space<semaphore_mem>>)
        %dma_wait3A_393 = arith.constant 0 : i32
        %dma_wait3A_394 = tpu.memref_slice %arg9[%mul3A_1, %dma_wait3A_393] : memref<10000x128xf32, #tpu.memory_space<hbm>> -> memref<640x32xf32, #tpu.memory_space<hbm>>
        %dma_wait3A_395 = arith.constant 0 : i32
        %dma_wait3A_396 = tpu.memref_slice %arg9[%mul3A_1, %dma_wait3A_395] : memref<10000x128xf32, #tpu.memory_space<hbm>> -> memref<640x32xf32, #tpu.memory_space<hbm>>
        tpu.wait_dma2 semaphore(%run_scoped3A : memref<!tpu.dma_semaphore, #tpu.memory_space<semaphore_mem>>) src(%arg16 : memref<640x32xf32, #tpu.memory_space<vmem>>) dst(%dma_wait3A_396 : memref<640x32xf32, #tpu.memory_space<hbm>>)
        tpu.yield
      }) : () -> ()
    } else {
    }
    %eq3A_217 = arith.constant 1 : i32
    %eq3A_218 = arith.cmpi eq, %arg0, %eq3A_217 : i32
    %lt3A_219 = arith.constant 15 : i32
    %lt3A_220 = arith.cmpi slt, %arg1, %lt3A_219 : i32
    %and3A_221 = arith.andi %eq3A_218, %lt3A_220 : i1
    %convert_element_type3A_222 = arith.extui %and3A_221 : i1 to i32
    %cond3A_223 = arith.constant 0 : i32
    %cond3A_224 = arith.cmpi ne, %convert_element_type3A_222, %cond3A_223 : i32
    scf.if %cond3A_224 {
      "tpu.region"() ({
        %run_scoped3A = tpu.sem_alloc : memref<!tpu.dma_semaphore, #tpu.memory_space<semaphore_mem>>
        %dma_start3A_389 = arith.constant 0 : i32
        %dma_start3A_390 = arith.constant 0 : i32
        %dma_start3A_391 = tpu.memref_slice %arg16[%dma_start3A_389, %dma_start3A_390] : memref<640x32xf32, #tpu.memory_space<vmem>> -> memref<624x32xf32, #tpu.memory_space<vmem>>
        %dma_start3A_392 = arith.constant 0 : i32
        %dma_start3A_393 = tpu.memref_slice %arg10[%mul3A_1, %dma_start3A_392] : memref<10000x128xf32, #tpu.memory_space<hbm>> -> memref<624x32xf32, #tpu.memory_space<hbm>>
        %dma_start3A_394 = arith.constant 0 : i32
        %dma_start3A_395 = tpu.memref_slice %arg10[%mul3A_1, %dma_start3A_394] : memref<10000x128xf32, #tpu.memory_space<hbm>> -> memref<624x32xf32, #tpu.memory_space<hbm>>
        %dma_start3A_396 = arith.constant 0 : i32
        %dma_start3A_397 = arith.constant 0 : i32
        %dma_start3A_398 = tpu.memref_slice %arg16[%dma_start3A_396, %dma_start3A_397] : memref<640x32xf32, #tpu.memory_space<vmem>> -> memref<624x32xf32, #tpu.memory_space<vmem>>
        tpu.enqueue_dma source(%dma_start3A_398 : memref<624x32xf32, #tpu.memory_space<vmem>>) target(%dma_start3A_395 : memref<624x32xf32, #tpu.memory_space<hbm>>) target_semaphore(%run_scoped3A : memref<!tpu.dma_semaphore, #tpu.memory_space<semaphore_mem>>)
        %dma_wait3A_399 = arith.constant 0 : i32
        %dma_wait3A_400 = arith.constant 0 : i32
        %dma_wait3A_401 = tpu.memref_slice %arg16[%dma_wait3A_399, %dma_wait3A_400] : memref<640x32xf32, #tpu.memory_space<vmem>> -> memref<624x32xf32, #tpu.memory_space<vmem>>
        %dma_wait3A_402 = arith.constant 0 : i32
        %dma_wait3A_403 = tpu.memref_slice %arg10[%mul3A_1, %dma_wait3A_402] : memref<10000x128xf32, #tpu.memory_space<hbm>> -> memref<624x32xf32, #tpu.memory_space<hbm>>
        %dma_wait3A_404 = arith.constant 0 : i32
        %dma_wait3A_405 = tpu.memref_slice %arg10[%mul3A_1, %dma_wait3A_404] : memref<10000x128xf32, #tpu.memory_space<hbm>> -> memref<624x32xf32, #tpu.memory_space<hbm>>
        %dma_wait3A_406 = arith.constant 0 : i32
        %dma_wait3A_407 = arith.constant 0 : i32
        %dma_wait3A_408 = tpu.memref_slice %arg16[%dma_wait3A_406, %dma_wait3A_407] : memref<640x32xf32, #tpu.memory_space<vmem>> -> memref<624x32xf32, #tpu.memory_space<vmem>>
        tpu.wait_dma2 semaphore(%run_scoped3A : memref<!tpu.dma_semaphore, #tpu.memory_space<semaphore_mem>>) src(%dma_wait3A_408 : memref<624x32xf32, #tpu.memory_space<vmem>>) dst(%dma_wait3A_405 : memref<624x32xf32, #tpu.memory_space<hbm>>)
        tpu.yield
      }) : () -> ()
    } else {
    }
    %eq3A_225 = arith.constant 1 : i32
    %eq3A_226 = arith.cmpi eq, %arg0, %eq3A_225 : i32
    %eq3A_227 = arith.constant 15 : i32
    %eq3A_228 = arith.cmpi eq, %arg1, %eq3A_227 : i32
    %and3A_229 = arith.andi %eq3A_226, %eq3A_228 : i1
    %convert_element_type3A_230 = arith.extui %and3A_229 : i1 to i32
    %cond3A_231 = arith.constant 0 : i32
    %cond3A_232 = arith.cmpi ne, %convert_element_type3A_230, %cond3A_231 : i32
    scf.if %cond3A_232 {
      "tpu.region"() ({
        %run_scoped3A = tpu.sem_alloc : memref<!tpu.dma_semaphore, #tpu.memory_space<semaphore_mem>>
        %dma_start3A_389 = arith.constant 0 : i32
        %dma_start3A_390 = tpu.memref_slice %arg10[%mul3A_1, %dma_start3A_389] : memref<10000x128xf32, #tpu.memory_space<hbm>> -> memref<640x32xf32, #tpu.memory_space<hbm>>
        %dma_start3A_391 = arith.constant 0 : i32
        %dma_start3A_392 = tpu.memref_slice %arg10[%mul3A_1, %dma_start3A_391] : memref<10000x128xf32, #tpu.memory_space<hbm>> -> memref<640x32xf32, #tpu.memory_space<hbm>>
        tpu.enqueue_dma source(%arg16 : memref<640x32xf32, #tpu.memory_space<vmem>>) target(%dma_start3A_392 : memref<640x32xf32, #tpu.memory_space<hbm>>) target_semaphore(%run_scoped3A : memref<!tpu.dma_semaphore, #tpu.memory_space<semaphore_mem>>)
        %dma_wait3A_393 = arith.constant 0 : i32
        %dma_wait3A_394 = tpu.memref_slice %arg10[%mul3A_1, %dma_wait3A_393] : memref<10000x128xf32, #tpu.memory_space<hbm>> -> memref<640x32xf32, #tpu.memory_space<hbm>>
        %dma_wait3A_395 = arith.constant 0 : i32
        %dma_wait3A_396 = tpu.memref_slice %arg10[%mul3A_1, %dma_wait3A_395] : memref<10000x128xf32, #tpu.memory_space<hbm>> -> memref<640x32xf32, #tpu.memory_space<hbm>>
        tpu.wait_dma2 semaphore(%run_scoped3A : memref<!tpu.dma_semaphore, #tpu.memory_space<semaphore_mem>>) src(%arg16 : memref<640x32xf32, #tpu.memory_space<vmem>>) dst(%dma_wait3A_396 : memref<640x32xf32, #tpu.memory_space<hbm>>)
        tpu.yield
      }) : () -> ()
    } else {
    }
    %lt3A_233 = arith.constant 15 : i32
    %lt3A_234 = arith.cmpi slt, %arg1, %lt3A_233 : i32
    %convert_element_type3A_235 = arith.extui %lt3A_234 : i1 to i32
    %cond3A_236 = arith.constant 0 : i32
    %cond3A_237 = arith.cmpi ne, %convert_element_type3A_235, %cond3A_236 : i32
    scf.if %cond3A_237 {
      %run_scoped3A = arith.constant 1 : i32
      "tpu.region"() ({
        %run_scoped3A_389 = tpu.sem_alloc : memref<!tpu.dma_semaphore, #tpu.memory_space<semaphore_mem>>
        %dma_start3A_390 = arith.constant 0 : i32
        %dma_start3A_391 = arith.constant 0 : i32
        %dma_start3A_392 = tpu.memref_slice %arg16[%dma_start3A_390, %dma_start3A_391] : memref<640x32xf32, #tpu.memory_space<vmem>> -> memref<624x32xf32, #tpu.memory_space<vmem>>
        %dma_start3A_393 = arith.constant 0 : i32
        %dma_start3A_394 = arith.constant 0 : i32
        %dma_start3A_395 = tpu.memref_slice %arg11[%run_scoped3A, %dma_start3A_393, %dma_start3A_394] : memref<4x10000x32xf32, #tpu.memory_space<vmem_shared>> -> memref<1x10000x32xf32, #tpu.memory_space<vmem_shared>>
        %dma_start3A_396 = tpu.memref_squeeze %dma_start3A_395 : memref<1x10000x32xf32, #tpu.memory_space<vmem_shared>> -> memref<10000x32xf32, #tpu.memory_space<vmem_shared>>
        %dma_start3A_397 = arith.constant 0 : i32
        %dma_start3A_398 = tpu.memref_slice %dma_start3A_396[%mul3A_1, %dma_start3A_397] : memref<10000x32xf32, #tpu.memory_space<vmem_shared>> -> memref<624x32xf32, #tpu.memory_space<vmem_shared>>
        %dma_start3A_399 = arith.constant 0 : i32
        %dma_start3A_400 = arith.constant 0 : i32
        %dma_start3A_401 = tpu.memref_slice %arg16[%dma_start3A_399, %dma_start3A_400] : memref<640x32xf32, #tpu.memory_space<vmem>> -> memref<624x32xf32, #tpu.memory_space<vmem>>
        %dma_start3A_402 = arith.constant 0 : i32
        %dma_start3A_403 = arith.constant 0 : i32
        %dma_start3A_404 = tpu.memref_slice %arg11[%run_scoped3A, %dma_start3A_402, %dma_start3A_403] : memref<4x10000x32xf32, #tpu.memory_space<vmem_shared>> -> memref<1x10000x32xf32, #tpu.memory_space<vmem_shared>>
        %dma_start3A_405 = tpu.memref_squeeze %dma_start3A_404 : memref<1x10000x32xf32, #tpu.memory_space<vmem_shared>> -> memref<10000x32xf32, #tpu.memory_space<vmem_shared>>
        %dma_start3A_406 = arith.constant 0 : i32
        %dma_start3A_407 = tpu.memref_slice %dma_start3A_405[%mul3A_1, %dma_start3A_406] : memref<10000x32xf32, #tpu.memory_space<vmem_shared>> -> memref<624x32xf32, #tpu.memory_space<vmem_shared>>
        tpu.enqueue_dma source(%dma_start3A_407 : memref<624x32xf32, #tpu.memory_space<vmem_shared>>) target(%dma_start3A_401 : memref<624x32xf32, #tpu.memory_space<vmem>>) target_semaphore(%run_scoped3A_389 : memref<!tpu.dma_semaphore, #tpu.memory_space<semaphore_mem>>)
        %dma_wait3A_408 = arith.constant 0 : i32
        %dma_wait3A_409 = arith.constant 0 : i32
        %dma_wait3A_410 = tpu.memref_slice %arg16[%dma_wait3A_408, %dma_wait3A_409] : memref<640x32xf32, #tpu.memory_space<vmem>> -> memref<624x32xf32, #tpu.memory_space<vmem>>
        %dma_wait3A_411 = arith.constant 0 : i32
        %dma_wait3A_412 = arith.constant 0 : i32
        %dma_wait3A_413 = tpu.memref_slice %arg11[%run_scoped3A, %dma_wait3A_411, %dma_wait3A_412] : memref<4x10000x32xf32, #tpu.memory_space<vmem_shared>> -> memref<1x10000x32xf32, #tpu.memory_space<vmem_shared>>
        %dma_wait3A_414 = tpu.memref_squeeze %dma_wait3A_413 : memref<1x10000x32xf32, #tpu.memory_space<vmem_shared>> -> memref<10000x32xf32, #tpu.memory_space<vmem_shared>>
        %dma_wait3A_415 = arith.constant 0 : i32
        %dma_wait3A_416 = tpu.memref_slice %dma_wait3A_414[%mul3A_1, %dma_wait3A_415] : memref<10000x32xf32, #tpu.memory_space<vmem_shared>> -> memref<624x32xf32, #tpu.memory_space<vmem_shared>>
        %dma_wait3A_417 = arith.constant 0 : i32
        %dma_wait3A_418 = arith.constant 0 : i32
        %dma_wait3A_419 = tpu.memref_slice %arg16[%dma_wait3A_417, %dma_wait3A_418] : memref<640x32xf32, #tpu.memory_space<vmem>> -> memref<624x32xf32, #tpu.memory_space<vmem>>
        %dma_wait3A_420 = arith.constant 0 : i32
        %dma_wait3A_421 = arith.constant 0 : i32
        %dma_wait3A_422 = tpu.memref_slice %arg11[%run_scoped3A, %dma_wait3A_420, %dma_wait3A_421] : memref<4x10000x32xf32, #tpu.memory_space<vmem_shared>> -> memref<1x10000x32xf32, #tpu.memory_space<vmem_shared>>
        %dma_wait3A_423 = tpu.memref_squeeze %dma_wait3A_422 : memref<1x10000x32xf32, #tpu.memory_space<vmem_shared>> -> memref<10000x32xf32, #tpu.memory_space<vmem_shared>>
        %dma_wait3A_424 = arith.constant 0 : i32
        %dma_wait3A_425 = tpu.memref_slice %dma_wait3A_423[%mul3A_1, %dma_wait3A_424] : memref<10000x32xf32, #tpu.memory_space<vmem_shared>> -> memref<624x32xf32, #tpu.memory_space<vmem_shared>>
        tpu.wait_dma2 semaphore(%run_scoped3A_389 : memref<!tpu.dma_semaphore, #tpu.memory_space<semaphore_mem>>) src(%dma_wait3A_425 : memref<624x32xf32, #tpu.memory_space<vmem_shared>>) dst(%dma_wait3A_419 : memref<624x32xf32, #tpu.memory_space<vmem>>)
        tpu.yield
      }) : () -> ()
    } else {
    }
    %eq3A_238 = arith.constant 15 : i32
    %eq3A_239 = arith.cmpi eq, %arg1, %eq3A_238 : i32
    %convert_element_type3A_240 = arith.extui %eq3A_239 : i1 to i32
    %cond3A_241 = arith.constant 0 : i32
    %cond3A_242 = arith.cmpi ne, %convert_element_type3A_240, %cond3A_241 : i32
    scf.if %cond3A_242 {
      %run_scoped3A = arith.constant 1 : i32
      "tpu.region"() ({
        %run_scoped3A_389 = tpu.sem_alloc : memref<!tpu.dma_semaphore, #tpu.memory_space<semaphore_mem>>
        %dma_start3A_390 = arith.constant 0 : i32
        %dma_start3A_391 = arith.constant 0 : i32
        %dma_start3A_392 = tpu.memref_slice %arg11[%run_scoped3A, %dma_start3A_390, %dma_start3A_391] : memref<4x10000x32xf32, #tpu.memory_space<vmem_shared>> -> memref<1x10000x32xf32, #tpu.memory_space<vmem_shared>>
        %dma_start3A_393 = tpu.memref_squeeze %dma_start3A_392 : memref<1x10000x32xf32, #tpu.memory_space<vmem_shared>> -> memref<10000x32xf32, #tpu.memory_space<vmem_shared>>
        %dma_start3A_394 = arith.constant 0 : i32
        %dma_start3A_395 = tpu.memref_slice %dma_start3A_393[%mul3A_1, %dma_start3A_394] : memref<10000x32xf32, #tpu.memory_space<vmem_shared>> -> memref<640x32xf32, #tpu.memory_space<vmem_shared>>
        %dma_start3A_396 = arith.constant 0 : i32
        %dma_start3A_397 = arith.constant 0 : i32
        %dma_start3A_398 = tpu.memref_slice %arg11[%run_scoped3A, %dma_start3A_396, %dma_start3A_397] : memref<4x10000x32xf32, #tpu.memory_space<vmem_shared>> -> memref<1x10000x32xf32, #tpu.memory_space<vmem_shared>>
        %dma_start3A_399 = tpu.memref_squeeze %dma_start3A_398 : memref<1x10000x32xf32, #tpu.memory_space<vmem_shared>> -> memref<10000x32xf32, #tpu.memory_space<vmem_shared>>
        %dma_start3A_400 = arith.constant 0 : i32
        %dma_start3A_401 = tpu.memref_slice %dma_start3A_399[%mul3A_1, %dma_start3A_400] : memref<10000x32xf32, #tpu.memory_space<vmem_shared>> -> memref<640x32xf32, #tpu.memory_space<vmem_shared>>
        tpu.enqueue_dma source(%dma_start3A_401 : memref<640x32xf32, #tpu.memory_space<vmem_shared>>) target(%arg16 : memref<640x32xf32, #tpu.memory_space<vmem>>) target_semaphore(%run_scoped3A_389 : memref<!tpu.dma_semaphore, #tpu.memory_space<semaphore_mem>>)
        %dma_wait3A_402 = arith.constant 0 : i32
        %dma_wait3A_403 = arith.constant 0 : i32
        %dma_wait3A_404 = tpu.memref_slice %arg11[%run_scoped3A, %dma_wait3A_402, %dma_wait3A_403] : memref<4x10000x32xf32, #tpu.memory_space<vmem_shared>> -> memref<1x10000x32xf32, #tpu.memory_space<vmem_shared>>
        %dma_wait3A_405 = tpu.memref_squeeze %dma_wait3A_404 : memref<1x10000x32xf32, #tpu.memory_space<vmem_shared>> -> memref<10000x32xf32, #tpu.memory_space<vmem_shared>>
        %dma_wait3A_406 = arith.constant 0 : i32
        %dma_wait3A_407 = tpu.memref_slice %dma_wait3A_405[%mul3A_1, %dma_wait3A_406] : memref<10000x32xf32, #tpu.memory_space<vmem_shared>> -> memref<640x32xf32, #tpu.memory_space<vmem_shared>>
        %dma_wait3A_408 = arith.constant 0 : i32
        %dma_wait3A_409 = arith.constant 0 : i32
        %dma_wait3A_410 = tpu.memref_slice %arg11[%run_scoped3A, %dma_wait3A_408, %dma_wait3A_409] : memref<4x10000x32xf32, #tpu.memory_space<vmem_shared>> -> memref<1x10000x32xf32, #tpu.memory_space<vmem_shared>>
        %dma_wait3A_411 = tpu.memref_squeeze %dma_wait3A_410 : memref<1x10000x32xf32, #tpu.memory_space<vmem_shared>> -> memref<10000x32xf32, #tpu.memory_space<vmem_shared>>
        %dma_wait3A_412 = arith.constant 0 : i32
        %dma_wait3A_413 = tpu.memref_slice %dma_wait3A_411[%mul3A_1, %dma_wait3A_412] : memref<10000x32xf32, #tpu.memory_space<vmem_shared>> -> memref<640x32xf32, #tpu.memory_space<vmem_shared>>
        tpu.wait_dma2 semaphore(%run_scoped3A_389 : memref<!tpu.dma_semaphore, #tpu.memory_space<semaphore_mem>>) src(%dma_wait3A_413 : memref<640x32xf32, #tpu.memory_space<vmem_shared>>) dst(%arg16 : memref<640x32xf32, #tpu.memory_space<vmem>>)
        tpu.yield
      }) : () -> ()
    } else {
    }
    %while3A_243 = arith.constant 0 : i32
    %while3A_244 = arith.constant 0 : i32
    %while3A_245 = arith.subi %select_n3A, %while3A_244 : i32
    %while3A_246 = arith.addi %while3A_244, %while3A_245 : i32
    %while3A_247 = arith.constant 1 : i32
    %while3A_248 = arith.divsi %while3A_245, %while3A_247 : i32
    %while3A_249 = arith.muli %while3A_248, %while3A_247 : i32
    %while3A_250 = arith.addi %while3A_244, %while3A_249 : i32
    %while3A_251 = arith.constant 1 : i32
    scf.for %while3A_389 = %while3A_244 to %while3A_250 step %while3A_251  : i32 {
      %get3A = arith.index_cast %while3A_389 : i32 to index
      %get3A_390 = arith.constant 0 : index
      %get3A_391 = tpu.vector_load %arg16[%get3A, %get3A_390] {strides = array<i32>} : memref<640x32xf32, #tpu.memory_space<vmem>>, vector<1x16xf32>,
      %get3A_392 = vector.shape_cast %get3A_391 : vector<1x16xf32> to vector<16xf32>
      %max3A = arith.maximumf %get3A_392, %broadcast_in_dim3A_0 : vector<16xf32>
      %swap3A = arith.index_cast %while3A_389 : i32 to index
      %swap3A_393 = arith.constant 0 : index
      %swap3A_394 = tpu.vector_load %arg16[%swap3A, %swap3A_393] {strides = array<i32>} : memref<640x32xf32, #tpu.memory_space<vmem>>, vector<1x16xf32>,
      %swap3A_395 = vector.shape_cast %swap3A_394 : vector<1x16xf32> to vector<16xf32>
      %swap3A_396 = vector.shape_cast %max3A : vector<16xf32> to vector<1x16xf32>
      tpu.vector_store %arg16[%swap3A, %swap3A_393], %swap3A_396 {strides = array<i32>} : memref<640x32xf32, #tpu.memory_space<vmem>>, vector<1x16xf32>,
      %get3A_397 = arith.index_cast %while3A_389 : i32 to index
      %get3A_398 = arith.constant 16 : index
      %get3A_399 = tpu.vector_load %arg16[%get3A_397, %get3A_398] {strides = array<i32>} : memref<640x32xf32, #tpu.memory_space<vmem>>, vector<1x16xf32>,
      %get3A_400 = vector.shape_cast %get3A_399 : vector<1x16xf32> to vector<16xf32>
      %max3A_401 = arith.maximumf %get3A_400, %broadcast_in_dim3A_0 : vector<16xf32>
      %swap3A_402 = arith.index_cast %while3A_389 : i32 to index
      %swap3A_403 = arith.constant 16 : index
      %swap3A_404 = tpu.vector_load %arg16[%swap3A_402, %swap3A_403] {strides = array<i32>} : memref<640x32xf32, #tpu.memory_space<vmem>>, vector<1x16xf32>,
      %swap3A_405 = vector.shape_cast %swap3A_404 : vector<1x16xf32> to vector<16xf32>
      %swap3A_406 = vector.shape_cast %max3A_401 : vector<16xf32> to vector<1x16xf32>
      tpu.vector_store %arg16[%swap3A_402, %swap3A_403], %swap3A_406 {strides = array<i32>} : memref<640x32xf32, #tpu.memory_space<vmem>>, vector<1x16xf32>,
    }
    %while3A_252 = arith.constant 1 : i32
    scf.for %while3A_389 = %while3A_250 to %while3A_246 step %while3A_252  : i32 {
      %get3A = arith.index_cast %while3A_389 : i32 to index
      %get3A_390 = arith.constant 0 : index
      %get3A_391 = tpu.vector_load %arg16[%get3A, %get3A_390] {strides = array<i32>} : memref<640x32xf32, #tpu.memory_space<vmem>>, vector<1x16xf32>,
      %get3A_392 = vector.shape_cast %get3A_391 : vector<1x16xf32> to vector<16xf32>
      %max3A = arith.maximumf %get3A_392, %broadcast_in_dim3A_0 : vector<16xf32>
      %swap3A = arith.index_cast %while3A_389 : i32 to index
      %swap3A_393 = arith.constant 0 : index
      %swap3A_394 = tpu.vector_load %arg16[%swap3A, %swap3A_393] {strides = array<i32>} : memref<640x32xf32, #tpu.memory_space<vmem>>, vector<1x16xf32>,
      %swap3A_395 = vector.shape_cast %swap3A_394 : vector<1x16xf32> to vector<16xf32>
      %swap3A_396 = vector.shape_cast %max3A : vector<16xf32> to vector<1x16xf32>
      tpu.vector_store %arg16[%swap3A, %swap3A_393], %swap3A_396 {strides = array<i32>} : memref<640x32xf32, #tpu.memory_space<vmem>>, vector<1x16xf32>,
      %get3A_397 = arith.index_cast %while3A_389 : i32 to index
      %get3A_398 = arith.constant 16 : index
      %get3A_399 = tpu.vector_load %arg16[%get3A_397, %get3A_398] {strides = array<i32>} : memref<640x32xf32, #tpu.memory_space<vmem>>, vector<1x16xf32>,
      %get3A_400 = vector.shape_cast %get3A_399 : vector<1x16xf32> to vector<16xf32>
      %max3A_401 = arith.maximumf %get3A_400, %broadcast_in_dim3A_0 : vector<16xf32>
      %swap3A_402 = arith.index_cast %while3A_389 : i32 to index
      %swap3A_403 = arith.constant 16 : index
      %swap3A_404 = tpu.vector_load %arg16[%swap3A_402, %swap3A_403] {strides = array<i32>} : memref<640x32xf32, #tpu.memory_space<vmem>>, vector<1x16xf32>,
      %swap3A_405 = vector.shape_cast %swap3A_404 : vector<1x16xf32> to vector<16xf32>
      %swap3A_406 = vector.shape_cast %max3A_401 : vector<16xf32> to vector<1x16xf32>
      tpu.vector_store %arg16[%swap3A_402, %swap3A_403], %swap3A_406 {strides = array<i32>} : memref<640x32xf32, #tpu.memory_space<vmem>>, vector<1x16xf32>,
    }
    %eq3A_253 = arith.constant 0 : i32
    %eq3A_254 = arith.cmpi eq, %arg0, %eq3A_253 : i32
    %lt3A_255 = arith.constant 15 : i32
    %lt3A_256 = arith.cmpi slt, %arg1, %lt3A_255 : i32
    %and3A_257 = arith.andi %eq3A_254, %lt3A_256 : i1
    %convert_element_type3A_258 = arith.extui %and3A_257 : i1 to i32
    %cond3A_259 = arith.constant 0 : i32
    %cond3A_260 = arith.cmpi ne, %convert_element_type3A_258, %cond3A_259 : i32
    scf.if %cond3A_260 {
      "tpu.region"() ({
        %run_scoped3A = tpu.sem_alloc : memref<!tpu.dma_semaphore, #tpu.memory_space<semaphore_mem>>
        %dma_start3A_389 = arith.constant 0 : i32
        %dma_start3A_390 = arith.constant 0 : i32
        %dma_start3A_391 = tpu.memref_slice %arg16[%dma_start3A_389, %dma_start3A_390] : memref<640x32xf32, #tpu.memory_space<vmem>> -> memref<624x32xf32, #tpu.memory_space<vmem>>
        %dma_start3A_392 = arith.constant 32 : i32
        %dma_start3A_393 = tpu.memref_slice %arg9[%mul3A_1, %dma_start3A_392] : memref<10000x128xf32, #tpu.memory_space<hbm>> -> memref<624x32xf32, #tpu.memory_space<hbm>>
        %dma_start3A_394 = arith.constant 32 : i32
        %dma_start3A_395 = tpu.memref_slice %arg9[%mul3A_1, %dma_start3A_394] : memref<10000x128xf32, #tpu.memory_space<hbm>> -> memref<624x32xf32, #tpu.memory_space<hbm>>
        %dma_start3A_396 = arith.constant 0 : i32
        %dma_start3A_397 = arith.constant 0 : i32
        %dma_start3A_398 = tpu.memref_slice %arg16[%dma_start3A_396, %dma_start3A_397] : memref<640x32xf32, #tpu.memory_space<vmem>> -> memref<624x32xf32, #tpu.memory_space<vmem>>
        tpu.enqueue_dma source(%dma_start3A_398 : memref<624x32xf32, #tpu.memory_space<vmem>>) target(%dma_start3A_395 : memref<624x32xf32, #tpu.memory_space<hbm>>) target_semaphore(%run_scoped3A : memref<!tpu.dma_semaphore, #tpu.memory_space<semaphore_mem>>)
        %dma_wait3A_399 = arith.constant 0 : i32
        %dma_wait3A_400 = arith.constant 0 : i32
        %dma_wait3A_401 = tpu.memref_slice %arg16[%dma_wait3A_399, %dma_wait3A_400] : memref<640x32xf32, #tpu.memory_space<vmem>> -> memref<624x32xf32, #tpu.memory_space<vmem>>
        %dma_wait3A_402 = arith.constant 32 : i32
        %dma_wait3A_403 = tpu.memref_slice %arg9[%mul3A_1, %dma_wait3A_402] : memref<10000x128xf32, #tpu.memory_space<hbm>> -> memref<624x32xf32, #tpu.memory_space<hbm>>
        %dma_wait3A_404 = arith.constant 32 : i32
        %dma_wait3A_405 = tpu.memref_slice %arg9[%mul3A_1, %dma_wait3A_404] : memref<10000x128xf32, #tpu.memory_space<hbm>> -> memref<624x32xf32, #tpu.memory_space<hbm>>
        %dma_wait3A_406 = arith.constant 0 : i32
        %dma_wait3A_407 = arith.constant 0 : i32
        %dma_wait3A_408 = tpu.memref_slice %arg16[%dma_wait3A_406, %dma_wait3A_407] : memref<640x32xf32, #tpu.memory_space<vmem>> -> memref<624x32xf32, #tpu.memory_space<vmem>>
        tpu.wait_dma2 semaphore(%run_scoped3A : memref<!tpu.dma_semaphore, #tpu.memory_space<semaphore_mem>>) src(%dma_wait3A_408 : memref<624x32xf32, #tpu.memory_space<vmem>>) dst(%dma_wait3A_405 : memref<624x32xf32, #tpu.memory_space<hbm>>)
        tpu.yield
      }) : () -> ()
    } else {
    }
    %eq3A_261 = arith.constant 0 : i32
    %eq3A_262 = arith.cmpi eq, %arg0, %eq3A_261 : i32
    %eq3A_263 = arith.constant 15 : i32
    %eq3A_264 = arith.cmpi eq, %arg1, %eq3A_263 : i32
    %and3A_265 = arith.andi %eq3A_262, %eq3A_264 : i1
    %convert_element_type3A_266 = arith.extui %and3A_265 : i1 to i32
    %cond3A_267 = arith.constant 0 : i32
    %cond3A_268 = arith.cmpi ne, %convert_element_type3A_266, %cond3A_267 : i32
    scf.if %cond3A_268 {
      "tpu.region"() ({
        %run_scoped3A = tpu.sem_alloc : memref<!tpu.dma_semaphore, #tpu.memory_space<semaphore_mem>>
        %dma_start3A_389 = arith.constant 32 : i32
        %dma_start3A_390 = tpu.memref_slice %arg9[%mul3A_1, %dma_start3A_389] : memref<10000x128xf32, #tpu.memory_space<hbm>> -> memref<640x32xf32, #tpu.memory_space<hbm>>
        %dma_start3A_391 = arith.constant 32 : i32
        %dma_start3A_392 = tpu.memref_slice %arg9[%mul3A_1, %dma_start3A_391] : memref<10000x128xf32, #tpu.memory_space<hbm>> -> memref<640x32xf32, #tpu.memory_space<hbm>>
        tpu.enqueue_dma source(%arg16 : memref<640x32xf32, #tpu.memory_space<vmem>>) target(%dma_start3A_392 : memref<640x32xf32, #tpu.memory_space<hbm>>) target_semaphore(%run_scoped3A : memref<!tpu.dma_semaphore, #tpu.memory_space<semaphore_mem>>)
        %dma_wait3A_393 = arith.constant 32 : i32
        %dma_wait3A_394 = tpu.memref_slice %arg9[%mul3A_1, %dma_wait3A_393] : memref<10000x128xf32, #tpu.memory_space<hbm>> -> memref<640x32xf32, #tpu.memory_space<hbm>>
        %dma_wait3A_395 = arith.constant 32 : i32
        %dma_wait3A_396 = tpu.memref_slice %arg9[%mul3A_1, %dma_wait3A_395] : memref<10000x128xf32, #tpu.memory_space<hbm>> -> memref<640x32xf32, #tpu.memory_space<hbm>>
        tpu.wait_dma2 semaphore(%run_scoped3A : memref<!tpu.dma_semaphore, #tpu.memory_space<semaphore_mem>>) src(%arg16 : memref<640x32xf32, #tpu.memory_space<vmem>>) dst(%dma_wait3A_396 : memref<640x32xf32, #tpu.memory_space<hbm>>)
        tpu.yield
      }) : () -> ()
    } else {
    }
    %eq3A_269 = arith.constant 1 : i32
    %eq3A_270 = arith.cmpi eq, %arg0, %eq3A_269 : i32
    %lt3A_271 = arith.constant 15 : i32
    %lt3A_272 = arith.cmpi slt, %arg1, %lt3A_271 : i32
    %and3A_273 = arith.andi %eq3A_270, %lt3A_272 : i1
    %convert_element_type3A_274 = arith.extui %and3A_273 : i1 to i32
    %cond3A_275 = arith.constant 0 : i32
    %cond3A_276 = arith.cmpi ne, %convert_element_type3A_274, %cond3A_275 : i32
    scf.if %cond3A_276 {
      "tpu.region"() ({
        %run_scoped3A = tpu.sem_alloc : memref<!tpu.dma_semaphore, #tpu.memory_space<semaphore_mem>>
        %dma_start3A_389 = arith.constant 0 : i32
        %dma_start3A_390 = arith.constant 0 : i32
        %dma_start3A_391 = tpu.memref_slice %arg16[%dma_start3A_389, %dma_start3A_390] : memref<640x32xf32, #tpu.memory_space<vmem>> -> memref<624x32xf32, #tpu.memory_space<vmem>>
        %dma_start3A_392 = arith.constant 32 : i32
        %dma_start3A_393 = tpu.memref_slice %arg10[%mul3A_1, %dma_start3A_392] : memref<10000x128xf32, #tpu.memory_space<hbm>> -> memref<624x32xf32, #tpu.memory_space<hbm>>
        %dma_start3A_394 = arith.constant 32 : i32
        %dma_start3A_395 = tpu.memref_slice %arg10[%mul3A_1, %dma_start3A_394] : memref<10000x128xf32, #tpu.memory_space<hbm>> -> memref<624x32xf32, #tpu.memory_space<hbm>>
        %dma_start3A_396 = arith.constant 0 : i32
        %dma_start3A_397 = arith.constant 0 : i32
        %dma_start3A_398 = tpu.memref_slice %arg16[%dma_start3A_396, %dma_start3A_397] : memref<640x32xf32, #tpu.memory_space<vmem>> -> memref<624x32xf32, #tpu.memory_space<vmem>>
        tpu.enqueue_dma source(%dma_start3A_398 : memref<624x32xf32, #tpu.memory_space<vmem>>) target(%dma_start3A_395 : memref<624x32xf32, #tpu.memory_space<hbm>>) target_semaphore(%run_scoped3A : memref<!tpu.dma_semaphore, #tpu.memory_space<semaphore_mem>>)
        %dma_wait3A_399 = arith.constant 0 : i32
        %dma_wait3A_400 = arith.constant 0 : i32
        %dma_wait3A_401 = tpu.memref_slice %arg16[%dma_wait3A_399, %dma_wait3A_400] : memref<640x32xf32, #tpu.memory_space<vmem>> -> memref<624x32xf32, #tpu.memory_space<vmem>>
        %dma_wait3A_402 = arith.constant 32 : i32
        %dma_wait3A_403 = tpu.memref_slice %arg10[%mul3A_1, %dma_wait3A_402] : memref<10000x128xf32, #tpu.memory_space<hbm>> -> memref<624x32xf32, #tpu.memory_space<hbm>>
        %dma_wait3A_404 = arith.constant 32 : i32
        %dma_wait3A_405 = tpu.memref_slice %arg10[%mul3A_1, %dma_wait3A_404] : memref<10000x128xf32, #tpu.memory_space<hbm>> -> memref<624x32xf32, #tpu.memory_space<hbm>>
        %dma_wait3A_406 = arith.constant 0 : i32
        %dma_wait3A_407 = arith.constant 0 : i32
        %dma_wait3A_408 = tpu.memref_slice %arg16[%dma_wait3A_406, %dma_wait3A_407] : memref<640x32xf32, #tpu.memory_space<vmem>> -> memref<624x32xf32, #tpu.memory_space<vmem>>
        tpu.wait_dma2 semaphore(%run_scoped3A : memref<!tpu.dma_semaphore, #tpu.memory_space<semaphore_mem>>) src(%dma_wait3A_408 : memref<624x32xf32, #tpu.memory_space<vmem>>) dst(%dma_wait3A_405 : memref<624x32xf32, #tpu.memory_space<hbm>>)
        tpu.yield
      }) : () -> ()
    } else {
    }
    %eq3A_277 = arith.constant 1 : i32
    %eq3A_278 = arith.cmpi eq, %arg0, %eq3A_277 : i32
    %eq3A_279 = arith.constant 15 : i32
    %eq3A_280 = arith.cmpi eq, %arg1, %eq3A_279 : i32
    %and3A_281 = arith.andi %eq3A_278, %eq3A_280 : i1
    %convert_element_type3A_282 = arith.extui %and3A_281 : i1 to i32
    %cond3A_283 = arith.constant 0 : i32
    %cond3A_284 = arith.cmpi ne, %convert_element_type3A_282, %cond3A_283 : i32
    scf.if %cond3A_284 {
      "tpu.region"() ({
        %run_scoped3A = tpu.sem_alloc : memref<!tpu.dma_semaphore, #tpu.memory_space<semaphore_mem>>
        %dma_start3A_389 = arith.constant 32 : i32
        %dma_start3A_390 = tpu.memref_slice %arg10[%mul3A_1, %dma_start3A_389] : memref<10000x128xf32, #tpu.memory_space<hbm>> -> memref<640x32xf32, #tpu.memory_space<hbm>>
        %dma_start3A_391 = arith.constant 32 : i32
        %dma_start3A_392 = tpu.memref_slice %arg10[%mul3A_1, %dma_start3A_391] : memref<10000x128xf32, #tpu.memory_space<hbm>> -> memref<640x32xf32, #tpu.memory_space<hbm>>
        tpu.enqueue_dma source(%arg16 : memref<640x32xf32, #tpu.memory_space<vmem>>) target(%dma_start3A_392 : memref<640x32xf32, #tpu.memory_space<hbm>>) target_semaphore(%run_scoped3A : memref<!tpu.dma_semaphore, #tpu.memory_space<semaphore_mem>>)
        %dma_wait3A_393 = arith.constant 32 : i32
        %dma_wait3A_394 = tpu.memref_slice %arg10[%mul3A_1, %dma_wait3A_393] : memref<10000x128xf32, #tpu.memory_space<hbm>> -> memref<640x32xf32, #tpu.memory_space<hbm>>
        %dma_wait3A_395 = arith.constant 32 : i32
        %dma_wait3A_396 = tpu.memref_slice %arg10[%mul3A_1, %dma_wait3A_395] : memref<10000x128xf32, #tpu.memory_space<hbm>> -> memref<640x32xf32, #tpu.memory_space<hbm>>
        tpu.wait_dma2 semaphore(%run_scoped3A : memref<!tpu.dma_semaphore, #tpu.memory_space<semaphore_mem>>) src(%arg16 : memref<640x32xf32, #tpu.memory_space<vmem>>) dst(%dma_wait3A_396 : memref<640x32xf32, #tpu.memory_space<hbm>>)
        tpu.yield
      }) : () -> ()
    } else {
    }
    %lt3A_285 = arith.constant 15 : i32
    %lt3A_286 = arith.cmpi slt, %arg1, %lt3A_285 : i32
    %convert_element_type3A_287 = arith.extui %lt3A_286 : i1 to i32
    %cond3A_288 = arith.constant 0 : i32
    %cond3A_289 = arith.cmpi ne, %convert_element_type3A_287, %cond3A_288 : i32
    scf.if %cond3A_289 {
      %run_scoped3A = arith.constant 2 : i32
      "tpu.region"() ({
        %run_scoped3A_389 = tpu.sem_alloc : memref<!tpu.dma_semaphore, #tpu.memory_space<semaphore_mem>>
        %dma_start3A_390 = arith.constant 0 : i32
        %dma_start3A_391 = arith.constant 0 : i32
        %dma_start3A_392 = tpu.memref_slice %arg16[%dma_start3A_390, %dma_start3A_391] : memref<640x32xf32, #tpu.memory_space<vmem>> -> memref<624x32xf32, #tpu.memory_space<vmem>>
        %dma_start3A_393 = arith.constant 0 : i32
        %dma_start3A_394 = arith.constant 0 : i32
        %dma_start3A_395 = tpu.memref_slice %arg11[%run_scoped3A, %dma_start3A_393, %dma_start3A_394] : memref<4x10000x32xf32, #tpu.memory_space<vmem_shared>> -> memref<1x10000x32xf32, #tpu.memory_space<vmem_shared>>
        %dma_start3A_396 = tpu.memref_squeeze %dma_start3A_395 : memref<1x10000x32xf32, #tpu.memory_space<vmem_shared>> -> memref<10000x32xf32, #tpu.memory_space<vmem_shared>>
        %dma_start3A_397 = arith.constant 0 : i32
        %dma_start3A_398 = tpu.memref_slice %dma_start3A_396[%mul3A_1, %dma_start3A_397] : memref<10000x32xf32, #tpu.memory_space<vmem_shared>> -> memref<624x32xf32, #tpu.memory_space<vmem_shared>>
        %dma_start3A_399 = arith.constant 0 : i32
        %dma_start3A_400 = arith.constant 0 : i32
        %dma_start3A_401 = tpu.memref_slice %arg16[%dma_start3A_399, %dma_start3A_400] : memref<640x32xf32, #tpu.memory_space<vmem>> -> memref<624x32xf32, #tpu.memory_space<vmem>>
        %dma_start3A_402 = arith.constant 0 : i32
        %dma_start3A_403 = arith.constant 0 : i32
        %dma_start3A_404 = tpu.memref_slice %arg11[%run_scoped3A, %dma_start3A_402, %dma_start3A_403] : memref<4x10000x32xf32, #tpu.memory_space<vmem_shared>> -> memref<1x10000x32xf32, #tpu.memory_space<vmem_shared>>
        %dma_start3A_405 = tpu.memref_squeeze %dma_start3A_404 : memref<1x10000x32xf32, #tpu.memory_space<vmem_shared>> -> memref<10000x32xf32, #tpu.memory_space<vmem_shared>>
        %dma_start3A_406 = arith.constant 0 : i32
        %dma_start3A_407 = tpu.memref_slice %dma_start3A_405[%mul3A_1, %dma_start3A_406] : memref<10000x32xf32, #tpu.memory_space<vmem_shared>> -> memref<624x32xf32, #tpu.memory_space<vmem_shared>>
        tpu.enqueue_dma source(%dma_start3A_407 : memref<624x32xf32, #tpu.memory_space<vmem_shared>>) target(%dma_start3A_401 : memref<624x32xf32, #tpu.memory_space<vmem>>) target_semaphore(%run_scoped3A_389 : memref<!tpu.dma_semaphore, #tpu.memory_space<semaphore_mem>>)
        %dma_wait3A_408 = arith.constant 0 : i32
        %dma_wait3A_409 = arith.constant 0 : i32
        %dma_wait3A_410 = tpu.memref_slice %arg16[%dma_wait3A_408, %dma_wait3A_409] : memref<640x32xf32, #tpu.memory_space<vmem>> -> memref<624x32xf32, #tpu.memory_space<vmem>>
        %dma_wait3A_411 = arith.constant 0 : i32
        %dma_wait3A_412 = arith.constant 0 : i32
        %dma_wait3A_413 = tpu.memref_slice %arg11[%run_scoped3A, %dma_wait3A_411, %dma_wait3A_412] : memref<4x10000x32xf32, #tpu.memory_space<vmem_shared>> -> memref<1x10000x32xf32, #tpu.memory_space<vmem_shared>>
        %dma_wait3A_414 = tpu.memref_squeeze %dma_wait3A_413 : memref<1x10000x32xf32, #tpu.memory_space<vmem_shared>> -> memref<10000x32xf32, #tpu.memory_space<vmem_shared>>
        %dma_wait3A_415 = arith.constant 0 : i32
        %dma_wait3A_416 = tpu.memref_slice %dma_wait3A_414[%mul3A_1, %dma_wait3A_415] : memref<10000x32xf32, #tpu.memory_space<vmem_shared>> -> memref<624x32xf32, #tpu.memory_space<vmem_shared>>
        %dma_wait3A_417 = arith.constant 0 : i32
        %dma_wait3A_418 = arith.constant 0 : i32
        %dma_wait3A_419 = tpu.memref_slice %arg16[%dma_wait3A_417, %dma_wait3A_418] : memref<640x32xf32, #tpu.memory_space<vmem>> -> memref<624x32xf32, #tpu.memory_space<vmem>>
        %dma_wait3A_420 = arith.constant 0 : i32
        %dma_wait3A_421 = arith.constant 0 : i32
        %dma_wait3A_422 = tpu.memref_slice %arg11[%run_scoped3A, %dma_wait3A_420, %dma_wait3A_421] : memref<4x10000x32xf32, #tpu.memory_space<vmem_shared>> -> memref<1x10000x32xf32, #tpu.memory_space<vmem_shared>>
        %dma_wait3A_423 = tpu.memref_squeeze %dma_wait3A_422 : memref<1x10000x32xf32, #tpu.memory_space<vmem_shared>> -> memref<10000x32xf32, #tpu.memory_space<vmem_shared>>
        %dma_wait3A_424 = arith.constant 0 : i32
        %dma_wait3A_425 = tpu.memref_slice %dma_wait3A_423[%mul3A_1, %dma_wait3A_424] : memref<10000x32xf32, #tpu.memory_space<vmem_shared>> -> memref<624x32xf32, #tpu.memory_space<vmem_shared>>
        tpu.wait_dma2 semaphore(%run_scoped3A_389 : memref<!tpu.dma_semaphore, #tpu.memory_space<semaphore_mem>>) src(%dma_wait3A_425 : memref<624x32xf32, #tpu.memory_space<vmem_shared>>) dst(%dma_wait3A_419 : memref<624x32xf32, #tpu.memory_space<vmem>>)
        tpu.yield
      }) : () -> ()
    } else {
    }
    %eq3A_290 = arith.constant 15 : i32
    %eq3A_291 = arith.cmpi eq, %arg1, %eq3A_290 : i32
    %convert_element_type3A_292 = arith.extui %eq3A_291 : i1 to i32
    %cond3A_293 = arith.constant 0 : i32
    %cond3A_294 = arith.cmpi ne, %convert_element_type3A_292, %cond3A_293 : i32
    scf.if %cond3A_294 {
      %run_scoped3A = arith.constant 2 : i32
      "tpu.region"() ({
        %run_scoped3A_389 = tpu.sem_alloc : memref<!tpu.dma_semaphore, #tpu.memory_space<semaphore_mem>>
        %dma_start3A_390 = arith.constant 0 : i32
        %dma_start3A_391 = arith.constant 0 : i32
        %dma_start3A_392 = tpu.memref_slice %arg11[%run_scoped3A, %dma_start3A_390, %dma_start3A_391] : memref<4x10000x32xf32, #tpu.memory_space<vmem_shared>> -> memref<1x10000x32xf32, #tpu.memory_space<vmem_shared>>
        %dma_start3A_393 = tpu.memref_squeeze %dma_start3A_392 : memref<1x10000x32xf32, #tpu.memory_space<vmem_shared>> -> memref<10000x32xf32, #tpu.memory_space<vmem_shared>>
        %dma_start3A_394 = arith.constant 0 : i32
        %dma_start3A_395 = tpu.memref_slice %dma_start3A_393[%mul3A_1, %dma_start3A_394] : memref<10000x32xf32, #tpu.memory_space<vmem_shared>> -> memref<640x32xf32, #tpu.memory_space<vmem_shared>>
        %dma_start3A_396 = arith.constant 0 : i32
        %dma_start3A_397 = arith.constant 0 : i32
        %dma_start3A_398 = tpu.memref_slice %arg11[%run_scoped3A, %dma_start3A_396, %dma_start3A_397] : memref<4x10000x32xf32, #tpu.memory_space<vmem_shared>> -> memref<1x10000x32xf32, #tpu.memory_space<vmem_shared>>
        %dma_start3A_399 = tpu.memref_squeeze %dma_start3A_398 : memref<1x10000x32xf32, #tpu.memory_space<vmem_shared>> -> memref<10000x32xf32, #tpu.memory_space<vmem_shared>>
        %dma_start3A_400 = arith.constant 0 : i32
        %dma_start3A_401 = tpu.memref_slice %dma_start3A_399[%mul3A_1, %dma_start3A_400] : memref<10000x32xf32, #tpu.memory_space<vmem_shared>> -> memref<640x32xf32, #tpu.memory_space<vmem_shared>>
        tpu.enqueue_dma source(%dma_start3A_401 : memref<640x32xf32, #tpu.memory_space<vmem_shared>>) target(%arg16 : memref<640x32xf32, #tpu.memory_space<vmem>>) target_semaphore(%run_scoped3A_389 : memref<!tpu.dma_semaphore, #tpu.memory_space<semaphore_mem>>)
        %dma_wait3A_402 = arith.constant 0 : i32
        %dma_wait3A_403 = arith.constant 0 : i32
        %dma_wait3A_404 = tpu.memref_slice %arg11[%run_scoped3A, %dma_wait3A_402, %dma_wait3A_403] : memref<4x10000x32xf32, #tpu.memory_space<vmem_shared>> -> memref<1x10000x32xf32, #tpu.memory_space<vmem_shared>>
        %dma_wait3A_405 = tpu.memref_squeeze %dma_wait3A_404 : memref<1x10000x32xf32, #tpu.memory_space<vmem_shared>> -> memref<10000x32xf32, #tpu.memory_space<vmem_shared>>
        %dma_wait3A_406 = arith.constant 0 : i32
        %dma_wait3A_407 = tpu.memref_slice %dma_wait3A_405[%mul3A_1, %dma_wait3A_406] : memref<10000x32xf32, #tpu.memory_space<vmem_shared>> -> memref<640x32xf32, #tpu.memory_space<vmem_shared>>
        %dma_wait3A_408 = arith.constant 0 : i32
        %dma_wait3A_409 = arith.constant 0 : i32
        %dma_wait3A_410 = tpu.memref_slice %arg11[%run_scoped3A, %dma_wait3A_408, %dma_wait3A_409] : memref<4x10000x32xf32, #tpu.memory_space<vmem_shared>> -> memref<1x10000x32xf32, #tpu.memory_space<vmem_shared>>
        %dma_wait3A_411 = tpu.memref_squeeze %dma_wait3A_410 : memref<1x10000x32xf32, #tpu.memory_space<vmem_shared>> -> memref<10000x32xf32, #tpu.memory_space<vmem_shared>>
        %dma_wait3A_412 = arith.constant 0 : i32
        %dma_wait3A_413 = tpu.memref_slice %dma_wait3A_411[%mul3A_1, %dma_wait3A_412] : memref<10000x32xf32, #tpu.memory_space<vmem_shared>> -> memref<640x32xf32, #tpu.memory_space<vmem_shared>>
        tpu.wait_dma2 semaphore(%run_scoped3A_389 : memref<!tpu.dma_semaphore, #tpu.memory_space<semaphore_mem>>) src(%dma_wait3A_413 : memref<640x32xf32, #tpu.memory_space<vmem_shared>>) dst(%arg16 : memref<640x32xf32, #tpu.memory_space<vmem>>)
        tpu.yield
      }) : () -> ()
    } else {
    }
    %while3A_295 = arith.constant 0 : i32
    %while3A_296 = arith.constant 0 : i32
    %while3A_297 = arith.subi %select_n3A, %while3A_296 : i32
    %while3A_298 = arith.addi %while3A_296, %while3A_297 : i32
    %while3A_299 = arith.constant 1 : i32
    %while3A_300 = arith.divsi %while3A_297, %while3A_299 : i32
    %while3A_301 = arith.muli %while3A_300, %while3A_299 : i32
    %while3A_302 = arith.addi %while3A_296, %while3A_301 : i32
    %while3A_303 = arith.constant 1 : i32
    scf.for %while3A_389 = %while3A_296 to %while3A_302 step %while3A_303  : i32 {
      %get3A = arith.index_cast %while3A_389 : i32 to index
      %get3A_390 = arith.constant 0 : index
      %get3A_391 = tpu.vector_load %arg16[%get3A, %get3A_390] {strides = array<i32>} : memref<640x32xf32, #tpu.memory_space<vmem>>, vector<1x16xf32>,
      %get3A_392 = vector.shape_cast %get3A_391 : vector<1x16xf32> to vector<16xf32>
      %max3A = arith.maximumf %get3A_392, %broadcast_in_dim3A_0 : vector<16xf32>
      %swap3A = arith.index_cast %while3A_389 : i32 to index
      %swap3A_393 = arith.constant 0 : index
      %swap3A_394 = tpu.vector_load %arg16[%swap3A, %swap3A_393] {strides = array<i32>} : memref<640x32xf32, #tpu.memory_space<vmem>>, vector<1x16xf32>,
      %swap3A_395 = vector.shape_cast %swap3A_394 : vector<1x16xf32> to vector<16xf32>
      %swap3A_396 = vector.shape_cast %max3A : vector<16xf32> to vector<1x16xf32>
      tpu.vector_store %arg16[%swap3A, %swap3A_393], %swap3A_396 {strides = array<i32>} : memref<640x32xf32, #tpu.memory_space<vmem>>, vector<1x16xf32>,
      %get3A_397 = arith.index_cast %while3A_389 : i32 to index
      %get3A_398 = arith.constant 16 : index
      %get3A_399 = tpu.vector_load %arg16[%get3A_397, %get3A_398] {strides = array<i32>} : memref<640x32xf32, #tpu.memory_space<vmem>>, vector<1x16xf32>,
      %get3A_400 = vector.shape_cast %get3A_399 : vector<1x16xf32> to vector<16xf32>
      %max3A_401 = arith.maximumf %get3A_400, %broadcast_in_dim3A_0 : vector<16xf32>
      %swap3A_402 = arith.index_cast %while3A_389 : i32 to index
      %swap3A_403 = arith.constant 16 : index
      %swap3A_404 = tpu.vector_load %arg16[%swap3A_402, %swap3A_403] {strides = array<i32>} : memref<640x32xf32, #tpu.memory_space<vmem>>, vector<1x16xf32>,
      %swap3A_405 = vector.shape_cast %swap3A_404 : vector<1x16xf32> to vector<16xf32>
      %swap3A_406 = vector.shape_cast %max3A_401 : vector<16xf32> to vector<1x16xf32>
      tpu.vector_store %arg16[%swap3A_402, %swap3A_403], %swap3A_406 {strides = array<i32>} : memref<640x32xf32, #tpu.memory_space<vmem>>, vector<1x16xf32>,
    }
    %while3A_304 = arith.constant 1 : i32
    scf.for %while3A_389 = %while3A_302 to %while3A_298 step %while3A_304  : i32 {
      %get3A = arith.index_cast %while3A_389 : i32 to index
      %get3A_390 = arith.constant 0 : index
      %get3A_391 = tpu.vector_load %arg16[%get3A, %get3A_390] {strides = array<i32>} : memref<640x32xf32, #tpu.memory_space<vmem>>, vector<1x16xf32>,
      %get3A_392 = vector.shape_cast %get3A_391 : vector<1x16xf32> to vector<16xf32>
      %max3A = arith.maximumf %get3A_392, %broadcast_in_dim3A_0 : vector<16xf32>
      %swap3A = arith.index_cast %while3A_389 : i32 to index
      %swap3A_393 = arith.constant 0 : index
      %swap3A_394 = tpu.vector_load %arg16[%swap3A, %swap3A_393] {strides = array<i32>} : memref<640x32xf32, #tpu.memory_space<vmem>>, vector<1x16xf32>,
      %swap3A_395 = vector.shape_cast %swap3A_394 : vector<1x16xf32> to vector<16xf32>
      %swap3A_396 = vector.shape_cast %max3A : vector<16xf32> to vector<1x16xf32>
      tpu.vector_store %arg16[%swap3A, %swap3A_393], %swap3A_396 {strides = array<i32>} : memref<640x32xf32, #tpu.memory_space<vmem>>, vector<1x16xf32>,
      %get3A_397 = arith.index_cast %while3A_389 : i32 to index
      %get3A_398 = arith.constant 16 : index
      %get3A_399 = tpu.vector_load %arg16[%get3A_397, %get3A_398] {strides = array<i32>} : memref<640x32xf32, #tpu.memory_space<vmem>>, vector<1x16xf32>,
      %get3A_400 = vector.shape_cast %get3A_399 : vector<1x16xf32> to vector<16xf32>
      %max3A_401 = arith.maximumf %get3A_400, %broadcast_in_dim3A_0 : vector<16xf32>
      %swap3A_402 = arith.index_cast %while3A_389 : i32 to index
      %swap3A_403 = arith.constant 16 : index
      %swap3A_404 = tpu.vector_load %arg16[%swap3A_402, %swap3A_403] {strides = array<i32>} : memref<640x32xf32, #tpu.memory_space<vmem>>, vector<1x16xf32>,
      %swap3A_405 = vector.shape_cast %swap3A_404 : vector<1x16xf32> to vector<16xf32>
      %swap3A_406 = vector.shape_cast %max3A_401 : vector<16xf32> to vector<1x16xf32>
      tpu.vector_store %arg16[%swap3A_402, %swap3A_403], %swap3A_406 {strides = array<i32>} : memref<640x32xf32, #tpu.memory_space<vmem>>, vector<1x16xf32>,
    }
    %eq3A_305 = arith.constant 0 : i32
    %eq3A_306 = arith.cmpi eq, %arg0, %eq3A_305 : i32
    %lt3A_307 = arith.constant 15 : i32
    %lt3A_308 = arith.cmpi slt, %arg1, %lt3A_307 : i32
    %and3A_309 = arith.andi %eq3A_306, %lt3A_308 : i1
    %convert_element_type3A_310 = arith.extui %and3A_309 : i1 to i32
    %cond3A_311 = arith.constant 0 : i32
    %cond3A_312 = arith.cmpi ne, %convert_element_type3A_310, %cond3A_311 : i32
    scf.if %cond3A_312 {
      "tpu.region"() ({
        %run_scoped3A = tpu.sem_alloc : memref<!tpu.dma_semaphore, #tpu.memory_space<semaphore_mem>>
        %dma_start3A_389 = arith.constant 0 : i32
        %dma_start3A_390 = arith.constant 0 : i32
        %dma_start3A_391 = tpu.memref_slice %arg16[%dma_start3A_389, %dma_start3A_390] : memref<640x32xf32, #tpu.memory_space<vmem>> -> memref<624x32xf32, #tpu.memory_space<vmem>>
        %dma_start3A_392 = arith.constant 64 : i32
        %dma_start3A_393 = tpu.memref_slice %arg9[%mul3A_1, %dma_start3A_392] : memref<10000x128xf32, #tpu.memory_space<hbm>> -> memref<624x32xf32, #tpu.memory_space<hbm>>
        %dma_start3A_394 = arith.constant 64 : i32
        %dma_start3A_395 = tpu.memref_slice %arg9[%mul3A_1, %dma_start3A_394] : memref<10000x128xf32, #tpu.memory_space<hbm>> -> memref<624x32xf32, #tpu.memory_space<hbm>>
        %dma_start3A_396 = arith.constant 0 : i32
        %dma_start3A_397 = arith.constant 0 : i32
        %dma_start3A_398 = tpu.memref_slice %arg16[%dma_start3A_396, %dma_start3A_397] : memref<640x32xf32, #tpu.memory_space<vmem>> -> memref<624x32xf32, #tpu.memory_space<vmem>>
        tpu.enqueue_dma source(%dma_start3A_398 : memref<624x32xf32, #tpu.memory_space<vmem>>) target(%dma_start3A_395 : memref<624x32xf32, #tpu.memory_space<hbm>>) target_semaphore(%run_scoped3A : memref<!tpu.dma_semaphore, #tpu.memory_space<semaphore_mem>>)
        %dma_wait3A_399 = arith.constant 0 : i32
        %dma_wait3A_400 = arith.constant 0 : i32
        %dma_wait3A_401 = tpu.memref_slice %arg16[%dma_wait3A_399, %dma_wait3A_400] : memref<640x32xf32, #tpu.memory_space<vmem>> -> memref<624x32xf32, #tpu.memory_space<vmem>>
        %dma_wait3A_402 = arith.constant 64 : i32
        %dma_wait3A_403 = tpu.memref_slice %arg9[%mul3A_1, %dma_wait3A_402] : memref<10000x128xf32, #tpu.memory_space<hbm>> -> memref<624x32xf32, #tpu.memory_space<hbm>>
        %dma_wait3A_404 = arith.constant 64 : i32
        %dma_wait3A_405 = tpu.memref_slice %arg9[%mul3A_1, %dma_wait3A_404] : memref<10000x128xf32, #tpu.memory_space<hbm>> -> memref<624x32xf32, #tpu.memory_space<hbm>>
        %dma_wait3A_406 = arith.constant 0 : i32
        %dma_wait3A_407 = arith.constant 0 : i32
        %dma_wait3A_408 = tpu.memref_slice %arg16[%dma_wait3A_406, %dma_wait3A_407] : memref<640x32xf32, #tpu.memory_space<vmem>> -> memref<624x32xf32, #tpu.memory_space<vmem>>
        tpu.wait_dma2 semaphore(%run_scoped3A : memref<!tpu.dma_semaphore, #tpu.memory_space<semaphore_mem>>) src(%dma_wait3A_408 : memref<624x32xf32, #tpu.memory_space<vmem>>) dst(%dma_wait3A_405 : memref<624x32xf32, #tpu.memory_space<hbm>>)
        tpu.yield
      }) : () -> ()
    } else {
    }
    %eq3A_313 = arith.constant 0 : i32
    %eq3A_314 = arith.cmpi eq, %arg0, %eq3A_313 : i32
    %eq3A_315 = arith.constant 15 : i32
    %eq3A_316 = arith.cmpi eq, %arg1, %eq3A_315 : i32
    %and3A_317 = arith.andi %eq3A_314, %eq3A_316 : i1
    %convert_element_type3A_318 = arith.extui %and3A_317 : i1 to i32
    %cond3A_319 = arith.constant 0 : i32
    %cond3A_320 = arith.cmpi ne, %convert_element_type3A_318, %cond3A_319 : i32
    scf.if %cond3A_320 {
      "tpu.region"() ({
        %run_scoped3A = tpu.sem_alloc : memref<!tpu.dma_semaphore, #tpu.memory_space<semaphore_mem>>
        %dma_start3A_389 = arith.constant 64 : i32
        %dma_start3A_390 = tpu.memref_slice %arg9[%mul3A_1, %dma_start3A_389] : memref<10000x128xf32, #tpu.memory_space<hbm>> -> memref<640x32xf32, #tpu.memory_space<hbm>>
        %dma_start3A_391 = arith.constant 64 : i32
        %dma_start3A_392 = tpu.memref_slice %arg9[%mul3A_1, %dma_start3A_391] : memref<10000x128xf32, #tpu.memory_space<hbm>> -> memref<640x32xf32, #tpu.memory_space<hbm>>
        tpu.enqueue_dma source(%arg16 : memref<640x32xf32, #tpu.memory_space<vmem>>) target(%dma_start3A_392 : memref<640x32xf32, #tpu.memory_space<hbm>>) target_semaphore(%run_scoped3A : memref<!tpu.dma_semaphore, #tpu.memory_space<semaphore_mem>>)
        %dma_wait3A_393 = arith.constant 64 : i32
        %dma_wait3A_394 = tpu.memref_slice %arg9[%mul3A_1, %dma_wait3A_393] : memref<10000x128xf32, #tpu.memory_space<hbm>> -> memref<640x32xf32, #tpu.memory_space<hbm>>
        %dma_wait3A_395 = arith.constant 64 : i32
        %dma_wait3A_396 = tpu.memref_slice %arg9[%mul3A_1, %dma_wait3A_395] : memref<10000x128xf32, #tpu.memory_space<hbm>> -> memref<640x32xf32, #tpu.memory_space<hbm>>
        tpu.wait_dma2 semaphore(%run_scoped3A : memref<!tpu.dma_semaphore, #tpu.memory_space<semaphore_mem>>) src(%arg16 : memref<640x32xf32, #tpu.memory_space<vmem>>) dst(%dma_wait3A_396 : memref<640x32xf32, #tpu.memory_space<hbm>>)
        tpu.yield
      }) : () -> ()
    } else {
    }
    %eq3A_321 = arith.constant 1 : i32
    %eq3A_322 = arith.cmpi eq, %arg0, %eq3A_321 : i32
    %lt3A_323 = arith.constant 15 : i32
    %lt3A_324 = arith.cmpi slt, %arg1, %lt3A_323 : i32
    %and3A_325 = arith.andi %eq3A_322, %lt3A_324 : i1
    %convert_element_type3A_326 = arith.extui %and3A_325 : i1 to i32
    %cond3A_327 = arith.constant 0 : i32
    %cond3A_328 = arith.cmpi ne, %convert_element_type3A_326, %cond3A_327 : i32
    scf.if %cond3A_328 {
      "tpu.region"() ({
        %run_scoped3A = tpu.sem_alloc : memref<!tpu.dma_semaphore, #tpu.memory_space<semaphore_mem>>
        %dma_start3A_389 = arith.constant 0 : i32
        %dma_start3A_390 = arith.constant 0 : i32
        %dma_start3A_391 = tpu.memref_slice %arg16[%dma_start3A_389, %dma_start3A_390] : memref<640x32xf32, #tpu.memory_space<vmem>> -> memref<624x32xf32, #tpu.memory_space<vmem>>
        %dma_start3A_392 = arith.constant 64 : i32
        %dma_start3A_393 = tpu.memref_slice %arg10[%mul3A_1, %dma_start3A_392] : memref<10000x128xf32, #tpu.memory_space<hbm>> -> memref<624x32xf32, #tpu.memory_space<hbm>>
        %dma_start3A_394 = arith.constant 64 : i32
        %dma_start3A_395 = tpu.memref_slice %arg10[%mul3A_1, %dma_start3A_394] : memref<10000x128xf32, #tpu.memory_space<hbm>> -> memref<624x32xf32, #tpu.memory_space<hbm>>
        %dma_start3A_396 = arith.constant 0 : i32
        %dma_start3A_397 = arith.constant 0 : i32
        %dma_start3A_398 = tpu.memref_slice %arg16[%dma_start3A_396, %dma_start3A_397] : memref<640x32xf32, #tpu.memory_space<vmem>> -> memref<624x32xf32, #tpu.memory_space<vmem>>
        tpu.enqueue_dma source(%dma_start3A_398 : memref<624x32xf32, #tpu.memory_space<vmem>>) target(%dma_start3A_395 : memref<624x32xf32, #tpu.memory_space<hbm>>) target_semaphore(%run_scoped3A : memref<!tpu.dma_semaphore, #tpu.memory_space<semaphore_mem>>)
        %dma_wait3A_399 = arith.constant 0 : i32
        %dma_wait3A_400 = arith.constant 0 : i32
        %dma_wait3A_401 = tpu.memref_slice %arg16[%dma_wait3A_399, %dma_wait3A_400] : memref<640x32xf32, #tpu.memory_space<vmem>> -> memref<624x32xf32, #tpu.memory_space<vmem>>
        %dma_wait3A_402 = arith.constant 64 : i32
        %dma_wait3A_403 = tpu.memref_slice %arg10[%mul3A_1, %dma_wait3A_402] : memref<10000x128xf32, #tpu.memory_space<hbm>> -> memref<624x32xf32, #tpu.memory_space<hbm>>
        %dma_wait3A_404 = arith.constant 64 : i32
        %dma_wait3A_405 = tpu.memref_slice %arg10[%mul3A_1, %dma_wait3A_404] : memref<10000x128xf32, #tpu.memory_space<hbm>> -> memref<624x32xf32, #tpu.memory_space<hbm>>
        %dma_wait3A_406 = arith.constant 0 : i32
        %dma_wait3A_407 = arith.constant 0 : i32
        %dma_wait3A_408 = tpu.memref_slice %arg16[%dma_wait3A_406, %dma_wait3A_407] : memref<640x32xf32, #tpu.memory_space<vmem>> -> memref<624x32xf32, #tpu.memory_space<vmem>>
        tpu.wait_dma2 semaphore(%run_scoped3A : memref<!tpu.dma_semaphore, #tpu.memory_space<semaphore_mem>>) src(%dma_wait3A_408 : memref<624x32xf32, #tpu.memory_space<vmem>>) dst(%dma_wait3A_405 : memref<624x32xf32, #tpu.memory_space<hbm>>)
        tpu.yield
      }) : () -> ()
    } else {
    }
    %eq3A_329 = arith.constant 1 : i32
    %eq3A_330 = arith.cmpi eq, %arg0, %eq3A_329 : i32
    %eq3A_331 = arith.constant 15 : i32
    %eq3A_332 = arith.cmpi eq, %arg1, %eq3A_331 : i32
    %and3A_333 = arith.andi %eq3A_330, %eq3A_332 : i1
    %convert_element_type3A_334 = arith.extui %and3A_333 : i1 to i32
    %cond3A_335 = arith.constant 0 : i32
    %cond3A_336 = arith.cmpi ne, %convert_element_type3A_334, %cond3A_335 : i32
    scf.if %cond3A_336 {
      "tpu.region"() ({
        %run_scoped3A = tpu.sem_alloc : memref<!tpu.dma_semaphore, #tpu.memory_space<semaphore_mem>>
        %dma_start3A_389 = arith.constant 64 : i32
        %dma_start3A_390 = tpu.memref_slice %arg10[%mul3A_1, %dma_start3A_389] : memref<10000x128xf32, #tpu.memory_space<hbm>> -> memref<640x32xf32, #tpu.memory_space<hbm>>
        %dma_start3A_391 = arith.constant 64 : i32
        %dma_start3A_392 = tpu.memref_slice %arg10[%mul3A_1, %dma_start3A_391] : memref<10000x128xf32, #tpu.memory_space<hbm>> -> memref<640x32xf32, #tpu.memory_space<hbm>>
        tpu.enqueue_dma source(%arg16 : memref<640x32xf32, #tpu.memory_space<vmem>>) target(%dma_start3A_392 : memref<640x32xf32, #tpu.memory_space<hbm>>) target_semaphore(%run_scoped3A : memref<!tpu.dma_semaphore, #tpu.memory_space<semaphore_mem>>)
        %dma_wait3A_393 = arith.constant 64 : i32
        %dma_wait3A_394 = tpu.memref_slice %arg10[%mul3A_1, %dma_wait3A_393] : memref<10000x128xf32, #tpu.memory_space<hbm>> -> memref<640x32xf32, #tpu.memory_space<hbm>>
        %dma_wait3A_395 = arith.constant 64 : i32
        %dma_wait3A_396 = tpu.memref_slice %arg10[%mul3A_1, %dma_wait3A_395] : memref<10000x128xf32, #tpu.memory_space<hbm>> -> memref<640x32xf32, #tpu.memory_space<hbm>>
        tpu.wait_dma2 semaphore(%run_scoped3A : memref<!tpu.dma_semaphore, #tpu.memory_space<semaphore_mem>>) src(%arg16 : memref<640x32xf32, #tpu.memory_space<vmem>>) dst(%dma_wait3A_396 : memref<640x32xf32, #tpu.memory_space<hbm>>)
        tpu.yield
      }) : () -> ()
    } else {
    }
    %lt3A_337 = arith.constant 15 : i32
    %lt3A_338 = arith.cmpi slt, %arg1, %lt3A_337 : i32
    %convert_element_type3A_339 = arith.extui %lt3A_338 : i1 to i32
    %cond3A_340 = arith.constant 0 : i32
    %cond3A_341 = arith.cmpi ne, %convert_element_type3A_339, %cond3A_340 : i32
    scf.if %cond3A_341 {
      %run_scoped3A = arith.constant 3 : i32
      "tpu.region"() ({
        %run_scoped3A_389 = tpu.sem_alloc : memref<!tpu.dma_semaphore, #tpu.memory_space<semaphore_mem>>
        %dma_start3A_390 = arith.constant 0 : i32
        %dma_start3A_391 = arith.constant 0 : i32
        %dma_start3A_392 = tpu.memref_slice %arg16[%dma_start3A_390, %dma_start3A_391] : memref<640x32xf32, #tpu.memory_space<vmem>> -> memref<624x32xf32, #tpu.memory_space<vmem>>
        %dma_start3A_393 = arith.constant 0 : i32
        %dma_start3A_394 = arith.constant 0 : i32
        %dma_start3A_395 = tpu.memref_slice %arg11[%run_scoped3A, %dma_start3A_393, %dma_start3A_394] : memref<4x10000x32xf32, #tpu.memory_space<vmem_shared>> -> memref<1x10000x32xf32, #tpu.memory_space<vmem_shared>>
        %dma_start3A_396 = tpu.memref_squeeze %dma_start3A_395 : memref<1x10000x32xf32, #tpu.memory_space<vmem_shared>> -> memref<10000x32xf32, #tpu.memory_space<vmem_shared>>
        %dma_start3A_397 = arith.constant 0 : i32
        %dma_start3A_398 = tpu.memref_slice %dma_start3A_396[%mul3A_1, %dma_start3A_397] : memref<10000x32xf32, #tpu.memory_space<vmem_shared>> -> memref<624x32xf32, #tpu.memory_space<vmem_shared>>
        %dma_start3A_399 = arith.constant 0 : i32
        %dma_start3A_400 = arith.constant 0 : i32
        %dma_start3A_401 = tpu.memref_slice %arg16[%dma_start3A_399, %dma_start3A_400] : memref<640x32xf32, #tpu.memory_space<vmem>> -> memref<624x32xf32, #tpu.memory_space<vmem>>
        %dma_start3A_402 = arith.constant 0 : i32
        %dma_start3A_403 = arith.constant 0 : i32
        %dma_start3A_404 = tpu.memref_slice %arg11[%run_scoped3A, %dma_start3A_402, %dma_start3A_403] : memref<4x10000x32xf32, #tpu.memory_space<vmem_shared>> -> memref<1x10000x32xf32, #tpu.memory_space<vmem_shared>>
        %dma_start3A_405 = tpu.memref_squeeze %dma_start3A_404 : memref<1x10000x32xf32, #tpu.memory_space<vmem_shared>> -> memref<10000x32xf32, #tpu.memory_space<vmem_shared>>
        %dma_start3A_406 = arith.constant 0 : i32
        %dma_start3A_407 = tpu.memref_slice %dma_start3A_405[%mul3A_1, %dma_start3A_406] : memref<10000x32xf32, #tpu.memory_space<vmem_shared>> -> memref<624x32xf32, #tpu.memory_space<vmem_shared>>
        tpu.enqueue_dma source(%dma_start3A_407 : memref<624x32xf32, #tpu.memory_space<vmem_shared>>) target(%dma_start3A_401 : memref<624x32xf32, #tpu.memory_space<vmem>>) target_semaphore(%run_scoped3A_389 : memref<!tpu.dma_semaphore, #tpu.memory_space<semaphore_mem>>)
        %dma_wait3A_408 = arith.constant 0 : i32
        %dma_wait3A_409 = arith.constant 0 : i32
        %dma_wait3A_410 = tpu.memref_slice %arg16[%dma_wait3A_408, %dma_wait3A_409] : memref<640x32xf32, #tpu.memory_space<vmem>> -> memref<624x32xf32, #tpu.memory_space<vmem>>
        %dma_wait3A_411 = arith.constant 0 : i32
        %dma_wait3A_412 = arith.constant 0 : i32
        %dma_wait3A_413 = tpu.memref_slice %arg11[%run_scoped3A, %dma_wait3A_411, %dma_wait3A_412] : memref<4x10000x32xf32, #tpu.memory_space<vmem_shared>> -> memref<1x10000x32xf32, #tpu.memory_space<vmem_shared>>
        %dma_wait3A_414 = tpu.memref_squeeze %dma_wait3A_413 : memref<1x10000x32xf32, #tpu.memory_space<vmem_shared>> -> memref<10000x32xf32, #tpu.memory_space<vmem_shared>>
        %dma_wait3A_415 = arith.constant 0 : i32
        %dma_wait3A_416 = tpu.memref_slice %dma_wait3A_414[%mul3A_1, %dma_wait3A_415] : memref<10000x32xf32, #tpu.memory_space<vmem_shared>> -> memref<624x32xf32, #tpu.memory_space<vmem_shared>>
        %dma_wait3A_417 = arith.constant 0 : i32
        %dma_wait3A_418 = arith.constant 0 : i32
        %dma_wait3A_419 = tpu.memref_slice %arg16[%dma_wait3A_417, %dma_wait3A_418] : memref<640x32xf32, #tpu.memory_space<vmem>> -> memref<624x32xf32, #tpu.memory_space<vmem>>
        %dma_wait3A_420 = arith.constant 0 : i32
        %dma_wait3A_421 = arith.constant 0 : i32
        %dma_wait3A_422 = tpu.memref_slice %arg11[%run_scoped3A, %dma_wait3A_420, %dma_wait3A_421] : memref<4x10000x32xf32, #tpu.memory_space<vmem_shared>> -> memref<1x10000x32xf32, #tpu.memory_space<vmem_shared>>
        %dma_wait3A_423 = tpu.memref_squeeze %dma_wait3A_422 : memref<1x10000x32xf32, #tpu.memory_space<vmem_shared>> -> memref<10000x32xf32, #tpu.memory_space<vmem_shared>>
        %dma_wait3A_424 = arith.constant 0 : i32
        %dma_wait3A_425 = tpu.memref_slice %dma_wait3A_423[%mul3A_1, %dma_wait3A_424] : memref<10000x32xf32, #tpu.memory_space<vmem_shared>> -> memref<624x32xf32, #tpu.memory_space<vmem_shared>>
        tpu.wait_dma2 semaphore(%run_scoped3A_389 : memref<!tpu.dma_semaphore, #tpu.memory_space<semaphore_mem>>) src(%dma_wait3A_425 : memref<624x32xf32, #tpu.memory_space<vmem_shared>>) dst(%dma_wait3A_419 : memref<624x32xf32, #tpu.memory_space<vmem>>)
        tpu.yield
      }) : () -> ()
    } else {
    }
    %eq3A_342 = arith.constant 15 : i32
    %eq3A_343 = arith.cmpi eq, %arg1, %eq3A_342 : i32
    %convert_element_type3A_344 = arith.extui %eq3A_343 : i1 to i32
    %cond3A_345 = arith.constant 0 : i32
    %cond3A_346 = arith.cmpi ne, %convert_element_type3A_344, %cond3A_345 : i32
    scf.if %cond3A_346 {
      %run_scoped3A = arith.constant 3 : i32
      "tpu.region"() ({
        %run_scoped3A_389 = tpu.sem_alloc : memref<!tpu.dma_semaphore, #tpu.memory_space<semaphore_mem>>
        %dma_start3A_390 = arith.constant 0 : i32
        %dma_start3A_391 = arith.constant 0 : i32
        %dma_start3A_392 = tpu.memref_slice %arg11[%run_scoped3A, %dma_start3A_390, %dma_start3A_391] : memref<4x10000x32xf32, #tpu.memory_space<vmem_shared>> -> memref<1x10000x32xf32, #tpu.memory_space<vmem_shared>>
        %dma_start3A_393 = tpu.memref_squeeze %dma_start3A_392 : memref<1x10000x32xf32, #tpu.memory_space<vmem_shared>> -> memref<10000x32xf32, #tpu.memory_space<vmem_shared>>
        %dma_start3A_394 = arith.constant 0 : i32
        %dma_start3A_395 = tpu.memref_slice %dma_start3A_393[%mul3A_1, %dma_start3A_394] : memref<10000x32xf32, #tpu.memory_space<vmem_shared>> -> memref<640x32xf32, #tpu.memory_space<vmem_shared>>
        %dma_start3A_396 = arith.constant 0 : i32
        %dma_start3A_397 = arith.constant 0 : i32
        %dma_start3A_398 = tpu.memref_slice %arg11[%run_scoped3A, %dma_start3A_396, %dma_start3A_397] : memref<4x10000x32xf32, #tpu.memory_space<vmem_shared>> -> memref<1x10000x32xf32, #tpu.memory_space<vmem_shared>>
        %dma_start3A_399 = tpu.memref_squeeze %dma_start3A_398 : memref<1x10000x32xf32, #tpu.memory_space<vmem_shared>> -> memref<10000x32xf32, #tpu.memory_space<vmem_shared>>
        %dma_start3A_400 = arith.constant 0 : i32
        %dma_start3A_401 = tpu.memref_slice %dma_start3A_399[%mul3A_1, %dma_start3A_400] : memref<10000x32xf32, #tpu.memory_space<vmem_shared>> -> memref<640x32xf32, #tpu.memory_space<vmem_shared>>
        tpu.enqueue_dma source(%dma_start3A_401 : memref<640x32xf32, #tpu.memory_space<vmem_shared>>) target(%arg16 : memref<640x32xf32, #tpu.memory_space<vmem>>) target_semaphore(%run_scoped3A_389 : memref<!tpu.dma_semaphore, #tpu.memory_space<semaphore_mem>>)
        %dma_wait3A_402 = arith.constant 0 : i32
        %dma_wait3A_403 = arith.constant 0 : i32
        %dma_wait3A_404 = tpu.memref_slice %arg11[%run_scoped3A, %dma_wait3A_402, %dma_wait3A_403] : memref<4x10000x32xf32, #tpu.memory_space<vmem_shared>> -> memref<1x10000x32xf32, #tpu.memory_space<vmem_shared>>
        %dma_wait3A_405 = tpu.memref_squeeze %dma_wait3A_404 : memref<1x10000x32xf32, #tpu.memory_space<vmem_shared>> -> memref<10000x32xf32, #tpu.memory_space<vmem_shared>>
        %dma_wait3A_406 = arith.constant 0 : i32
        %dma_wait3A_407 = tpu.memref_slice %dma_wait3A_405[%mul3A_1, %dma_wait3A_406] : memref<10000x32xf32, #tpu.memory_space<vmem_shared>> -> memref<640x32xf32, #tpu.memory_space<vmem_shared>>
        %dma_wait3A_408 = arith.constant 0 : i32
        %dma_wait3A_409 = arith.constant 0 : i32
        %dma_wait3A_410 = tpu.memref_slice %arg11[%run_scoped3A, %dma_wait3A_408, %dma_wait3A_409] : memref<4x10000x32xf32, #tpu.memory_space<vmem_shared>> -> memref<1x10000x32xf32, #tpu.memory_space<vmem_shared>>
        %dma_wait3A_411 = tpu.memref_squeeze %dma_wait3A_410 : memref<1x10000x32xf32, #tpu.memory_space<vmem_shared>> -> memref<10000x32xf32, #tpu.memory_space<vmem_shared>>
        %dma_wait3A_412 = arith.constant 0 : i32
        %dma_wait3A_413 = tpu.memref_slice %dma_wait3A_411[%mul3A_1, %dma_wait3A_412] : memref<10000x32xf32, #tpu.memory_space<vmem_shared>> -> memref<640x32xf32, #tpu.memory_space<vmem_shared>>
        tpu.wait_dma2 semaphore(%run_scoped3A_389 : memref<!tpu.dma_semaphore, #tpu.memory_space<semaphore_mem>>) src(%dma_wait3A_413 : memref<640x32xf32, #tpu.memory_space<vmem_shared>>) dst(%arg16 : memref<640x32xf32, #tpu.memory_space<vmem>>)
        tpu.yield
      }) : () -> ()
    } else {
    }
    %while3A_347 = arith.constant 0 : i32
    %while3A_348 = arith.constant 0 : i32
    %while3A_349 = arith.subi %select_n3A, %while3A_348 : i32
    %while3A_350 = arith.addi %while3A_348, %while3A_349 : i32
    %while3A_351 = arith.constant 1 : i32
    %while3A_352 = arith.divsi %while3A_349, %while3A_351 : i32
    %while3A_353 = arith.muli %while3A_352, %while3A_351 : i32
    %while3A_354 = arith.addi %while3A_348, %while3A_353 : i32
    %while3A_355 = arith.constant 1 : i32
    scf.for %while3A_389 = %while3A_348 to %while3A_354 step %while3A_355  : i32 {
      %get3A = arith.index_cast %while3A_389 : i32 to index
      %get3A_390 = arith.constant 0 : index
      %get3A_391 = tpu.vector_load %arg16[%get3A, %get3A_390] {strides = array<i32>} : memref<640x32xf32, #tpu.memory_space<vmem>>, vector<1x16xf32>,
      %get3A_392 = vector.shape_cast %get3A_391 : vector<1x16xf32> to vector<16xf32>
      %max3A = arith.maximumf %get3A_392, %broadcast_in_dim3A_0 : vector<16xf32>
      %swap3A = arith.index_cast %while3A_389 : i32 to index
      %swap3A_393 = arith.constant 0 : index
      %swap3A_394 = tpu.vector_load %arg16[%swap3A, %swap3A_393] {strides = array<i32>} : memref<640x32xf32, #tpu.memory_space<vmem>>, vector<1x16xf32>,
      %swap3A_395 = vector.shape_cast %swap3A_394 : vector<1x16xf32> to vector<16xf32>
      %swap3A_396 = vector.shape_cast %max3A : vector<16xf32> to vector<1x16xf32>
      tpu.vector_store %arg16[%swap3A, %swap3A_393], %swap3A_396 {strides = array<i32>} : memref<640x32xf32, #tpu.memory_space<vmem>>, vector<1x16xf32>,
      %get3A_397 = arith.index_cast %while3A_389 : i32 to index
      %get3A_398 = arith.constant 16 : index
      %get3A_399 = tpu.vector_load %arg16[%get3A_397, %get3A_398] {strides = array<i32>} : memref<640x32xf32, #tpu.memory_space<vmem>>, vector<1x16xf32>,
      %get3A_400 = vector.shape_cast %get3A_399 : vector<1x16xf32> to vector<16xf32>
      %max3A_401 = arith.maximumf %get3A_400, %broadcast_in_dim3A_0 : vector<16xf32>
      %swap3A_402 = arith.index_cast %while3A_389 : i32 to index
      %swap3A_403 = arith.constant 16 : index
      %swap3A_404 = tpu.vector_load %arg16[%swap3A_402, %swap3A_403] {strides = array<i32>} : memref<640x32xf32, #tpu.memory_space<vmem>>, vector<1x16xf32>,
      %swap3A_405 = vector.shape_cast %swap3A_404 : vector<1x16xf32> to vector<16xf32>
      %swap3A_406 = vector.shape_cast %max3A_401 : vector<16xf32> to vector<1x16xf32>
      tpu.vector_store %arg16[%swap3A_402, %swap3A_403], %swap3A_406 {strides = array<i32>} : memref<640x32xf32, #tpu.memory_space<vmem>>, vector<1x16xf32>,
    }
    %while3A_356 = arith.constant 1 : i32
    scf.for %while3A_389 = %while3A_354 to %while3A_350 step %while3A_356  : i32 {
      %get3A = arith.index_cast %while3A_389 : i32 to index
      %get3A_390 = arith.constant 0 : index
      %get3A_391 = tpu.vector_load %arg16[%get3A, %get3A_390] {strides = array<i32>} : memref<640x32xf32, #tpu.memory_space<vmem>>, vector<1x16xf32>,
      %get3A_392 = vector.shape_cast %get3A_391 : vector<1x16xf32> to vector<16xf32>
      %max3A = arith.maximumf %get3A_392, %broadcast_in_dim3A_0 : vector<16xf32>
      %swap3A = arith.index_cast %while3A_389 : i32 to index
      %swap3A_393 = arith.constant 0 : index
      %swap3A_394 = tpu.vector_load %arg16[%swap3A, %swap3A_393] {strides = array<i32>} : memref<640x32xf32, #tpu.memory_space<vmem>>, vector<1x16xf32>,
      %swap3A_395 = vector.shape_cast %swap3A_394 : vector<1x16xf32> to vector<16xf32>
      %swap3A_396 = vector.shape_cast %max3A : vector<16xf32> to vector<1x16xf32>
      tpu.vector_store %arg16[%swap3A, %swap3A_393], %swap3A_396 {strides = array<i32>} : memref<640x32xf32, #tpu.memory_space<vmem>>, vector<1x16xf32>,
      %get3A_397 = arith.index_cast %while3A_389 : i32 to index
      %get3A_398 = arith.constant 16 : index
      %get3A_399 = tpu.vector_load %arg16[%get3A_397, %get3A_398] {strides = array<i32>} : memref<640x32xf32, #tpu.memory_space<vmem>>, vector<1x16xf32>,
      %get3A_400 = vector.shape_cast %get3A_399 : vector<1x16xf32> to vector<16xf32>
      %max3A_401 = arith.maximumf %get3A_400, %broadcast_in_dim3A_0 : vector<16xf32>
      %swap3A_402 = arith.index_cast %while3A_389 : i32 to index
      %swap3A_403 = arith.constant 16 : index
      %swap3A_404 = tpu.vector_load %arg16[%swap3A_402, %swap3A_403] {strides = array<i32>} : memref<640x32xf32, #tpu.memory_space<vmem>>, vector<1x16xf32>,
      %swap3A_405 = vector.shape_cast %swap3A_404 : vector<1x16xf32> to vector<16xf32>
      %swap3A_406 = vector.shape_cast %max3A_401 : vector<16xf32> to vector<1x16xf32>
      tpu.vector_store %arg16[%swap3A_402, %swap3A_403], %swap3A_406 {strides = array<i32>} : memref<640x32xf32, #tpu.memory_space<vmem>>, vector<1x16xf32>,
    }
    %eq3A_357 = arith.constant 0 : i32
    %eq3A_358 = arith.cmpi eq, %arg0, %eq3A_357 : i32
    %lt3A_359 = arith.constant 15 : i32
    %lt3A_360 = arith.cmpi slt, %arg1, %lt3A_359 : i32
    %and3A_361 = arith.andi %eq3A_358, %lt3A_360 : i1
    %convert_element_type3A_362 = arith.extui %and3A_361 : i1 to i32
    %cond3A_363 = arith.constant 0 : i32
    %cond3A_364 = arith.cmpi ne, %convert_element_type3A_362, %cond3A_363 : i32
    scf.if %cond3A_364 {
      "tpu.region"() ({
        %run_scoped3A = tpu.sem_alloc : memref<!tpu.dma_semaphore, #tpu.memory_space<semaphore_mem>>
        %dma_start3A_389 = arith.constant 0 : i32
        %dma_start3A_390 = arith.constant 0 : i32
        %dma_start3A_391 = tpu.memref_slice %arg16[%dma_start3A_389, %dma_start3A_390] : memref<640x32xf32, #tpu.memory_space<vmem>> -> memref<624x32xf32, #tpu.memory_space<vmem>>
        %dma_start3A_392 = arith.constant 96 : i32
        %dma_start3A_393 = tpu.memref_slice %arg9[%mul3A_1, %dma_start3A_392] : memref<10000x128xf32, #tpu.memory_space<hbm>> -> memref<624x32xf32, #tpu.memory_space<hbm>>
        %dma_start3A_394 = arith.constant 96 : i32
        %dma_start3A_395 = tpu.memref_slice %arg9[%mul3A_1, %dma_start3A_394] : memref<10000x128xf32, #tpu.memory_space<hbm>> -> memref<624x32xf32, #tpu.memory_space<hbm>>
        %dma_start3A_396 = arith.constant 0 : i32
        %dma_start3A_397 = arith.constant 0 : i32
        %dma_start3A_398 = tpu.memref_slice %arg16[%dma_start3A_396, %dma_start3A_397] : memref<640x32xf32, #tpu.memory_space<vmem>> -> memref<624x32xf32, #tpu.memory_space<vmem>>
        tpu.enqueue_dma source(%dma_start3A_398 : memref<624x32xf32, #tpu.memory_space<vmem>>) target(%dma_start3A_395 : memref<624x32xf32, #tpu.memory_space<hbm>>) target_semaphore(%run_scoped3A : memref<!tpu.dma_semaphore, #tpu.memory_space<semaphore_mem>>)
        %dma_wait3A_399 = arith.constant 0 : i32
        %dma_wait3A_400 = arith.constant 0 : i32
        %dma_wait3A_401 = tpu.memref_slice %arg16[%dma_wait3A_399, %dma_wait3A_400] : memref<640x32xf32, #tpu.memory_space<vmem>> -> memref<624x32xf32, #tpu.memory_space<vmem>>
        %dma_wait3A_402 = arith.constant 96 : i32
        %dma_wait3A_403 = tpu.memref_slice %arg9[%mul3A_1, %dma_wait3A_402] : memref<10000x128xf32, #tpu.memory_space<hbm>> -> memref<624x32xf32, #tpu.memory_space<hbm>>
        %dma_wait3A_404 = arith.constant 96 : i32
        %dma_wait3A_405 = tpu.memref_slice %arg9[%mul3A_1, %dma_wait3A_404] : memref<10000x128xf32, #tpu.memory_space<hbm>> -> memref<624x32xf32, #tpu.memory_space<hbm>>
        %dma_wait3A_406 = arith.constant 0 : i32
        %dma_wait3A_407 = arith.constant 0 : i32
        %dma_wait3A_408 = tpu.memref_slice %arg16[%dma_wait3A_406, %dma_wait3A_407] : memref<640x32xf32, #tpu.memory_space<vmem>> -> memref<624x32xf32, #tpu.memory_space<vmem>>
        tpu.wait_dma2 semaphore(%run_scoped3A : memref<!tpu.dma_semaphore, #tpu.memory_space<semaphore_mem>>) src(%dma_wait3A_408 : memref<624x32xf32, #tpu.memory_space<vmem>>) dst(%dma_wait3A_405 : memref<624x32xf32, #tpu.memory_space<hbm>>)
        tpu.yield
      }) : () -> ()
    } else {
    }
    %eq3A_365 = arith.constant 0 : i32
    %eq3A_366 = arith.cmpi eq, %arg0, %eq3A_365 : i32
    %eq3A_367 = arith.constant 15 : i32
    %eq3A_368 = arith.cmpi eq, %arg1, %eq3A_367 : i32
    %and3A_369 = arith.andi %eq3A_366, %eq3A_368 : i1
    %convert_element_type3A_370 = arith.extui %and3A_369 : i1 to i32
    %cond3A_371 = arith.constant 0 : i32
    %cond3A_372 = arith.cmpi ne, %convert_element_type3A_370, %cond3A_371 : i32
    scf.if %cond3A_372 {
      "tpu.region"() ({
        %run_scoped3A = tpu.sem_alloc : memref<!tpu.dma_semaphore, #tpu.memory_space<semaphore_mem>>
        %dma_start3A_389 = arith.constant 96 : i32
        %dma_start3A_390 = tpu.memref_slice %arg9[%mul3A_1, %dma_start3A_389] : memref<10000x128xf32, #tpu.memory_space<hbm>> -> memref<640x32xf32, #tpu.memory_space<hbm>>
        %dma_start3A_391 = arith.constant 96 : i32
        %dma_start3A_392 = tpu.memref_slice %arg9[%mul3A_1, %dma_start3A_391] : memref<10000x128xf32, #tpu.memory_space<hbm>> -> memref<640x32xf32, #tpu.memory_space<hbm>>
        tpu.enqueue_dma source(%arg16 : memref<640x32xf32, #tpu.memory_space<vmem>>) target(%dma_start3A_392 : memref<640x32xf32, #tpu.memory_space<hbm>>) target_semaphore(%run_scoped3A : memref<!tpu.dma_semaphore, #tpu.memory_space<semaphore_mem>>)
        %dma_wait3A_393 = arith.constant 96 : i32
        %dma_wait3A_394 = tpu.memref_slice %arg9[%mul3A_1, %dma_wait3A_393] : memref<10000x128xf32, #tpu.memory_space<hbm>> -> memref<640x32xf32, #tpu.memory_space<hbm>>
        %dma_wait3A_395 = arith.constant 96 : i32
        %dma_wait3A_396 = tpu.memref_slice %arg9[%mul3A_1, %dma_wait3A_395] : memref<10000x128xf32, #tpu.memory_space<hbm>> -> memref<640x32xf32, #tpu.memory_space<hbm>>
        tpu.wait_dma2 semaphore(%run_scoped3A : memref<!tpu.dma_semaphore, #tpu.memory_space<semaphore_mem>>) src(%arg16 : memref<640x32xf32, #tpu.memory_space<vmem>>) dst(%dma_wait3A_396 : memref<640x32xf32, #tpu.memory_space<hbm>>)
        tpu.yield
      }) : () -> ()
    } else {
    }
    %eq3A_373 = arith.constant 1 : i32
    %eq3A_374 = arith.cmpi eq, %arg0, %eq3A_373 : i32
    %lt3A_375 = arith.constant 15 : i32
    %lt3A_376 = arith.cmpi slt, %arg1, %lt3A_375 : i32
    %and3A_377 = arith.andi %eq3A_374, %lt3A_376 : i1
    %convert_element_type3A_378 = arith.extui %and3A_377 : i1 to i32
    %cond3A_379 = arith.constant 0 : i32
    %cond3A_380 = arith.cmpi ne, %convert_element_type3A_378, %cond3A_379 : i32
    scf.if %cond3A_380 {
      "tpu.region"() ({
        %run_scoped3A = tpu.sem_alloc : memref<!tpu.dma_semaphore, #tpu.memory_space<semaphore_mem>>
        %dma_start3A_389 = arith.constant 0 : i32
        %dma_start3A_390 = arith.constant 0 : i32
        %dma_start3A_391 = tpu.memref_slice %arg16[%dma_start3A_389, %dma_start3A_390] : memref<640x32xf32, #tpu.memory_space<vmem>> -> memref<624x32xf32, #tpu.memory_space<vmem>>
        %dma_start3A_392 = arith.constant 96 : i32
        %dma_start3A_393 = tpu.memref_slice %arg10[%mul3A_1, %dma_start3A_392] : memref<10000x128xf32, #tpu.memory_space<hbm>> -> memref<624x32xf32, #tpu.memory_space<hbm>>
        %dma_start3A_394 = arith.constant 96 : i32
        %dma_start3A_395 = tpu.memref_slice %arg10[%mul3A_1, %dma_start3A_394] : memref<10000x128xf32, #tpu.memory_space<hbm>> -> memref<624x32xf32, #tpu.memory_space<hbm>>
        %dma_start3A_396 = arith.constant 0 : i32
        %dma_start3A_397 = arith.constant 0 : i32
        %dma_start3A_398 = tpu.memref_slice %arg16[%dma_start3A_396, %dma_start3A_397] : memref<640x32xf32, #tpu.memory_space<vmem>> -> memref<624x32xf32, #tpu.memory_space<vmem>>
        tpu.enqueue_dma source(%dma_start3A_398 : memref<624x32xf32, #tpu.memory_space<vmem>>) target(%dma_start3A_395 : memref<624x32xf32, #tpu.memory_space<hbm>>) target_semaphore(%run_scoped3A : memref<!tpu.dma_semaphore, #tpu.memory_space<semaphore_mem>>)
        %dma_wait3A_399 = arith.constant 0 : i32
        %dma_wait3A_400 = arith.constant 0 : i32
        %dma_wait3A_401 = tpu.memref_slice %arg16[%dma_wait3A_399, %dma_wait3A_400] : memref<640x32xf32, #tpu.memory_space<vmem>> -> memref<624x32xf32, #tpu.memory_space<vmem>>
        %dma_wait3A_402 = arith.constant 96 : i32
        %dma_wait3A_403 = tpu.memref_slice %arg10[%mul3A_1, %dma_wait3A_402] : memref<10000x128xf32, #tpu.memory_space<hbm>> -> memref<624x32xf32, #tpu.memory_space<hbm>>
        %dma_wait3A_404 = arith.constant 96 : i32
        %dma_wait3A_405 = tpu.memref_slice %arg10[%mul3A_1, %dma_wait3A_404] : memref<10000x128xf32, #tpu.memory_space<hbm>> -> memref<624x32xf32, #tpu.memory_space<hbm>>
        %dma_wait3A_406 = arith.constant 0 : i32
        %dma_wait3A_407 = arith.constant 0 : i32
        %dma_wait3A_408 = tpu.memref_slice %arg16[%dma_wait3A_406, %dma_wait3A_407] : memref<640x32xf32, #tpu.memory_space<vmem>> -> memref<624x32xf32, #tpu.memory_space<vmem>>
        tpu.wait_dma2 semaphore(%run_scoped3A : memref<!tpu.dma_semaphore, #tpu.memory_space<semaphore_mem>>) src(%dma_wait3A_408 : memref<624x32xf32, #tpu.memory_space<vmem>>) dst(%dma_wait3A_405 : memref<624x32xf32, #tpu.memory_space<hbm>>)
        tpu.yield
      }) : () -> ()
    } else {
    }
    %eq3A_381 = arith.constant 1 : i32
    %eq3A_382 = arith.cmpi eq, %arg0, %eq3A_381 : i32
    %eq3A_383 = arith.constant 15 : i32
    %eq3A_384 = arith.cmpi eq, %arg1, %eq3A_383 : i32
    %and3A_385 = arith.andi %eq3A_382, %eq3A_384 : i1
    %convert_element_type3A_386 = arith.extui %and3A_385 : i1 to i32
    %cond3A_387 = arith.constant 0 : i32
    %cond3A_388 = arith.cmpi ne, %convert_element_type3A_386, %cond3A_387 : i32
    scf.if %cond3A_388 {
      "tpu.region"() ({
        %run_scoped3A = tpu.sem_alloc : memref<!tpu.dma_semaphore, #tpu.memory_space<semaphore_mem>>
        %dma_start3A_389 = arith.constant 96 : i32
        %dma_start3A_390 = tpu.memref_slice %arg10[%mul3A_1, %dma_start3A_389] : memref<10000x128xf32, #tpu.memory_space<hbm>> -> memref<640x32xf32, #tpu.memory_space<hbm>>
        %dma_start3A_391 = arith.constant 96 : i32
        %dma_start3A_392 = tpu.memref_slice %arg10[%mul3A_1, %dma_start3A_391] : memref<10000x128xf32, #tpu.memory_space<hbm>> -> memref<640x32xf32, #tpu.memory_space<hbm>>
        tpu.enqueue_dma source(%arg16 : memref<640x32xf32, #tpu.memory_space<vmem>>) target(%dma_start3A_392 : memref<640x32xf32, #tpu.memory_space<hbm>>) target_semaphore(%run_scoped3A : memref<!tpu.dma_semaphore, #tpu.memory_space<semaphore_mem>>)
        %dma_wait3A_393 = arith.constant 96 : i32
        %dma_wait3A_394 = tpu.memref_slice %arg10[%mul3A_1, %dma_wait3A_393] : memref<10000x128xf32, #tpu.memory_space<hbm>> -> memref<640x32xf32, #tpu.memory_space<hbm>>
        %dma_wait3A_395 = arith.constant 96 : i32
        %dma_wait3A_396 = tpu.memref_slice %arg10[%mul3A_1, %dma_wait3A_395] : memref<10000x128xf32, #tpu.memory_space<hbm>> -> memref<640x32xf32, #tpu.memory_space<hbm>>
        tpu.wait_dma2 semaphore(%run_scoped3A : memref<!tpu.dma_semaphore, #tpu.memory_space<semaphore_mem>>) src(%arg16 : memref<640x32xf32, #tpu.memory_space<vmem>>) dst(%dma_wait3A_396 : memref<640x32xf32, #tpu.memory_space<hbm>>)
        tpu.yield
      }) : () -> ()
    } else {
    }
    return
  }
}

module attributes {stable_mosaic.version = 14 : i64} {
  func.func @_tc_matmul(%arg0: i32, %arg1: memref<10000x128xf32, #tpu.memory_space<vmem>>, %arg2: memref<10000x128xf32, #tpu.memory_space<vmem>>, %arg3: memref<128x128xf32, #tpu.memory_space<vmem>>, %arg4: memref<1x10000x128xf32, #tpu.memory_space<vmem>>) attributes {dimension_semantics = [#tpu.dimension_semantics<arbitrary>], iteration_bounds = array<i64: 2>, scalar_prefetch = 0 : i64, scratch_operands = 0 : i64, tpu.core_type = #tpu.core_type<tc>, window_params = [{pipeline_mode = #tpu.pipeline_mode<synchronous>, transform_indices = @transform_0, window_bounds = array<i64: 10000, 128>}, {pipeline_mode = #tpu.pipeline_mode<synchronous>, transform_indices = @transform_1, window_bounds = array<i64: 10000, 128>}, {pipeline_mode = #tpu.pipeline_mode<synchronous>, transform_indices = @transform_2, window_bounds = array<i64: 128, 128>}, {transform_indices = @transform_3, window_bounds = array<i64: 1, 10000, 128>}]} {
    %eq3A = arith.constant 0 : i32
    %eq3A_0 = arith.cmpi eq, %arg0, %eq3A : i32
    %convert_element_type3A = arith.extui %eq3A_0 : i1 to i32
    %cond3A = arith.constant 0 : i32
    %cond3A_1 = arith.cmpi ne, %convert_element_type3A, %cond3A : i32
    scf.if %cond3A_1 {
      %get3A = arith.constant 0 : index
      %get3A_7 = arith.constant 0 : index
      %get3A_8 = vector.load %arg2[%get3A, %get3A_7] : memref<10000x128xf32, #tpu.memory_space<vmem>>, vector<10000x128xf32>
      %get3A_9 = arith.constant 0 : index
      %get3A_10 = arith.constant 0 : index
      %get3A_11 = vector.load %arg3[%get3A_9, %get3A_10] : memref<128x128xf32, #tpu.memory_space<vmem>>, vector<128x128xf32>
      %dot_general3A = arith.constant dense<0.000000e+00> : vector<10000x128xf32>
      %dot_general3A_12 = tpu.matmul %get3A_8, %get3A_11, %dot_general3A {dimension_numbers = #tpu.dot_dimension_numbers<[1], [0], [0], [1], [0, 0, 1, 1], [], []>, transpose_lhs_hint = false} : vector<10000x128xf32>, vector<128x128xf32>, vector<10000x128xf32> -> vector<10000x128xf32>
      %swap3A = arith.constant 0 : index
      %swap3A_13 = arith.constant 0 : index
      %swap3A_14 = arith.constant 0 : index
      %swap3A_15 = vector.load %arg4[%swap3A, %swap3A_13, %swap3A_14] : memref<1x10000x128xf32, #tpu.memory_space<vmem>>, vector<1x10000x128xf32>
      %swap3A_16 = vector.shape_cast %swap3A_15 : vector<1x10000x128xf32> to vector<10000x128xf32>
      %swap3A_17 = vector.shape_cast %dot_general3A_12 : vector<10000x128xf32> to vector<1x10000x128xf32>
      tpu.vector_store %arg4[%swap3A, %swap3A_13, %swap3A_14], %swap3A_17 {strides = array<i32>} : memref<1x10000x128xf32, #tpu.memory_space<vmem>>, vector<1x10000x128xf32>,
    } else {
    }
    %eq3A_2 = arith.constant 1 : i32
    %eq3A_3 = arith.cmpi eq, %arg0, %eq3A_2 : i32
    %convert_element_type3A_4 = arith.extui %eq3A_3 : i1 to i32
    %cond3A_5 = arith.constant 0 : i32
    %cond3A_6 = arith.cmpi ne, %convert_element_type3A_4, %cond3A_5 : i32
    scf.if %cond3A_6 {
      %get3A = arith.constant 0 : index
      %get3A_7 = arith.constant 0 : index
      %get3A_8 = vector.load %arg1[%get3A, %get3A_7] : memref<10000x128xf32, #tpu.memory_space<vmem>>, vector<10000x128xf32>
      %get3A_9 = arith.constant 0 : index
      %get3A_10 = arith.constant 0 : index
      %get3A_11 = vector.load %arg3[%get3A_9, %get3A_10] : memref<128x128xf32, #tpu.memory_space<vmem>>, vector<128x128xf32>
      %dot_general3A = arith.constant dense<0.000000e+00> : vector<10000x128xf32>
      %dot_general3A_12 = tpu.matmul %get3A_8, %get3A_11, %dot_general3A {dimension_numbers = #tpu.dot_dimension_numbers<[1], [0], [0], [1], [0, 0, 1, 1], [], []>, transpose_lhs_hint = false} : vector<10000x128xf32>, vector<128x128xf32>, vector<10000x128xf32> -> vector<10000x128xf32>
      %swap3A = arith.constant 0 : index
      %swap3A_13 = arith.constant 0 : index
      %swap3A_14 = arith.constant 0 : index
      %swap3A_15 = vector.load %arg4[%swap3A, %swap3A_13, %swap3A_14] : memref<1x10000x128xf32, #tpu.memory_space<vmem>>, vector<1x10000x128xf32>
      %swap3A_16 = vector.shape_cast %swap3A_15 : vector<1x10000x128xf32> to vector<10000x128xf32>
      %swap3A_17 = vector.shape_cast %dot_general3A_12 : vector<10000x128xf32> to vector<1x10000x128xf32>
      tpu.vector_store %arg4[%swap3A, %swap3A_13, %swap3A_14], %swap3A_17 {strides = array<i32>} : memref<1x10000x128xf32, #tpu.memory_space<vmem>>, vector<1x10000x128xf32>,
    } else {
    }
    return
  }
  func.func @transform_0(%arg0: i32) -> (i32, i32) {
    %c0_i32 = arith.constant 0 : i32
    %c0_i32_0 = arith.constant 0 : i32
    %c0_i32_1 = arith.constant 0 : i32
    return %c0_i32, %c0_i32_0 : i32, i32
  }
  func.func @transform_1(%arg0: i32) -> (i32, i32) {
    %c0_i32 = arith.constant 0 : i32
    %c0_i32_0 = arith.constant 0 : i32
    %c0_i32_1 = arith.constant 0 : i32
    return %c0_i32, %c0_i32_0 : i32, i32
  }
  func.func @transform_2(%arg0: i32) -> (i32, i32) {
    %c0_i32 = arith.constant 0 : i32
    %c0_i32_0 = arith.constant 0 : i32
    %c0_i32_1 = arith.constant 0 : i32
    return %c0_i32, %c0_i32_0 : i32, i32
  }
  func.func @transform_3(%arg0: i32) -> (i32, i32, i32) {
    %c0_i32 = arith.constant 0 : i32
    %c0_i32_0 = arith.constant 0 : i32
    %c0_i32_1 = arith.constant 0 : i32
    return %arg0, %c0_i32, %c0_i32_0 : i32, i32, i32
  }
}

</mosaic_0001>

<sc_bundles>
// kernel: kernel.4.cloned.1.call-start
scs
__scs_entry_jumppad:
0x0: {  	(pc) =	sbr.rel $0x88, $3  }
0x1: {  	(tag) =	ssettag $0x0;
	lr =	simm.s32 $0x1  }
0x2: {  	[smem:$0x3F9A] =	sst lr;
	_ =	strace $0xD0000000  }
0x3: {  	_ = 	snop  }
0x4: {  	_ = 	snop  }
0x5: {  	_ = 	snop  }
0x6: {  	_ = 	snop  }
0x7: {  	_ = 	snop  }
__scs_overlays_trampoline_lowered:
0x8: {  	[smem:$0x3FA9] =	sst s0  }
0x9: {  	[smem:$0x3FAA] =	sst s1  }
0xa: {  	[smem:$0x3FAB] =	sst s2  }
0xb: {  	[smem:$0x3FAC] =	sst s3  }
0xc: {  	[smem:$0x3FAD] =	sst s4  }
0xd: {  	[smem:$0x3FAE] =	sst s5  }
0xe: {  	[smem:$0x3FAF] =	sst s6  }
0xf: {  	[smem:$0x3FB0] =	sst s7  }
0x10: {  	[smem:$0x3FB1] =	sst s8  }
0x11: {  	[smem:$0x3FB2] =	sst s9;
	s0 =	simm.s32 @!p0 $0x0  }
0x12: {  	s1 =	sld [smem:$0x3F98];
	s0 =	simm.s32 @p0 $0x1  }
0x13: {  	[smem:$0x3FB3] =	sst s0;
	s0 =	simm.s32 @!p1 $0x0  }
0x14: {  	s2 =	sld [smem:$0x3F97];
	s0 =	simm.s32 @p1 $0x1  }
0x15: {  	[smem:$0x3FB4] =	sst s0;
	s0 =	simm.s32 @!p2 $0x0  }
0x16: {  	s3 =	sld [smem:$0x3FDB];
	s0 =	simm.s32 @p2 $0x1  }
0x17: {  	s4 =	simm.s32 $0x1BF5;
	[smem:$0x3FB6] =	sst s0  }
0x18: {  	s0 =	sld [smem:$0x3F99];
	_ =	swait.ge [sflag:s4], $0x0  }
0x19: {  	s7 =	sld [smem:$0x3F9A]  }
0x1a: {  	s8 =	sadd.s32 $0xFFFFE003, lr  }
0x1b: {  	s9 =	sadd.s32 $0xFFFFFEF7, lr;
	s5 =	simm.s32 $0xFFFFFFFF;
	p2 =	slt.u32 s8, $0xFFFFF086  }
0x1c: {  	p1 =	slt.u32 s9, $0xF7A;
	s5 =	simm.s32 @!p2 $0x0  }
0x1d: {  	s5 =	simm.s32 @p1 $0x1;
	p0 =	seq.s32 s7, s2  }
0x1e: {  	s7 =	smul.u32 @!p0 $0xF7A, s2;
	p2 =	seq.s32 @!p0 s5, $0x0  }
0x1f: {  	s9 =	smul.u32 $0xF7A, s1;
	s8 =	simm.s32 @!p0 $0x1BF5;
	p2 =	por !p2, p0  }
0x20: {  	[sflag:s8] =	ssyncset.s32 @!p0 $0xFFFFF086;
	s6 =	sadd.s32 @!p0 s3, s7;
	s7 =	simm.s32 @!p0 $0x108  }
0x21: {  	s3 =	sadd.s32 s3, s9;
	s6 =	sadd.s32 @!p0 $0x88, s6;
	s7 =	simm.s32 @p2 $0x1082  }
0x22: {  	[simem:s7], [sflag:s8] =	dma.local @!p0 [hbm:s6], $0xF7A  }
0x23: {  	s9 =	sor.u32 $0xD0000000, s2;
	s6 =	simm.s32 $0x108;
	_ =	swait.ge @!p0 [sflag:s8], $0x0  }
0x24: {  	s3 =	sadd.s32 $0x88, s3;
	s6 =	simm.s32 @!p1 $0x1082;
	[sflag:s4] =	ssyncset.s32 $0xFFFFF086  }
0x25: {  	[simem:s6], [sflag:s4] =	dma.local [hbm:s3], $0xF7A  }
0x26: {  	[smem:$0x3F9A] =	sst s1;
	(tag) =	ssettag s2;
	_ =	strace s9  }
0x27: {  	s1 =	sld [smem:$0x3FAA]  }
0x28: {  	s2 =	sld [smem:$0x3FAB]  }
0x29: {  	s4 =	sld [smem:$0x3FAD]  }
0x2a: {  	p0 =	seq.s32 s5, $0x0;
	s5 =	sld [smem:$0x3FAE]  }
0x2b: {  	s6 =	sld [smem:$0x3FAF]  }
0x2c: {  	s7 =	sld [smem:$0x3FB0]  }
0x2d: {  	s3 =	simm.s32 $0x108;
	s8 =	sld [smem:$0x3FB1]  }
0x2e: {  	s3 =	simm.s32 @!p0 $0x1082;
	s9 =	sld [smem:$0x3FB2]  }
0x2f: {  	lr =	sadd.s32 s0, s3;
	s0 =	sld [smem:$0x3FA9]  }
0x30: {  	s3 =	sld [smem:$0x3FAC]  }
0x31: {  	[smem:$0x3FB5] =	sst s10  }
0x32: {  	s10 =	sld [smem:$0x3FB3];
	_ =	sdelay $0x3  }
0x33: {  	p0 =	seq.s32 s10, $0x1;
	s10 =	sld [smem:$0x3FB5];
	_ =	sdelay $0x3  }
0x34: {  	[smem:$0x3FB5] =	sst s10  }
0x35: {  	s10 =	sld [smem:$0x3FB4];
	_ =	sdelay $0x3  }
0x36: {  	p1 =	seq.s32 s10, $0x1;
	s10 =	sld [smem:$0x3FB5];
	_ =	sdelay $0x3  }
0x37: {  	[smem:$0x3FB5] =	sst s10  }
0x38: {  	s10 =	sld [smem:$0x3FB6]  }
0x39: {  	_ = 	snop;
	(pc) =	sbr.ind lr, $3  }
0x3a: {  	_ = 	snop  }
0x3b: {  	_ = 	snop  }
0x3c: {  	p2 =	seq.s32 s10, $0x1;
	s10 =	sld [smem:$0x3FB5]  }
0x3d: {  	_ =	shalt  }
0x3e: {  	_ =	shalt  }
0x3f: {  	_ =	shalt  }
0x40: {  	_ =	shalt  }
0x41: {  	_ =	shalt  }
0x42: {  	_ =	shalt  }
0x43: {  	_ =	shalt  }
0x44: {  	_ =	shalt  }
0x45: {  	_ =	shalt  }
0x46: {  	_ =	shalt  }
0x47: {  	_ =	shalt  }
0x48: {  	_ =	shalt  }
0x49: {  	_ =	shalt  }
0x4a: {  	_ =	shalt  }
0x4b: {  	_ =	shalt  }
0x4c: {  	_ =	shalt  }
0x4d: {  	_ =	shalt  }
0x4e: {  	_ =	shalt  }
0x4f: {  	_ =	shalt  }
0x50: {  	_ =	shalt  }
0x51: {  	_ =	shalt  }
0x52: {  	_ =	shalt  }
0x53: {  	_ =	shalt  }
0x54: {  	_ =	shalt  }
0x55: {  	_ =	shalt  }
0x56: {  	_ =	shalt  }
0x57: {  	_ =	shalt  }
0x58: {  	_ =	shalt  }
0x59: {  	_ =	shalt  }
0x5a: {  	_ =	shalt  }
0x5b: {  	_ =	shalt  }
0x5c: {  	_ =	shalt  }
0x5d: {  	_ =	shalt  }
0x5e: {  	_ =	shalt  }
0x5f: {  	_ =	shalt  }
0x60: {  	_ =	shalt  }
0x61: {  	_ =	shalt  }
0x62: {  	_ =	shalt  }
0x63: {  	_ =	shalt  }
0x64: {  	_ =	shalt  }
0x65: {  	_ =	shalt  }
0x66: {  	_ =	shalt  }
0x67: {  	_ =	shalt  }
0x68: {  	_ =	shalt  }
0x69: {  	_ =	shalt  }
0x6a: {  	_ =	shalt  }
0x6b: {  	_ =	shalt  }
0x6c: {  	_ =	shalt  }
0x6d: {  	_ =	shalt  }
0x6e: {  	_ =	shalt  }
0x6f: {  	_ =	shalt  }
0x70: {  	_ =	shalt  }
0x71: {  	_ =	shalt  }
0x72: {  	_ =	shalt  }
0x73: {  	_ =	shalt  }
0x74: {  	_ =	shalt  }
0x75: {  	_ =	shalt  }
0x76: {  	_ =	shalt  }
0x77: {  	_ =	shalt  }
0x78: {  	_ =	shalt  }
0x79: {  	_ =	shalt  }
0x7a: {  	_ =	shalt  }
0x7b: {  	_ =	shalt  }
0x7c: {  	_ =	shalt  }
0x7d: {  	_ =	shalt  }
0x7e: {  	_ =	shalt  }
0x7f: {  	_ =	shalt  }
0x80: {  	_ =	shalt  }
0x81: {  	_ =	shalt  }
0x82: {  	_ =	shalt  }
0x83: {  	_ =	shalt  }
0x84: {  	_ =	shalt  }
0x85: {  	_ =	shalt  }
0x86: {  	_ =	shalt  }
0x87: {  	_ =	shalt  }
.Lfunc_end0:
.L_simem_size_0:
called_computation_lowered:
.L_overlay_start_0:
0x88: {  	s2 =	sld [smem:$0x3FD9]  }
0x89: {  	s3 =	sld [smem:$0x3FFE];
	_ =	sdelay $0x1  }
0x8a: {  	s1 =	srdreg.scid  }
0x8b: {  	s0 =	sand.u32 $0x1, s1  }
0x8c: {  	s14 =	sshll.u32 s0, $0xA;
	s2 =	sadd.s32 s3, s2  }
0x8d: {  	s2 =	sadd.s32 s2, s14  }
0x8e: {  	[smem:$0x3FC1] =	sst s2  }
0x8f: {  	_ = 	snop  }
0x90: {  	s2 =	sld [smem:$0x3FC7]  }
0x91: {  	s15 =	sld [smem:$0x3FD0]  }
0x92: {  	s4 =	sld [smem:$0x3FC6]  }
0x93: {  	s5 =	sld [smem:$0x3FC5]  }
0x94: {  	s7 =	simm.s32 $0xA;
	s8 =	simm.s32 $0x10;
	s6 =	sld [smem:$0x3FC4]  }
0x95: {  	[smem:s8], [sflag:s7] =	dma.local [hbm:s15], $0x1  }
0x96: {  	_ =	swait.eq [sflag:s7], $0x1  }
0x97: {  	[sflag:s7] =	ssyncset.done $0x0  }
0x98: {  	s16 =	sld [smem:$0x10];
	[sflag:s7] =	ssyncadd.s32 $0xFFFFFFFF  }
0x99: {  	s17 =	sld [smem:$0x11];
	(tm) =	ssettm $0x1  }
0x9a: {  	s18 =	sld [smem:$0x3FFB];
	_ =	sdelay $0x3  }
0x9b: {  	_ =	strace s18  }
0x9c: {  	s8 =	sld [smem:$0x3FFC];
	_ =	sdelay $0x3  }
0x9d: {  	_ =	strace s8  }
0x9e: {  	s8 =	sld [smem:$0x3FFD];
	_ =	sdelay $0x3  }
0x9f: {  	_ =	strace s8  }
0xa0: {  	_ =	strace $0x8FFFFFFF  }
0xa1: {  	s19 =	sld [smem:$0x3FDB];
	_ =	sdelay $0x1  }
0xa2: {  	s9 =	simm.s32 $_scs_section_size  }
0xa3: {  	s10 =	simm.s32 $_size__tile_overlayer_lowered;
	s11 =	simm.s32 $_tile_overlayer_lowered  }
0xa4: {  	s22 =	simm.s32 $0x1BFF;
	s21 =	sshll.u32 s11, $0x1;
	s8 =	sadd.s32 s9, s19  }
0xa5: {  	s12 =	simm.s32 $0x0;
	s20 =	sshll.u32 s10, $0x1;
	s10 =	sadd.s32 s21, s8  }
0xa6: {  	[timem:s12], [sflag:s22] =	dma.local [hbm:s10], s20  }
0xa7: {  	_ =	swait.ge [sflag:s22], s20  }
0xa8: {  	s9 =	ssub.s32 $0x0, s20;
	[sflag:s22] =	ssyncset.done $0x0  }
0xa9: {  	[sflag:s22] =	ssyncadd.s32 s9;
	_ =	sdelay $0x1  }
0xaa: {  	s23 =	simm.s32 $0x1B8B  }
0xab: {  	_ =	swait.ge [sflag:s23], $0x1  }
0xac: {  	[sflag:s23] =	ssyncset.done $0x0  }
0xad: {  	s25 =	simm.s32 $0x1B8E;
	s24 =	sld [smem:$0x3FFE];
	[sflag:s23] =	ssyncadd.s32 $0xFFFFFFFF  }
0xae: {  	s26 =	simm.s32 $execute0_lowered;
	[smem:$0x3FD2] =	sst s25  }
0xaf: {  	s10 =	sshll.u32 s26, $0x1;
	_ =	strace $0x80000046;
	[dreg:$0x1] =	wrdreg $0xFFFFFFFF  }
0xb0: {  	s28 =	simm.s32 $_size_execute0_lowered;
	s8 =	sadd.s32 s8, s10;
	[dreg:$0x0] =	wrdreg $0x0  }
0xb1: {  	s10 =	sshll.u32 s28, $0x1;
	[dreg:$0x2] =	wrdreg s8  }
0xb2: {  	[dreg:$0x3] =	wrdreg s10  }
0xb3: {  	[dreg:$0x4] =	wrdreg $0xC0  }
0xb4: {  	_ =	task [dreg:s12], $0x5FFFF  }
0xb5: {  	[dreg:$0x1] =	wrdreg $0xFFFFFFFF  }
0xb6: {  	[dreg:$0x0] =	wrdreg $0x60  }
0xb7: {  	[dreg:$0x2] =	wrdreg s24  }
0xb8: {  	[dreg:$0x3] =	wrdreg s2  }
0xb9: {  	[dreg:$0x4] =	wrdreg s4  }
0xba: {  	[dreg:$0x5] =	wrdreg s5  }
0xbb: {  	[dreg:$0x6] =	wrdreg s6  }
0xbc: {  	[dreg:$0x7] =	wrdreg s16  }
0xbd: {  	[dreg:$0x8] =	wrdreg s17  }
0xbe: {  	[dreg:$0x9] =	wrdreg $0x0  }
0xbf: {  	[dreg:$0xa] =	wrdreg $0x9  }
0xc0: {  	_ =	task.clear_ibuf [dreg:s12], $0xBFFFF;
	_ =	strace $0x90000046  }
0xc1: {  	s29 =	simm.s32 $0x9;
	_ =	strace $0x80000048  }
0xc2: {  	_ =	swait.ge [sflag:s29], $0x1  }
0xc3: {  	[sflag:s29] =	ssyncadd.s32 $0xFFFFFFFF  }
0xc4: {  	_ =	strace $0x90000048  }
0xc5: {  	_ =	sfence  }
0xc6: {  	s30 =	sld [smem:$0x0];
	_ =	sdelay $0x2  }
0xc7: {  	s31 =	sshll.u32 s1, $0xD;
	s1 =	sshrl.u32 s1, $0x2  }
0xc8: {  	s3 =	sand.u32 $0x4000, s31;
	s1 =	sadd.s32 s1, s30  }
0xc9: {  	s0 =	sor.u32 s3, s0;
	s1 =	sshll.u32 s1, $0x11  }
0xca: {  	s0 =	sor.u32 s1, s0  }
0xcb: {  	s0 =	sadd.s32 $0x8F2B, s0  }
0xcc: {  	[sflag:s0] =	ssyncadd.remote.s32 $0x1  }
0xcd: {  	_ =	sfence.sel $0xFFFF  }
0xce: {  	[dreg:$0x0] =	wrdreg $0xFFFFFFFF;
	(pc) =	sbr.abs _section_cstart, $3  }
0xcf: {  	[dreg:$0x1] =	wrdreg $0xFFFFFFFF  }
0xd0: {  	_ =	task.clear_ibuf [dreg:s12], $0x2FFFF;
	_ =	strace $0x9FFFFFFF  }
0xd1: {  	(tm) =	ssettm $0x7FFFFFFF  }
tec
execute0_lowered:
.L_overlay_start_1:
0x0: {  	(tag) =	ssettag $0x1  }
0x1: {  	s7 =	rddreg [dreg:$0x0]  }
0x2: {  	s0 =	rddreg [dreg:$0x1]  }
0x3: {  	s1 =	rddreg [dreg:$0x2]  }
0x4: {  	s2 =	rddreg [dreg:$0x3]  }
0x5: {  	s4 =	rddreg [dreg:$0x4]  }
0x6: {  	s8 =	rddreg [dreg:$0x5]  }
0x7: {  	s3 =	rddreg [dreg:$0x6]  }
0x8: {  	s6 =	srdreg.scid;
	s5 =	rddreg [dreg:$0x7]  }
0x9: {  	s16 =	simm.s32 $0x0;
	s17 =	stileid.u32;
	s6 =	sand.u32 $0x1, s6  }
0xa: {  	s18 =	simm.s32 $0x280;
	s10 =	sadd.s32 $0x1200, s7;
	s9 =	smul.u32 $0x27100, s6  }
0xb: {  	s25 =	smul.u32 $0x9C, s17;
	p0 =	seq.s32 s17, $0xF;
	s12 =	ssub.s32 $0x2, s6  }
0xc: {  	s26 =	smin.u32 s17, $0x4;
	s13 =	sshrl.u32 s12, $0x1;
	s11 =	sadd.s32 s9, s7  }
0xd: {  	s9 =	sadd.s32 $0xB000, s7;
	s7 =	ssub.s32 s12, s13;
	s12 =	sadd.s32 s26, s25  }
0xe: {  	[smem:$0x7FF] =	sst s16;
	s18 =	simm.s32 @!p0 $0x270;
	s14 =	sshll.u32 s12, $0x4  }
0xf: {  	_ =	strace $0x80000047;
	[dreg:$0xa] =	wrdreg s18;
	s15 =	sadd.s32 s10, s14  }
0x10: {  	s30 =	sadd.s32 s0, s14;
	[dreg:$0xb] =	wrdreg s15  }
0x11: {  	s31 =	sadd.s32 s2, s14;
	[dreg:$0xc] =	wrdreg s30  }
0x12: {  	s19 =	sadd.s32 s9, s14;
	[dreg:$0xd] =	wrdreg s31  }
0x13: {  	s20 =	sadd.s32 s1, s14;
	[dreg:$0xe] =	wrdreg s19  }
0x14: {  	s21 =	sadd.s32 s4, s14;
	s14 =	sadd.s32 $0x10, s14;
	[dreg:$0xf] =	wrdreg s20  }
0x15: {  	[dreg:$0x10] =	wrdreg s21;
	s22 =	sadd.s32 s10, s14  }
0x16: {  	s23 =	sadd.s32 s0, s14;
	[dreg:$0x11] =	wrdreg s22  }
0x17: {  	s19 =	sadd.s32 s2, s14;
	[dreg:$0x12] =	wrdreg s23  }
0x18: {  	p1 =	slt.u32 s17, $0x4;
	s25 =	sadd.s32 s9, s14;
	[dreg:$0x13] =	wrdreg s19  }
0x19: {  	s24 =	smul.u32 $0x13800, s17;
	s26 =	sadd.s32 s1, s14;
	[dreg:$0x14] =	wrdreg s25  }
0x1a: {  	p4 =	sne.s32 s17, $0xF;
	s14 =	sadd.s32 s4, s14;
	[dreg:$0x15] =	wrdreg s26  }
0x1b: {  	s30 =	sshrl.u32 s24, $0x2;
	s24 =	sadd.s32 $0x24904, s8;
	[dreg:$0x16] =	wrdreg s14  }
0x1c: {  	p3 =	seq.s32 s6, $0x0;
	s15 =	sadd.s32 $0x97400, s5;
	[dreg:$0x1c] =	wrdreg s24  }
0x1d: {  	s21 =	smul.u32 $0x2700, s17;
	s17 =	sadd.s32 $0xE5600, s5;
	[smem:$0x7F1] =	sst s15  }
0x1e: {  	s13 =	simm.s32 $0x9D;
	s23 =	sadd.s32 $0x24900, s8;
	[smem:$0x7F2] =	sst s17  }
0x1f: {  	s13 =	simm.s32 @!p1 $0x9C;
	s25 =	sadd.s32 $0x24908, s8;
	[dreg:$0x1b] =	wrdreg s23  }
0x20: {  	s31 =	sxor.u32 $0xFFFFFFFF, s13;
	s26 =	sadd.s32 $0x24900, s3;
	[dreg:$0x1d] =	wrdreg s25  }
0x21: {  	s22 =	sadd.s32 s30, s5;
	s30 =	sadd.s32 $0x24904, s3;
	[dreg:$0x1f] =	wrdreg s26  }
0x22: {  	s19 =	sand.u32 $0x1, s31;
	s31 =	sadd.s32 $0x24908, s3;
	[smem:$0x7EC] =	sst s30  }
0x23: {  	p2 =	por !p3, !p4;
	p3 =	por !p3, !p0;
	[smem:$0x7ED] =	sst s31  }
0x24: {  	p3 =	por !p3, !p3;
	s17 =	sadd.s32 $0x133800, s5;
	[dreg:$0x17] =	wrdreg s22  }
0x25: {  	s14 =	simm.s32 @!p3 $0x0;
	s20 =	sadd.s32 $0x3, s19;
	[smem:$0x7FC] =	sst s17  }
0x26: {  	s28 =	sadd.s32 $0x14E00, s11;
	s14 =	simm.s32 @p3 $0x1;
	[dreg:$0x18] =	wrdreg s20  }
0x27: {  	s11 =	sadd.s32 s3, s21;
	s3 =	sadd.s32 $0x2490C, s3;
	[smem:$0x7E9] =	sst s14  }
0x28: {  	s19 =	sadd.s32 $0x4E200, s22;
	[smem:$0x7EE] =	sst s3  }
0x29: {  	[smem:$0x7F3] =	sst s19  }
0x2a: {  	p1 =	seq.s32 s6, $0x1;
	s23 =	sadd.s32 $0x49200, s5;
	[dreg:$0x1a] =	wrdreg s11  }
0x2b: {  	p5 =	por !p4, !p1;
	s15 =	sadd.s32 $0xEA600, s22;
	[smem:$0x7FB] =	sst s23  }
0x2c: {  	p6 =	por !p0, !p1;
	s20 =	sadd.s32 $0x9C400, s22;
	[smem:$0x7FD] =	sst s15  }
0x2d: {  	p3 =	por !p5, !p5;
	s24 =	sadd.s32 $0x4, s11;
	[smem:$0x7F4] =	sst s20  }
0x2e: {  	s14 =	simm.s32 @!p3 $0x0;
	s26 =	sadd.s32 $0x8, s11;
	[smem:$0x7F6] =	sst s24  }
0x2f: {  	s14 =	simm.s32 @p3 $0x1;
	p3 =	por !p6, !p6;
	[smem:$0x7F8] =	sst s26  }
0x30: {  	s31 =	sadd.s32 $0xC, s11;
	[smem:$0x7EA] =	sst s14;
	s14 =	simm.s32 @!p3 $0x0  }
0x31: {  	[smem:$0x7FA] =	sst s31;
	s14 =	simm.s32 @p3 $0x1  }
0x32: {  	[smem:$0x7EB] =	sst s14;
	s14 =	sadd.s32 s8, s21;
	s8 =	sadd.s32 $0x2490C, s8  }
0x33: {  	p3 =	sne.s32 s6, $0x0;
	[dreg:$0x1e] =	wrdreg s8  }
0x34: {  	s3 =	simm.s32 @!p3 $0x0;
	s8 =	smax.u32 s7, $0x1;
	[dreg:$0x19] =	wrdreg s14  }
0x35: {  	s3 =	simm.s32 @p3 $0x1;
	[smem:$0x7EF] =	sst s8  }
0x36: {  	s21 =	sadd.s32 $0x4, s14;
	[smem:$0x7F0] =	sst s3  }
0x37: {  	s29 =	simm.s32 $0xE;
	s25 =	sadd.s32 $0x8, s14;
	[smem:$0x7F5] =	sst s21  }
0x38: {  	p2 =	por !p2, !p2;
	s30 =	sadd.s32 $0xC, s14;
	[smem:$0x7F7] =	sst s25  }
0x39: {  	v0 =	vimm.f32 $0.0e+00;
	s24 =	simm.s32 $0x80;
	s26 =	simm.s32 $0x15D00;
	[smem:$0x7F9] =	sst s30  }
.LBB2_1:
0x3a: {  	s3 =	sld [smem:$0x7F0];
	_ =	sdelay $0x2  }
0x3b: {  	p3 =	seq.s32 s3, $0x1  }
0x3c: {  	s8 =	rddreg [dreg:$0xb];
	s3 =	simm.s32 @!p3 $0x0;
	s7 =	simm.s32 @!p3 $0x13880  }
0x3d: {  	[tilespmem:s7], [sflag:$0x5] =	stream.linear.gather @!p3 [hbm4b:s8+s3], $0x80, $0x38;
	[tilespmem:$0x1AD00] =	vst v63  }
0x3e: {  	s7 =	simm.s32 @!p3 $0x13A00;
	s8 =	rddreg [dreg:$0xc]  }
0x3f: {  	[tilespmem:s7], [sflag:$0x6] =	stream.linear.gather @!p3 [hbm4b:s8+s3], $0x80, $0x38;
	[tilespmem:$0x1AD00] =	vst v63  }
0x40: {  	s7 =	simm.s32 @!p3 $0x13B80;
	s8 =	rddreg [dreg:$0xd]  }
0x41: {  	[tilespmem:s7], [sflag:$0x7] =	stream.linear.gather @!p3 [hbm4b:s8+s3], $0x80, $0x38;
	[tilespmem:$0x1AD00] =	vst v63  }
0x42: {  	s11 =	rddreg [dreg:$0xe];
	s7 =	simm.s32 @p1 $0x0;
	s8 =	simm.s32 @p1 $0x13880  }
0x43: {  	[tilespmem:s8], [sflag:$0x5] =	stream.linear.gather @p1 [hbm4b:s11+s7], $0x80, $0x38;
	[tilespmem:$0x1AD00] =	vst v63  }
0x44: {  	s8 =	simm.s32 @p1 $0x13A00;
	s11 =	rddreg [dreg:$0xf]  }
0x45: {  	[tilespmem:s8], [sflag:$0x6] =	stream.linear.gather @p1 [hbm4b:s11+s7], $0x80, $0x38;
	[tilespmem:$0x1AD00] =	vst v63  }
0x46: {  	s8 =	simm.s32 @p1 $0x13B80;
	s11 =	rddreg [dreg:$0x10]  }
0x47: {  	[tilespmem:s8], [sflag:$0x7] =	stream.linear.gather @p1 [hbm4b:s11+s7], $0x80, $0x38;
	[tilespmem:$0x1AD00] =	vst v63  }
0x48: {  	s8 =	simm.s32 @!p3 $0x13900;
	s11 =	rddreg [dreg:$0x11]  }
0x49: {  	[tilespmem:s8], [sflag:$0x8] =	stream.linear.gather @!p3 [hbm4b:s11+s3], $0x80, $0x38;
	[tilespmem:$0x1AD00] =	vst v63  }
0x4a: {  	s8 =	simm.s32 @!p3 $0x13A80;
	s11 =	rddreg [dreg:$0x12]  }
0x4b: {  	[tilespmem:s8], [sflag:$0x9] =	stream.linear.gather @!p3 [hbm4b:s11+s3], $0x80, $0x38;
	[tilespmem:$0x1AD00] =	vst v63  }
0x4c: {  	s8 =	simm.s32 @!p3 $0x13C00;
	s11 =	rddreg [dreg:$0x13]  }
0x4d: {  	[tilespmem:s8], [sflag:$0xA] =	stream.linear.gather @!p3 [hbm4b:s11+s3], $0x80, $0x38;
	[tilespmem:$0x1AD00] =	vst v63  }
0x4e: {  	s3 =	simm.s32 @p1 $0x13900;
	s8 =	rddreg [dreg:$0x14]  }
0x4f: {  	[tilespmem:s3], [sflag:$0x8] =	stream.linear.gather @p1 [hbm4b:s8+s7], $0x80, $0x38;
	[tilespmem:$0x1AD00] =	vst v63  }
0x50: {  	s3 =	simm.s32 @p1 $0x13A80;
	s8 =	rddreg [dreg:$0x15]  }
0x51: {  	[tilespmem:s3], [sflag:$0x9] =	stream.linear.gather @p1 [hbm4b:s8+s7], $0x80, $0x38;
	[tilespmem:$0x1AD00] =	vst v63  }
0x52: {  	s3 =	simm.s32 @p1 $0x13C00;
	s8 =	rddreg [dreg:$0x16]  }
0x53: {  	[tilespmem:s3], [sflag:$0xA] =	stream.linear.gather @p1 [hbm4b:s8+s7], $0x80, $0x38;
	[tilespmem:$0x1AD00] =	vst v63  }
0x54: {  	[dreg:$0x9] =	wrdreg s16;
	s3 =	simm.s32 $0x80;
	s7 =	simm.s32 $0x0  }
.LBB2_2:
0x55: {  	p3 =	sne.s32 s3, $0x13F80;
	[tilespmem:s7+$0x15D00] =	vst v0;
	s8 =	smov.u32 s3;
	s3 =	sadd.s32 $0x80, s3  }
.Ltmp0:
0x56: {  	[tilespmem:s7+$0x15D10] =	vst v0;
	(pc) =	sbr.rel @p3 .LBB2_2-.Ltmp0, $2  }
0x57: {  	_ =	sdelay $0x2  }
0x58: {  	s7 =	sshra.s32 s8, $0x2  }
0x59: {  	[tilespmem:s7+$0x15D00] =	vst v0  }
0x5a: {  	[tilespmem:s7+$0x15D10] =	vst v0;
	s3 =	simm.s32 @p0 $0x15D00;
	s7 =	simm.s32 @p0 $0xE  }
0x5b: {  	[spmem:s23] =	stream.linear.scatter @p0 [tilespmem:s3], [sflag:$0xE], $0x5000, $0x38;
	[tilespmem:$0x1AD00] =	vst v63  }
0x5c: {  	_ =	swait.ge @p0 [sflag:s7], $0x5000  }
0x5d: {  	s8 =	sld [smem:$0x7F1]  }
0x5e: {  	[sflag:s7] =	ssyncset.done @p0 $0x0  }
0x5f: {  	[sflag:s7] =	ssyncadd.s32 @p0 $0xFFFFB000  }
0x60: {  	[spmem:s8] =	stream.linear.scatter @p0 [tilespmem:s3], [sflag:$0xE], $0x5000, $0x38;
	[tilespmem:$0x1AD00] =	vst v63  }
0x61: {  	_ =	swait.ge @p0 [sflag:s7], $0x5000  }
0x62: {  	s8 =	sld [smem:$0x7F2]  }
0x63: {  	[sflag:s7] =	ssyncset.done @p0 $0x0  }
0x64: {  	[sflag:s7] =	ssyncadd.s32 @p0 $0xFFFFB000  }
0x65: {  	[spmem:s8] =	stream.linear.scatter @p0 [tilespmem:s3], [sflag:$0xE], $0x5000, $0x38;
	[tilespmem:$0x1AD00] =	vst v63  }
0x66: {  	_ =	swait.ge @p0 [sflag:s7], $0x5000  }
0x67: {  	[sflag:s7] =	ssyncset.done @p0 $0x0  }
0x68: {  	[sflag:s7] =	ssyncadd.s32 @p0 $0xFFFFB000  }
0x69: {  	[spmem:s17] =	stream.linear.scatter @p0 [tilespmem:s3], [sflag:$0xE], $0x5000, $0x38;
	[tilespmem:$0x1AD00] =	vst v63  }
0x6a: {  	_ =	swait.ge @p0 [sflag:s7], $0x5000  }
0x6b: {  	[sflag:s7] =	ssyncset.done @p0 $0x0  }
0x6c: {  	s3 =	simm.s32 @!p0 $0x15D00;
	[sflag:s7] =	ssyncadd.s32 @p0 $0xFFFFB000;
	s7 =	simm.s32 @!p0 $0xE  }
0x6d: {  	[spmem:s22] =	stream.linear.scatter @!p0 [tilespmem:s3], [sflag:$0xE], $0x4E00, $0x38;
	[tilespmem:$0x1AD00] =	vst v63  }
0x6e: {  	_ =	swait.ge @!p0 [sflag:s7], $0x4E00  }
0x6f: {  	s8 =	sld [smem:$0x7F3]  }
0x70: {  	[sflag:s7] =	ssyncset.done @!p0 $0x0  }
0x71: {  	[sflag:s7] =	ssyncadd.s32 @!p0 $0xFFFFB200  }
0x72: {  	[spmem:s8] =	stream.linear.scatter @!p0 [tilespmem:s3], [sflag:$0xE], $0x4E00, $0x38;
	[tilespmem:$0x1AD00] =	vst v63  }
0x73: {  	_ =	swait.ge @!p0 [sflag:s7], $0x4E00  }
0x74: {  	s8 =	sld [smem:$0x7F4]  }
0x75: {  	[sflag:s7] =	ssyncset.done @!p0 $0x0  }
0x76: {  	[sflag:s7] =	ssyncadd.s32 @!p0 $0xFFFFB200  }
0x77: {  	[spmem:s8] =	stream.linear.scatter @!p0 [tilespmem:s3], [sflag:$0xE], $0x4E00, $0x38;
	[tilespmem:$0x1AD00] =	vst v63  }
0x78: {  	_ =	swait.ge @!p0 [sflag:s7], $0x4E00  }
0x79: {  	[sflag:s7] =	ssyncset.done @!p0 $0x0  }
0x7a: {  	[sflag:s7] =	ssyncadd.s32 @!p0 $0xFFFFB200  }
0x7b: {  	[spmem:s15] =	stream.linear.scatter @!p0 [tilespmem:s3], [sflag:$0xE], $0x4E00, $0x38;
	[tilespmem:$0x1AD00] =	vst v63  }
0x7c: {  	_ =	swait.ge @!p0 [sflag:s7], $0x4E00  }
0x7d: {  	[sflag:s7] =	ssyncset.done @!p0 $0x0  }
0x7e: {  	[sflag:s7] =	ssyncadd.s32 @!p0 $0xFFFFB200  }
0x7f: {  	s19 =	simm.s32 $0x5;
	[bflag:$0x0] =	sbarrier.arrive $0xFFFF  }
0x80: {  	_ =	swait.ge [sflag:s19], $0x80  }
0x81: {  	[sflag:s19] =	ssyncset.done $0x0  }
0x82: {  	s20 =	simm.s32 $0x6;
	[sflag:s19] =	ssyncadd.s32 $0xFFFFFF80  }
0x83: {  	_ =	swait.ge [sflag:s20], $0x80  }
0x84: {  	[sflag:s20] =	ssyncset.done $0x0  }
0x85: {  	s21 =	simm.s32 $0x7;
	[sflag:s20] =	ssyncadd.s32 $0xFFFFFF80  }
0x86: {  	s25 =	simm.s32 $0x13880;
	_ =	swait.ge [sflag:s21], $0x80  }
0x87: {  	s30 =	simm.s32 $0x13D00;
	s31 =	simm.s32 $0x0;
	[sflag:s21] =	ssyncset.done $0x0  }
0x88: {  	p3 =	por $0x0, $0x0;
	s3 =	simm.s32 $0x13B80;
	[sflag:s21] =	ssyncadd.s32 $0xFFFFFF80  }
0x89: {  	[tilespmem:s30], [sflag:$0x1] =	stream.indirect.gather [hbm4b:s28+s24], $0x20, s25, s24, $0xb8;
	[tilespmem:$0x1AD00] =	vst v63  }
.LBB2_4:
0x8a: {  	s7 =	sadd.s32 $0x2, s31  }
0x8b: {  	p4 =	sge.u32 s7, s13  }
0x8c: {  	s8 =	smulhi.u32 @!p4 $0xAAAAAAAB, s7;
	_ =	sdelay $0x1  }
0x8d: {  	s14 =	smov.u32 s31;
	s31 =	sadd.s32 $0x1, s31;
	s8 =	sshrl.u32 @!p4 s8, $0x1  }
0x8e: {  	s15 =	sand.u32 $0x1, s31;
	p6 =	seq.s32 s14, $0x0;
	s8 =	smul.u32 @!p4 $0x3, s8  }
0x8f: {  	s11 =	sadd.s32 @!p6 $0x3, s15;
	p5 =	sne.s32 @!p4 s6, $0x0  }
0x90: {  	_ =	swait.ge @!p6 [sflag:s11], $0x1000;
	p5 =	por p5, p4;
	s8 =	ssub.s32 @!p4 s7, s8  }
0x91: {  	[sflag:s11] =	ssyncset.done @!p6 $0x0;
	s7 =	sadd.s32 @!p4 s12, s7;
	s16 =	smul.u32 @!p5 $0xC, s8  }
0x92: {  	s21 =	simm.s32 @!p5 $0x0;
	[sflag:s11] =	ssyncadd.s32 @!p6 $0xFFFFF000;
	s17 =	sshll.u32 @!p5 s7, $0x4  }
0x93: {  	s11 =	sshll.u32 @!p5 s8, $0x7;
	s17 =	sand.u32 @!p5 $0x1FFFFFF0, s17;
	s16 =	sshra.s32 @!p5 s16, $0x2  }
0x94: {  	s18 =	sadd.s32 @!p5 $0x13880, s11;
	s20 =	sadd.s32 @!p5 s10, s17;
	s19 =	sadd.s32 @!p5 $0x5, s16  }
0x95: {  	[tilespmem:s18], [sflag:s19] =	stream.linear.gather @!p5 [hbm4b:s20+s21], $0x80, $0x38;
	[tilespmem:$0x1AD00] =	vst v63  }
0x96: {  	s18 =	sadd.s32 @!p5 $0x13A00, s11;
	s19 =	sadd.s32 @!p5 $0x6, s16;
	s20 =	sadd.s32 @!p5 s0, s17  }
0x97: {  	[tilespmem:s18], [sflag:s19] =	stream.linear.gather @!p5 [hbm4b:s20+s21], $0x80, $0x38;
	[tilespmem:$0x1AD00] =	vst v63  }
0x98: {  	s11 =	sadd.s32 @!p5 $0x13B80, s11;
	s16 =	sadd.s32 @!p5 $0x7, s16;
	s17 =	sadd.s32 @!p5 s2, s17  }
0x99: {  	[tilespmem:s11], [sflag:s16] =	stream.linear.gather @!p5 [hbm4b:s17+s21], $0x80, $0x38;
	[tilespmem:$0x1AD00] =	vst v63  }
0x9a: {  	p5 =	por !p1, p4  }
0x9b: {  	p4 =	sge.u32 s31, s13;
	s11 =	smul.u32 @!p5 $0xC, s8  }
0x9c: {  	s8 =	sshll.u32 @!p5 s8, $0x7;
	s7 =	sshll.u32 @!p5 s7, $0x4;
	s19 =	simm.s32 @!p5 $0x0  }
0x9d: {  	s20 =	smulhi.u32 @!p4 $0xAAAAAAAB, s31;
	s7 =	sand.u32 @!p5 $0x1FFFFFF0, s7;
	s11 =	sshra.s32 @!p5 s11, $0x2  }
0x9e: {  	s16 =	sadd.s32 @!p5 $0x13880, s8;
	s18 =	sadd.s32 @!p5 s9, s7;
	s17 =	sadd.s32 @!p5 $0x5, s11  }
0x9f: {  	[tilespmem:s16], [sflag:s17] =	stream.linear.gather @!p5 [hbm4b:s18+s19], $0x80, $0x38;
	[tilespmem:$0x1AD00] =	vst v63  }
0xa0: {  	s16 =	sadd.s32 @!p5 $0x13A00, s8;
	s17 =	sshrl.u32 @!p4 s20, $0x1  }
0xa1: {  	s18 =	sadd.s32 @!p5 $0x6, s11;
	s20 =	sadd.s32 @!p5 s1, s7;
	s17 =	smul.u32 @!p4 $0x3, s17  }
0xa2: {  	[tilespmem:s16], [sflag:s18] =	stream.linear.gather @!p5 [hbm4b:s20+s19], $0x80, $0x38;
	[tilespmem:$0x1AD00] =	vst v63  }
0xa3: {  	s8 =	sadd.s32 @!p5 $0x13B80, s8;
	s16 =	ssub.s32 @!p4 s31, s17  }
0xa4: {  	s11 =	sadd.s32 @!p5 $0x7, s11;
	s7 =	sadd.s32 @!p5 s4, s7;
	s17 =	smul.u32 @!p4 $0xC, s16  }
0xa5: {  	[tilespmem:s8], [sflag:s11] =	stream.linear.gather @!p5 [hbm4b:s7+s19], $0x80, $0x38;
	[tilespmem:$0x1AD00] =	vst v63  }
0xa6: {  	s7 =	sshrl.u32 @!p4 s17, $0x2  }
0xa7: {  	s8 =	sadd.s32 @!p4 $0x5, s7  }
0xa8: {  	_ =	swait.ge @!p4 [sflag:s8], $0x80  }
0xa9: {  	[sflag:s8] =	ssyncset.done @!p4 $0x0  }
0xaa: {  	[sflag:s8] =	ssyncadd.s32 @!p4 $0xFFFFFF80;
	s8 =	sadd.s32 @!p4 $0x6, s7  }
0xab: {  	_ =	swait.ge @!p4 [sflag:s8], $0x80  }
0xac: {  	[sflag:s8] =	ssyncset.done @!p4 $0x0  }
0xad: {  	s7 =	sadd.s32 @!p4 $0x7, s7;
	[sflag:s8] =	ssyncadd.s32 @!p4 $0xFFFFFF80  }
0xae: {  	_ =	swait.ge @!p4 [sflag:s7], $0x80  }
0xaf: {  	s30 =	sand.u32 $0x1, s14;
	s11 =	sadd.s32 @!p4 $0x1, s15;
	[sflag:s7] =	ssyncset.done @!p4 $0x0  }
0xb0: {  	s8 =	sshll.u32 @!p4 s16, $0x7;
	[sflag:s7] =	ssyncadd.s32 @!p4 $0xFFFFFF80;
	s7 =	sshll.u32 @!p4 s15, $0xC  }
0xb1: {  	s8 =	sadd.s32 @!p4 $0x13880, s8;
	s15 =	simm.s32 @!p4 $0x80;
	s7 =	sadd.s32 @!p4 $0x13D00, s7  }
0xb2: {  	[tilespmem:s7], [sflag:s11] =	stream.indirect.gather @!p4 [hbm4b:s28+s15], $0x20, s8, s15, $0xb8;
	[tilespmem:$0x1AD00] =	vst v63  }
0xb3: {  	s16 =	sadd.s32 $0x1, s30;
	s8 =	simm.s32 $0x1  }
0xb4: {  	s15 =	smulhi.u32 $0xAAAAAAAB, s14;
	s8 =	simm.s32 @!p3 $0x0;
	_ =	swait.ge [sflag:s16], $0x1000  }
0xb5: {  	s8 =	sshll.u32 s8, $0xC;
	[sflag:s16] =	ssyncset.done $0x0  }
0xb6: {  	s7 =	sshrl.u32 s15, $0x1;
	s25 =	sadd.s32 $0x13E00, s8;
	[sflag:s16] =	ssyncadd.s32 $0xFFFFF000  }
0xb7: {  	s17 =	smul.u32 $0xFFFFFA00, s7;
	v6 =	vld [tilespmem:s25+$0xFFFFFFA0]  }
0xb8: {  	v4 =	vld [tilespmem:s25+$0xFFFFFFF0]  }
0xb9: {  	v1 =	vld [tilespmem:s25+$0xFFFFFF60];
	s18 =	sshra.s32 s17, $0x2  }
0xba: {  	v8 =	vld [tilespmem:s25+$0xFFFFFFD0];
	s8 =	sadd.s32 s18, s3  }
0xbb: {  	v9 =	vld [tilespmem:s25+$0x80];
	v5 =	vmov s8  }
0xbc: {  	v12 =	vld [tilespmem:s25+$0xFFFFFF10]  }
0xbd: {  	v16 =	vld [tilespmem:s25+$0xE0]  }
0xbe: {  	v11 =	vld [tilespmem:s25+$0xFFFFFF40]  }
0xbf: {  	s19 =	simm.s32 $0x0;
	v3 =	vld [tilespmem:s25+$0xFFFFFF90]  }
0xc0: {  	v2 =	vld.idx.msk [tilespmem:v5+s19+$0x0 ss:$0x1], $0xffff  }
0xc1: {  	v10 =	vld [tilespmem:s25+$0xFFFFFFC0]  }
0xc2: {  	v14 =	vld [tilespmem:s25+$0xFFFFFF00]  }
0xc3: {  	v13 =	vld [tilespmem:s25+$0xD0]  }
0xc4: {  	s7 =	smul.u32 $0x3, s7;
	v23 =	vld [tilespmem:s25+$0xC0]  }
0xc5: {  	s20 =	sadd.s32 s12, s14;
	v21 =	vld [tilespmem:s25+$0x90];
	v19 =	vbroadcast v2, $0x0;
	v7 =	vbroadcast v2, $0xF  }
0xc6: {  	v22 =	vld [tilespmem:s25+$0xFFFFFF50];
	s7 =	ssub.s32 s14, s7;
	s8 =	smulhi.u32 $0xD1B71759, s20;
	v20 =	vbroadcast v2, $0x2;
	v17 =	vbroadcast v2, $0xE  }
0xc7: {  	s21 =	sshll.u32 s30, $0xC;
	s16 =	simm.s32 $0x40;
	v18 =	vld [tilespmem:s25+$0xB0];
	s15 =	sshll.u32 s7, $0x9;
	v15 =	vbroadcast v2, $0xC;
	v25 =	vmul.f32 v19, v14  }
0xc8: {  	s18 =	sadd.s32 $0x13D00, s21;
	s21 =	smov.u32 s25;
	s14 =	sshrl.u32 s8, $0x9;
	v14 =	vbroadcast v2, $0xD;
	v24 =	vmul.f32 v11, v20;
	v11 =	vld [tilespmem:s25+$0x60]  }
.LBB2_5:
0xc9: {  	p4 =	sne.s32 s16, $0x1C0  }
0xca: {  	[tilespmem:s25+$0xFFFFFF00] =	vst v25;
	v25 =	vld [tilespmem:s25+$0xFFFFFFB0];
	v23 =	vmul.f32 v23, v17;
	v16 =	vmul.f32 v16, v7;
	s21 =	sadd.s32 $0x200, s21;
	s17 =	smov.u32 s16;
	s16 =	sadd.s32 $0x40, s16  }
0xcb: {  	[tilespmem:s25+$0xFFFFFF40] =	vst v24;
	v24 =	vbroadcast v2, $0xA;
	v21 =	vmul.f32 v21, v15;
	v26 =	vld [tilespmem:s25+$0xA0]  }
0xcc: {  	v12 =	vmul.f32 v12, v19;
	v19 =	vmul.f32 v22, v20;
	v20 =	vld [tilespmem:s25+$0x70];
	[tilespmem:s25+$0xE0] =	vst v16  }
0xcd: {  	v16 =	vbroadcast v2, $0x5;
	v22 =	vld [tilespmem:s25+$0xFFFFFFE0];
	v18 =	vmul.f32 v18, v14;
	[tilespmem:s25+$0xC0] =	vst v23  }
0xce: {  	v13 =	vmul.f32 v13, v17;
	[tilespmem:s25+$0xFFFFFF10] =	vst v12;
	v12 =	vbroadcast v2, $0x6;
	v23 =	vld [tilespmem:s25+$0x40]  }
0xcf: {  	v27 =	vbroadcast v2, $0xB;
	v6 =	vmul.f32 v6, v16;
	v17 =	vld [tilespmem:s25+$0xFFFFFF20];
	[tilespmem:s25+$0x90] =	vst v21  }
0xd0: {  	v21 =	vbroadcast v2, $0x9;
	[tilespmem:s25+$0xFFFFFF50] =	vst v19;
	v19 =	vld [tilespmem:s25+$0x20];
	v14 =	vmul.f32 v26, v14  }
0xd1: {  	v16 =	vmul.f32 v25, v16;
	v25 =	vld [tilespmem:s25+$0x50];
	v20 =	vmul.f32 v20, v27;
	[tilespmem:s25+$0xD0] =	vst v13  }
0xd2: {  	v9 =	vmul.f32 v9, v15;
	v13 =	vbroadcast v2, $0x7;
	v26 =	vld [tilespmem:s25+$0x30];
	[tilespmem:s25+$0xA0] =	vst v14  }
0xd3: {  	v10 =	vmul.f32 v10, v12;
	v14 =	vbroadcast v2, $0x3;
	v15 =	vld [tilespmem:s25+$0x0];
	[tilespmem:s25+$0x70] =	vst v20  }
0xd4: {  	v11 =	vmul.f32 v11, v27;
	v8 =	vmul.f32 v8, v12;
	v12 =	vld [tilespmem:s25+$0x10];
	[tilespmem:s25+$0x80] =	vst v9  }
0xd5: {  	v20 =	vbroadcast v2, $0x8;
	v23 =	vmul.f32 v23, v24;
	v9 =	vld [tilespmem:s25+$0xFFFFFF30];
	[tilespmem:s25+$0xB0] =	vst v18  }
0xd6: {  	v18 =	vbroadcast v2, $0x1;
	v27 =	vld [tilespmem:s25+$0xFFFFFF70];
	[tilespmem:s25+$0xFFFFFFD0] =	vst v8;
	v24 =	vmul.f32 v25, v24  }
0xd7: {  	v4 =	vmul.f32 v4, v13;
	v8 =	vmul.f32 v22, v13;
	[tilespmem:s25+$0xFFFFFFC0] =	vst v10;
	v10 =	vld [tilespmem:s25+$0xF0]  }
0xd8: {  	v22 =	vmul.f32 v26, v21;
	v13 =	vld [tilespmem:s25+$0xFFFFFF80];
	[tilespmem:s25+$0xFFFFFFA0] =	vst v6;
	v15 =	vmul.f32 v15, v20  }
0xd9: {  	v6 =	vld [tilespmem:s21+$0xFFFFFFA0];
	[tilespmem:s25+$0xFFFFFFF0] =	vst v4;
	v20 =	vmul.f32 v12, v20;
	v12 =	vmul.f32 v19, v21  }
0xda: {  	v4 =	vmul.f32 v17, v18;
	v17 =	vmul.f32 v9, v18;
	[tilespmem:s25+$0x60] =	vst v11  }
0xdb: {  	v1 =	vmul.f32 v1, v14;
	v9 =	vmul.f32 v27, v14;
	[tilespmem:s25+$0xFFFFFFB0] =	vst v16  }
0xdc: {  	v2 =	vbroadcast v2, $0x4;
	[tilespmem:s25+$0xFFFFFF20] =	vst v4;
	v4 =	vmul.f32 v10, v7  }
0xdd: {  	[tilespmem:s25+$0xFFFFFF60] =	vst v1  }
0xde: {  	v7 =	vmul.f32 v13, v2;
	v1 =	vmul.f32 v3, v2;
	[tilespmem:s25+$0x40] =	vst v23  }
0xdf: {  	[tilespmem:s25+$0xFFFFFFE0] =	vst v8  }
0xe0: {  	[tilespmem:s25+$0xF0] =	vst v4  }
0xe1: {  	[tilespmem:s25+$0xFFFFFF90] =	vst v1  }
0xe2: {  	[tilespmem:s25+$0xFFFFFF70] =	vst v9  }
0xe3: {  	v4 =	vld [tilespmem:s21+$0xFFFFFFF0];
	[tilespmem:s25+$0x20] =	vst v12  }
0xe4: {  	v1 =	vld [tilespmem:s21+$0xFFFFFF60];
	[tilespmem:s25+$0x30] =	vst v22  }
0xe5: {  	v8 =	vld [tilespmem:s21+$0xFFFFFFD0];
	[tilespmem:s25+$0xFFFFFF80] =	vst v7  }
0xe6: {  	v9 =	vld [tilespmem:s21+$0x80];
	[tilespmem:s25+$0x50] =	vst v24  }
0xe7: {  	v12 =	vld [tilespmem:s21+$0xFFFFFF10];
	[tilespmem:s25+$0x0] =	vst v15  }
0xe8: {  	v16 =	vld [tilespmem:s21+$0xE0];
	[tilespmem:s25+$0xFFFFFF30] =	vst v17  }
0xe9: {  	s7 =	sshra.s32 s17, $0x2;
	v11 =	vld [tilespmem:s21+$0xFFFFFF40];
	[tilespmem:s25+$0x10] =	vst v20;
	s25 =	smov.u32 s21  }
0xea: {  	v2 =	vld.idx.msk [tilespmem:v5+s7+$0x0 ss:$0x1], $0xffff  }
0xeb: {  	v3 =	vld [tilespmem:s21+$0xFFFFFF90]  }
0xec: {  	v10 =	vld [tilespmem:s21+$0xFFFFFFC0]  }
0xed: {  	v14 =	vld [tilespmem:s21+$0xFFFFFF00]  }
0xee: {  	v13 =	vld [tilespmem:s21+$0xD0]  }
.Ltmp1:
0xef: {  	v23 =	vld [tilespmem:s21+$0xC0];
	(pc) =	sbr.rel @p4 .LBB2_5-.Ltmp1, $4  }
0xf0: {  	v19 =	vbroadcast v2, $0x0;
	v7 =	vbroadcast v2, $0xF;
	v21 =	vld [tilespmem:s21+$0x90]  }
0xf1: {  	v20 =	vbroadcast v2, $0x2;
	v17 =	vbroadcast v2, $0xE;
	v22 =	vld [tilespmem:s21+$0xFFFFFF50]  }
0xf2: {  	v25 =	vmul.f32 v19, v14;
	v14 =	vbroadcast v2, $0xD;
	v18 =	vld [tilespmem:s21+$0xB0]  }
0xf3: {  	v15 =	vbroadcast v2, $0xC;
	v24 =	vmul.f32 v11, v20;
	v11 =	vld [tilespmem:s21+$0x60]  }
0xf4: {  	[tilespmem:s25+$0xFFFFFF00] =	vst v25;
	v5 =	vmul.f32 v16, v7  }
0xf5: {  	v30 =	vmul.f32 v23, v17;
	[tilespmem:s25+$0xFFFFFF40] =	vst v24  }
0xf6: {  	v12 =	vmul.f32 v12, v19;
	[tilespmem:s25+$0xE0] =	vst v5  }
0xf7: {  	v35 =	vmul.f32 v13, v17;
	[tilespmem:s25+$0xC0] =	vst v30  }
0xf8: {  	v33 =	vmul.f32 v21, v15;
	[tilespmem:s25+$0xFFFFFF10] =	vst v12  }
0xf9: {  	v41 =	vbroadcast v2, $0x6;
	v9 =	vmul.f32 v9, v15;
	[tilespmem:s25+$0xD0] =	vst v35  }
0xfa: {  	v20 =	vmul.f32 v22, v20;
	[tilespmem:s25+$0x90] =	vst v33  }
0xfb: {  	v45 =	vbroadcast v2, $0x5;
	v8 =	vmul.f32 v8, v41;
	[tilespmem:s25+$0x80] =	vst v9  }
0xfc: {  	v47 =	vbroadcast v2, $0x7;
	v10 =	vmul.f32 v10, v41;
	[tilespmem:s25+$0xFFFFFF50] =	vst v20  }
0xfd: {  	v54 =	vbroadcast v2, $0x3;
	v6 =	vmul.f32 v6, v45;
	[tilespmem:s25+$0xFFFFFFD0] =	vst v8  }
0xfe: {  	v31 =	vld [tilespmem:s25+$0xA0];
	v59 =	vbroadcast v2, $0x4;
	v4 =	vmul.f32 v4, v47;
	[tilespmem:s25+$0xFFFFFFC0] =	vst v10  }
0xff: {  	v32 =	vld [tilespmem:s25+$0x70];
	v1 =	vmul.f32 v1, v54;
	[tilespmem:s25+$0xFFFFFFA0] =	vst v6  }
0x100: {  	v34 =	vld [tilespmem:s25+$0xFFFFFFB0];
	v37 =	vbroadcast v2, $0xB;
	v3 =	vmul.f32 v3, v59;
	[tilespmem:s25+$0xFFFFFFF0] =	vst v4  }
0x101: {  	v36 =	vld [tilespmem:s25+$0xFFFFFF20];
	v43 =	vmul.f32 v18, v14;
	[tilespmem:s25+$0xFFFFFF60] =	vst v1  }
0x102: {  	v40 =	vld [tilespmem:s25+$0x40];
	v11 =	vmul.f32 v11, v37;
	[tilespmem:s25+$0xFFFFFF90] =	vst v3  }
0x103: {  	v38 =	vld [tilespmem:s25+$0xFFFFFFE0];
	v39 =	vmul.f32 v31, v14;
	[tilespmem:s25+$0xB0] =	vst v43  }
0x104: {  	v52 =	vbroadcast v2, $0x1;
	v55 =	vld [tilespmem:s25+$0xF0];
	v19 =	vmul.f32 v32, v37;
	[tilespmem:s25+$0x60] =	vst v11  }
0x105: {  	v49 =	vld [tilespmem:s25+$0xFFFFFF70];
	v56 =	vbroadcast v2, $0xA;
	v53 =	vmul.f32 v34, v45;
	[tilespmem:s25+$0xA0] =	vst v39  }
0x106: {  	v46 =	vld [tilespmem:s25+$0x30];
	v13 =	vmul.f32 v36, v52;
	[tilespmem:s25+$0x70] =	vst v19  }
0x107: {  	v50 =	vld [tilespmem:s25+$0xFFFFFF80];
	v58 =	vmul.f32 v40, v56;
	[tilespmem:s25+$0xFFFFFFB0] =	vst v53  }
0x108: {  	v44 =	vld [tilespmem:s25+$0x20];
	v5 =	vmul.f32 v38, v47;
	[tilespmem:s25+$0xFFFFFF20] =	vst v13  }
0x109: {  	v57 =	vld [tilespmem:s25+$0xFFFFFF30];
	v60 =	vbroadcast v2, $0x9;
	v1 =	vmul.f32 v55, v7;
	[tilespmem:s25+$0x40] =	vst v58  }
0x10a: {  	v42 =	vld [tilespmem:s25+$0x50];
	v61 =	vmul.f32 v49, v54;
	[tilespmem:s25+$0xFFFFFFE0] =	vst v5  }
0x10b: {  	v48 =	vld [tilespmem:s25+$0x0];
	v3 =	vmul.f32 v46, v60;
	[tilespmem:s25+$0xF0] =	vst v1  }
0x10c: {  	v51 =	vld [tilespmem:s25+$0x10];
	v62 =	vmul.f32 v50, v59;
	[tilespmem:s25+$0xFFFFFF70] =	vst v61  }
0x10d: {  	v1 =	vmul.f32 v44, v60;
	[tilespmem:s25+$0x30] =	vst v3  }
0x10e: {  	v2 =	vbroadcast v2, $0x8;
	v63 =	vmul.f32 v57, v52;
	[tilespmem:s25+$0xFFFFFF80] =	vst v62  }
0x10f: {  	s7 =	smul.u32 $0x138800, s14;
	p4 =	sne.s32 s31, s13;
	[tilespmem:s25+$0x20] =	vst v1;
	v1 =	vmul.f32 v42, v56  }
.Ltmp2:
0x110: {  	v3 =	vmul.f32 v48, v2;
	[tilespmem:s25+$0xFFFFFF30] =	vst v63;
	(pc) =	sbr.rel @p4 .LBB2_4-.Ltmp2, $4  }
0x111: {  	s8 =	sshrl.u32 s15, $0x2;
	[tilespmem:s25+$0x50] =	vst v1;
	v1 =	vmul.f32 v51, v2  }
0x112: {  	s11 =	sadd.s32 $0x3, s30;
	s3 =	sadd.s32 $0x80, s3;
	s7 =	sshra.s32 s7, $0x2;
	[tilespmem:s25+$0x0] =	vst v3  }
0x113: {  	p3 =	por !p3, !p3;
	s8 =	sadd.s32 $0x13A00, s8;
	s7 =	sadd.s32 s7, s5;
	[tilespmem:s25+$0x10] =	vst v1  }
0x114: {  	[spmem:s7] =	stream.indirect.scatter.add.f32 [tilespmem:s18], [sflag:s11], $0x20, s8, s24, $0xb8;
	[tilespmem:$0x1AD00] =	vst v63  }
0x115: {  	s3 =	rddreg [dreg:$0x18]  }
0x116: {  	_ =	swait.ge [sflag:s3], $0x1000  }
0x117: {  	[sflag:s3] =	ssyncset.done $0x0  }
0x118: {  	[sflag:s3] =	ssyncadd.s32 $0xFFFFF000  }
0x119: {  	s3 =	simm.s32 @p0 $0x15D00;
	[bflag:$0x0] =	sbarrier.arrive $0xFFFF  }
0x11a: {  	[tilespmem:s3], [sflag:$0xE] =	stream.linear.gather @p0 [spmem:s23], $0x5000, $0x38;
	[tilespmem:$0x1AD00] =	vst v63  }
0x11b: {  	s3 =	simm.s32 @p0 $0xE  }
0x11c: {  	_ =	swait.ge @p0 [sflag:s3], $0x5000  }
0x11d: {  	[sflag:s3] =	ssyncset.done @p0 $0x0  }
0x11e: {  	[sflag:s3] =	ssyncadd.s32 @p0 $0xFFFFB000;
	s3 =	simm.s32 @!p0 $0x15D00  }
0x11f: {  	[tilespmem:s3], [sflag:$0xE] =	stream.linear.gather @!p0 [spmem:s22], $0x4E00, $0x38;
	[tilespmem:$0x1AD00] =	vst v63  }
0x120: {  	s3 =	simm.s32 @!p0 $0xE  }
0x121: {  	_ =	swait.ge @!p0 [sflag:s3], $0x4E00  }
0x122: {  	s17 =	rddreg [dreg:$0xa]  }
0x123: {  	p3 =	sne.s32 s17, $0x1  }
.Ltmp3:
0x124: {  	_ = 	snop;
	(pc) =	sbr.rel @!p3 .LBB2_9-.Ltmp3, $4  }
0x125: {  	_ = 	snop  }
0x126: {  	[sflag:s3] =	ssyncset.done @!p0 $0x0;
	s11 =	simm.s32 @!p3 $0x0  }
0x127: {  	[sflag:s3] =	ssyncadd.s32 @!p0 $0xFFFFB200;
	s3 =	simm.s32 $0x15D10;
	s11 =	simm.s32 @p3 $0x1  }
0x128: {  	s7 =	simm.s32 $0x15D10;
	s8 =	sadd.s32 $0xFFFFFFFF, s17;
	v1 =	vld [tilespmem:s3+$0x0];
	[smem:$0x7E8] =	sst s11  }
.LBB2_8:
0x129: {  	p4 =	sne.s32 s8, $0x1;
	v2 =	vld [tilespmem:s3+$0xFFFFFFF0];
	_ =	sdelay $0x1  }
.Ltmp4:
0x12a: {  	(pc) =	sbr.rel @p4 .LBB2_8-.Ltmp4, $4  }
0x12b: {  	_ = 	snop  }
0x12c: {  	v1 =	vmax.f32 v1, $0.0e+00  }
0x12d: {  	s3 =	sadd.s32 $0x20, s3;
	v2 =	vmax.f32 v2, $0.0e+00;
	[tilespmem:s7+$0x0] =	vst v1  }
0x12e: {  	s8 =	sadd.s32 $0xFFFFFFFF, s8;
	v1 =	vld [tilespmem:s3+$0x0];
	[tilespmem:s7+$0xFFFFFFF0] =	vst v2;
	s7 =	smov.u32 s3  }
.LBB2_9:
0x12f: {  	v2 =	vld [tilespmem:s3+$0xFFFFFFF0];
	_ =	sdelay $0x1  }
.Ltmp5:
0x130: {  	_ = 	snop;
	(pc) =	sbr.rel @!p2 .LBB2_13-.Ltmp5, $4  }
0x131: {  	_ = 	snop  }
0x132: {  	v1 =	vmax.f32 v1, $0.0e+00  }
0x133: {  	v2 =	vmax.f32 v2, $0.0e+00;
	[tilespmem:s7+$0x0] =	vst v1  }
0x134: {  	[tilespmem:s7+$0xFFFFFFF0] =	vst v2  }
.Ltmp6:
0x135: {  	s3 =	rddreg [dreg:$0x19];
	s7 =	simm.s32 $0x20;
	(pc) =	sbr.rel .LBB2_11-.Ltmp6, $4  }
0x136: {  	[hbm4b:s3+s7] =	stream.strided.scatter [tilespmem:s26], [sflag:$0xE], $0x4E00, s24, s7, $0x38;
	[tilespmem:$0x1AD00] =	vst v63  }
0x137: {  	_ =	swait.ge [sflag:s29], $0x4E00  }
0x138: {  	[sflag:s29] =	ssyncset.done $0x0  }
0x139: {  	[sflag:s29] =	ssyncadd.s32 $0xFFFFB200  }
.LBB2_13:
0x13a: {  	s3 =	sld [smem:$0x7E9];
	_ =	sdelay $0x2  }
0x13b: {  	p3 =	seq.s32 s3, $0x1  }
.Ltmp7:
0x13c: {  	_ = 	snop;
	(pc) =	sbr.rel @!p3 .LBB2_11-.Ltmp7, $1  }
0x13d: {  	_ =	sdelay $0x3  }
.Ltmp8:
0x13e: {  	s3 =	rddreg [dreg:$0x1b];
	s7 =	simm.s32 $0x20;
	(pc) =	sbr.rel .LBB2_15-.Ltmp8, $4  }
0x13f: {  	[hbm4b:s3+s7] =	stream.strided.scatter [tilespmem:s26], [sflag:$0xE], $0x5000, s24, s7, $0x38;
	[tilespmem:$0x1AD00] =	vst v63  }
0x140: {  	_ =	swait.ge [sflag:s29], $0x5000  }
0x141: {  	[sflag:s29] =	ssyncset.done $0x0  }
0x142: {  	p4 =	por $0x1, $0x1;
	[sflag:s29] =	ssyncadd.s32 $0xFFFFB000  }
.LBB2_11:
0x143: {  	s3 =	sld [smem:$0x7EA];
	_ =	sdelay $0x2  }
0x144: {  	p3 =	seq.s32 s3, $0x1  }
.Ltmp9:
0x145: {  	_ = 	snop;
	(pc) =	sbr.rel @!p3 .LBB2_15-.Ltmp9, $2  }
0x146: {  	_ =	sdelay $0x2  }
0x147: {  	p4 =	por $0x0, $0x0  }
.Ltmp10:
0x148: {  	s3 =	rddreg [dreg:$0x1a];
	s7 =	simm.s32 $0x20;
	(pc) =	sbr.rel .LBB2_19-.Ltmp10, $4  }
0x149: {  	[hbm4b:s3+s7] =	stream.strided.scatter [tilespmem:s26], [sflag:$0xE], $0x4E00, s24, s7, $0x38;
	[tilespmem:$0x1AD00] =	vst v63  }
0x14a: {  	_ =	swait.ge [sflag:s29], $0x4E00  }
0x14b: {  	[sflag:s29] =	ssyncset.done $0x0  }
0x14c: {  	p4 =	por $0x0, $0x0;
	p5 =	por $0x1, $0x1;
	[sflag:s29] =	ssyncadd.s32 $0xFFFFB200  }
.LBB2_15:
0x14d: {  	s3 =	sld [smem:$0x7EB];
	_ =	sdelay $0x2  }
0x14e: {  	p3 =	seq.s32 s3, $0x1  }
.Ltmp11:
0x14f: {  	_ = 	snop;
	(pc) =	sbr.rel @!p3 .LBB2_18-.Ltmp11, $1  }
0x150: {  	_ =	sdelay $0x3  }
.Ltmp12:
0x151: {  	s3 =	rddreg [dreg:$0x1f];
	s7 =	simm.s32 $0x20;
	(pc) =	sbr.rel .LBB2_17-.Ltmp12, $4  }
0x152: {  	[hbm4b:s3+s7] =	stream.strided.scatter [tilespmem:s26], [sflag:$0xE], $0x5000, s24, s7, $0x38;
	[tilespmem:$0x1AD00] =	vst v63  }
0x153: {  	_ =	swait.ge [sflag:s29], $0x5000  }
0x154: {  	[sflag:s29] =	ssyncset.done $0x0  }
0x155: {  	[sflag:s29] =	ssyncadd.s32 $0xFFFFB000  }
.LBB2_18:
.Ltmp13:
0x156: {  	(pc) =	sbr.rel @p0 .LBB2_17-.Ltmp13, $2  }
0x157: {  	_ =	sdelay $0x2  }
0x158: {  	p5 =	por $0x0, $0x0  }
.LBB2_19:
0x159: {  	s3 =	sld [smem:$0x7F3];
	_ =	sdelay $0x1  }
.Ltmp14:
0x15a: {  	_ = 	snop;
	(pc) =	sbr.rel .LBB2_20-.Ltmp14, $4  }
0x15b: {  	[tilespmem:s26], [sflag:$0xE] =	stream.linear.gather [spmem:s3], $0x4E00, $0x38;
	[tilespmem:$0x1AD00] =	vst v63  }
0x15c: {  	_ =	swait.ge [sflag:s29], $0x4E00  }
0x15d: {  	[sflag:s29] =	ssyncset.done $0x0  }
0x15e: {  	p6 =	por $0x0, $0x0;
	[sflag:s29] =	ssyncadd.s32 $0xFFFFB200  }
.LBB2_17:
0x15f: {  	s3 =	sld [smem:$0x7F1];
	_ =	sdelay $0x2  }
0x160: {  	[tilespmem:s26], [sflag:$0xE] =	stream.linear.gather [spmem:s3], $0x5000, $0x38;
	[tilespmem:$0x1AD00] =	vst v63  }
0x161: {  	_ =	swait.ge [sflag:s29], $0x5000  }
0x162: {  	s31 =	sld [smem:$0x7EB];
	_ =	sdelay $0x1  }
0x163: {  	[sflag:s29] =	ssyncset.done $0x0  }
0x164: {  	p5 =	por $0x0, $0x0;
	[sflag:s29] =	ssyncadd.s32 $0xFFFFB000;
	p6 =	seq.s32 s31, $0x1  }
.LBB2_20:
0x165: {  	s14 =	sld [smem:$0x7E8];
	_ =	sdelay $0x2  }
0x166: {  	p3 =	seq.s32 s14, $0x1  }
.Ltmp15:
0x167: {  	_ = 	snop;
	(pc) =	sbr.rel @!p3 .LBB2_22-.Ltmp15, $3  }
0x168: {  	_ =	sdelay $0x1  }
0x169: {  	s3 =	simm.s32 $0x15D10  }
0x16a: {  	s11 =	sadd.s32 $0xFFFFFFFF, s17;
	s8 =	simm.s32 $0x15D10;
	s7 =	simm.s32 $0x15D10;
	v1 =	vld [tilespmem:s3+$0x0]  }
.LBB2_21:
0x16b: {  	p3 =	sne.s32 s11, $0x1;
	v2 =	vld [tilespmem:s8+$0xFFFFFFF0];
	_ =	sdelay $0x1  }
.Ltmp16:
0x16c: {  	(pc) =	sbr.rel @p3 .LBB2_21-.Ltmp16, $4  }
0x16d: {  	_ = 	snop  }
0x16e: {  	v1 =	vmax.f32 v1, $0.0e+00  }
0x16f: {  	s8 =	sadd.s32 $0x20, s8;
	v2 =	vmax.f32 v2, $0.0e+00;
	[tilespmem:s7+$0x0] =	vst v1  }
0x170: {  	s11 =	sadd.s32 $0xFFFFFFFF, s11;
	v1 =	vld [tilespmem:s8+$0x0];
	[tilespmem:s7+$0xFFFFFFF0] =	vst v2;
	s7 =	smov.u32 s8  }
.LBB2_22:
0x171: {  	v2 =	vld [tilespmem:s8+$0xFFFFFFF0];
	_ =	sdelay $0x3  }
0x172: {  	v1 =	vmax.f32 v1, $0.0e+00  }
0x173: {  	v2 =	vmax.f32 v2, $0.0e+00;
	[tilespmem:s7+$0x0] =	vst v1  }
0x174: {  	[tilespmem:s7+$0xFFFFFFF0] =	vst v2;
	s7 =	sld [smem:$0x7F5]  }
0x175: {  	s8 =	simm.s32 @p2 $0x20  }
0x176: {  	s11 =	simm.s32 @p2 $0x80;
	s14 =	simm.s32 @p2 $0x15D00;
	s16 =	simm.s32 @p2 $0xE  }
0x177: {  	[hbm4b:s7+s8] =	stream.strided.scatter @p2 [tilespmem:s14], [sflag:$0xE], $0x4E00, s11, s8, $0x38;
	[tilespmem:$0x1AD00] =	vst v63  }
0x178: {  	s30 =	simm.s32 @p4 $0x15D00;
	_ =	swait.ge @p2 [sflag:s16], $0x4E00  }
0x179: {  	s25 =	simm.s32 @p4 $0xE;
	s8 =	simm.s32 @p4 $0x20;
	[sflag:s16] =	ssyncset.done @p2 $0x0  }
0x17a: {  	s11 =	simm.s32 @p4 $0x80;
	s7 =	rddreg [dreg:$0x1c];
	[sflag:s16] =	ssyncadd.s32 @p2 $0xFFFFB200  }
0x17b: {  	[hbm4b:s7+s8] =	stream.strided.scatter @p4 [tilespmem:s30], [sflag:$0xE], $0x5000, s11, s8, $0x38;
	[tilespmem:$0x1AD00] =	vst v63  }
0x17c: {  	_ =	swait.ge @p4 [sflag:s25], $0x5000  }
0x17d: {  	s7 =	sld [smem:$0x7F6]  }
0x17e: {  	s31 =	simm.s32 @p5 $0x20;
	s19 =	simm.s32 @p5 $0x80;
	[sflag:s25] =	ssyncset.done @p4 $0x0  }
0x17f: {  	s22 =	simm.s32 @p5 $0x15D00;
	s20 =	simm.s32 @p5 $0xE;
	[sflag:s25] =	ssyncadd.s32 @p4 $0xFFFFB000  }
0x180: {  	[hbm4b:s7+s31] =	stream.strided.scatter @p5 [tilespmem:s22], [sflag:$0xE], $0x4E00, s19, s31, $0x38;
	[tilespmem:$0x1AD00] =	vst v63  }
0x181: {  	_ =	swait.ge @p5 [sflag:s20], $0x4E00  }
0x182: {  	s7 =	sld [smem:$0x7EC]  }
0x183: {  	s23 =	simm.s32 @p6 $0x20;
	s26 =	simm.s32 @p6 $0x80;
	[sflag:s20] =	ssyncset.done @p5 $0x0  }
0x184: {  	s29 =	simm.s32 @p6 $0xE;
	s8 =	simm.s32 @p6 $0x15D00;
	[sflag:s20] =	ssyncadd.s32 @p5 $0xFFFFB200  }
0x185: {  	[hbm4b:s7+s23] =	stream.strided.scatter @p6 [tilespmem:s8], [sflag:$0xE], $0x5000, s26, s23, $0x38;
	[tilespmem:$0x1AD00] =	vst v63  }
0x186: {  	_ =	swait.ge @p6 [sflag:s29], $0x5000  }
0x187: {  	s11 =	sld [smem:$0x7F2]  }
0x188: {  	[sflag:s29] =	ssyncset.done @p6 $0x0  }
0x189: {  	s7 =	simm.s32 @p0 $0x15D00;
	[sflag:s29] =	ssyncadd.s32 @p6 $0xFFFFB000  }
0x18a: {  	[tilespmem:s7], [sflag:$0xE] =	stream.linear.gather @p0 [spmem:s11], $0x5000, $0x38;
	[tilespmem:$0x1AD00] =	vst v63  }
0x18b: {  	s11 =	simm.s32 @p0 $0xE  }
0x18c: {  	_ =	swait.ge @p0 [sflag:s11], $0x5000  }
0x18d: {  	s14 =	sld [smem:$0x7F4]  }
0x18e: {  	[sflag:s11] =	ssyncset.done @p0 $0x0  }
0x18f: {  	s15 =	simm.s32 @!p0 $0x15D00;
	[sflag:s11] =	ssyncadd.s32 @p0 $0xFFFFB000  }
0x190: {  	[tilespmem:s15], [sflag:$0xE] =	stream.linear.gather @!p0 [spmem:s14], $0x4E00, $0x38;
	[tilespmem:$0x1AD00] =	vst v63  }
0x191: {  	s14 =	simm.s32 @!p0 $0xE  }
0x192: {  	_ =	swait.ge @!p0 [sflag:s14], $0x4E00  }
0x193: {  	s21 =	sld [smem:$0x7E8];
	_ =	sdelay $0x2  }
0x194: {  	p3 =	seq.s32 s21, $0x1  }
.Ltmp17:
0x195: {  	_ = 	snop;
	(pc) =	sbr.rel @!p3 .LBB2_24-.Ltmp17, $4  }
0x196: {  	_ = 	snop  }
0x197: {  	[sflag:s14] =	ssyncset.done @!p0 $0x0  }
0x198: {  	[sflag:s14] =	ssyncadd.s32 @!p0 $0xFFFFB200  }
0x199: {  	s18 =	sadd.s32 $0xFFFFFFFF, s17;
	s17 =	simm.s32 $0x15D10;
	v1 =	vld [tilespmem:s3+$0x0]  }
.LBB2_23:
0x19a: {  	p3 =	sne.s32 s18, $0x1;
	v2 =	vld [tilespmem:s3+$0xFFFFFFF0];
	_ =	sdelay $0x1  }
.Ltmp18:
0x19b: {  	(pc) =	sbr.rel @p3 .LBB2_23-.Ltmp18, $4  }
0x19c: {  	_ = 	snop  }
0x19d: {  	v1 =	vmax.f32 v1, $0.0e+00  }
0x19e: {  	s3 =	sadd.s32 $0x20, s3;
	v2 =	vmax.f32 v2, $0.0e+00;
	[tilespmem:s17+$0x0] =	vst v1  }
0x19f: {  	s18 =	sadd.s32 $0xFFFFFFFF, s18;
	v1 =	vld [tilespmem:s3+$0x0];
	[tilespmem:s17+$0xFFFFFFF0] =	vst v2;
	s17 =	smov.u32 s3  }
.LBB2_24:
0x1a0: {  	v2 =	vld [tilespmem:s3+$0xFFFFFFF0];
	_ =	sdelay $0x3  }
0x1a1: {  	s3 =	sld [smem:$0x7F7];
	v1 =	vmax.f32 v1, $0.0e+00  }
0x1a2: {  	v2 =	vmax.f32 v2, $0.0e+00;
	[tilespmem:s17+$0x0] =	vst v1  }
0x1a3: {  	s18 =	simm.s32 @p2 $0x80;
	s21 =	simm.s32 @p2 $0x15D00;
	[tilespmem:s17+$0xFFFFFFF0] =	vst v2;
	s17 =	simm.s32 @p2 $0x20  }
0x1a4: {  	[hbm4b:s3+s17] =	stream.strided.scatter @p2 [tilespmem:s21], [sflag:$0xE], $0x4E00, s18, s17, $0x38;
	[tilespmem:$0x1AD00] =	vst v63  }
0x1a5: {  	_ =	swait.ge @p2 [sflag:s16], $0x4E00  }
0x1a6: {  	s17 =	simm.s32 @p4 $0x80;
	[sflag:s16] =	ssyncset.done @p2 $0x0  }
0x1a7: {  	s3 =	rddreg [dreg:$0x1d];
	[sflag:s16] =	ssyncadd.s32 @p2 $0xFFFFB200;
	s16 =	simm.s32 @p4 $0x20  }
0x1a8: {  	[hbm4b:s3+s16] =	stream.strided.scatter @p4 [tilespmem:s30], [sflag:$0xE], $0x5000, s17, s16, $0x38;
	[tilespmem:$0x1AD00] =	vst v63  }
0x1a9: {  	_ =	swait.ge @p4 [sflag:s25], $0x5000  }
0x1aa: {  	s3 =	sld [smem:$0x7F8]  }
0x1ab: {  	[sflag:s25] =	ssyncset.done @p4 $0x0  }
0x1ac: {  	[sflag:s25] =	ssyncadd.s32 @p4 $0xFFFFB000  }
0x1ad: {  	[hbm4b:s3+s31] =	stream.strided.scatter @p5 [tilespmem:s22], [sflag:$0xE], $0x4E00, s19, s31, $0x38;
	[tilespmem:$0x1AD00] =	vst v63  }
0x1ae: {  	_ =	swait.ge @p5 [sflag:s20], $0x4E00  }
0x1af: {  	s3 =	sld [smem:$0x7ED]  }
0x1b0: {  	[sflag:s20] =	ssyncset.done @p5 $0x0  }
0x1b1: {  	[sflag:s20] =	ssyncadd.s32 @p5 $0xFFFFB200  }
0x1b2: {  	[hbm4b:s3+s23] =	stream.strided.scatter @p6 [tilespmem:s8], [sflag:$0xE], $0x5000, s26, s23, $0x38;
	[tilespmem:$0x1AD00] =	vst v63  }
0x1b3: {  	_ =	swait.ge @p6 [sflag:s29], $0x5000  }
0x1b4: {  	s17 =	sld [smem:$0x7FC]  }
0x1b5: {  	[sflag:s29] =	ssyncset.done @p6 $0x0  }
0x1b6: {  	[sflag:s29] =	ssyncadd.s32 @p6 $0xFFFFB000  }
0x1b7: {  	[tilespmem:s7], [sflag:$0xE] =	stream.linear.gather @p0 [spmem:s17], $0x5000, $0x38;
	[tilespmem:$0x1AD00] =	vst v63  }
0x1b8: {  	_ =	swait.ge @p0 [sflag:s11], $0x5000  }
0x1b9: {  	s3 =	sld [smem:$0x7FD]  }
0x1ba: {  	[sflag:s11] =	ssyncset.done @p0 $0x0  }
0x1bb: {  	[sflag:s11] =	ssyncadd.s32 @p0 $0xFFFFB000  }
0x1bc: {  	[tilespmem:s15], [sflag:$0xE] =	stream.linear.gather @!p0 [spmem:s3], $0x4E00, $0x38;
	[tilespmem:$0x1AD00] =	vst v63  }
0x1bd: {  	_ =	swait.ge @!p0 [sflag:s14], $0x4E00  }
0x1be: {  	s31 =	sld [smem:$0x7E8];
	_ =	sdelay $0x2  }
0x1bf: {  	p3 =	seq.s32 s31, $0x1  }
.Ltmp19:
0x1c0: {  	_ = 	snop;
	(pc) =	sbr.rel @!p3 .LBB2_26-.Ltmp19, $4  }
0x1c1: {  	_ = 	snop  }
0x1c2: {  	[sflag:s14] =	ssyncset.done @!p0 $0x0  }
0x1c3: {  	s7 =	simm.s32 $0x15D10;
	s30 =	rddreg [dreg:$0xa];
	[sflag:s14] =	ssyncadd.s32 @!p0 $0xFFFFB200  }
0x1c4: {  	s15 =	smov.u32 s3;
	s3 =	simm.s32 $0x15D10;
	s8 =	sadd.s32 $0xFFFFFFFF, s30;
	v1 =	vld [tilespmem:s7+$0x0]  }
.LBB2_25:
0x1c5: {  	p3 =	sne.s32 s8, $0x1;
	v2 =	vld [tilespmem:s7+$0xFFFFFFF0];
	_ =	sdelay $0x1  }
.Ltmp20:
0x1c6: {  	(pc) =	sbr.rel @p3 .LBB2_25-.Ltmp20, $4  }
0x1c7: {  	_ = 	snop  }
0x1c8: {  	v1 =	vmax.f32 v1, $0.0e+00  }
0x1c9: {  	s7 =	sadd.s32 $0x20, s7;
	v2 =	vmax.f32 v2, $0.0e+00;
	[tilespmem:s3+$0x0] =	vst v1  }
0x1ca: {  	s8 =	sadd.s32 $0xFFFFFFFF, s8;
	v1 =	vld [tilespmem:s7+$0x0];
	[tilespmem:s3+$0xFFFFFFF0] =	vst v2;
	s3 =	smov.u32 s7  }
.LBB2_26:
0x1cb: {  	v2 =	vld [tilespmem:s7+$0xFFFFFFF0];
	_ =	sdelay $0x3  }
0x1cc: {  	s11 =	sld [smem:$0x7F9];
	v1 =	vmax.f32 v1, $0.0e+00  }
0x1cd: {  	v2 =	vmax.f32 v2, $0.0e+00;
	[tilespmem:s3+$0x0] =	vst v1  }
0x1ce: {  	s7 =	simm.s32 @p2 $0x80;
	s8 =	simm.s32 @p2 $0x15D00;
	[tilespmem:s3+$0xFFFFFFF0] =	vst v2;
	s3 =	simm.s32 @p2 $0x20  }
0x1cf: {  	[hbm4b:s11+s3] =	stream.strided.scatter @p2 [tilespmem:s8], [sflag:$0xE], $0x4E00, s7, s3, $0x38;
	[tilespmem:$0x1AD00] =	vst v63  }
0x1d0: {  	s3 =	simm.s32 @p2 $0xE  }
0x1d1: {  	_ =	swait.ge @p2 [sflag:s3], $0x4E00  }
0x1d2: {  	s7 =	simm.s32 @p4 $0x80;
	s8 =	simm.s32 @p4 $0x15D00;
	[sflag:s3] =	ssyncset.done @p2 $0x0  }
0x1d3: {  	s11 =	rddreg [dreg:$0x1e];
	[sflag:s3] =	ssyncadd.s32 @p2 $0xFFFFB200;
	s3 =	simm.s32 @p4 $0x20  }
0x1d4: {  	[hbm4b:s11+s3] =	stream.strided.scatter @p4 [tilespmem:s8], [sflag:$0xE], $0x5000, s7, s3, $0x38;
	[tilespmem:$0x1AD00] =	vst v63  }
0x1d5: {  	s3 =	simm.s32 @p4 $0xE  }
0x1d6: {  	_ =	swait.ge @p4 [sflag:s3], $0x5000  }
0x1d7: {  	s11 =	sld [smem:$0x7FA]  }
0x1d8: {  	s7 =	simm.s32 @p5 $0x80;
	[sflag:s3] =	ssyncset.done @p4 $0x0  }
0x1d9: {  	s8 =	simm.s32 @p5 $0x15D00;
	[sflag:s3] =	ssyncadd.s32 @p4 $0xFFFFB000;
	s3 =	simm.s32 @p5 $0x20  }
0x1da: {  	[hbm4b:s11+s3] =	stream.strided.scatter @p5 [tilespmem:s8], [sflag:$0xE], $0x4E00, s7, s3, $0x38;
	[tilespmem:$0x1AD00] =	vst v63  }
0x1db: {  	s3 =	simm.s32 @p5 $0xE  }
0x1dc: {  	_ =	swait.ge @p5 [sflag:s3], $0x4E00  }
0x1dd: {  	s11 =	sld [smem:$0x7EE]  }
0x1de: {  	s7 =	simm.s32 @p6 $0x80;
	[sflag:s3] =	ssyncset.done @p5 $0x0  }
0x1df: {  	s8 =	simm.s32 @p6 $0x15D00;
	[sflag:s3] =	ssyncadd.s32 @p5 $0xFFFFB200;
	s3 =	simm.s32 @p6 $0x20  }
0x1e0: {  	[hbm4b:s11+s3] =	stream.strided.scatter @p6 [tilespmem:s8], [sflag:$0xE], $0x5000, s7, s3, $0x38;
	[tilespmem:$0x1AD00] =	vst v63  }
0x1e1: {  	s3 =	simm.s32 @p6 $0xE  }
0x1e2: {  	_ =	swait.ge @p6 [sflag:s3], $0x5000  }
0x1e3: {  	s31 =	sld [smem:$0x7EF]  }
0x1e4: {  	s16 =	rddreg [dreg:$0x9]  }
0x1e5: {  	s16 =	sadd.s32 $0x1, s16  }
0x1e6: {  	p3 =	sne.s32 s16, s31  }
.Ltmp21:
0x1e7: {  	_ = 	snop;
	(pc) =	sbr.rel @p3 .LBB2_1-.Ltmp21, $3  }
0x1e8: {  	_ =	sdelay $0x1  }
0x1e9: {  	s26 =	simm.s32 $0x15D00;
	[sflag:s3] =	ssyncset.done @p6 $0x0;
	s22 =	rddreg [dreg:$0x17]  }
0x1ea: {  	s29 =	simm.s32 $0xE;
	s23 =	sld [smem:$0x7FB];
	[sflag:s3] =	ssyncadd.s32 @p6 $0xFFFFB000  }
0x1eb: {  	_ =	sfence.sel $0x180000  }
0x1ec: {  	[bflag:$0x0] =	sbarrier.arrive $0xFFFF  }
0x1ed: {  	_ =	strace $0x90000047  }
0x1ee: {  	s0 =	stileid.u32;
	[bflag:$0x2] =	sbarrier.arrive $0xFFFF  }
0x1ef: {  	p0 =	sne.s32 s0, $0x0;
	s0 =	rddreg [dreg:$0x8]  }
0x1f0: {  	s0 =	sadd.s32 @!p0 $0x100000, s0  }
0x1f1: {  	[sflag:s0] =	ssyncadd.tile.s32 @!p0 $0x1;
	_ =	shalt  }
.Lfunc_end2:
_tile_overlayer_lowered:
.L_overlay_start_2:
0x1f2: {  	(tag) =	ssettag $0x2  }
0x1f3: {  	s0 =	rddreg [dreg:$0x0];
	s2 =	stileid.u32  }
0x1f4: {  	s1 =	rddreg [dreg:$0x1];
	p0 =	sne.s32 s2, $0x0  }
0x1f5: {  	s3 =	rddreg [dreg:$0x2];
	[bflag:$0x3] =	sbarrier.arrive $0xFFFF;
	s2 =	simm.s32 @!p0 $0x1C0E  }
0x1f6: {  	[timem:s3], [sflag:s2] =	dma.local @!p0 [hbm:s0], s1  }
0x1f7: {  	s0 =	simm.s32 @!p0 $0xE  }
0x1f8: {  	_ =	swait.ge @!p0 [sflag:s0], s1  }
0x1f9: {  	s1 =	ssub.s32 @!p0 $0x0, s1;
	[sflag:s0] =	ssyncset.done @!p0 $0x0  }
0x1fa: {  	[sflag:s0] =	ssyncadd.s32 @!p0 s1  }
0x1fb: {  	[bflag:$0x3] =	sbarrier.arrive $0xFFFF  }
0x1fc: {  	_ =	shalt  }

</sc_bundles>
